<compile_context>
chip_gen: v7x
topology: tpu7x:2x2x1
jax: 0.10.2.dev20260603
libtpu: 0.0.44.dev20260713+nightly
codegen_flags: <defaults>
</compile_context>

<pallas_src>
import functools

import jax
import jax.numpy as jnp
from jax import lax
from jax.experimental import pallas as pl
from jax.experimental.pallas import tpu as pltpu
from jax.experimental.pallas import tpu_sc as plsc

B = 4096 * 26
NW = 32
BPW = B // NW
NJ = 26
ROW = 448

_MESH = plsc.VectorSubcoreMesh(core_axis_name="c", subcore_axis_name="s")


@functools.partial(
    pl.kernel,
    mesh=_MESH,
    out_type=jax.ShapeDtypeStruct((NJ, ROW, 4096), jnp.float32),
    scratch_types=[
        pltpu.VMEM((BPW,), jnp.int32),
        pltpu.VMEM((ROW * 16,), jnp.float32),
        pltpu.VMEM((2, ROW, 128), jnp.float32),
        pltpu.SemaphoreType.DMA,
        pltpu.SemaphoreType.DMA,
    ],
    compiler_params=pltpu.CompilerParams(use_tc_tiling_on_sc=True, needs_layout_passes=False),
)
def _emb_sc(z_hbm, tabt_hbm, out_hbm, zblk_v, tabt_v, slab_v, ss0, ss1):
    wid = lax.axis_index("s") * 2 + lax.axis_index("c")
    i0 = wid * 128
    pltpu.sync_copy(tabt_hbm, tabt_v)
    pltpu.sync_copy(z_hbm.at[pl.ds(wid * BPW, BPW)], zblk_v)

    lane26 = lax.iota(jnp.int32, 16) * NJ
    ssem = (ss0, ss1)
    handles = [None, None]

    for j in range(NJ):
        b = j % 2
        if handles[b] is not None:
            handles[b].wait()
        zz = [
            plsc.load_gather(zblk_v, [lane26 + (16 * g * NJ + j)])
            for g in range(8)
        ]

        @plsc.parallel_loop(0, ROW, unroll=1)
        def _body(c, zz=zz, b=b):
            tab16 = tabt_v[pl.ds(c * 16, 16)]
            for g in range(8):
                v = lax.gather(
                    tab16,
                    zz[g][:, None],
                    lax.GatherDimensionNumbers(
                        offset_dims=(),
                        collapsed_slice_dims=(0,),
                        start_index_map=(0,),
                    ),
                    (1,),
                    mode=lax.GatherScatterMode.PROMISE_IN_BOUNDS,
                )
                slab_v[b, c, pl.ds(16 * g, 16)] = v
        handles[b] = pltpu.async_copy(
            slab_v.at[b], out_hbm.at[j, :, pl.ds(i0, 128)], ssem[b]
        )
    handles[0].wait()
    handles[1].wait()


def kernel(inputs, embeddings):
    idx = inputs.reshape(-1)
    tab_t = jnp.pad(embeddings.reshape(14, ROW).T, ((0, 0), (0, 2))).reshape(-1)
    out_t = _emb_sc(idx, tab_t)
    return out_t.reshape(NJ, 14, 32, 4096).transpose(3, 0, 1, 2)

# --- scband reference (transcript-rebuilt; emitter-appended) ---
"""Pipeline reference for scband-embedding-block-9801115369822 (READ-ONLY COPY).

The authoritative reference and input builder live on the scoring server;
editing this copy changes nothing except your own understanding.
"""

import jax, jax.numpy as jnp
import numpy as np

EMB_SIZE = 32
NO_ORBITALS = 14
NUM_SPECIES = 14

def setup_inputs(seed: int = 0) -> dict:
    key = jax.random.key(seed)
    k1, k2 = jax.random.split(key)
    Z = jax.random.randint(k1, (4096, 26), 0, NUM_SPECIES, dtype=jnp.int64 if jax.config.jax_enable_x64 else jnp.int32).astype(jnp.int32)
    # GlorotNormal-style init for embeddings of shape (14, no_orbitals_per_atom, emb_size)
    fan_in = NO_ORBITALS
    fan_out = EMB_SIZE
    stddev = float(np.sqrt(2.0 / (fan_in + fan_out)))
    embeddings = jax.random.normal(k2, (NUM_SPECIES, NO_ORBITALS, EMB_SIZE), dtype=jnp.float32) * stddev
    return {"inputs": Z, "embeddings": embeddings}

def reference(inputs, embeddings):
    # Faithful translation of EmbeddingBlock.call: out = tf.gather(self.embeddings, Z)
    out = jnp.take(embeddings, inputs, axis=0)
    return out

if __name__ == "__main__":
    import jax
    _d = setup_inputs()
    print(jax.jit(kernel)(*tuple(_d.values())))

</pallas_src>

<mosaic_0001>
#map = affine_map<(d0, d1) -> (0)>
#map1 = affine_map<(d0, d1) -> (0, 0, 0)>
module attributes {stable_mosaic.version = 14 : i64} {
  func.func @_emb_sc(%arg0: i32, %arg1: i32, %arg2: memref<106496xi32, #tpu.memory_space<hbm>>, %arg3: memref<7168xf32, #tpu.memory_space<hbm>>, %arg4: memref<26x448x4096xf32, #tpu.memory_space<hbm>>, %arg5: memref<3328xi32, #tpu.memory_space<vmem>>, %arg6: memref<7168xf32, #tpu.memory_space<vmem>>, %arg7: memref<2x448x128xf32, #tpu.memory_space<vmem>>, %arg8: memref<!tpu.dma_semaphore, #tpu.memory_space<semaphore_mem>>, %arg9: memref<!tpu.dma_semaphore, #tpu.memory_space<semaphore_mem>>) attributes {dimension_semantics = [#tpu.dimension_semantics<core_parallel>, #tpu.dimension_semantics<subcore_parallel>], iteration_bounds = array<i64: 2, 16>, scalar_prefetch = 0 : i64, scratch_operands = 5 : i64, tpu.core_type = #tpu.core_type<sc_vector_subcore>, window_params = [{transform_indices = #map}, {transform_indices = #map}, {transform_indices = #map1}]} {
    %mul3A = arith.constant 2 : i32
    %mul3A_0 = arith.muli %arg1, %mul3A : i32
    %add3A = arith.addi %mul3A_0, %arg0 : i32
    %mul3A_1 = arith.constant 128 : i32
    %mul3A_2 = arith.muli %add3A, %mul3A_1 : i32
    "tpu.region"() ({
      %run_scoped3A = tpu.sem_alloc : memref<!tpu.dma_semaphore, #tpu.memory_space<semaphore_mem>>
      tpu.enqueue_dma source(%arg3 : memref<7168xf32, #tpu.memory_space<hbm>>) target(%arg6 : memref<7168xf32, #tpu.memory_space<vmem>>) target_semaphore(%run_scoped3A : memref<!tpu.dma_semaphore, #tpu.memory_space<semaphore_mem>>)
      tpu.wait_dma2 semaphore(%run_scoped3A : memref<!tpu.dma_semaphore, #tpu.memory_space<semaphore_mem>>) src(%arg3 : memref<7168xf32, #tpu.memory_space<hbm>>) dst(%arg6 : memref<7168xf32, #tpu.memory_space<vmem>>)
      tpu.yield
    }) : () -> ()
    %mul3A_3 = arith.constant 3328 : i32
    %mul3A_4 = arith.muli %add3A, %mul3A_3 : i32
    "tpu.region"() ({
      %run_scoped3A = tpu.sem_alloc : memref<!tpu.dma_semaphore, #tpu.memory_space<semaphore_mem>>
      %dma_start3A_1746 = tpu.memref_slice %arg2[%mul3A_4] : memref<106496xi32, #tpu.memory_space<hbm>> -> memref<3328xi32, #tpu.memory_space<hbm>>
      %dma_start3A_1747 = tpu.memref_slice %arg2[%mul3A_4] : memref<106496xi32, #tpu.memory_space<hbm>> -> memref<3328xi32, #tpu.memory_space<hbm>>
      tpu.enqueue_dma source(%dma_start3A_1747 : memref<3328xi32, #tpu.memory_space<hbm>>) target(%arg5 : memref<3328xi32, #tpu.memory_space<vmem>>) target_semaphore(%run_scoped3A : memref<!tpu.dma_semaphore, #tpu.memory_space<semaphore_mem>>)
      %dma_wait3A_1748 = tpu.memref_slice %arg2[%mul3A_4] : memref<106496xi32, #tpu.memory_space<hbm>> -> memref<3328xi32, #tpu.memory_space<hbm>>
      %dma_wait3A_1749 = tpu.memref_slice %arg2[%mul3A_4] : memref<106496xi32, #tpu.memory_space<hbm>> -> memref<3328xi32, #tpu.memory_space<hbm>>
      tpu.wait_dma2 semaphore(%run_scoped3A : memref<!tpu.dma_semaphore, #tpu.memory_space<semaphore_mem>>) src(%dma_wait3A_1749 : memref<3328xi32, #tpu.memory_space<hbm>>) dst(%arg5 : memref<3328xi32, #tpu.memory_space<vmem>>)
      tpu.yield
    }) : () -> ()
    %iota3A = tpu.iota {dimensions = array<i32: 0>} : vector<16xi32>
    %mul3A_5 = arith.constant 26 : i32
    %mul3A_6 = vector.broadcast %mul3A_5 : i32 to vector<16xi32>
    %mul3A_7 = arith.muli %iota3A, %mul3A_6 : vector<16xi32>
    %add3A_8 = arith.constant 0 : i32
    %add3A_9 = vector.broadcast %add3A_8 : i32 to vector<16xi32>
    %add3A_10 = arith.addi %mul3A_7, %add3A_9 : vector<16xi32>
    %gather3A = tpu.vector_load_idx %arg5[%add3A_10] : memref<3328xi32, #tpu.memory_space<vmem>>[vector<16xi32>], vector<16xi32>,
    %add3A_11 = arith.constant 416 : i32
    %add3A_12 = vector.broadcast %add3A_11 : i32 to vector<16xi32>
    %add3A_13 = arith.addi %mul3A_7, %add3A_12 : vector<16xi32>
    %gather3A_14 = tpu.vector_load_idx %arg5[%add3A_13] : memref<3328xi32, #tpu.memory_space<vmem>>[vector<16xi32>], vector<16xi32>,
    %add3A_15 = arith.constant 832 : i32
    %add3A_16 = vector.broadcast %add3A_15 : i32 to vector<16xi32>
    %add3A_17 = arith.addi %mul3A_7, %add3A_16 : vector<16xi32>
    %gather3A_18 = tpu.vector_load_idx %arg5[%add3A_17] : memref<3328xi32, #tpu.memory_space<vmem>>[vector<16xi32>], vector<16xi32>,
    %add3A_19 = arith.constant 1248 : i32
    %add3A_20 = vector.broadcast %add3A_19 : i32 to vector<16xi32>
    %add3A_21 = arith.addi %mul3A_7, %add3A_20 : vector<16xi32>
    %gather3A_22 = tpu.vector_load_idx %arg5[%add3A_21] : memref<3328xi32, #tpu.memory_space<vmem>>[vector<16xi32>], vector<16xi32>,
    %add3A_23 = arith.constant 1664 : i32
    %add3A_24 = vector.broadcast %add3A_23 : i32 to vector<16xi32>
    %add3A_25 = arith.addi %mul3A_7, %add3A_24 : vector<16xi32>
    %gather3A_26 = tpu.vector_load_idx %arg5[%add3A_25] : memref<3328xi32, #tpu.memory_space<vmem>>[vector<16xi32>], vector<16xi32>,
    %add3A_27 = arith.constant 2080 : i32
    %add3A_28 = vector.broadcast %add3A_27 : i32 to vector<16xi32>
    %add3A_29 = arith.addi %mul3A_7, %add3A_28 : vector<16xi32>
    %gather3A_30 = tpu.vector_load_idx %arg5[%add3A_29] : memref<3328xi32, #tpu.memory_space<vmem>>[vector<16xi32>], vector<16xi32>,
    %add3A_31 = arith.constant 2496 : i32
    %add3A_32 = vector.broadcast %add3A_31 : i32 to vector<16xi32>
    %add3A_33 = arith.addi %mul3A_7, %add3A_32 : vector<16xi32>
    %gather3A_34 = tpu.vector_load_idx %arg5[%add3A_33] : memref<3328xi32, #tpu.memory_space<vmem>>[vector<16xi32>], vector<16xi32>,
    %add3A_35 = arith.constant 2912 : i32
    %add3A_36 = vector.broadcast %add3A_35 : i32 to vector<16xi32>
    %add3A_37 = arith.addi %mul3A_7, %add3A_36 : vector<16xi32>
    %gather3A_38 = tpu.vector_load_idx %arg5[%add3A_37] : memref<3328xi32, #tpu.memory_space<vmem>>[vector<16xi32>], vector<16xi32>,
    %parallel_loop3A = arith.constant 0 : i32
    %parallel_loop3A_39 = arith.constant 448 : i32
    %parallel_loop3A_40 = arith.constant 1 : i32
    scf.for %parallel_loop3A_1746 = %parallel_loop3A to %parallel_loop3A_39 step %parallel_loop3A_40  : i32 {
      %parallel_loop3A_1747 = arith.constant 16 : i32
      %parallel_loop3A_1748 = arith.muli %parallel_loop3A_1746, %parallel_loop3A_1747 : i32
      %parallel_loop3A_1749 = arith.index_cast %parallel_loop3A_1748 : i32 to index
      %parallel_loop3A_1750 = tpu.vector_load %arg6[%parallel_loop3A_1749] {strides = array<i32>} : memref<7168xf32, #tpu.memory_space<vmem>>, vector<16xf32>,
      %parallel_loop3A_1751 = vector.shape_cast %gather3A : vector<16xi32> to vector<16x1xi32>
      %parallel_loop3A_1752 = vector.shape_cast %parallel_loop3A_1751 : vector<16x1xi32> to vector<16xi32>
      %parallel_loop3A_1753 = tpu.dynamic_gather %parallel_loop3A_1750[%parallel_loop3A_1752] in [0] : vector<16xf32>, vector<16xi32> -> vector<16xf32>
      %parallel_loop3A_1754 = arith.constant 0 : i32
      %parallel_loop3A_1755 = arith.index_cast %parallel_loop3A_1754 : i32 to index
      %parallel_loop3A_1756 = arith.index_cast %parallel_loop3A_1746 : i32 to index
      %parallel_loop3A_1757 = arith.constant 0 : index
      %parallel_loop3A_1758 = tpu.vector_load %arg7[%parallel_loop3A_1755, %parallel_loop3A_1756, %parallel_loop3A_1757] {strides = array<i32>} : memref<2x448x128xf32, #tpu.memory_space<vmem>>, vector<16xf32>,
      tpu.vector_store %arg7[%parallel_loop3A_1755, %parallel_loop3A_1756, %parallel_loop3A_1757], %parallel_loop3A_1753 {strides = array<i32>} : memref<2x448x128xf32, #tpu.memory_space<vmem>>, vector<16xf32>,
      %parallel_loop3A_1759 = vector.shape_cast %gather3A_14 : vector<16xi32> to vector<16x1xi32>
      %parallel_loop3A_1760 = vector.shape_cast %parallel_loop3A_1759 : vector<16x1xi32> to vector<16xi32>
      %parallel_loop3A_1761 = tpu.dynamic_gather %parallel_loop3A_1750[%parallel_loop3A_1760] in [0] : vector<16xf32>, vector<16xi32> -> vector<16xf32>
      %parallel_loop3A_1762 = arith.constant 0 : i32
      %parallel_loop3A_1763 = arith.index_cast %parallel_loop3A_1762 : i32 to index
      %parallel_loop3A_1764 = arith.index_cast %parallel_loop3A_1746 : i32 to index
      %parallel_loop3A_1765 = arith.constant 16 : index
      %parallel_loop3A_1766 = tpu.vector_load %arg7[%parallel_loop3A_1763, %parallel_loop3A_1764, %parallel_loop3A_1765] {strides = array<i32>} : memref<2x448x128xf32, #tpu.memory_space<vmem>>, vector<16xf32>,
      tpu.vector_store %arg7[%parallel_loop3A_1763, %parallel_loop3A_1764, %parallel_loop3A_1765], %parallel_loop3A_1761 {strides = array<i32>} : memref<2x448x128xf32, #tpu.memory_space<vmem>>, vector<16xf32>,
      %parallel_loop3A_1767 = vector.shape_cast %gather3A_18 : vector<16xi32> to vector<16x1xi32>
      %parallel_loop3A_1768 = vector.shape_cast %parallel_loop3A_1767 : vector<16x1xi32> to vector<16xi32>
      %parallel_loop3A_1769 = tpu.dynamic_gather %parallel_loop3A_1750[%parallel_loop3A_1768] in [0] : vector<16xf32>, vector<16xi32> -> vector<16xf32>
      %parallel_loop3A_1770 = arith.constant 0 : i32
      %parallel_loop3A_1771 = arith.index_cast %parallel_loop3A_1770 : i32 to index
      %parallel_loop3A_1772 = arith.index_cast %parallel_loop3A_1746 : i32 to index
      %parallel_loop3A_1773 = arith.constant 32 : index
      %parallel_loop3A_1774 = tpu.vector_load %arg7[%parallel_loop3A_1771, %parallel_loop3A_1772, %parallel_loop3A_1773] {strides = array<i32>} : memref<2x448x128xf32, #tpu.memory_space<vmem>>, vector<16xf32>,
      tpu.vector_store %arg7[%parallel_loop3A_1771, %parallel_loop3A_1772, %parallel_loop3A_1773], %parallel_loop3A_1769 {strides = array<i32>} : memref<2x448x128xf32, #tpu.memory_space<vmem>>, vector<16xf32>,
      %parallel_loop3A_1775 = vector.shape_cast %gather3A_22 : vector<16xi32> to vector<16x1xi32>
      %parallel_loop3A_1776 = vector.shape_cast %parallel_loop3A_1775 : vector<16x1xi32> to vector<16xi32>
      %parallel_loop3A_1777 = tpu.dynamic_gather %parallel_loop3A_1750[%parallel_loop3A_1776] in [0] : vector<16xf32>, vector<16xi32> -> vector<16xf32>
      %parallel_loop3A_1778 = arith.constant 0 : i32
      %parallel_loop3A_1779 = arith.index_cast %parallel_loop3A_1778 : i32 to index
      %parallel_loop3A_1780 = arith.index_cast %parallel_loop3A_1746 : i32 to index
      %parallel_loop3A_1781 = arith.constant 48 : index
      %parallel_loop3A_1782 = tpu.vector_load %arg7[%parallel_loop3A_1779, %parallel_loop3A_1780, %parallel_loop3A_1781] {strides = array<i32>} : memref<2x448x128xf32, #tpu.memory_space<vmem>>, vector<16xf32>,
      tpu.vector_store %arg7[%parallel_loop3A_1779, %parallel_loop3A_1780, %parallel_loop3A_1781], %parallel_loop3A_1777 {strides = array<i32>} : memref<2x448x128xf32, #tpu.memory_space<vmem>>, vector<16xf32>,
      %parallel_loop3A_1783 = vector.shape_cast %gather3A_26 : vector<16xi32> to vector<16x1xi32>
      %parallel_loop3A_1784 = vector.shape_cast %parallel_loop3A_1783 : vector<16x1xi32> to vector<16xi32>
      %parallel_loop3A_1785 = tpu.dynamic_gather %parallel_loop3A_1750[%parallel_loop3A_1784] in [0] : vector<16xf32>, vector<16xi32> -> vector<16xf32>
      %parallel_loop3A_1786 = arith.constant 0 : i32
      %parallel_loop3A_1787 = arith.index_cast %parallel_loop3A_1786 : i32 to index
      %parallel_loop3A_1788 = arith.index_cast %parallel_loop3A_1746 : i32 to index
      %parallel_loop3A_1789 = arith.constant 64 : index
      %parallel_loop3A_1790 = tpu.vector_load %arg7[%parallel_loop3A_1787, %parallel_loop3A_1788, %parallel_loop3A_1789] {strides = array<i32>} : memref<2x448x128xf32, #tpu.memory_space<vmem>>, vector<16xf32>,
      tpu.vector_store %arg7[%parallel_loop3A_1787, %parallel_loop3A_1788, %parallel_loop3A_1789], %parallel_loop3A_1785 {strides = array<i32>} : memref<2x448x128xf32, #tpu.memory_space<vmem>>, vector<16xf32>,
      %parallel_loop3A_1791 = vector.shape_cast %gather3A_30 : vector<16xi32> to vector<16x1xi32>
      %parallel_loop3A_1792 = vector.shape_cast %parallel_loop3A_1791 : vector<16x1xi32> to vector<16xi32>
      %parallel_loop3A_1793 = tpu.dynamic_gather %parallel_loop3A_1750[%parallel_loop3A_1792] in [0] : vector<16xf32>, vector<16xi32> -> vector<16xf32>
      %parallel_loop3A_1794 = arith.constant 0 : i32
      %parallel_loop3A_1795 = arith.index_cast %parallel_loop3A_1794 : i32 to index
      %parallel_loop3A_1796 = arith.index_cast %parallel_loop3A_1746 : i32 to index
      %parallel_loop3A_1797 = arith.constant 80 : index
      %parallel_loop3A_1798 = tpu.vector_load %arg7[%parallel_loop3A_1795, %parallel_loop3A_1796, %parallel_loop3A_1797] {strides = array<i32>} : memref<2x448x128xf32, #tpu.memory_space<vmem>>, vector<16xf32>,
      tpu.vector_store %arg7[%parallel_loop3A_1795, %parallel_loop3A_1796, %parallel_loop3A_1797], %parallel_loop3A_1793 {strides = array<i32>} : memref<2x448x128xf32, #tpu.memory_space<vmem>>, vector<16xf32>,
      %parallel_loop3A_1799 = vector.shape_cast %gather3A_34 : vector<16xi32> to vector<16x1xi32>
      %parallel_loop3A_1800 = vector.shape_cast %parallel_loop3A_1799 : vector<16x1xi32> to vector<16xi32>
      %parallel_loop3A_1801 = tpu.dynamic_gather %parallel_loop3A_1750[%parallel_loop3A_1800] in [0] : vector<16xf32>, vector<16xi32> -> vector<16xf32>
      %parallel_loop3A_1802 = arith.constant 0 : i32
      %parallel_loop3A_1803 = arith.index_cast %parallel_loop3A_1802 : i32 to index
      %parallel_loop3A_1804 = arith.index_cast %parallel_loop3A_1746 : i32 to index
      %parallel_loop3A_1805 = arith.constant 96 : index
      %parallel_loop3A_1806 = tpu.vector_load %arg7[%parallel_loop3A_1803, %parallel_loop3A_1804, %parallel_loop3A_1805] {strides = array<i32>} : memref<2x448x128xf32, #tpu.memory_space<vmem>>, vector<16xf32>,
      tpu.vector_store %arg7[%parallel_loop3A_1803, %parallel_loop3A_1804, %parallel_loop3A_1805], %parallel_loop3A_1801 {strides = array<i32>} : memref<2x448x128xf32, #tpu.memory_space<vmem>>, vector<16xf32>,
      %parallel_loop3A_1807 = vector.shape_cast %gather3A_38 : vector<16xi32> to vector<16x1xi32>
      %parallel_loop3A_1808 = vector.shape_cast %parallel_loop3A_1807 : vector<16x1xi32> to vector<16xi32>
      %parallel_loop3A_1809 = tpu.dynamic_gather %parallel_loop3A_1750[%parallel_loop3A_1808] in [0] : vector<16xf32>, vector<16xi32> -> vector<16xf32>
      %parallel_loop3A_1810 = arith.constant 0 : i32
      %parallel_loop3A_1811 = arith.index_cast %parallel_loop3A_1810 : i32 to index
      %parallel_loop3A_1812 = arith.index_cast %parallel_loop3A_1746 : i32 to index
      %parallel_loop3A_1813 = arith.constant 112 : index
      %parallel_loop3A_1814 = tpu.vector_load %arg7[%parallel_loop3A_1811, %parallel_loop3A_1812, %parallel_loop3A_1813] {strides = array<i32>} : memref<2x448x128xf32, #tpu.memory_space<vmem>>, vector<16xf32>,
      tpu.vector_store %arg7[%parallel_loop3A_1811, %parallel_loop3A_1812, %parallel_loop3A_1813], %parallel_loop3A_1809 {strides = array<i32>} : memref<2x448x128xf32, #tpu.memory_space<vmem>>, vector<16xf32>,
    } {sc.loop_unroll_factor = 1 : i64, sc.parallel_access}
    %dma_start3A = arith.constant 0 : i32
    %dma_start3A_41 = arith.constant 0 : i32
    %dma_start3A_42 = arith.constant 0 : i32
    %dma_start3A_43 = arith.constant 0 : i32
    %dma_start3A_44 = tpu.memref_slice %arg7[%dma_start3A, %dma_start3A_42, %dma_start3A_43] : memref<2x448x128xf32, #tpu.memory_space<vmem>> -> memref<1x448x128xf32, #tpu.memory_space<vmem>>
    %dma_start3A_45 = tpu.memref_squeeze %dma_start3A_44 : memref<1x448x128xf32, #tpu.memory_space<vmem>> -> memref<448x128xf32, #tpu.memory_space<vmem>>
    %dma_start3A_46 = arith.constant 0 : i32
    %dma_start3A_47 = tpu.memref_slice %arg4[%dma_start3A_41, %dma_start3A_46, %mul3A_2] : memref<26x448x4096xf32, #tpu.memory_space<hbm>> -> memref<1x448x128xf32, #tpu.memory_space<hbm>>
    %dma_start3A_48 = tpu.memref_squeeze %dma_start3A_47 : memref<1x448x128xf32, #tpu.memory_space<hbm>> -> memref<448x128xf32, #tpu.memory_space<hbm>>
    %dma_start3A_49 = arith.constant 0 : i32
    %dma_start3A_50 = tpu.memref_slice %arg4[%dma_start3A_41, %dma_start3A_49, %mul3A_2] : memref<26x448x4096xf32, #tpu.memory_space<hbm>> -> memref<1x448x128xf32, #tpu.memory_space<hbm>>
    %dma_start3A_51 = tpu.memref_squeeze %dma_start3A_50 : memref<1x448x128xf32, #tpu.memory_space<hbm>> -> memref<448x128xf32, #tpu.memory_space<hbm>>
    %dma_start3A_52 = arith.constant 0 : i32
    %dma_start3A_53 = arith.constant 0 : i32
    %dma_start3A_54 = tpu.memref_slice %arg7[%dma_start3A, %dma_start3A_52, %dma_start3A_53] : memref<2x448x128xf32, #tpu.memory_space<vmem>> -> memref<1x448x128xf32, #tpu.memory_space<vmem>>
    %dma_start3A_55 = tpu.memref_squeeze %dma_start3A_54 : memref<1x448x128xf32, #tpu.memory_space<vmem>> -> memref<448x128xf32, #tpu.memory_space<vmem>>
    tpu.enqueue_dma source(%dma_start3A_55 : memref<448x128xf32, #tpu.memory_space<vmem>>) target(%dma_start3A_51 : memref<448x128xf32, #tpu.memory_space<hbm>>) target_semaphore(%arg8 : memref<!tpu.dma_semaphore, #tpu.memory_space<semaphore_mem>>)
    %add3A_56 = arith.constant 1 : i32
    %add3A_57 = vector.broadcast %add3A_56 : i32 to vector<16xi32>
    %add3A_58 = arith.addi %mul3A_7, %add3A_57 : vector<16xi32>
    %gather3A_59 = tpu.vector_load_idx %arg5[%add3A_58] : memref<3328xi32, #tpu.memory_space<vmem>>[vector<16xi32>], vector<16xi32>,
    %add3A_60 = arith.constant 417 : i32
    %add3A_61 = vector.broadcast %add3A_60 : i32 to vector<16xi32>
    %add3A_62 = arith.addi %mul3A_7, %add3A_61 : vector<16xi32>
    %gather3A_63 = tpu.vector_load_idx %arg5[%add3A_62] : memref<3328xi32, #tpu.memory_space<vmem>>[vector<16xi32>], vector<16xi32>,
    %add3A_64 = arith.constant 833 : i32
    %add3A_65 = vector.broadcast %add3A_64 : i32 to vector<16xi32>
    %add3A_66 = arith.addi %mul3A_7, %add3A_65 : vector<16xi32>
    %gather3A_67 = tpu.vector_load_idx %arg5[%add3A_66] : memref<3328xi32, #tpu.memory_space<vmem>>[vector<16xi32>], vector<16xi32>,
    %add3A_68 = arith.constant 1249 : i32
    %add3A_69 = vector.broadcast %add3A_68 : i32 to vector<16xi32>
    %add3A_70 = arith.addi %mul3A_7, %add3A_69 : vector<16xi32>
    %gather3A_71 = tpu.vector_load_idx %arg5[%add3A_70] : memref<3328xi32, #tpu.memory_space<vmem>>[vector<16xi32>], vector<16xi32>,
    %add3A_72 = arith.constant 1665 : i32
    %add3A_73 = vector.broadcast %add3A_72 : i32 to vector<16xi32>
    %add3A_74 = arith.addi %mul3A_7, %add3A_73 : vector<16xi32>
    %gather3A_75 = tpu.vector_load_idx %arg5[%add3A_74] : memref<3328xi32, #tpu.memory_space<vmem>>[vector<16xi32>], vector<16xi32>,
    %add3A_76 = arith.constant 2081 : i32
    %add3A_77 = vector.broadcast %add3A_76 : i32 to vector<16xi32>
    %add3A_78 = arith.addi %mul3A_7, %add3A_77 : vector<16xi32>
    %gather3A_79 = tpu.vector_load_idx %arg5[%add3A_78] : memref<3328xi32, #tpu.memory_space<vmem>>[vector<16xi32>], vector<16xi32>,
    %add3A_80 = arith.constant 2497 : i32
    %add3A_81 = vector.broadcast %add3A_80 : i32 to vector<16xi32>
    %add3A_82 = arith.addi %mul3A_7, %add3A_81 : vector<16xi32>
    %gather3A_83 = tpu.vector_load_idx %arg5[%add3A_82] : memref<3328xi32, #tpu.memory_space<vmem>>[vector<16xi32>], vector<16xi32>,
    %add3A_84 = arith.constant 2913 : i32
    %add3A_85 = vector.broadcast %add3A_84 : i32 to vector<16xi32>
    %add3A_86 = arith.addi %mul3A_7, %add3A_85 : vector<16xi32>
    %gather3A_87 = tpu.vector_load_idx %arg5[%add3A_86] : memref<3328xi32, #tpu.memory_space<vmem>>[vector<16xi32>], vector<16xi32>,
    %parallel_loop3A_88 = arith.constant 0 : i32
    %parallel_loop3A_89 = arith.constant 448 : i32
    %parallel_loop3A_90 = arith.constant 1 : i32
    scf.for %parallel_loop3A_1746 = %parallel_loop3A_88 to %parallel_loop3A_89 step %parallel_loop3A_90  : i32 {
      %parallel_loop3A_1747 = arith.constant 16 : i32
      %parallel_loop3A_1748 = arith.muli %parallel_loop3A_1746, %parallel_loop3A_1747 : i32
      %parallel_loop3A_1749 = arith.index_cast %parallel_loop3A_1748 : i32 to index
      %parallel_loop3A_1750 = tpu.vector_load %arg6[%parallel_loop3A_1749] {strides = array<i32>} : memref<7168xf32, #tpu.memory_space<vmem>>, vector<16xf32>,
      %parallel_loop3A_1751 = vector.shape_cast %gather3A_59 : vector<16xi32> to vector<16x1xi32>
      %parallel_loop3A_1752 = vector.shape_cast %parallel_loop3A_1751 : vector<16x1xi32> to vector<16xi32>
      %parallel_loop3A_1753 = tpu.dynamic_gather %parallel_loop3A_1750[%parallel_loop3A_1752] in [0] : vector<16xf32>, vector<16xi32> -> vector<16xf32>
      %parallel_loop3A_1754 = arith.constant 1 : i32
      %parallel_loop3A_1755 = arith.index_cast %parallel_loop3A_1754 : i32 to index
      %parallel_loop3A_1756 = arith.index_cast %parallel_loop3A_1746 : i32 to index
      %parallel_loop3A_1757 = arith.constant 0 : index
      %parallel_loop3A_1758 = tpu.vector_load %arg7[%parallel_loop3A_1755, %parallel_loop3A_1756, %parallel_loop3A_1757] {strides = array<i32>} : memref<2x448x128xf32, #tpu.memory_space<vmem>>, vector<16xf32>,
      tpu.vector_store %arg7[%parallel_loop3A_1755, %parallel_loop3A_1756, %parallel_loop3A_1757], %parallel_loop3A_1753 {strides = array<i32>} : memref<2x448x128xf32, #tpu.memory_space<vmem>>, vector<16xf32>,
      %parallel_loop3A_1759 = vector.shape_cast %gather3A_63 : vector<16xi32> to vector<16x1xi32>
      %parallel_loop3A_1760 = vector.shape_cast %parallel_loop3A_1759 : vector<16x1xi32> to vector<16xi32>
      %parallel_loop3A_1761 = tpu.dynamic_gather %parallel_loop3A_1750[%parallel_loop3A_1760] in [0] : vector<16xf32>, vector<16xi32> -> vector<16xf32>
      %parallel_loop3A_1762 = arith.constant 1 : i32
      %parallel_loop3A_1763 = arith.index_cast %parallel_loop3A_1762 : i32 to index
      %parallel_loop3A_1764 = arith.index_cast %parallel_loop3A_1746 : i32 to index
      %parallel_loop3A_1765 = arith.constant 16 : index
      %parallel_loop3A_1766 = tpu.vector_load %arg7[%parallel_loop3A_1763, %parallel_loop3A_1764, %parallel_loop3A_1765] {strides = array<i32>} : memref<2x448x128xf32, #tpu.memory_space<vmem>>, vector<16xf32>,
      tpu.vector_store %arg7[%parallel_loop3A_1763, %parallel_loop3A_1764, %parallel_loop3A_1765], %parallel_loop3A_1761 {strides = array<i32>} : memref<2x448x128xf32, #tpu.memory_space<vmem>>, vector<16xf32>,
      %parallel_loop3A_1767 = vector.shape_cast %gather3A_67 : vector<16xi32> to vector<16x1xi32>
      %parallel_loop3A_1768 = vector.shape_cast %parallel_loop3A_1767 : vector<16x1xi32> to vector<16xi32>
      %parallel_loop3A_1769 = tpu.dynamic_gather %parallel_loop3A_1750[%parallel_loop3A_1768] in [0] : vector<16xf32>, vector<16xi32> -> vector<16xf32>
      %parallel_loop3A_1770 = arith.constant 1 : i32
      %parallel_loop3A_1771 = arith.index_cast %parallel_loop3A_1770 : i32 to index
      %parallel_loop3A_1772 = arith.index_cast %parallel_loop3A_1746 : i32 to index
      %parallel_loop3A_1773 = arith.constant 32 : index
      %parallel_loop3A_1774 = tpu.vector_load %arg7[%parallel_loop3A_1771, %parallel_loop3A_1772, %parallel_loop3A_1773] {strides = array<i32>} : memref<2x448x128xf32, #tpu.memory_space<vmem>>, vector<16xf32>,
      tpu.vector_store %arg7[%parallel_loop3A_1771, %parallel_loop3A_1772, %parallel_loop3A_1773], %parallel_loop3A_1769 {strides = array<i32>} : memref<2x448x128xf32, #tpu.memory_space<vmem>>, vector<16xf32>,
      %parallel_loop3A_1775 = vector.shape_cast %gather3A_71 : vector<16xi32> to vector<16x1xi32>
      %parallel_loop3A_1776 = vector.shape_cast %parallel_loop3A_1775 : vector<16x1xi32> to vector<16xi32>
      %parallel_loop3A_1777 = tpu.dynamic_gather %parallel_loop3A_1750[%parallel_loop3A_1776] in [0] : vector<16xf32>, vector<16xi32> -> vector<16xf32>
      %parallel_loop3A_1778 = arith.constant 1 : i32
      %parallel_loop3A_1779 = arith.index_cast %parallel_loop3A_1778 : i32 to index
      %parallel_loop3A_1780 = arith.index_cast %parallel_loop3A_1746 : i32 to index
      %parallel_loop3A_1781 = arith.constant 48 : index
      %parallel_loop3A_1782 = tpu.vector_load %arg7[%parallel_loop3A_1779, %parallel_loop3A_1780, %parallel_loop3A_1781] {strides = array<i32>} : memref<2x448x128xf32, #tpu.memory_space<vmem>>, vector<16xf32>,
      tpu.vector_store %arg7[%parallel_loop3A_1779, %parallel_loop3A_1780, %parallel_loop3A_1781], %parallel_loop3A_1777 {strides = array<i32>} : memref<2x448x128xf32, #tpu.memory_space<vmem>>, vector<16xf32>,
      %parallel_loop3A_1783 = vector.shape_cast %gather3A_75 : vector<16xi32> to vector<16x1xi32>
      %parallel_loop3A_1784 = vector.shape_cast %parallel_loop3A_1783 : vector<16x1xi32> to vector<16xi32>
      %parallel_loop3A_1785 = tpu.dynamic_gather %parallel_loop3A_1750[%parallel_loop3A_1784] in [0] : vector<16xf32>, vector<16xi32> -> vector<16xf32>
      %parallel_loop3A_1786 = arith.constant 1 : i32
      %parallel_loop3A_1787 = arith.index_cast %parallel_loop3A_1786 : i32 to index
      %parallel_loop3A_1788 = arith.index_cast %parallel_loop3A_1746 : i32 to index
      %parallel_loop3A_1789 = arith.constant 64 : index
      %parallel_loop3A_1790 = tpu.vector_load %arg7[%parallel_loop3A_1787, %parallel_loop3A_1788, %parallel_loop3A_1789] {strides = array<i32>} : memref<2x448x128xf32, #tpu.memory_space<vmem>>, vector<16xf32>,
      tpu.vector_store %arg7[%parallel_loop3A_1787, %parallel_loop3A_1788, %parallel_loop3A_1789], %parallel_loop3A_1785 {strides = array<i32>} : memref<2x448x128xf32, #tpu.memory_space<vmem>>, vector<16xf32>,
      %parallel_loop3A_1791 = vector.shape_cast %gather3A_79 : vector<16xi32> to vector<16x1xi32>
      %parallel_loop3A_1792 = vector.shape_cast %parallel_loop3A_1791 : vector<16x1xi32> to vector<16xi32>
      %parallel_loop3A_1793 = tpu.dynamic_gather %parallel_loop3A_1750[%parallel_loop3A_1792] in [0] : vector<16xf32>, vector<16xi32> -> vector<16xf32>
      %parallel_loop3A_1794 = arith.constant 1 : i32
      %parallel_loop3A_1795 = arith.index_cast %parallel_loop3A_1794 : i32 to index
      %parallel_loop3A_1796 = arith.index_cast %parallel_loop3A_1746 : i32 to index
      %parallel_loop3A_1797 = arith.constant 80 : index
      %parallel_loop3A_1798 = tpu.vector_load %arg7[%parallel_loop3A_1795, %parallel_loop3A_1796, %parallel_loop3A_1797] {strides = array<i32>} : memref<2x448x128xf32, #tpu.memory_space<vmem>>, vector<16xf32>,
      tpu.vector_store %arg7[%parallel_loop3A_1795, %parallel_loop3A_1796, %parallel_loop3A_1797], %parallel_loop3A_1793 {strides = array<i32>} : memref<2x448x128xf32, #tpu.memory_space<vmem>>, vector<16xf32>,
      %parallel_loop3A_1799 = vector.shape_cast %gather3A_83 : vector<16xi32> to vector<16x1xi32>
      %parallel_loop3A_1800 = vector.shape_cast %parallel_loop3A_1799 : vector<16x1xi32> to vector<16xi32>
      %parallel_loop3A_1801 = tpu.dynamic_gather %parallel_loop3A_1750[%parallel_loop3A_1800] in [0] : vector<16xf32>, vector<16xi32> -> vector<16xf32>
      %parallel_loop3A_1802 = arith.constant 1 : i32
      %parallel_loop3A_1803 = arith.index_cast %parallel_loop3A_1802 : i32 to index
      %parallel_loop3A_1804 = arith.index_cast %parallel_loop3A_1746 : i32 to index
      %parallel_loop3A_1805 = arith.constant 96 : index
      %parallel_loop3A_1806 = tpu.vector_load %arg7[%parallel_loop3A_1803, %parallel_loop3A_1804, %parallel_loop3A_1805] {strides = array<i32>} : memref<2x448x128xf32, #tpu.memory_space<vmem>>, vector<16xf32>,
      tpu.vector_store %arg7[%parallel_loop3A_1803, %parallel_loop3A_1804, %parallel_loop3A_1805], %parallel_loop3A_1801 {strides = array<i32>} : memref<2x448x128xf32, #tpu.memory_space<vmem>>, vector<16xf32>,
      %parallel_loop3A_1807 = vector.shape_cast %gather3A_87 : vector<16xi32> to vector<16x1xi32>
      %parallel_loop3A_1808 = vector.shape_cast %parallel_loop3A_1807 : vector<16x1xi32> to vector<16xi32>
      %parallel_loop3A_1809 = tpu.dynamic_gather %parallel_loop3A_1750[%parallel_loop3A_1808] in [0] : vector<16xf32>, vector<16xi32> -> vector<16xf32>
      %parallel_loop3A_1810 = arith.constant 1 : i32
      %parallel_loop3A_1811 = arith.index_cast %parallel_loop3A_1810 : i32 to index
      %parallel_loop3A_1812 = arith.index_cast %parallel_loop3A_1746 : i32 to index
      %parallel_loop3A_1813 = arith.constant 112 : index
      %parallel_loop3A_1814 = tpu.vector_load %arg7[%parallel_loop3A_1811, %parallel_loop3A_1812, %parallel_loop3A_1813] {strides = array<i32>} : memref<2x448x128xf32, #tpu.memory_space<vmem>>, vector<16xf32>,
      tpu.vector_store %arg7[%parallel_loop3A_1811, %parallel_loop3A_1812, %parallel_loop3A_1813], %parallel_loop3A_1809 {strides = array<i32>} : memref<2x448x128xf32, #tpu.memory_space<vmem>>, vector<16xf32>,
    } {sc.loop_unroll_factor = 1 : i64, sc.parallel_access}
    %dma_start3A_91 = arith.constant 1 : i32
    %dma_start3A_92 = arith.constant 1 : i32
    %dma_start3A_93 = arith.constant 0 : i32
    %dma_start3A_94 = arith.constant 0 : i32
    %dma_start3A_95 = tpu.memref_slice %arg7[%dma_start3A_91, %dma_start3A_93, %dma_start3A_94] : memref<2x448x128xf32, #tpu.memory_space<vmem>> -> memref<1x448x128xf32, #tpu.memory_space<vmem>>
    %dma_start3A_96 = tpu.memref_squeeze %dma_start3A_95 : memref<1x448x128xf32, #tpu.memory_space<vmem>> -> memref<448x128xf32, #tpu.memory_space<vmem>>
    %dma_start3A_97 = arith.constant 0 : i32
    %dma_start3A_98 = tpu.memref_slice %arg4[%dma_start3A_92, %dma_start3A_97, %mul3A_2] : memref<26x448x4096xf32, #tpu.memory_space<hbm>> -> memref<1x448x128xf32, #tpu.memory_space<hbm>>
    %dma_start3A_99 = tpu.memref_squeeze %dma_start3A_98 : memref<1x448x128xf32, #tpu.memory_space<hbm>> -> memref<448x128xf32, #tpu.memory_space<hbm>>
    %dma_start3A_100 = arith.constant 0 : i32
    %dma_start3A_101 = tpu.memref_slice %arg4[%dma_start3A_92, %dma_start3A_100, %mul3A_2] : memref<26x448x4096xf32, #tpu.memory_space<hbm>> -> memref<1x448x128xf32, #tpu.memory_space<hbm>>
    %dma_start3A_102 = tpu.memref_squeeze %dma_start3A_101 : memref<1x448x128xf32, #tpu.memory_space<hbm>> -> memref<448x128xf32, #tpu.memory_space<hbm>>
    %dma_start3A_103 = arith.constant 0 : i32
    %dma_start3A_104 = arith.constant 0 : i32
    %dma_start3A_105 = tpu.memref_slice %arg7[%dma_start3A_91, %dma_start3A_103, %dma_start3A_104] : memref<2x448x128xf32, #tpu.memory_space<vmem>> -> memref<1x448x128xf32, #tpu.memory_space<vmem>>
    %dma_start3A_106 = tpu.memref_squeeze %dma_start3A_105 : memref<1x448x128xf32, #tpu.memory_space<vmem>> -> memref<448x128xf32, #tpu.memory_space<vmem>>
    tpu.enqueue_dma source(%dma_start3A_106 : memref<448x128xf32, #tpu.memory_space<vmem>>) target(%dma_start3A_102 : memref<448x128xf32, #tpu.memory_space<hbm>>) target_semaphore(%arg9 : memref<!tpu.dma_semaphore, #tpu.memory_space<semaphore_mem>>)
    %dma_wait3A = arith.constant 0 : i32
    %dma_wait3A_107 = arith.constant 0 : i32
    %dma_wait3A_108 = arith.constant 0 : i32
    %dma_wait3A_109 = arith.constant 0 : i32
    %dma_wait3A_110 = tpu.memref_slice %arg7[%dma_wait3A, %dma_wait3A_108, %dma_wait3A_109] : memref<2x448x128xf32, #tpu.memory_space<vmem>> -> memref<1x448x128xf32, #tpu.memory_space<vmem>>
    %dma_wait3A_111 = tpu.memref_squeeze %dma_wait3A_110 : memref<1x448x128xf32, #tpu.memory_space<vmem>> -> memref<448x128xf32, #tpu.memory_space<vmem>>
    %dma_wait3A_112 = arith.constant 0 : i32
    %dma_wait3A_113 = tpu.memref_slice %arg4[%dma_wait3A_107, %dma_wait3A_112, %mul3A_2] : memref<26x448x4096xf32, #tpu.memory_space<hbm>> -> memref<1x448x128xf32, #tpu.memory_space<hbm>>
    %dma_wait3A_114 = tpu.memref_squeeze %dma_wait3A_113 : memref<1x448x128xf32, #tpu.memory_space<hbm>> -> memref<448x128xf32, #tpu.memory_space<hbm>>
    %dma_wait3A_115 = arith.constant 0 : i32
    %dma_wait3A_116 = tpu.memref_slice %arg4[%dma_wait3A_107, %dma_wait3A_115, %mul3A_2] : memref<26x448x4096xf32, #tpu.memory_space<hbm>> -> memref<1x448x128xf32, #tpu.memory_space<hbm>>
    %dma_wait3A_117 = tpu.memref_squeeze %dma_wait3A_116 : memref<1x448x128xf32, #tpu.memory_space<hbm>> -> memref<448x128xf32, #tpu.memory_space<hbm>>
    %dma_wait3A_118 = arith.constant 0 : i32
    %dma_wait3A_119 = arith.constant 0 : i32
    %dma_wait3A_120 = tpu.memref_slice %arg7[%dma_wait3A, %dma_wait3A_118, %dma_wait3A_119] : memref<2x448x128xf32, #tpu.memory_space<vmem>> -> memref<1x448x128xf32, #tpu.memory_space<vmem>>
    %dma_wait3A_121 = tpu.memref_squeeze %dma_wait3A_120 : memref<1x448x128xf32, #tpu.memory_space<vmem>> -> memref<448x128xf32, #tpu.memory_space<vmem>>
    tpu.wait_dma2 semaphore(%arg8 : memref<!tpu.dma_semaphore, #tpu.memory_space<semaphore_mem>>) src(%dma_wait3A_121 : memref<448x128xf32, #tpu.memory_space<vmem>>) dst(%dma_wait3A_117 : memref<448x128xf32, #tpu.memory_space<hbm>>)
    %add3A_122 = arith.constant 2 : i32
    %add3A_123 = vector.broadcast %add3A_122 : i32 to vector<16xi32>
    %add3A_124 = arith.addi %mul3A_7, %add3A_123 : vector<16xi32>
    %gather3A_125 = tpu.vector_load_idx %arg5[%add3A_124] : memref<3328xi32, #tpu.memory_space<vmem>>[vector<16xi32>], vector<16xi32>,
    %add3A_126 = arith.constant 418 : i32
    %add3A_127 = vector.broadcast %add3A_126 : i32 to vector<16xi32>
    %add3A_128 = arith.addi %mul3A_7, %add3A_127 : vector<16xi32>
    %gather3A_129 = tpu.vector_load_idx %arg5[%add3A_128] : memref<3328xi32, #tpu.memory_space<vmem>>[vector<16xi32>], vector<16xi32>,
    %add3A_130 = arith.constant 834 : i32
    %add3A_131 = vector.broadcast %add3A_130 : i32 to vector<16xi32>
    %add3A_132 = arith.addi %mul3A_7, %add3A_131 : vector<16xi32>
    %gather3A_133 = tpu.vector_load_idx %arg5[%add3A_132] : memref<3328xi32, #tpu.memory_space<vmem>>[vector<16xi32>], vector<16xi32>,
    %add3A_134 = arith.constant 1250 : i32
    %add3A_135 = vector.broadcast %add3A_134 : i32 to vector<16xi32>
    %add3A_136 = arith.addi %mul3A_7, %add3A_135 : vector<16xi32>
    %gather3A_137 = tpu.vector_load_idx %arg5[%add3A_136] : memref<3328xi32, #tpu.memory_space<vmem>>[vector<16xi32>], vector<16xi32>,
    %add3A_138 = arith.constant 1666 : i32
    %add3A_139 = vector.broadcast %add3A_138 : i32 to vector<16xi32>
    %add3A_140 = arith.addi %mul3A_7, %add3A_139 : vector<16xi32>
    %gather3A_141 = tpu.vector_load_idx %arg5[%add3A_140] : memref<3328xi32, #tpu.memory_space<vmem>>[vector<16xi32>], vector<16xi32>,
    %add3A_142 = arith.constant 2082 : i32
    %add3A_143 = vector.broadcast %add3A_142 : i32 to vector<16xi32>
    %add3A_144 = arith.addi %mul3A_7, %add3A_143 : vector<16xi32>
    %gather3A_145 = tpu.vector_load_idx %arg5[%add3A_144] : memref<3328xi32, #tpu.memory_space<vmem>>[vector<16xi32>], vector<16xi32>,
    %add3A_146 = arith.constant 2498 : i32
    %add3A_147 = vector.broadcast %add3A_146 : i32 to vector<16xi32>
    %add3A_148 = arith.addi %mul3A_7, %add3A_147 : vector<16xi32>
    %gather3A_149 = tpu.vector_load_idx %arg5[%add3A_148] : memref<3328xi32, #tpu.memory_space<vmem>>[vector<16xi32>], vector<16xi32>,
    %add3A_150 = arith.constant 2914 : i32
    %add3A_151 = vector.broadcast %add3A_150 : i32 to vector<16xi32>
    %add3A_152 = arith.addi %mul3A_7, %add3A_151 : vector<16xi32>
    %gather3A_153 = tpu.vector_load_idx %arg5[%add3A_152] : memref<3328xi32, #tpu.memory_space<vmem>>[vector<16xi32>], vector<16xi32>,
    %parallel_loop3A_154 = arith.constant 0 : i32
    %parallel_loop3A_155 = arith.constant 448 : i32
    %parallel_loop3A_156 = arith.constant 1 : i32
    scf.for %parallel_loop3A_1746 = %parallel_loop3A_154 to %parallel_loop3A_155 step %parallel_loop3A_156  : i32 {
      %parallel_loop3A_1747 = arith.constant 16 : i32
      %parallel_loop3A_1748 = arith.muli %parallel_loop3A_1746, %parallel_loop3A_1747 : i32
      %parallel_loop3A_1749 = arith.index_cast %parallel_loop3A_1748 : i32 to index
      %parallel_loop3A_1750 = tpu.vector_load %arg6[%parallel_loop3A_1749] {strides = array<i32>} : memref<7168xf32, #tpu.memory_space<vmem>>, vector<16xf32>,
      %parallel_loop3A_1751 = vector.shape_cast %gather3A_125 : vector<16xi32> to vector<16x1xi32>
      %parallel_loop3A_1752 = vector.shape_cast %parallel_loop3A_1751 : vector<16x1xi32> to vector<16xi32>
      %parallel_loop3A_1753 = tpu.dynamic_gather %parallel_loop3A_1750[%parallel_loop3A_1752] in [0] : vector<16xf32>, vector<16xi32> -> vector<16xf32>
      %parallel_loop3A_1754 = arith.constant 0 : i32
      %parallel_loop3A_1755 = arith.index_cast %parallel_loop3A_1754 : i32 to index
      %parallel_loop3A_1756 = arith.index_cast %parallel_loop3A_1746 : i32 to index
      %parallel_loop3A_1757 = arith.constant 0 : index
      %parallel_loop3A_1758 = tpu.vector_load %arg7[%parallel_loop3A_1755, %parallel_loop3A_1756, %parallel_loop3A_1757] {strides = array<i32>} : memref<2x448x128xf32, #tpu.memory_space<vmem>>, vector<16xf32>,
      tpu.vector_store %arg7[%parallel_loop3A_1755, %parallel_loop3A_1756, %parallel_loop3A_1757], %parallel_loop3A_1753 {strides = array<i32>} : memref<2x448x128xf32, #tpu.memory_space<vmem>>, vector<16xf32>,
      %parallel_loop3A_1759 = vector.shape_cast %gather3A_129 : vector<16xi32> to vector<16x1xi32>
      %parallel_loop3A_1760 = vector.shape_cast %parallel_loop3A_1759 : vector<16x1xi32> to vector<16xi32>
      %parallel_loop3A_1761 = tpu.dynamic_gather %parallel_loop3A_1750[%parallel_loop3A_1760] in [0] : vector<16xf32>, vector<16xi32> -> vector<16xf32>
      %parallel_loop3A_1762 = arith.constant 0 : i32
      %parallel_loop3A_1763 = arith.index_cast %parallel_loop3A_1762 : i32 to index
      %parallel_loop3A_1764 = arith.index_cast %parallel_loop3A_1746 : i32 to index
      %parallel_loop3A_1765 = arith.constant 16 : index
      %parallel_loop3A_1766 = tpu.vector_load %arg7[%parallel_loop3A_1763, %parallel_loop3A_1764, %parallel_loop3A_1765] {strides = array<i32>} : memref<2x448x128xf32, #tpu.memory_space<vmem>>, vector<16xf32>,
      tpu.vector_store %arg7[%parallel_loop3A_1763, %parallel_loop3A_1764, %parallel_loop3A_1765], %parallel_loop3A_1761 {strides = array<i32>} : memref<2x448x128xf32, #tpu.memory_space<vmem>>, vector<16xf32>,
      %parallel_loop3A_1767 = vector.shape_cast %gather3A_133 : vector<16xi32> to vector<16x1xi32>
      %parallel_loop3A_1768 = vector.shape_cast %parallel_loop3A_1767 : vector<16x1xi32> to vector<16xi32>
      %parallel_loop3A_1769 = tpu.dynamic_gather %parallel_loop3A_1750[%parallel_loop3A_1768] in [0] : vector<16xf32>, vector<16xi32> -> vector<16xf32>
      %parallel_loop3A_1770 = arith.constant 0 : i32
      %parallel_loop3A_1771 = arith.index_cast %parallel_loop3A_1770 : i32 to index
      %parallel_loop3A_1772 = arith.index_cast %parallel_loop3A_1746 : i32 to index
      %parallel_loop3A_1773 = arith.constant 32 : index
      %parallel_loop3A_1774 = tpu.vector_load %arg7[%parallel_loop3A_1771, %parallel_loop3A_1772, %parallel_loop3A_1773] {strides = array<i32>} : memref<2x448x128xf32, #tpu.memory_space<vmem>>, vector<16xf32>,
      tpu.vector_store %arg7[%parallel_loop3A_1771, %parallel_loop3A_1772, %parallel_loop3A_1773], %parallel_loop3A_1769 {strides = array<i32>} : memref<2x448x128xf32, #tpu.memory_space<vmem>>, vector<16xf32>,
      %parallel_loop3A_1775 = vector.shape_cast %gather3A_137 : vector<16xi32> to vector<16x1xi32>
      %parallel_loop3A_1776 = vector.shape_cast %parallel_loop3A_1775 : vector<16x1xi32> to vector<16xi32>
      %parallel_loop3A_1777 = tpu.dynamic_gather %parallel_loop3A_1750[%parallel_loop3A_1776] in [0] : vector<16xf32>, vector<16xi32> -> vector<16xf32>
      %parallel_loop3A_1778 = arith.constant 0 : i32
      %parallel_loop3A_1779 = arith.index_cast %parallel_loop3A_1778 : i32 to index
      %parallel_loop3A_1780 = arith.index_cast %parallel_loop3A_1746 : i32 to index
      %parallel_loop3A_1781 = arith.constant 48 : index
      %parallel_loop3A_1782 = tpu.vector_load %arg7[%parallel_loop3A_1779, %parallel_loop3A_1780, %parallel_loop3A_1781] {strides = array<i32>} : memref<2x448x128xf32, #tpu.memory_space<vmem>>, vector<16xf32>,
      tpu.vector_store %arg7[%parallel_loop3A_1779, %parallel_loop3A_1780, %parallel_loop3A_1781], %parallel_loop3A_1777 {strides = array<i32>} : memref<2x448x128xf32, #tpu.memory_space<vmem>>, vector<16xf32>,
      %parallel_loop3A_1783 = vector.shape_cast %gather3A_141 : vector<16xi32> to vector<16x1xi32>
      %parallel_loop3A_1784 = vector.shape_cast %parallel_loop3A_1783 : vector<16x1xi32> to vector<16xi32>
      %parallel_loop3A_1785 = tpu.dynamic_gather %parallel_loop3A_1750[%parallel_loop3A_1784] in [0] : vector<16xf32>, vector<16xi32> -> vector<16xf32>
      %parallel_loop3A_1786 = arith.constant 0 : i32
      %parallel_loop3A_1787 = arith.index_cast %parallel_loop3A_1786 : i32 to index
      %parallel_loop3A_1788 = arith.index_cast %parallel_loop3A_1746 : i32 to index
      %parallel_loop3A_1789 = arith.constant 64 : index
      %parallel_loop3A_1790 = tpu.vector_load %arg7[%parallel_loop3A_1787, %parallel_loop3A_1788, %parallel_loop3A_1789] {strides = array<i32>} : memref<2x448x128xf32, #tpu.memory_space<vmem>>, vector<16xf32>,
      tpu.vector_store %arg7[%parallel_loop3A_1787, %parallel_loop3A_1788, %parallel_loop3A_1789], %parallel_loop3A_1785 {strides = array<i32>} : memref<2x448x128xf32, #tpu.memory_space<vmem>>, vector<16xf32>,
      %parallel_loop3A_1791 = vector.shape_cast %gather3A_145 : vector<16xi32> to vector<16x1xi32>
      %parallel_loop3A_1792 = vector.shape_cast %parallel_loop3A_1791 : vector<16x1xi32> to vector<16xi32>
      %parallel_loop3A_1793 = tpu.dynamic_gather %parallel_loop3A_1750[%parallel_loop3A_1792] in [0] : vector<16xf32>, vector<16xi32> -> vector<16xf32>
      %parallel_loop3A_1794 = arith.constant 0 : i32
      %parallel_loop3A_1795 = arith.index_cast %parallel_loop3A_1794 : i32 to index
      %parallel_loop3A_1796 = arith.index_cast %parallel_loop3A_1746 : i32 to index
      %parallel_loop3A_1797 = arith.constant 80 : index
      %parallel_loop3A_1798 = tpu.vector_load %arg7[%parallel_loop3A_1795, %parallel_loop3A_1796, %parallel_loop3A_1797] {strides = array<i32>} : memref<2x448x128xf32, #tpu.memory_space<vmem>>, vector<16xf32>,
      tpu.vector_store %arg7[%parallel_loop3A_1795, %parallel_loop3A_1796, %parallel_loop3A_1797], %parallel_loop3A_1793 {strides = array<i32>} : memref<2x448x128xf32, #tpu.memory_space<vmem>>, vector<16xf32>,
      %parallel_loop3A_1799 = vector.shape_cast %gather3A_149 : vector<16xi32> to vector<16x1xi32>
      %parallel_loop3A_1800 = vector.shape_cast %parallel_loop3A_1799 : vector<16x1xi32> to vector<16xi32>
      %parallel_loop3A_1801 = tpu.dynamic_gather %parallel_loop3A_1750[%parallel_loop3A_1800] in [0] : vector<16xf32>, vector<16xi32> -> vector<16xf32>
      %parallel_loop3A_1802 = arith.constant 0 : i32
      %parallel_loop3A_1803 = arith.index_cast %parallel_loop3A_1802 : i32 to index
      %parallel_loop3A_1804 = arith.index_cast %parallel_loop3A_1746 : i32 to index
      %parallel_loop3A_1805 = arith.constant 96 : index
      %parallel_loop3A_1806 = tpu.vector_load %arg7[%parallel_loop3A_1803, %parallel_loop3A_1804, %parallel_loop3A_1805] {strides = array<i32>} : memref<2x448x128xf32, #tpu.memory_space<vmem>>, vector<16xf32>,
      tpu.vector_store %arg7[%parallel_loop3A_1803, %parallel_loop3A_1804, %parallel_loop3A_1805], %parallel_loop3A_1801 {strides = array<i32>} : memref<2x448x128xf32, #tpu.memory_space<vmem>>, vector<16xf32>,
      %parallel_loop3A_1807 = vector.shape_cast %gather3A_153 : vector<16xi32> to vector<16x1xi32>
      %parallel_loop3A_1808 = vector.shape_cast %parallel_loop3A_1807 : vector<16x1xi32> to vector<16xi32>
      %parallel_loop3A_1809 = tpu.dynamic_gather %parallel_loop3A_1750[%parallel_loop3A_1808] in [0] : vector<16xf32>, vector<16xi32> -> vector<16xf32>
      %parallel_loop3A_1810 = arith.constant 0 : i32
      %parallel_loop3A_1811 = arith.index_cast %parallel_loop3A_1810 : i32 to index
      %parallel_loop3A_1812 = arith.index_cast %parallel_loop3A_1746 : i32 to index
      %parallel_loop3A_1813 = arith.constant 112 : index
      %parallel_loop3A_1814 = tpu.vector_load %arg7[%parallel_loop3A_1811, %parallel_loop3A_1812, %parallel_loop3A_1813] {strides = array<i32>} : memref<2x448x128xf32, #tpu.memory_space<vmem>>, vector<16xf32>,
      tpu.vector_store %arg7[%parallel_loop3A_1811, %parallel_loop3A_1812, %parallel_loop3A_1813], %parallel_loop3A_1809 {strides = array<i32>} : memref<2x448x128xf32, #tpu.memory_space<vmem>>, vector<16xf32>,
    } {sc.loop_unroll_factor = 1 : i64, sc.parallel_access}
    %dma_start3A_157 = arith.constant 0 : i32
    %dma_start3A_158 = arith.constant 2 : i32
    %dma_start3A_159 = arith.constant 0 : i32
    %dma_start3A_160 = arith.constant 0 : i32
    %dma_start3A_161 = tpu.memref_slice %arg7[%dma_start3A_157, %dma_start3A_159, %dma_start3A_160] : memref<2x448x128xf32, #tpu.memory_space<vmem>> -> memref<1x448x128xf32, #tpu.memory_space<vmem>>
    %dma_start3A_162 = tpu.memref_squeeze %dma_start3A_161 : memref<1x448x128xf32, #tpu.memory_space<vmem>> -> memref<448x128xf32, #tpu.memory_space<vmem>>
    %dma_start3A_163 = arith.constant 0 : i32
    %dma_start3A_164 = tpu.memref_slice %arg4[%dma_start3A_158, %dma_start3A_163, %mul3A_2] : memref<26x448x4096xf32, #tpu.memory_space<hbm>> -> memref<1x448x128xf32, #tpu.memory_space<hbm>>
    %dma_start3A_165 = tpu.memref_squeeze %dma_start3A_164 : memref<1x448x128xf32, #tpu.memory_space<hbm>> -> memref<448x128xf32, #tpu.memory_space<hbm>>
    %dma_start3A_166 = arith.constant 0 : i32
    %dma_start3A_167 = tpu.memref_slice %arg4[%dma_start3A_158, %dma_start3A_166, %mul3A_2] : memref<26x448x4096xf32, #tpu.memory_space<hbm>> -> memref<1x448x128xf32, #tpu.memory_space<hbm>>
    %dma_start3A_168 = tpu.memref_squeeze %dma_start3A_167 : memref<1x448x128xf32, #tpu.memory_space<hbm>> -> memref<448x128xf32, #tpu.memory_space<hbm>>
    %dma_start3A_169 = arith.constant 0 : i32
    %dma_start3A_170 = arith.constant 0 : i32
    %dma_start3A_171 = tpu.memref_slice %arg7[%dma_start3A_157, %dma_start3A_169, %dma_start3A_170] : memref<2x448x128xf32, #tpu.memory_space<vmem>> -> memref<1x448x128xf32, #tpu.memory_space<vmem>>
    %dma_start3A_172 = tpu.memref_squeeze %dma_start3A_171 : memref<1x448x128xf32, #tpu.memory_space<vmem>> -> memref<448x128xf32, #tpu.memory_space<vmem>>
    tpu.enqueue_dma source(%dma_start3A_172 : memref<448x128xf32, #tpu.memory_space<vmem>>) target(%dma_start3A_168 : memref<448x128xf32, #tpu.memory_space<hbm>>) target_semaphore(%arg8 : memref<!tpu.dma_semaphore, #tpu.memory_space<semaphore_mem>>)
    %dma_wait3A_173 = arith.constant 1 : i32
    %dma_wait3A_174 = arith.constant 1 : i32
    %dma_wait3A_175 = arith.constant 0 : i32
    %dma_wait3A_176 = arith.constant 0 : i32
    %dma_wait3A_177 = tpu.memref_slice %arg7[%dma_wait3A_173, %dma_wait3A_175, %dma_wait3A_176] : memref<2x448x128xf32, #tpu.memory_space<vmem>> -> memref<1x448x128xf32, #tpu.memory_space<vmem>>
    %dma_wait3A_178 = tpu.memref_squeeze %dma_wait3A_177 : memref<1x448x128xf32, #tpu.memory_space<vmem>> -> memref<448x128xf32, #tpu.memory_space<vmem>>
    %dma_wait3A_179 = arith.constant 0 : i32
    %dma_wait3A_180 = tpu.memref_slice %arg4[%dma_wait3A_174, %dma_wait3A_179, %mul3A_2] : memref<26x448x4096xf32, #tpu.memory_space<hbm>> -> memref<1x448x128xf32, #tpu.memory_space<hbm>>
    %dma_wait3A_181 = tpu.memref_squeeze %dma_wait3A_180 : memref<1x448x128xf32, #tpu.memory_space<hbm>> -> memref<448x128xf32, #tpu.memory_space<hbm>>
    %dma_wait3A_182 = arith.constant 0 : i32
    %dma_wait3A_183 = tpu.memref_slice %arg4[%dma_wait3A_174, %dma_wait3A_182, %mul3A_2] : memref<26x448x4096xf32, #tpu.memory_space<hbm>> -> memref<1x448x128xf32, #tpu.memory_space<hbm>>
    %dma_wait3A_184 = tpu.memref_squeeze %dma_wait3A_183 : memref<1x448x128xf32, #tpu.memory_space<hbm>> -> memref<448x128xf32, #tpu.memory_space<hbm>>
    %dma_wait3A_185 = arith.constant 0 : i32
    %dma_wait3A_186 = arith.constant 0 : i32
    %dma_wait3A_187 = tpu.memref_slice %arg7[%dma_wait3A_173, %dma_wait3A_185, %dma_wait3A_186] : memref<2x448x128xf32, #tpu.memory_space<vmem>> -> memref<1x448x128xf32, #tpu.memory_space<vmem>>
    %dma_wait3A_188 = tpu.memref_squeeze %dma_wait3A_187 : memref<1x448x128xf32, #tpu.memory_space<vmem>> -> memref<448x128xf32, #tpu.memory_space<vmem>>
    tpu.wait_dma2 semaphore(%arg9 : memref<!tpu.dma_semaphore, #tpu.memory_space<semaphore_mem>>) src(%dma_wait3A_188 : memref<448x128xf32, #tpu.memory_space<vmem>>) dst(%dma_wait3A_184 : memref<448x128xf32, #tpu.memory_space<hbm>>)
    %add3A_189 = arith.constant 3 : i32
    %add3A_190 = vector.broadcast %add3A_189 : i32 to vector<16xi32>
    %add3A_191 = arith.addi %mul3A_7, %add3A_190 : vector<16xi32>
    %gather3A_192 = tpu.vector_load_idx %arg5[%add3A_191] : memref<3328xi32, #tpu.memory_space<vmem>>[vector<16xi32>], vector<16xi32>,
    %add3A_193 = arith.constant 419 : i32
    %add3A_194 = vector.broadcast %add3A_193 : i32 to vector<16xi32>
    %add3A_195 = arith.addi %mul3A_7, %add3A_194 : vector<16xi32>
    %gather3A_196 = tpu.vector_load_idx %arg5[%add3A_195] : memref<3328xi32, #tpu.memory_space<vmem>>[vector<16xi32>], vector<16xi32>,
    %add3A_197 = arith.constant 835 : i32
    %add3A_198 = vector.broadcast %add3A_197 : i32 to vector<16xi32>
    %add3A_199 = arith.addi %mul3A_7, %add3A_198 : vector<16xi32>
    %gather3A_200 = tpu.vector_load_idx %arg5[%add3A_199] : memref<3328xi32, #tpu.memory_space<vmem>>[vector<16xi32>], vector<16xi32>,
    %add3A_201 = arith.constant 1251 : i32
    %add3A_202 = vector.broadcast %add3A_201 : i32 to vector<16xi32>
    %add3A_203 = arith.addi %mul3A_7, %add3A_202 : vector<16xi32>
    %gather3A_204 = tpu.vector_load_idx %arg5[%add3A_203] : memref<3328xi32, #tpu.memory_space<vmem>>[vector<16xi32>], vector<16xi32>,
    %add3A_205 = arith.constant 1667 : i32
    %add3A_206 = vector.broadcast %add3A_205 : i32 to vector<16xi32>
    %add3A_207 = arith.addi %mul3A_7, %add3A_206 : vector<16xi32>
    %gather3A_208 = tpu.vector_load_idx %arg5[%add3A_207] : memref<3328xi32, #tpu.memory_space<vmem>>[vector<16xi32>], vector<16xi32>,
    %add3A_209 = arith.constant 2083 : i32
    %add3A_210 = vector.broadcast %add3A_209 : i32 to vector<16xi32>
    %add3A_211 = arith.addi %mul3A_7, %add3A_210 : vector<16xi32>
    %gather3A_212 = tpu.vector_load_idx %arg5[%add3A_211] : memref<3328xi32, #tpu.memory_space<vmem>>[vector<16xi32>], vector<16xi32>,
    %add3A_213 = arith.constant 2499 : i32
    %add3A_214 = vector.broadcast %add3A_213 : i32 to vector<16xi32>
    %add3A_215 = arith.addi %mul3A_7, %add3A_214 : vector<16xi32>
    %gather3A_216 = tpu.vector_load_idx %arg5[%add3A_215] : memref<3328xi32, #tpu.memory_space<vmem>>[vector<16xi32>], vector<16xi32>,
    %add3A_217 = arith.constant 2915 : i32
    %add3A_218 = vector.broadcast %add3A_217 : i32 to vector<16xi32>
    %add3A_219 = arith.addi %mul3A_7, %add3A_218 : vector<16xi32>
    %gather3A_220 = tpu.vector_load_idx %arg5[%add3A_219] : memref<3328xi32, #tpu.memory_space<vmem>>[vector<16xi32>], vector<16xi32>,
    %parallel_loop3A_221 = arith.constant 0 : i32
    %parallel_loop3A_222 = arith.constant 448 : i32
    %parallel_loop3A_223 = arith.constant 1 : i32
    scf.for %parallel_loop3A_1746 = %parallel_loop3A_221 to %parallel_loop3A_222 step %parallel_loop3A_223  : i32 {
      %parallel_loop3A_1747 = arith.constant 16 : i32
      %parallel_loop3A_1748 = arith.muli %parallel_loop3A_1746, %parallel_loop3A_1747 : i32
      %parallel_loop3A_1749 = arith.index_cast %parallel_loop3A_1748 : i32 to index
      %parallel_loop3A_1750 = tpu.vector_load %arg6[%parallel_loop3A_1749] {strides = array<i32>} : memref<7168xf32, #tpu.memory_space<vmem>>, vector<16xf32>,
      %parallel_loop3A_1751 = vector.shape_cast %gather3A_192 : vector<16xi32> to vector<16x1xi32>
      %parallel_loop3A_1752 = vector.shape_cast %parallel_loop3A_1751 : vector<16x1xi32> to vector<16xi32>
      %parallel_loop3A_1753 = tpu.dynamic_gather %parallel_loop3A_1750[%parallel_loop3A_1752] in [0] : vector<16xf32>, vector<16xi32> -> vector<16xf32>
      %parallel_loop3A_1754 = arith.constant 1 : i32
      %parallel_loop3A_1755 = arith.index_cast %parallel_loop3A_1754 : i32 to index
      %parallel_loop3A_1756 = arith.index_cast %parallel_loop3A_1746 : i32 to index
      %parallel_loop3A_1757 = arith.constant 0 : index
      %parallel_loop3A_1758 = tpu.vector_load %arg7[%parallel_loop3A_1755, %parallel_loop3A_1756, %parallel_loop3A_1757] {strides = array<i32>} : memref<2x448x128xf32, #tpu.memory_space<vmem>>, vector<16xf32>,
      tpu.vector_store %arg7[%parallel_loop3A_1755, %parallel_loop3A_1756, %parallel_loop3A_1757], %parallel_loop3A_1753 {strides = array<i32>} : memref<2x448x128xf32, #tpu.memory_space<vmem>>, vector<16xf32>,
      %parallel_loop3A_1759 = vector.shape_cast %gather3A_196 : vector<16xi32> to vector<16x1xi32>
      %parallel_loop3A_1760 = vector.shape_cast %parallel_loop3A_1759 : vector<16x1xi32> to vector<16xi32>
      %parallel_loop3A_1761 = tpu.dynamic_gather %parallel_loop3A_1750[%parallel_loop3A_1760] in [0] : vector<16xf32>, vector<16xi32> -> vector<16xf32>
      %parallel_loop3A_1762 = arith.constant 1 : i32
      %parallel_loop3A_1763 = arith.index_cast %parallel_loop3A_1762 : i32 to index
      %parallel_loop3A_1764 = arith.index_cast %parallel_loop3A_1746 : i32 to index
      %parallel_loop3A_1765 = arith.constant 16 : index
      %parallel_loop3A_1766 = tpu.vector_load %arg7[%parallel_loop3A_1763, %parallel_loop3A_1764, %parallel_loop3A_1765] {strides = array<i32>} : memref<2x448x128xf32, #tpu.memory_space<vmem>>, vector<16xf32>,
      tpu.vector_store %arg7[%parallel_loop3A_1763, %parallel_loop3A_1764, %parallel_loop3A_1765], %parallel_loop3A_1761 {strides = array<i32>} : memref<2x448x128xf32, #tpu.memory_space<vmem>>, vector<16xf32>,
      %parallel_loop3A_1767 = vector.shape_cast %gather3A_200 : vector<16xi32> to vector<16x1xi32>
      %parallel_loop3A_1768 = vector.shape_cast %parallel_loop3A_1767 : vector<16x1xi32> to vector<16xi32>
      %parallel_loop3A_1769 = tpu.dynamic_gather %parallel_loop3A_1750[%parallel_loop3A_1768] in [0] : vector<16xf32>, vector<16xi32> -> vector<16xf32>
      %parallel_loop3A_1770 = arith.constant 1 : i32
      %parallel_loop3A_1771 = arith.index_cast %parallel_loop3A_1770 : i32 to index
      %parallel_loop3A_1772 = arith.index_cast %parallel_loop3A_1746 : i32 to index
      %parallel_loop3A_1773 = arith.constant 32 : index
      %parallel_loop3A_1774 = tpu.vector_load %arg7[%parallel_loop3A_1771, %parallel_loop3A_1772, %parallel_loop3A_1773] {strides = array<i32>} : memref<2x448x128xf32, #tpu.memory_space<vmem>>, vector<16xf32>,
      tpu.vector_store %arg7[%parallel_loop3A_1771, %parallel_loop3A_1772, %parallel_loop3A_1773], %parallel_loop3A_1769 {strides = array<i32>} : memref<2x448x128xf32, #tpu.memory_space<vmem>>, vector<16xf32>,
      %parallel_loop3A_1775 = vector.shape_cast %gather3A_204 : vector<16xi32> to vector<16x1xi32>
      %parallel_loop3A_1776 = vector.shape_cast %parallel_loop3A_1775 : vector<16x1xi32> to vector<16xi32>
      %parallel_loop3A_1777 = tpu.dynamic_gather %parallel_loop3A_1750[%parallel_loop3A_1776] in [0] : vector<16xf32>, vector<16xi32> -> vector<16xf32>
      %parallel_loop3A_1778 = arith.constant 1 : i32
      %parallel_loop3A_1779 = arith.index_cast %parallel_loop3A_1778 : i32 to index
      %parallel_loop3A_1780 = arith.index_cast %parallel_loop3A_1746 : i32 to index
      %parallel_loop3A_1781 = arith.constant 48 : index
      %parallel_loop3A_1782 = tpu.vector_load %arg7[%parallel_loop3A_1779, %parallel_loop3A_1780, %parallel_loop3A_1781] {strides = array<i32>} : memref<2x448x128xf32, #tpu.memory_space<vmem>>, vector<16xf32>,
      tpu.vector_store %arg7[%parallel_loop3A_1779, %parallel_loop3A_1780, %parallel_loop3A_1781], %parallel_loop3A_1777 {strides = array<i32>} : memref<2x448x128xf32, #tpu.memory_space<vmem>>, vector<16xf32>,
      %parallel_loop3A_1783 = vector.shape_cast %gather3A_208 : vector<16xi32> to vector<16x1xi32>
      %parallel_loop3A_1784 = vector.shape_cast %parallel_loop3A_1783 : vector<16x1xi32> to vector<16xi32>
      %parallel_loop3A_1785 = tpu.dynamic_gather %parallel_loop3A_1750[%parallel_loop3A_1784] in [0] : vector<16xf32>, vector<16xi32> -> vector<16xf32>
      %parallel_loop3A_1786 = arith.constant 1 : i32
      %parallel_loop3A_1787 = arith.index_cast %parallel_loop3A_1786 : i32 to index
      %parallel_loop3A_1788 = arith.index_cast %parallel_loop3A_1746 : i32 to index
      %parallel_loop3A_1789 = arith.constant 64 : index
      %parallel_loop3A_1790 = tpu.vector_load %arg7[%parallel_loop3A_1787, %parallel_loop3A_1788, %parallel_loop3A_1789] {strides = array<i32>} : memref<2x448x128xf32, #tpu.memory_space<vmem>>, vector<16xf32>,
      tpu.vector_store %arg7[%parallel_loop3A_1787, %parallel_loop3A_1788, %parallel_loop3A_1789], %parallel_loop3A_1785 {strides = array<i32>} : memref<2x448x128xf32, #tpu.memory_space<vmem>>, vector<16xf32>,
      %parallel_loop3A_1791 = vector.shape_cast %gather3A_212 : vector<16xi32> to vector<16x1xi32>
      %parallel_loop3A_1792 = vector.shape_cast %parallel_loop3A_1791 : vector<16x1xi32> to vector<16xi32>
      %parallel_loop3A_1793 = tpu.dynamic_gather %parallel_loop3A_1750[%parallel_loop3A_1792] in [0] : vector<16xf32>, vector<16xi32> -> vector<16xf32>
      %parallel_loop3A_1794 = arith.constant 1 : i32
      %parallel_loop3A_1795 = arith.index_cast %parallel_loop3A_1794 : i32 to index
      %parallel_loop3A_1796 = arith.index_cast %parallel_loop3A_1746 : i32 to index
      %parallel_loop3A_1797 = arith.constant 80 : index
      %parallel_loop3A_1798 = tpu.vector_load %arg7[%parallel_loop3A_1795, %parallel_loop3A_1796, %parallel_loop3A_1797] {strides = array<i32>} : memref<2x448x128xf32, #tpu.memory_space<vmem>>, vector<16xf32>,
      tpu.vector_store %arg7[%parallel_loop3A_1795, %parallel_loop3A_1796, %parallel_loop3A_1797], %parallel_loop3A_1793 {strides = array<i32>} : memref<2x448x128xf32, #tpu.memory_space<vmem>>, vector<16xf32>,
      %parallel_loop3A_1799 = vector.shape_cast %gather3A_216 : vector<16xi32> to vector<16x1xi32>
      %parallel_loop3A_1800 = vector.shape_cast %parallel_loop3A_1799 : vector<16x1xi32> to vector<16xi32>
      %parallel_loop3A_1801 = tpu.dynamic_gather %parallel_loop3A_1750[%parallel_loop3A_1800] in [0] : vector<16xf32>, vector<16xi32> -> vector<16xf32>
      %parallel_loop3A_1802 = arith.constant 1 : i32
      %parallel_loop3A_1803 = arith.index_cast %parallel_loop3A_1802 : i32 to index
      %parallel_loop3A_1804 = arith.index_cast %parallel_loop3A_1746 : i32 to index
      %parallel_loop3A_1805 = arith.constant 96 : index
      %parallel_loop3A_1806 = tpu.vector_load %arg7[%parallel_loop3A_1803, %parallel_loop3A_1804, %parallel_loop3A_1805] {strides = array<i32>} : memref<2x448x128xf32, #tpu.memory_space<vmem>>, vector<16xf32>,
      tpu.vector_store %arg7[%parallel_loop3A_1803, %parallel_loop3A_1804, %parallel_loop3A_1805], %parallel_loop3A_1801 {strides = array<i32>} : memref<2x448x128xf32, #tpu.memory_space<vmem>>, vector<16xf32>,
      %parallel_loop3A_1807 = vector.shape_cast %gather3A_220 : vector<16xi32> to vector<16x1xi32>
      %parallel_loop3A_1808 = vector.shape_cast %parallel_loop3A_1807 : vector<16x1xi32> to vector<16xi32>
      %parallel_loop3A_1809 = tpu.dynamic_gather %parallel_loop3A_1750[%parallel_loop3A_1808] in [0] : vector<16xf32>, vector<16xi32> -> vector<16xf32>
      %parallel_loop3A_1810 = arith.constant 1 : i32
      %parallel_loop3A_1811 = arith.index_cast %parallel_loop3A_1810 : i32 to index
      %parallel_loop3A_1812 = arith.index_cast %parallel_loop3A_1746 : i32 to index
      %parallel_loop3A_1813 = arith.constant 112 : index
      %parallel_loop3A_1814 = tpu.vector_load %arg7[%parallel_loop3A_1811, %parallel_loop3A_1812, %parallel_loop3A_1813] {strides = array<i32>} : memref<2x448x128xf32, #tpu.memory_space<vmem>>, vector<16xf32>,
      tpu.vector_store %arg7[%parallel_loop3A_1811, %parallel_loop3A_1812, %parallel_loop3A_1813], %parallel_loop3A_1809 {strides = array<i32>} : memref<2x448x128xf32, #tpu.memory_space<vmem>>, vector<16xf32>,
    } {sc.loop_unroll_factor = 1 : i64, sc.parallel_access}
    %dma_start3A_224 = arith.constant 1 : i32
    %dma_start3A_225 = arith.constant 3 : i32
    %dma_start3A_226 = arith.constant 0 : i32
    %dma_start3A_227 = arith.constant 0 : i32
    %dma_start3A_228 = tpu.memref_slice %arg7[%dma_start3A_224, %dma_start3A_226, %dma_start3A_227] : memref<2x448x128xf32, #tpu.memory_space<vmem>> -> memref<1x448x128xf32, #tpu.memory_space<vmem>>
    %dma_start3A_229 = tpu.memref_squeeze %dma_start3A_228 : memref<1x448x128xf32, #tpu.memory_space<vmem>> -> memref<448x128xf32, #tpu.memory_space<vmem>>
    %dma_start3A_230 = arith.constant 0 : i32
    %dma_start3A_231 = tpu.memref_slice %arg4[%dma_start3A_225, %dma_start3A_230, %mul3A_2] : memref<26x448x4096xf32, #tpu.memory_space<hbm>> -> memref<1x448x128xf32, #tpu.memory_space<hbm>>
    %dma_start3A_232 = tpu.memref_squeeze %dma_start3A_231 : memref<1x448x128xf32, #tpu.memory_space<hbm>> -> memref<448x128xf32, #tpu.memory_space<hbm>>
    %dma_start3A_233 = arith.constant 0 : i32
    %dma_start3A_234 = tpu.memref_slice %arg4[%dma_start3A_225, %dma_start3A_233, %mul3A_2] : memref<26x448x4096xf32, #tpu.memory_space<hbm>> -> memref<1x448x128xf32, #tpu.memory_space<hbm>>
    %dma_start3A_235 = tpu.memref_squeeze %dma_start3A_234 : memref<1x448x128xf32, #tpu.memory_space<hbm>> -> memref<448x128xf32, #tpu.memory_space<hbm>>
    %dma_start3A_236 = arith.constant 0 : i32
    %dma_start3A_237 = arith.constant 0 : i32
    %dma_start3A_238 = tpu.memref_slice %arg7[%dma_start3A_224, %dma_start3A_236, %dma_start3A_237] : memref<2x448x128xf32, #tpu.memory_space<vmem>> -> memref<1x448x128xf32, #tpu.memory_space<vmem>>
    %dma_start3A_239 = tpu.memref_squeeze %dma_start3A_238 : memref<1x448x128xf32, #tpu.memory_space<vmem>> -> memref<448x128xf32, #tpu.memory_space<vmem>>
    tpu.enqueue_dma source(%dma_start3A_239 : memref<448x128xf32, #tpu.memory_space<vmem>>) target(%dma_start3A_235 : memref<448x128xf32, #tpu.memory_space<hbm>>) target_semaphore(%arg9 : memref<!tpu.dma_semaphore, #tpu.memory_space<semaphore_mem>>)
    %dma_wait3A_240 = arith.constant 0 : i32
    %dma_wait3A_241 = arith.constant 2 : i32
    %dma_wait3A_242 = arith.constant 0 : i32
    %dma_wait3A_243 = arith.constant 0 : i32
    %dma_wait3A_244 = tpu.memref_slice %arg7[%dma_wait3A_240, %dma_wait3A_242, %dma_wait3A_243] : memref<2x448x128xf32, #tpu.memory_space<vmem>> -> memref<1x448x128xf32, #tpu.memory_space<vmem>>
    %dma_wait3A_245 = tpu.memref_squeeze %dma_wait3A_244 : memref<1x448x128xf32, #tpu.memory_space<vmem>> -> memref<448x128xf32, #tpu.memory_space<vmem>>
    %dma_wait3A_246 = arith.constant 0 : i32
    %dma_wait3A_247 = tpu.memref_slice %arg4[%dma_wait3A_241, %dma_wait3A_246, %mul3A_2] : memref<26x448x4096xf32, #tpu.memory_space<hbm>> -> memref<1x448x128xf32, #tpu.memory_space<hbm>>
    %dma_wait3A_248 = tpu.memref_squeeze %dma_wait3A_247 : memref<1x448x128xf32, #tpu.memory_space<hbm>> -> memref<448x128xf32, #tpu.memory_space<hbm>>
    %dma_wait3A_249 = arith.constant 0 : i32
    %dma_wait3A_250 = tpu.memref_slice %arg4[%dma_wait3A_241, %dma_wait3A_249, %mul3A_2] : memref<26x448x4096xf32, #tpu.memory_space<hbm>> -> memref<1x448x128xf32, #tpu.memory_space<hbm>>
    %dma_wait3A_251 = tpu.memref_squeeze %dma_wait3A_250 : memref<1x448x128xf32, #tpu.memory_space<hbm>> -> memref<448x128xf32, #tpu.memory_space<hbm>>
    %dma_wait3A_252 = arith.constant 0 : i32
    %dma_wait3A_253 = arith.constant 0 : i32
    %dma_wait3A_254 = tpu.memref_slice %arg7[%dma_wait3A_240, %dma_wait3A_252, %dma_wait3A_253] : memref<2x448x128xf32, #tpu.memory_space<vmem>> -> memref<1x448x128xf32, #tpu.memory_space<vmem>>
    %dma_wait3A_255 = tpu.memref_squeeze %dma_wait3A_254 : memref<1x448x128xf32, #tpu.memory_space<vmem>> -> memref<448x128xf32, #tpu.memory_space<vmem>>
    tpu.wait_dma2 semaphore(%arg8 : memref<!tpu.dma_semaphore, #tpu.memory_space<semaphore_mem>>) src(%dma_wait3A_255 : memref<448x128xf32, #tpu.memory_space<vmem>>) dst(%dma_wait3A_251 : memref<448x128xf32, #tpu.memory_space<hbm>>)
    %add3A_256 = arith.constant 4 : i32
    %add3A_257 = vector.broadcast %add3A_256 : i32 to vector<16xi32>
    %add3A_258 = arith.addi %mul3A_7, %add3A_257 : vector<16xi32>
    %gather3A_259 = tpu.vector_load_idx %arg5[%add3A_258] : memref<3328xi32, #tpu.memory_space<vmem>>[vector<16xi32>], vector<16xi32>,
    %add3A_260 = arith.constant 420 : i32
    %add3A_261 = vector.broadcast %add3A_260 : i32 to vector<16xi32>
    %add3A_262 = arith.addi %mul3A_7, %add3A_261 : vector<16xi32>
    %gather3A_263 = tpu.vector_load_idx %arg5[%add3A_262] : memref<3328xi32, #tpu.memory_space<vmem>>[vector<16xi32>], vector<16xi32>,
    %add3A_264 = arith.constant 836 : i32
    %add3A_265 = vector.broadcast %add3A_264 : i32 to vector<16xi32>
    %add3A_266 = arith.addi %mul3A_7, %add3A_265 : vector<16xi32>
    %gather3A_267 = tpu.vector_load_idx %arg5[%add3A_266] : memref<3328xi32, #tpu.memory_space<vmem>>[vector<16xi32>], vector<16xi32>,
    %add3A_268 = arith.constant 1252 : i32
    %add3A_269 = vector.broadcast %add3A_268 : i32 to vector<16xi32>
    %add3A_270 = arith.addi %mul3A_7, %add3A_269 : vector<16xi32>
    %gather3A_271 = tpu.vector_load_idx %arg5[%add3A_270] : memref<3328xi32, #tpu.memory_space<vmem>>[vector<16xi32>], vector<16xi32>,
    %add3A_272 = arith.constant 1668 : i32
    %add3A_273 = vector.broadcast %add3A_272 : i32 to vector<16xi32>
    %add3A_274 = arith.addi %mul3A_7, %add3A_273 : vector<16xi32>
    %gather3A_275 = tpu.vector_load_idx %arg5[%add3A_274] : memref<3328xi32, #tpu.memory_space<vmem>>[vector<16xi32>], vector<16xi32>,
    %add3A_276 = arith.constant 2084 : i32
    %add3A_277 = vector.broadcast %add3A_276 : i32 to vector<16xi32>
    %add3A_278 = arith.addi %mul3A_7, %add3A_277 : vector<16xi32>
    %gather3A_279 = tpu.vector_load_idx %arg5[%add3A_278] : memref<3328xi32, #tpu.memory_space<vmem>>[vector<16xi32>], vector<16xi32>,
    %add3A_280 = arith.constant 2500 : i32
    %add3A_281 = vector.broadcast %add3A_280 : i32 to vector<16xi32>
    %add3A_282 = arith.addi %mul3A_7, %add3A_281 : vector<16xi32>
    %gather3A_283 = tpu.vector_load_idx %arg5[%add3A_282] : memref<3328xi32, #tpu.memory_space<vmem>>[vector<16xi32>], vector<16xi32>,
    %add3A_284 = arith.constant 2916 : i32
    %add3A_285 = vector.broadcast %add3A_284 : i32 to vector<16xi32>
    %add3A_286 = arith.addi %mul3A_7, %add3A_285 : vector<16xi32>
    %gather3A_287 = tpu.vector_load_idx %arg5[%add3A_286] : memref<3328xi32, #tpu.memory_space<vmem>>[vector<16xi32>], vector<16xi32>,
    %parallel_loop3A_288 = arith.constant 0 : i32
    %parallel_loop3A_289 = arith.constant 448 : i32
    %parallel_loop3A_290 = arith.constant 1 : i32
    scf.for %parallel_loop3A_1746 = %parallel_loop3A_288 to %parallel_loop3A_289 step %parallel_loop3A_290  : i32 {
      %parallel_loop3A_1747 = arith.constant 16 : i32
      %parallel_loop3A_1748 = arith.muli %parallel_loop3A_1746, %parallel_loop3A_1747 : i32
      %parallel_loop3A_1749 = arith.index_cast %parallel_loop3A_1748 : i32 to index
      %parallel_loop3A_1750 = tpu.vector_load %arg6[%parallel_loop3A_1749] {strides = array<i32>} : memref<7168xf32, #tpu.memory_space<vmem>>, vector<16xf32>,
      %parallel_loop3A_1751 = vector.shape_cast %gather3A_259 : vector<16xi32> to vector<16x1xi32>
      %parallel_loop3A_1752 = vector.shape_cast %parallel_loop3A_1751 : vector<16x1xi32> to vector<16xi32>
      %parallel_loop3A_1753 = tpu.dynamic_gather %parallel_loop3A_1750[%parallel_loop3A_1752] in [0] : vector<16xf32>, vector<16xi32> -> vector<16xf32>
      %parallel_loop3A_1754 = arith.constant 0 : i32
      %parallel_loop3A_1755 = arith.index_cast %parallel_loop3A_1754 : i32 to index
      %parallel_loop3A_1756 = arith.index_cast %parallel_loop3A_1746 : i32 to index
      %parallel_loop3A_1757 = arith.constant 0 : index
      %parallel_loop3A_1758 = tpu.vector_load %arg7[%parallel_loop3A_1755, %parallel_loop3A_1756, %parallel_loop3A_1757] {strides = array<i32>} : memref<2x448x128xf32, #tpu.memory_space<vmem>>, vector<16xf32>,
      tpu.vector_store %arg7[%parallel_loop3A_1755, %parallel_loop3A_1756, %parallel_loop3A_1757], %parallel_loop3A_1753 {strides = array<i32>} : memref<2x448x128xf32, #tpu.memory_space<vmem>>, vector<16xf32>,
      %parallel_loop3A_1759 = vector.shape_cast %gather3A_263 : vector<16xi32> to vector<16x1xi32>
      %parallel_loop3A_1760 = vector.shape_cast %parallel_loop3A_1759 : vector<16x1xi32> to vector<16xi32>
      %parallel_loop3A_1761 = tpu.dynamic_gather %parallel_loop3A_1750[%parallel_loop3A_1760] in [0] : vector<16xf32>, vector<16xi32> -> vector<16xf32>
      %parallel_loop3A_1762 = arith.constant 0 : i32
      %parallel_loop3A_1763 = arith.index_cast %parallel_loop3A_1762 : i32 to index
      %parallel_loop3A_1764 = arith.index_cast %parallel_loop3A_1746 : i32 to index
      %parallel_loop3A_1765 = arith.constant 16 : index
      %parallel_loop3A_1766 = tpu.vector_load %arg7[%parallel_loop3A_1763, %parallel_loop3A_1764, %parallel_loop3A_1765] {strides = array<i32>} : memref<2x448x128xf32, #tpu.memory_space<vmem>>, vector<16xf32>,
      tpu.vector_store %arg7[%parallel_loop3A_1763, %parallel_loop3A_1764, %parallel_loop3A_1765], %parallel_loop3A_1761 {strides = array<i32>} : memref<2x448x128xf32, #tpu.memory_space<vmem>>, vector<16xf32>,
      %parallel_loop3A_1767 = vector.shape_cast %gather3A_267 : vector<16xi32> to vector<16x1xi32>
      %parallel_loop3A_1768 = vector.shape_cast %parallel_loop3A_1767 : vector<16x1xi32> to vector<16xi32>
      %parallel_loop3A_1769 = tpu.dynamic_gather %parallel_loop3A_1750[%parallel_loop3A_1768] in [0] : vector<16xf32>, vector<16xi32> -> vector<16xf32>
      %parallel_loop3A_1770 = arith.constant 0 : i32
      %parallel_loop3A_1771 = arith.index_cast %parallel_loop3A_1770 : i32 to index
      %parallel_loop3A_1772 = arith.index_cast %parallel_loop3A_1746 : i32 to index
      %parallel_loop3A_1773 = arith.constant 32 : index
      %parallel_loop3A_1774 = tpu.vector_load %arg7[%parallel_loop3A_1771, %parallel_loop3A_1772, %parallel_loop3A_1773] {strides = array<i32>} : memref<2x448x128xf32, #tpu.memory_space<vmem>>, vector<16xf32>,
      tpu.vector_store %arg7[%parallel_loop3A_1771, %parallel_loop3A_1772, %parallel_loop3A_1773], %parallel_loop3A_1769 {strides = array<i32>} : memref<2x448x128xf32, #tpu.memory_space<vmem>>, vector<16xf32>,
      %parallel_loop3A_1775 = vector.shape_cast %gather3A_271 : vector<16xi32> to vector<16x1xi32>
      %parallel_loop3A_1776 = vector.shape_cast %parallel_loop3A_1775 : vector<16x1xi32> to vector<16xi32>
      %parallel_loop3A_1777 = tpu.dynamic_gather %parallel_loop3A_1750[%parallel_loop3A_1776] in [0] : vector<16xf32>, vector<16xi32> -> vector<16xf32>
      %parallel_loop3A_1778 = arith.constant 0 : i32
      %parallel_loop3A_1779 = arith.index_cast %parallel_loop3A_1778 : i32 to index
      %parallel_loop3A_1780 = arith.index_cast %parallel_loop3A_1746 : i32 to index
      %parallel_loop3A_1781 = arith.constant 48 : index
      %parallel_loop3A_1782 = tpu.vector_load %arg7[%parallel_loop3A_1779, %parallel_loop3A_1780, %parallel_loop3A_1781] {strides = array<i32>} : memref<2x448x128xf32, #tpu.memory_space<vmem>>, vector<16xf32>,
      tpu.vector_store %arg7[%parallel_loop3A_1779, %parallel_loop3A_1780, %parallel_loop3A_1781], %parallel_loop3A_1777 {strides = array<i32>} : memref<2x448x128xf32, #tpu.memory_space<vmem>>, vector<16xf32>,
      %parallel_loop3A_1783 = vector.shape_cast %gather3A_275 : vector<16xi32> to vector<16x1xi32>
      %parallel_loop3A_1784 = vector.shape_cast %parallel_loop3A_1783 : vector<16x1xi32> to vector<16xi32>
      %parallel_loop3A_1785 = tpu.dynamic_gather %parallel_loop3A_1750[%parallel_loop3A_1784] in [0] : vector<16xf32>, vector<16xi32> -> vector<16xf32>
      %parallel_loop3A_1786 = arith.constant 0 : i32
      %parallel_loop3A_1787 = arith.index_cast %parallel_loop3A_1786 : i32 to index
      %parallel_loop3A_1788 = arith.index_cast %parallel_loop3A_1746 : i32 to index
      %parallel_loop3A_1789 = arith.constant 64 : index
      %parallel_loop3A_1790 = tpu.vector_load %arg7[%parallel_loop3A_1787, %parallel_loop3A_1788, %parallel_loop3A_1789] {strides = array<i32>} : memref<2x448x128xf32, #tpu.memory_space<vmem>>, vector<16xf32>,
      tpu.vector_store %arg7[%parallel_loop3A_1787, %parallel_loop3A_1788, %parallel_loop3A_1789], %parallel_loop3A_1785 {strides = array<i32>} : memref<2x448x128xf32, #tpu.memory_space<vmem>>, vector<16xf32>,
      %parallel_loop3A_1791 = vector.shape_cast %gather3A_279 : vector<16xi32> to vector<16x1xi32>
      %parallel_loop3A_1792 = vector.shape_cast %parallel_loop3A_1791 : vector<16x1xi32> to vector<16xi32>
      %parallel_loop3A_1793 = tpu.dynamic_gather %parallel_loop3A_1750[%parallel_loop3A_1792] in [0] : vector<16xf32>, vector<16xi32> -> vector<16xf32>
      %parallel_loop3A_1794 = arith.constant 0 : i32
      %parallel_loop3A_1795 = arith.index_cast %parallel_loop3A_1794 : i32 to index
      %parallel_loop3A_1796 = arith.index_cast %parallel_loop3A_1746 : i32 to index
      %parallel_loop3A_1797 = arith.constant 80 : index
      %parallel_loop3A_1798 = tpu.vector_load %arg7[%parallel_loop3A_1795, %parallel_loop3A_1796, %parallel_loop3A_1797] {strides = array<i32>} : memref<2x448x128xf32, #tpu.memory_space<vmem>>, vector<16xf32>,
      tpu.vector_store %arg7[%parallel_loop3A_1795, %parallel_loop3A_1796, %parallel_loop3A_1797], %parallel_loop3A_1793 {strides = array<i32>} : memref<2x448x128xf32, #tpu.memory_space<vmem>>, vector<16xf32>,
      %parallel_loop3A_1799 = vector.shape_cast %gather3A_283 : vector<16xi32> to vector<16x1xi32>
      %parallel_loop3A_1800 = vector.shape_cast %parallel_loop3A_1799 : vector<16x1xi32> to vector<16xi32>
      %parallel_loop3A_1801 = tpu.dynamic_gather %parallel_loop3A_1750[%parallel_loop3A_1800] in [0] : vector<16xf32>, vector<16xi32> -> vector<16xf32>
      %parallel_loop3A_1802 = arith.constant 0 : i32
      %parallel_loop3A_1803 = arith.index_cast %parallel_loop3A_1802 : i32 to index
      %parallel_loop3A_1804 = arith.index_cast %parallel_loop3A_1746 : i32 to index
      %parallel_loop3A_1805 = arith.constant 96 : index
      %parallel_loop3A_1806 = tpu.vector_load %arg7[%parallel_loop3A_1803, %parallel_loop3A_1804, %parallel_loop3A_1805] {strides = array<i32>} : memref<2x448x128xf32, #tpu.memory_space<vmem>>, vector<16xf32>,
      tpu.vector_store %arg7[%parallel_loop3A_1803, %parallel_loop3A_1804, %parallel_loop3A_1805], %parallel_loop3A_1801 {strides = array<i32>} : memref<2x448x128xf32, #tpu.memory_space<vmem>>, vector<16xf32>,
      %parallel_loop3A_1807 = vector.shape_cast %gather3A_287 : vector<16xi32> to vector<16x1xi32>
      %parallel_loop3A_1808 = vector.shape_cast %parallel_loop3A_1807 : vector<16x1xi32> to vector<16xi32>
      %parallel_loop3A_1809 = tpu.dynamic_gather %parallel_loop3A_1750[%parallel_loop3A_1808] in [0] : vector<16xf32>, vector<16xi32> -> vector<16xf32>
      %parallel_loop3A_1810 = arith.constant 0 : i32
      %parallel_loop3A_1811 = arith.index_cast %parallel_loop3A_1810 : i32 to index
      %parallel_loop3A_1812 = arith.index_cast %parallel_loop3A_1746 : i32 to index
      %parallel_loop3A_1813 = arith.constant 112 : index
      %parallel_loop3A_1814 = tpu.vector_load %arg7[%parallel_loop3A_1811, %parallel_loop3A_1812, %parallel_loop3A_1813] {strides = array<i32>} : memref<2x448x128xf32, #tpu.memory_space<vmem>>, vector<16xf32>,
      tpu.vector_store %arg7[%parallel_loop3A_1811, %parallel_loop3A_1812, %parallel_loop3A_1813], %parallel_loop3A_1809 {strides = array<i32>} : memref<2x448x128xf32, #tpu.memory_space<vmem>>, vector<16xf32>,
    } {sc.loop_unroll_factor = 1 : i64, sc.parallel_access}
    %dma_start3A_291 = arith.constant 0 : i32
    %dma_start3A_292 = arith.constant 4 : i32
    %dma_start3A_293 = arith.constant 0 : i32
    %dma_start3A_294 = arith.constant 0 : i32
    %dma_start3A_295 = tpu.memref_slice %arg7[%dma_start3A_291, %dma_start3A_293, %dma_start3A_294] : memref<2x448x128xf32, #tpu.memory_space<vmem>> -> memref<1x448x128xf32, #tpu.memory_space<vmem>>
    %dma_start3A_296 = tpu.memref_squeeze %dma_start3A_295 : memref<1x448x128xf32, #tpu.memory_space<vmem>> -> memref<448x128xf32, #tpu.memory_space<vmem>>
    %dma_start3A_297 = arith.constant 0 : i32
    %dma_start3A_298 = tpu.memref_slice %arg4[%dma_start3A_292, %dma_start3A_297, %mul3A_2] : memref<26x448x4096xf32, #tpu.memory_space<hbm>> -> memref<1x448x128xf32, #tpu.memory_space<hbm>>
    %dma_start3A_299 = tpu.memref_squeeze %dma_start3A_298 : memref<1x448x128xf32, #tpu.memory_space<hbm>> -> memref<448x128xf32, #tpu.memory_space<hbm>>
    %dma_start3A_300 = arith.constant 0 : i32
    %dma_start3A_301 = tpu.memref_slice %arg4[%dma_start3A_292, %dma_start3A_300, %mul3A_2] : memref<26x448x4096xf32, #tpu.memory_space<hbm>> -> memref<1x448x128xf32, #tpu.memory_space<hbm>>
    %dma_start3A_302 = tpu.memref_squeeze %dma_start3A_301 : memref<1x448x128xf32, #tpu.memory_space<hbm>> -> memref<448x128xf32, #tpu.memory_space<hbm>>
    %dma_start3A_303 = arith.constant 0 : i32
    %dma_start3A_304 = arith.constant 0 : i32
    %dma_start3A_305 = tpu.memref_slice %arg7[%dma_start3A_291, %dma_start3A_303, %dma_start3A_304] : memref<2x448x128xf32, #tpu.memory_space<vmem>> -> memref<1x448x128xf32, #tpu.memory_space<vmem>>
    %dma_start3A_306 = tpu.memref_squeeze %dma_start3A_305 : memref<1x448x128xf32, #tpu.memory_space<vmem>> -> memref<448x128xf32, #tpu.memory_space<vmem>>
    tpu.enqueue_dma source(%dma_start3A_306 : memref<448x128xf32, #tpu.memory_space<vmem>>) target(%dma_start3A_302 : memref<448x128xf32, #tpu.memory_space<hbm>>) target_semaphore(%arg8 : memref<!tpu.dma_semaphore, #tpu.memory_space<semaphore_mem>>)
    %dma_wait3A_307 = arith.constant 1 : i32
    %dma_wait3A_308 = arith.constant 3 : i32
    %dma_wait3A_309 = arith.constant 0 : i32
    %dma_wait3A_310 = arith.constant 0 : i32
    %dma_wait3A_311 = tpu.memref_slice %arg7[%dma_wait3A_307, %dma_wait3A_309, %dma_wait3A_310] : memref<2x448x128xf32, #tpu.memory_space<vmem>> -> memref<1x448x128xf32, #tpu.memory_space<vmem>>
    %dma_wait3A_312 = tpu.memref_squeeze %dma_wait3A_311 : memref<1x448x128xf32, #tpu.memory_space<vmem>> -> memref<448x128xf32, #tpu.memory_space<vmem>>
    %dma_wait3A_313 = arith.constant 0 : i32
    %dma_wait3A_314 = tpu.memref_slice %arg4[%dma_wait3A_308, %dma_wait3A_313, %mul3A_2] : memref<26x448x4096xf32, #tpu.memory_space<hbm>> -> memref<1x448x128xf32, #tpu.memory_space<hbm>>
    %dma_wait3A_315 = tpu.memref_squeeze %dma_wait3A_314 : memref<1x448x128xf32, #tpu.memory_space<hbm>> -> memref<448x128xf32, #tpu.memory_space<hbm>>
    %dma_wait3A_316 = arith.constant 0 : i32
    %dma_wait3A_317 = tpu.memref_slice %arg4[%dma_wait3A_308, %dma_wait3A_316, %mul3A_2] : memref<26x448x4096xf32, #tpu.memory_space<hbm>> -> memref<1x448x128xf32, #tpu.memory_space<hbm>>
    %dma_wait3A_318 = tpu.memref_squeeze %dma_wait3A_317 : memref<1x448x128xf32, #tpu.memory_space<hbm>> -> memref<448x128xf32, #tpu.memory_space<hbm>>
    %dma_wait3A_319 = arith.constant 0 : i32
    %dma_wait3A_320 = arith.constant 0 : i32
    %dma_wait3A_321 = tpu.memref_slice %arg7[%dma_wait3A_307, %dma_wait3A_319, %dma_wait3A_320] : memref<2x448x128xf32, #tpu.memory_space<vmem>> -> memref<1x448x128xf32, #tpu.memory_space<vmem>>
    %dma_wait3A_322 = tpu.memref_squeeze %dma_wait3A_321 : memref<1x448x128xf32, #tpu.memory_space<vmem>> -> memref<448x128xf32, #tpu.memory_space<vmem>>
    tpu.wait_dma2 semaphore(%arg9 : memref<!tpu.dma_semaphore, #tpu.memory_space<semaphore_mem>>) src(%dma_wait3A_322 : memref<448x128xf32, #tpu.memory_space<vmem>>) dst(%dma_wait3A_318 : memref<448x128xf32, #tpu.memory_space<hbm>>)
    %add3A_323 = arith.constant 5 : i32
    %add3A_324 = vector.broadcast %add3A_323 : i32 to vector<16xi32>
    %add3A_325 = arith.addi %mul3A_7, %add3A_324 : vector<16xi32>
    %gather3A_326 = tpu.vector_load_idx %arg5[%add3A_325] : memref<3328xi32, #tpu.memory_space<vmem>>[vector<16xi32>], vector<16xi32>,
    %add3A_327 = arith.constant 421 : i32
    %add3A_328 = vector.broadcast %add3A_327 : i32 to vector<16xi32>
    %add3A_329 = arith.addi %mul3A_7, %add3A_328 : vector<16xi32>
    %gather3A_330 = tpu.vector_load_idx %arg5[%add3A_329] : memref<3328xi32, #tpu.memory_space<vmem>>[vector<16xi32>], vector<16xi32>,
    %add3A_331 = arith.constant 837 : i32
    %add3A_332 = vector.broadcast %add3A_331 : i32 to vector<16xi32>
    %add3A_333 = arith.addi %mul3A_7, %add3A_332 : vector<16xi32>
    %gather3A_334 = tpu.vector_load_idx %arg5[%add3A_333] : memref<3328xi32, #tpu.memory_space<vmem>>[vector<16xi32>], vector<16xi32>,
    %add3A_335 = arith.constant 1253 : i32
    %add3A_336 = vector.broadcast %add3A_335 : i32 to vector<16xi32>
    %add3A_337 = arith.addi %mul3A_7, %add3A_336 : vector<16xi32>
    %gather3A_338 = tpu.vector_load_idx %arg5[%add3A_337] : memref<3328xi32, #tpu.memory_space<vmem>>[vector<16xi32>], vector<16xi32>,
    %add3A_339 = arith.constant 1669 : i32
    %add3A_340 = vector.broadcast %add3A_339 : i32 to vector<16xi32>
    %add3A_341 = arith.addi %mul3A_7, %add3A_340 : vector<16xi32>
    %gather3A_342 = tpu.vector_load_idx %arg5[%add3A_341] : memref<3328xi32, #tpu.memory_space<vmem>>[vector<16xi32>], vector<16xi32>,
    %add3A_343 = arith.constant 2085 : i32
    %add3A_344 = vector.broadcast %add3A_343 : i32 to vector<16xi32>
    %add3A_345 = arith.addi %mul3A_7, %add3A_344 : vector<16xi32>
    %gather3A_346 = tpu.vector_load_idx %arg5[%add3A_345] : memref<3328xi32, #tpu.memory_space<vmem>>[vector<16xi32>], vector<16xi32>,
    %add3A_347 = arith.constant 2501 : i32
    %add3A_348 = vector.broadcast %add3A_347 : i32 to vector<16xi32>
    %add3A_349 = arith.addi %mul3A_7, %add3A_348 : vector<16xi32>
    %gather3A_350 = tpu.vector_load_idx %arg5[%add3A_349] : memref<3328xi32, #tpu.memory_space<vmem>>[vector<16xi32>], vector<16xi32>,
    %add3A_351 = arith.constant 2917 : i32
    %add3A_352 = vector.broadcast %add3A_351 : i32 to vector<16xi32>
    %add3A_353 = arith.addi %mul3A_7, %add3A_352 : vector<16xi32>
    %gather3A_354 = tpu.vector_load_idx %arg5[%add3A_353] : memref<3328xi32, #tpu.memory_space<vmem>>[vector<16xi32>], vector<16xi32>,
    %parallel_loop3A_355 = arith.constant 0 : i32
    %parallel_loop3A_356 = arith.constant 448 : i32
    %parallel_loop3A_357 = arith.constant 1 : i32
    scf.for %parallel_loop3A_1746 = %parallel_loop3A_355 to %parallel_loop3A_356 step %parallel_loop3A_357  : i32 {
      %parallel_loop3A_1747 = arith.constant 16 : i32
      %parallel_loop3A_1748 = arith.muli %parallel_loop3A_1746, %parallel_loop3A_1747 : i32
      %parallel_loop3A_1749 = arith.index_cast %parallel_loop3A_1748 : i32 to index
      %parallel_loop3A_1750 = tpu.vector_load %arg6[%parallel_loop3A_1749] {strides = array<i32>} : memref<7168xf32, #tpu.memory_space<vmem>>, vector<16xf32>,
      %parallel_loop3A_1751 = vector.shape_cast %gather3A_326 : vector<16xi32> to vector<16x1xi32>
      %parallel_loop3A_1752 = vector.shape_cast %parallel_loop3A_1751 : vector<16x1xi32> to vector<16xi32>
      %parallel_loop3A_1753 = tpu.dynamic_gather %parallel_loop3A_1750[%parallel_loop3A_1752] in [0] : vector<16xf32>, vector<16xi32> -> vector<16xf32>
      %parallel_loop3A_1754 = arith.constant 1 : i32
      %parallel_loop3A_1755 = arith.index_cast %parallel_loop3A_1754 : i32 to index
      %parallel_loop3A_1756 = arith.index_cast %parallel_loop3A_1746 : i32 to index
      %parallel_loop3A_1757 = arith.constant 0 : index
      %parallel_loop3A_1758 = tpu.vector_load %arg7[%parallel_loop3A_1755, %parallel_loop3A_1756, %parallel_loop3A_1757] {strides = array<i32>} : memref<2x448x128xf32, #tpu.memory_space<vmem>>, vector<16xf32>,
      tpu.vector_store %arg7[%parallel_loop3A_1755, %parallel_loop3A_1756, %parallel_loop3A_1757], %parallel_loop3A_1753 {strides = array<i32>} : memref<2x448x128xf32, #tpu.memory_space<vmem>>, vector<16xf32>,
      %parallel_loop3A_1759 = vector.shape_cast %gather3A_330 : vector<16xi32> to vector<16x1xi32>
      %parallel_loop3A_1760 = vector.shape_cast %parallel_loop3A_1759 : vector<16x1xi32> to vector<16xi32>
      %parallel_loop3A_1761 = tpu.dynamic_gather %parallel_loop3A_1750[%parallel_loop3A_1760] in [0] : vector<16xf32>, vector<16xi32> -> vector<16xf32>
      %parallel_loop3A_1762 = arith.constant 1 : i32
      %parallel_loop3A_1763 = arith.index_cast %parallel_loop3A_1762 : i32 to index
      %parallel_loop3A_1764 = arith.index_cast %parallel_loop3A_1746 : i32 to index
      %parallel_loop3A_1765 = arith.constant 16 : index
      %parallel_loop3A_1766 = tpu.vector_load %arg7[%parallel_loop3A_1763, %parallel_loop3A_1764, %parallel_loop3A_1765] {strides = array<i32>} : memref<2x448x128xf32, #tpu.memory_space<vmem>>, vector<16xf32>,
      tpu.vector_store %arg7[%parallel_loop3A_1763, %parallel_loop3A_1764, %parallel_loop3A_1765], %parallel_loop3A_1761 {strides = array<i32>} : memref<2x448x128xf32, #tpu.memory_space<vmem>>, vector<16xf32>,
      %parallel_loop3A_1767 = vector.shape_cast %gather3A_334 : vector<16xi32> to vector<16x1xi32>
      %parallel_loop3A_1768 = vector.shape_cast %parallel_loop3A_1767 : vector<16x1xi32> to vector<16xi32>
      %parallel_loop3A_1769 = tpu.dynamic_gather %parallel_loop3A_1750[%parallel_loop3A_1768] in [0] : vector<16xf32>, vector<16xi32> -> vector<16xf32>
      %parallel_loop3A_1770 = arith.constant 1 : i32
      %parallel_loop3A_1771 = arith.index_cast %parallel_loop3A_1770 : i32 to index
      %parallel_loop3A_1772 = arith.index_cast %parallel_loop3A_1746 : i32 to index
      %parallel_loop3A_1773 = arith.constant 32 : index
      %parallel_loop3A_1774 = tpu.vector_load %arg7[%parallel_loop3A_1771, %parallel_loop3A_1772, %parallel_loop3A_1773] {strides = array<i32>} : memref<2x448x128xf32, #tpu.memory_space<vmem>>, vector<16xf32>,
      tpu.vector_store %arg7[%parallel_loop3A_1771, %parallel_loop3A_1772, %parallel_loop3A_1773], %parallel_loop3A_1769 {strides = array<i32>} : memref<2x448x128xf32, #tpu.memory_space<vmem>>, vector<16xf32>,
      %parallel_loop3A_1775 = vector.shape_cast %gather3A_338 : vector<16xi32> to vector<16x1xi32>
      %parallel_loop3A_1776 = vector.shape_cast %parallel_loop3A_1775 : vector<16x1xi32> to vector<16xi32>
      %parallel_loop3A_1777 = tpu.dynamic_gather %parallel_loop3A_1750[%parallel_loop3A_1776] in [0] : vector<16xf32>, vector<16xi32> -> vector<16xf32>
      %parallel_loop3A_1778 = arith.constant 1 : i32
      %parallel_loop3A_1779 = arith.index_cast %parallel_loop3A_1778 : i32 to index
      %parallel_loop3A_1780 = arith.index_cast %parallel_loop3A_1746 : i32 to index
      %parallel_loop3A_1781 = arith.constant 48 : index
      %parallel_loop3A_1782 = tpu.vector_load %arg7[%parallel_loop3A_1779, %parallel_loop3A_1780, %parallel_loop3A_1781] {strides = array<i32>} : memref<2x448x128xf32, #tpu.memory_space<vmem>>, vector<16xf32>,
      tpu.vector_store %arg7[%parallel_loop3A_1779, %parallel_loop3A_1780, %parallel_loop3A_1781], %parallel_loop3A_1777 {strides = array<i32>} : memref<2x448x128xf32, #tpu.memory_space<vmem>>, vector<16xf32>,
      %parallel_loop3A_1783 = vector.shape_cast %gather3A_342 : vector<16xi32> to vector<16x1xi32>
      %parallel_loop3A_1784 = vector.shape_cast %parallel_loop3A_1783 : vector<16x1xi32> to vector<16xi32>
      %parallel_loop3A_1785 = tpu.dynamic_gather %parallel_loop3A_1750[%parallel_loop3A_1784] in [0] : vector<16xf32>, vector<16xi32> -> vector<16xf32>
      %parallel_loop3A_1786 = arith.constant 1 : i32
      %parallel_loop3A_1787 = arith.index_cast %parallel_loop3A_1786 : i32 to index
      %parallel_loop3A_1788 = arith.index_cast %parallel_loop3A_1746 : i32 to index
      %parallel_loop3A_1789 = arith.constant 64 : index
      %parallel_loop3A_1790 = tpu.vector_load %arg7[%parallel_loop3A_1787, %parallel_loop3A_1788, %parallel_loop3A_1789] {strides = array<i32>} : memref<2x448x128xf32, #tpu.memory_space<vmem>>, vector<16xf32>,
      tpu.vector_store %arg7[%parallel_loop3A_1787, %parallel_loop3A_1788, %parallel_loop3A_1789], %parallel_loop3A_1785 {strides = array<i32>} : memref<2x448x128xf32, #tpu.memory_space<vmem>>, vector<16xf32>,
      %parallel_loop3A_1791 = vector.shape_cast %gather3A_346 : vector<16xi32> to vector<16x1xi32>
      %parallel_loop3A_1792 = vector.shape_cast %parallel_loop3A_1791 : vector<16x1xi32> to vector<16xi32>
      %parallel_loop3A_1793 = tpu.dynamic_gather %parallel_loop3A_1750[%parallel_loop3A_1792] in [0] : vector<16xf32>, vector<16xi32> -> vector<16xf32>
      %parallel_loop3A_1794 = arith.constant 1 : i32
      %parallel_loop3A_1795 = arith.index_cast %parallel_loop3A_1794 : i32 to index
      %parallel_loop3A_1796 = arith.index_cast %parallel_loop3A_1746 : i32 to index
      %parallel_loop3A_1797 = arith.constant 80 : index
      %parallel_loop3A_1798 = tpu.vector_load %arg7[%parallel_loop3A_1795, %parallel_loop3A_1796, %parallel_loop3A_1797] {strides = array<i32>} : memref<2x448x128xf32, #tpu.memory_space<vmem>>, vector<16xf32>,
      tpu.vector_store %arg7[%parallel_loop3A_1795, %parallel_loop3A_1796, %parallel_loop3A_1797], %parallel_loop3A_1793 {strides = array<i32>} : memref<2x448x128xf32, #tpu.memory_space<vmem>>, vector<16xf32>,
      %parallel_loop3A_1799 = vector.shape_cast %gather3A_350 : vector<16xi32> to vector<16x1xi32>
      %parallel_loop3A_1800 = vector.shape_cast %parallel_loop3A_1799 : vector<16x1xi32> to vector<16xi32>
      %parallel_loop3A_1801 = tpu.dynamic_gather %parallel_loop3A_1750[%parallel_loop3A_1800] in [0] : vector<16xf32>, vector<16xi32> -> vector<16xf32>
      %parallel_loop3A_1802 = arith.constant 1 : i32
      %parallel_loop3A_1803 = arith.index_cast %parallel_loop3A_1802 : i32 to index
      %parallel_loop3A_1804 = arith.index_cast %parallel_loop3A_1746 : i32 to index
      %parallel_loop3A_1805 = arith.constant 96 : index
      %parallel_loop3A_1806 = tpu.vector_load %arg7[%parallel_loop3A_1803, %parallel_loop3A_1804, %parallel_loop3A_1805] {strides = array<i32>} : memref<2x448x128xf32, #tpu.memory_space<vmem>>, vector<16xf32>,
      tpu.vector_store %arg7[%parallel_loop3A_1803, %parallel_loop3A_1804, %parallel_loop3A_1805], %parallel_loop3A_1801 {strides = array<i32>} : memref<2x448x128xf32, #tpu.memory_space<vmem>>, vector<16xf32>,
      %parallel_loop3A_1807 = vector.shape_cast %gather3A_354 : vector<16xi32> to vector<16x1xi32>
      %parallel_loop3A_1808 = vector.shape_cast %parallel_loop3A_1807 : vector<16x1xi32> to vector<16xi32>
      %parallel_loop3A_1809 = tpu.dynamic_gather %parallel_loop3A_1750[%parallel_loop3A_1808] in [0] : vector<16xf32>, vector<16xi32> -> vector<16xf32>
      %parallel_loop3A_1810 = arith.constant 1 : i32
      %parallel_loop3A_1811 = arith.index_cast %parallel_loop3A_1810 : i32 to index
      %parallel_loop3A_1812 = arith.index_cast %parallel_loop3A_1746 : i32 to index
      %parallel_loop3A_1813 = arith.constant 112 : index
      %parallel_loop3A_1814 = tpu.vector_load %arg7[%parallel_loop3A_1811, %parallel_loop3A_1812, %parallel_loop3A_1813] {strides = array<i32>} : memref<2x448x128xf32, #tpu.memory_space<vmem>>, vector<16xf32>,
      tpu.vector_store %arg7[%parallel_loop3A_1811, %parallel_loop3A_1812, %parallel_loop3A_1813], %parallel_loop3A_1809 {strides = array<i32>} : memref<2x448x128xf32, #tpu.memory_space<vmem>>, vector<16xf32>,
    } {sc.loop_unroll_factor = 1 : i64, sc.parallel_access}
    %dma_start3A_358 = arith.constant 1 : i32
    %dma_start3A_359 = arith.constant 5 : i32
    %dma_start3A_360 = arith.constant 0 : i32
    %dma_start3A_361 = arith.constant 0 : i32
    %dma_start3A_362 = tpu.memref_slice %arg7[%dma_start3A_358, %dma_start3A_360, %dma_start3A_361] : memref<2x448x128xf32, #tpu.memory_space<vmem>> -> memref<1x448x128xf32, #tpu.memory_space<vmem>>
    %dma_start3A_363 = tpu.memref_squeeze %dma_start3A_362 : memref<1x448x128xf32, #tpu.memory_space<vmem>> -> memref<448x128xf32, #tpu.memory_space<vmem>>
    %dma_start3A_364 = arith.constant 0 : i32
    %dma_start3A_365 = tpu.memref_slice %arg4[%dma_start3A_359, %dma_start3A_364, %mul3A_2] : memref<26x448x4096xf32, #tpu.memory_space<hbm>> -> memref<1x448x128xf32, #tpu.memory_space<hbm>>
    %dma_start3A_366 = tpu.memref_squeeze %dma_start3A_365 : memref<1x448x128xf32, #tpu.memory_space<hbm>> -> memref<448x128xf32, #tpu.memory_space<hbm>>
    %dma_start3A_367 = arith.constant 0 : i32
    %dma_start3A_368 = tpu.memref_slice %arg4[%dma_start3A_359, %dma_start3A_367, %mul3A_2] : memref<26x448x4096xf32, #tpu.memory_space<hbm>> -> memref<1x448x128xf32, #tpu.memory_space<hbm>>
    %dma_start3A_369 = tpu.memref_squeeze %dma_start3A_368 : memref<1x448x128xf32, #tpu.memory_space<hbm>> -> memref<448x128xf32, #tpu.memory_space<hbm>>
    %dma_start3A_370 = arith.constant 0 : i32
    %dma_start3A_371 = arith.constant 0 : i32
    %dma_start3A_372 = tpu.memref_slice %arg7[%dma_start3A_358, %dma_start3A_370, %dma_start3A_371] : memref<2x448x128xf32, #tpu.memory_space<vmem>> -> memref<1x448x128xf32, #tpu.memory_space<vmem>>
    %dma_start3A_373 = tpu.memref_squeeze %dma_start3A_372 : memref<1x448x128xf32, #tpu.memory_space<vmem>> -> memref<448x128xf32, #tpu.memory_space<vmem>>
    tpu.enqueue_dma source(%dma_start3A_373 : memref<448x128xf32, #tpu.memory_space<vmem>>) target(%dma_start3A_369 : memref<448x128xf32, #tpu.memory_space<hbm>>) target_semaphore(%arg9 : memref<!tpu.dma_semaphore, #tpu.memory_space<semaphore_mem>>)
    %dma_wait3A_374 = arith.constant 0 : i32
    %dma_wait3A_375 = arith.constant 4 : i32
    %dma_wait3A_376 = arith.constant 0 : i32
    %dma_wait3A_377 = arith.constant 0 : i32
    %dma_wait3A_378 = tpu.memref_slice %arg7[%dma_wait3A_374, %dma_wait3A_376, %dma_wait3A_377] : memref<2x448x128xf32, #tpu.memory_space<vmem>> -> memref<1x448x128xf32, #tpu.memory_space<vmem>>
    %dma_wait3A_379 = tpu.memref_squeeze %dma_wait3A_378 : memref<1x448x128xf32, #tpu.memory_space<vmem>> -> memref<448x128xf32, #tpu.memory_space<vmem>>
    %dma_wait3A_380 = arith.constant 0 : i32
    %dma_wait3A_381 = tpu.memref_slice %arg4[%dma_wait3A_375, %dma_wait3A_380, %mul3A_2] : memref<26x448x4096xf32, #tpu.memory_space<hbm>> -> memref<1x448x128xf32, #tpu.memory_space<hbm>>
    %dma_wait3A_382 = tpu.memref_squeeze %dma_wait3A_381 : memref<1x448x128xf32, #tpu.memory_space<hbm>> -> memref<448x128xf32, #tpu.memory_space<hbm>>
    %dma_wait3A_383 = arith.constant 0 : i32
    %dma_wait3A_384 = tpu.memref_slice %arg4[%dma_wait3A_375, %dma_wait3A_383, %mul3A_2] : memref<26x448x4096xf32, #tpu.memory_space<hbm>> -> memref<1x448x128xf32, #tpu.memory_space<hbm>>
    %dma_wait3A_385 = tpu.memref_squeeze %dma_wait3A_384 : memref<1x448x128xf32, #tpu.memory_space<hbm>> -> memref<448x128xf32, #tpu.memory_space<hbm>>
    %dma_wait3A_386 = arith.constant 0 : i32
    %dma_wait3A_387 = arith.constant 0 : i32
    %dma_wait3A_388 = tpu.memref_slice %arg7[%dma_wait3A_374, %dma_wait3A_386, %dma_wait3A_387] : memref<2x448x128xf32, #tpu.memory_space<vmem>> -> memref<1x448x128xf32, #tpu.memory_space<vmem>>
    %dma_wait3A_389 = tpu.memref_squeeze %dma_wait3A_388 : memref<1x448x128xf32, #tpu.memory_space<vmem>> -> memref<448x128xf32, #tpu.memory_space<vmem>>
    tpu.wait_dma2 semaphore(%arg8 : memref<!tpu.dma_semaphore, #tpu.memory_space<semaphore_mem>>) src(%dma_wait3A_389 : memref<448x128xf32, #tpu.memory_space<vmem>>) dst(%dma_wait3A_385 : memref<448x128xf32, #tpu.memory_space<hbm>>)
    %add3A_390 = arith.constant 6 : i32
    %add3A_391 = vector.broadcast %add3A_390 : i32 to vector<16xi32>
    %add3A_392 = arith.addi %mul3A_7, %add3A_391 : vector<16xi32>
    %gather3A_393 = tpu.vector_load_idx %arg5[%add3A_392] : memref<3328xi32, #tpu.memory_space<vmem>>[vector<16xi32>], vector<16xi32>,
    %add3A_394 = arith.constant 422 : i32
    %add3A_395 = vector.broadcast %add3A_394 : i32 to vector<16xi32>
    %add3A_396 = arith.addi %mul3A_7, %add3A_395 : vector<16xi32>
    %gather3A_397 = tpu.vector_load_idx %arg5[%add3A_396] : memref<3328xi32, #tpu.memory_space<vmem>>[vector<16xi32>], vector<16xi32>,
    %add3A_398 = arith.constant 838 : i32
    %add3A_399 = vector.broadcast %add3A_398 : i32 to vector<16xi32>
    %add3A_400 = arith.addi %mul3A_7, %add3A_399 : vector<16xi32>
    %gather3A_401 = tpu.vector_load_idx %arg5[%add3A_400] : memref<3328xi32, #tpu.memory_space<vmem>>[vector<16xi32>], vector<16xi32>,
    %add3A_402 = arith.constant 1254 : i32
    %add3A_403 = vector.broadcast %add3A_402 : i32 to vector<16xi32>
    %add3A_404 = arith.addi %mul3A_7, %add3A_403 : vector<16xi32>
    %gather3A_405 = tpu.vector_load_idx %arg5[%add3A_404] : memref<3328xi32, #tpu.memory_space<vmem>>[vector<16xi32>], vector<16xi32>,
    %add3A_406 = arith.constant 1670 : i32
    %add3A_407 = vector.broadcast %add3A_406 : i32 to vector<16xi32>
    %add3A_408 = arith.addi %mul3A_7, %add3A_407 : vector<16xi32>
    %gather3A_409 = tpu.vector_load_idx %arg5[%add3A_408] : memref<3328xi32, #tpu.memory_space<vmem>>[vector<16xi32>], vector<16xi32>,
    %add3A_410 = arith.constant 2086 : i32
    %add3A_411 = vector.broadcast %add3A_410 : i32 to vector<16xi32>
    %add3A_412 = arith.addi %mul3A_7, %add3A_411 : vector<16xi32>
    %gather3A_413 = tpu.vector_load_idx %arg5[%add3A_412] : memref<3328xi32, #tpu.memory_space<vmem>>[vector<16xi32>], vector<16xi32>,
    %add3A_414 = arith.constant 2502 : i32
    %add3A_415 = vector.broadcast %add3A_414 : i32 to vector<16xi32>
    %add3A_416 = arith.addi %mul3A_7, %add3A_415 : vector<16xi32>
    %gather3A_417 = tpu.vector_load_idx %arg5[%add3A_416] : memref<3328xi32, #tpu.memory_space<vmem>>[vector<16xi32>], vector<16xi32>,
    %add3A_418 = arith.constant 2918 : i32
    %add3A_419 = vector.broadcast %add3A_418 : i32 to vector<16xi32>
    %add3A_420 = arith.addi %mul3A_7, %add3A_419 : vector<16xi32>
    %gather3A_421 = tpu.vector_load_idx %arg5[%add3A_420] : memref<3328xi32, #tpu.memory_space<vmem>>[vector<16xi32>], vector<16xi32>,
    %parallel_loop3A_422 = arith.constant 0 : i32
    %parallel_loop3A_423 = arith.constant 448 : i32
    %parallel_loop3A_424 = arith.constant 1 : i32
    scf.for %parallel_loop3A_1746 = %parallel_loop3A_422 to %parallel_loop3A_423 step %parallel_loop3A_424  : i32 {
      %parallel_loop3A_1747 = arith.constant 16 : i32
      %parallel_loop3A_1748 = arith.muli %parallel_loop3A_1746, %parallel_loop3A_1747 : i32
      %parallel_loop3A_1749 = arith.index_cast %parallel_loop3A_1748 : i32 to index
      %parallel_loop3A_1750 = tpu.vector_load %arg6[%parallel_loop3A_1749] {strides = array<i32>} : memref<7168xf32, #tpu.memory_space<vmem>>, vector<16xf32>,
      %parallel_loop3A_1751 = vector.shape_cast %gather3A_393 : vector<16xi32> to vector<16x1xi32>
      %parallel_loop3A_1752 = vector.shape_cast %parallel_loop3A_1751 : vector<16x1xi32> to vector<16xi32>
      %parallel_loop3A_1753 = tpu.dynamic_gather %parallel_loop3A_1750[%parallel_loop3A_1752] in [0] : vector<16xf32>, vector<16xi32> -> vector<16xf32>
      %parallel_loop3A_1754 = arith.constant 0 : i32
      %parallel_loop3A_1755 = arith.index_cast %parallel_loop3A_1754 : i32 to index
      %parallel_loop3A_1756 = arith.index_cast %parallel_loop3A_1746 : i32 to index
      %parallel_loop3A_1757 = arith.constant 0 : index
      %parallel_loop3A_1758 = tpu.vector_load %arg7[%parallel_loop3A_1755, %parallel_loop3A_1756, %parallel_loop3A_1757] {strides = array<i32>} : memref<2x448x128xf32, #tpu.memory_space<vmem>>, vector<16xf32>,
      tpu.vector_store %arg7[%parallel_loop3A_1755, %parallel_loop3A_1756, %parallel_loop3A_1757], %parallel_loop3A_1753 {strides = array<i32>} : memref<2x448x128xf32, #tpu.memory_space<vmem>>, vector<16xf32>,
      %parallel_loop3A_1759 = vector.shape_cast %gather3A_397 : vector<16xi32> to vector<16x1xi32>
      %parallel_loop3A_1760 = vector.shape_cast %parallel_loop3A_1759 : vector<16x1xi32> to vector<16xi32>
      %parallel_loop3A_1761 = tpu.dynamic_gather %parallel_loop3A_1750[%parallel_loop3A_1760] in [0] : vector<16xf32>, vector<16xi32> -> vector<16xf32>
      %parallel_loop3A_1762 = arith.constant 0 : i32
      %parallel_loop3A_1763 = arith.index_cast %parallel_loop3A_1762 : i32 to index
      %parallel_loop3A_1764 = arith.index_cast %parallel_loop3A_1746 : i32 to index
      %parallel_loop3A_1765 = arith.constant 16 : index
      %parallel_loop3A_1766 = tpu.vector_load %arg7[%parallel_loop3A_1763, %parallel_loop3A_1764, %parallel_loop3A_1765] {strides = array<i32>} : memref<2x448x128xf32, #tpu.memory_space<vmem>>, vector<16xf32>,
      tpu.vector_store %arg7[%parallel_loop3A_1763, %parallel_loop3A_1764, %parallel_loop3A_1765], %parallel_loop3A_1761 {strides = array<i32>} : memref<2x448x128xf32, #tpu.memory_space<vmem>>, vector<16xf32>,
      %parallel_loop3A_1767 = vector.shape_cast %gather3A_401 : vector<16xi32> to vector<16x1xi32>
      %parallel_loop3A_1768 = vector.shape_cast %parallel_loop3A_1767 : vector<16x1xi32> to vector<16xi32>
      %parallel_loop3A_1769 = tpu.dynamic_gather %parallel_loop3A_1750[%parallel_loop3A_1768] in [0] : vector<16xf32>, vector<16xi32> -> vector<16xf32>
      %parallel_loop3A_1770 = arith.constant 0 : i32
      %parallel_loop3A_1771 = arith.index_cast %parallel_loop3A_1770 : i32 to index
      %parallel_loop3A_1772 = arith.index_cast %parallel_loop3A_1746 : i32 to index
      %parallel_loop3A_1773 = arith.constant 32 : index
      %parallel_loop3A_1774 = tpu.vector_load %arg7[%parallel_loop3A_1771, %parallel_loop3A_1772, %parallel_loop3A_1773] {strides = array<i32>} : memref<2x448x128xf32, #tpu.memory_space<vmem>>, vector<16xf32>,
      tpu.vector_store %arg7[%parallel_loop3A_1771, %parallel_loop3A_1772, %parallel_loop3A_1773], %parallel_loop3A_1769 {strides = array<i32>} : memref<2x448x128xf32, #tpu.memory_space<vmem>>, vector<16xf32>,
      %parallel_loop3A_1775 = vector.shape_cast %gather3A_405 : vector<16xi32> to vector<16x1xi32>
      %parallel_loop3A_1776 = vector.shape_cast %parallel_loop3A_1775 : vector<16x1xi32> to vector<16xi32>
      %parallel_loop3A_1777 = tpu.dynamic_gather %parallel_loop3A_1750[%parallel_loop3A_1776] in [0] : vector<16xf32>, vector<16xi32> -> vector<16xf32>
      %parallel_loop3A_1778 = arith.constant 0 : i32
      %parallel_loop3A_1779 = arith.index_cast %parallel_loop3A_1778 : i32 to index
      %parallel_loop3A_1780 = arith.index_cast %parallel_loop3A_1746 : i32 to index
      %parallel_loop3A_1781 = arith.constant 48 : index
      %parallel_loop3A_1782 = tpu.vector_load %arg7[%parallel_loop3A_1779, %parallel_loop3A_1780, %parallel_loop3A_1781] {strides = array<i32>} : memref<2x448x128xf32, #tpu.memory_space<vmem>>, vector<16xf32>,
      tpu.vector_store %arg7[%parallel_loop3A_1779, %parallel_loop3A_1780, %parallel_loop3A_1781], %parallel_loop3A_1777 {strides = array<i32>} : memref<2x448x128xf32, #tpu.memory_space<vmem>>, vector<16xf32>,
      %parallel_loop3A_1783 = vector.shape_cast %gather3A_409 : vector<16xi32> to vector<16x1xi32>
      %parallel_loop3A_1784 = vector.shape_cast %parallel_loop3A_1783 : vector<16x1xi32> to vector<16xi32>
      %parallel_loop3A_1785 = tpu.dynamic_gather %parallel_loop3A_1750[%parallel_loop3A_1784] in [0] : vector<16xf32>, vector<16xi32> -> vector<16xf32>
      %parallel_loop3A_1786 = arith.constant 0 : i32
      %parallel_loop3A_1787 = arith.index_cast %parallel_loop3A_1786 : i32 to index
      %parallel_loop3A_1788 = arith.index_cast %parallel_loop3A_1746 : i32 to index
      %parallel_loop3A_1789 = arith.constant 64 : index
      %parallel_loop3A_1790 = tpu.vector_load %arg7[%parallel_loop3A_1787, %parallel_loop3A_1788, %parallel_loop3A_1789] {strides = array<i32>} : memref<2x448x128xf32, #tpu.memory_space<vmem>>, vector<16xf32>,
      tpu.vector_store %arg7[%parallel_loop3A_1787, %parallel_loop3A_1788, %parallel_loop3A_1789], %parallel_loop3A_1785 {strides = array<i32>} : memref<2x448x128xf32, #tpu.memory_space<vmem>>, vector<16xf32>,
      %parallel_loop3A_1791 = vector.shape_cast %gather3A_413 : vector<16xi32> to vector<16x1xi32>
      %parallel_loop3A_1792 = vector.shape_cast %parallel_loop3A_1791 : vector<16x1xi32> to vector<16xi32>
      %parallel_loop3A_1793 = tpu.dynamic_gather %parallel_loop3A_1750[%parallel_loop3A_1792] in [0] : vector<16xf32>, vector<16xi32> -> vector<16xf32>
      %parallel_loop3A_1794 = arith.constant 0 : i32
      %parallel_loop3A_1795 = arith.index_cast %parallel_loop3A_1794 : i32 to index
      %parallel_loop3A_1796 = arith.index_cast %parallel_loop3A_1746 : i32 to index
      %parallel_loop3A_1797 = arith.constant 80 : index
      %parallel_loop3A_1798 = tpu.vector_load %arg7[%parallel_loop3A_1795, %parallel_loop3A_1796, %parallel_loop3A_1797] {strides = array<i32>} : memref<2x448x128xf32, #tpu.memory_space<vmem>>, vector<16xf32>,
      tpu.vector_store %arg7[%parallel_loop3A_1795, %parallel_loop3A_1796, %parallel_loop3A_1797], %parallel_loop3A_1793 {strides = array<i32>} : memref<2x448x128xf32, #tpu.memory_space<vmem>>, vector<16xf32>,
      %parallel_loop3A_1799 = vector.shape_cast %gather3A_417 : vector<16xi32> to vector<16x1xi32>
      %parallel_loop3A_1800 = vector.shape_cast %parallel_loop3A_1799 : vector<16x1xi32> to vector<16xi32>
      %parallel_loop3A_1801 = tpu.dynamic_gather %parallel_loop3A_1750[%parallel_loop3A_1800] in [0] : vector<16xf32>, vector<16xi32> -> vector<16xf32>
      %parallel_loop3A_1802 = arith.constant 0 : i32
      %parallel_loop3A_1803 = arith.index_cast %parallel_loop3A_1802 : i32 to index
      %parallel_loop3A_1804 = arith.index_cast %parallel_loop3A_1746 : i32 to index
      %parallel_loop3A_1805 = arith.constant 96 : index
      %parallel_loop3A_1806 = tpu.vector_load %arg7[%parallel_loop3A_1803, %parallel_loop3A_1804, %parallel_loop3A_1805] {strides = array<i32>} : memref<2x448x128xf32, #tpu.memory_space<vmem>>, vector<16xf32>,
      tpu.vector_store %arg7[%parallel_loop3A_1803, %parallel_loop3A_1804, %parallel_loop3A_1805], %parallel_loop3A_1801 {strides = array<i32>} : memref<2x448x128xf32, #tpu.memory_space<vmem>>, vector<16xf32>,
      %parallel_loop3A_1807 = vector.shape_cast %gather3A_421 : vector<16xi32> to vector<16x1xi32>
      %parallel_loop3A_1808 = vector.shape_cast %parallel_loop3A_1807 : vector<16x1xi32> to vector<16xi32>
      %parallel_loop3A_1809 = tpu.dynamic_gather %parallel_loop3A_1750[%parallel_loop3A_1808] in [0] : vector<16xf32>, vector<16xi32> -> vector<16xf32>
      %parallel_loop3A_1810 = arith.constant 0 : i32
      %parallel_loop3A_1811 = arith.index_cast %parallel_loop3A_1810 : i32 to index
      %parallel_loop3A_1812 = arith.index_cast %parallel_loop3A_1746 : i32 to index
      %parallel_loop3A_1813 = arith.constant 112 : index
      %parallel_loop3A_1814 = tpu.vector_load %arg7[%parallel_loop3A_1811, %parallel_loop3A_1812, %parallel_loop3A_1813] {strides = array<i32>} : memref<2x448x128xf32, #tpu.memory_space<vmem>>, vector<16xf32>,
      tpu.vector_store %arg7[%parallel_loop3A_1811, %parallel_loop3A_1812, %parallel_loop3A_1813], %parallel_loop3A_1809 {strides = array<i32>} : memref<2x448x128xf32, #tpu.memory_space<vmem>>, vector<16xf32>,
    } {sc.loop_unroll_factor = 1 : i64, sc.parallel_access}
    %dma_start3A_425 = arith.constant 0 : i32
    %dma_start3A_426 = arith.constant 6 : i32
    %dma_start3A_427 = arith.constant 0 : i32
    %dma_start3A_428 = arith.constant 0 : i32
    %dma_start3A_429 = tpu.memref_slice %arg7[%dma_start3A_425, %dma_start3A_427, %dma_start3A_428] : memref<2x448x128xf32, #tpu.memory_space<vmem>> -> memref<1x448x128xf32, #tpu.memory_space<vmem>>
    %dma_start3A_430 = tpu.memref_squeeze %dma_start3A_429 : memref<1x448x128xf32, #tpu.memory_space<vmem>> -> memref<448x128xf32, #tpu.memory_space<vmem>>
    %dma_start3A_431 = arith.constant 0 : i32
    %dma_start3A_432 = tpu.memref_slice %arg4[%dma_start3A_426, %dma_start3A_431, %mul3A_2] : memref<26x448x4096xf32, #tpu.memory_space<hbm>> -> memref<1x448x128xf32, #tpu.memory_space<hbm>>
    %dma_start3A_433 = tpu.memref_squeeze %dma_start3A_432 : memref<1x448x128xf32, #tpu.memory_space<hbm>> -> memref<448x128xf32, #tpu.memory_space<hbm>>
    %dma_start3A_434 = arith.constant 0 : i32
    %dma_start3A_435 = tpu.memref_slice %arg4[%dma_start3A_426, %dma_start3A_434, %mul3A_2] : memref<26x448x4096xf32, #tpu.memory_space<hbm>> -> memref<1x448x128xf32, #tpu.memory_space<hbm>>
    %dma_start3A_436 = tpu.memref_squeeze %dma_start3A_435 : memref<1x448x128xf32, #tpu.memory_space<hbm>> -> memref<448x128xf32, #tpu.memory_space<hbm>>
    %dma_start3A_437 = arith.constant 0 : i32
    %dma_start3A_438 = arith.constant 0 : i32
    %dma_start3A_439 = tpu.memref_slice %arg7[%dma_start3A_425, %dma_start3A_437, %dma_start3A_438] : memref<2x448x128xf32, #tpu.memory_space<vmem>> -> memref<1x448x128xf32, #tpu.memory_space<vmem>>
    %dma_start3A_440 = tpu.memref_squeeze %dma_start3A_439 : memref<1x448x128xf32, #tpu.memory_space<vmem>> -> memref<448x128xf32, #tpu.memory_space<vmem>>
    tpu.enqueue_dma source(%dma_start3A_440 : memref<448x128xf32, #tpu.memory_space<vmem>>) target(%dma_start3A_436 : memref<448x128xf32, #tpu.memory_space<hbm>>) target_semaphore(%arg8 : memref<!tpu.dma_semaphore, #tpu.memory_space<semaphore_mem>>)
    %dma_wait3A_441 = arith.constant 1 : i32
    %dma_wait3A_442 = arith.constant 5 : i32
    %dma_wait3A_443 = arith.constant 0 : i32
    %dma_wait3A_444 = arith.constant 0 : i32
    %dma_wait3A_445 = tpu.memref_slice %arg7[%dma_wait3A_441, %dma_wait3A_443, %dma_wait3A_444] : memref<2x448x128xf32, #tpu.memory_space<vmem>> -> memref<1x448x128xf32, #tpu.memory_space<vmem>>
    %dma_wait3A_446 = tpu.memref_squeeze %dma_wait3A_445 : memref<1x448x128xf32, #tpu.memory_space<vmem>> -> memref<448x128xf32, #tpu.memory_space<vmem>>
    %dma_wait3A_447 = arith.constant 0 : i32
    %dma_wait3A_448 = tpu.memref_slice %arg4[%dma_wait3A_442, %dma_wait3A_447, %mul3A_2] : memref<26x448x4096xf32, #tpu.memory_space<hbm>> -> memref<1x448x128xf32, #tpu.memory_space<hbm>>
    %dma_wait3A_449 = tpu.memref_squeeze %dma_wait3A_448 : memref<1x448x128xf32, #tpu.memory_space<hbm>> -> memref<448x128xf32, #tpu.memory_space<hbm>>
    %dma_wait3A_450 = arith.constant 0 : i32
    %dma_wait3A_451 = tpu.memref_slice %arg4[%dma_wait3A_442, %dma_wait3A_450, %mul3A_2] : memref<26x448x4096xf32, #tpu.memory_space<hbm>> -> memref<1x448x128xf32, #tpu.memory_space<hbm>>
    %dma_wait3A_452 = tpu.memref_squeeze %dma_wait3A_451 : memref<1x448x128xf32, #tpu.memory_space<hbm>> -> memref<448x128xf32, #tpu.memory_space<hbm>>
    %dma_wait3A_453 = arith.constant 0 : i32
    %dma_wait3A_454 = arith.constant 0 : i32
    %dma_wait3A_455 = tpu.memref_slice %arg7[%dma_wait3A_441, %dma_wait3A_453, %dma_wait3A_454] : memref<2x448x128xf32, #tpu.memory_space<vmem>> -> memref<1x448x128xf32, #tpu.memory_space<vmem>>
    %dma_wait3A_456 = tpu.memref_squeeze %dma_wait3A_455 : memref<1x448x128xf32, #tpu.memory_space<vmem>> -> memref<448x128xf32, #tpu.memory_space<vmem>>
    tpu.wait_dma2 semaphore(%arg9 : memref<!tpu.dma_semaphore, #tpu.memory_space<semaphore_mem>>) src(%dma_wait3A_456 : memref<448x128xf32, #tpu.memory_space<vmem>>) dst(%dma_wait3A_452 : memref<448x128xf32, #tpu.memory_space<hbm>>)
    %add3A_457 = arith.constant 7 : i32
    %add3A_458 = vector.broadcast %add3A_457 : i32 to vector<16xi32>
    %add3A_459 = arith.addi %mul3A_7, %add3A_458 : vector<16xi32>
    %gather3A_460 = tpu.vector_load_idx %arg5[%add3A_459] : memref<3328xi32, #tpu.memory_space<vmem>>[vector<16xi32>], vector<16xi32>,
    %add3A_461 = arith.constant 423 : i32
    %add3A_462 = vector.broadcast %add3A_461 : i32 to vector<16xi32>
    %add3A_463 = arith.addi %mul3A_7, %add3A_462 : vector<16xi32>
    %gather3A_464 = tpu.vector_load_idx %arg5[%add3A_463] : memref<3328xi32, #tpu.memory_space<vmem>>[vector<16xi32>], vector<16xi32>,
    %add3A_465 = arith.constant 839 : i32
    %add3A_466 = vector.broadcast %add3A_465 : i32 to vector<16xi32>
    %add3A_467 = arith.addi %mul3A_7, %add3A_466 : vector<16xi32>
    %gather3A_468 = tpu.vector_load_idx %arg5[%add3A_467] : memref<3328xi32, #tpu.memory_space<vmem>>[vector<16xi32>], vector<16xi32>,
    %add3A_469 = arith.constant 1255 : i32
    %add3A_470 = vector.broadcast %add3A_469 : i32 to vector<16xi32>
    %add3A_471 = arith.addi %mul3A_7, %add3A_470 : vector<16xi32>
    %gather3A_472 = tpu.vector_load_idx %arg5[%add3A_471] : memref<3328xi32, #tpu.memory_space<vmem>>[vector<16xi32>], vector<16xi32>,
    %add3A_473 = arith.constant 1671 : i32
    %add3A_474 = vector.broadcast %add3A_473 : i32 to vector<16xi32>
    %add3A_475 = arith.addi %mul3A_7, %add3A_474 : vector<16xi32>
    %gather3A_476 = tpu.vector_load_idx %arg5[%add3A_475] : memref<3328xi32, #tpu.memory_space<vmem>>[vector<16xi32>], vector<16xi32>,
    %add3A_477 = arith.constant 2087 : i32
    %add3A_478 = vector.broadcast %add3A_477 : i32 to vector<16xi32>
    %add3A_479 = arith.addi %mul3A_7, %add3A_478 : vector<16xi32>
    %gather3A_480 = tpu.vector_load_idx %arg5[%add3A_479] : memref<3328xi32, #tpu.memory_space<vmem>>[vector<16xi32>], vector<16xi32>,
    %add3A_481 = arith.constant 2503 : i32
    %add3A_482 = vector.broadcast %add3A_481 : i32 to vector<16xi32>
    %add3A_483 = arith.addi %mul3A_7, %add3A_482 : vector<16xi32>
    %gather3A_484 = tpu.vector_load_idx %arg5[%add3A_483] : memref<3328xi32, #tpu.memory_space<vmem>>[vector<16xi32>], vector<16xi32>,
    %add3A_485 = arith.constant 2919 : i32
    %add3A_486 = vector.broadcast %add3A_485 : i32 to vector<16xi32>
    %add3A_487 = arith.addi %mul3A_7, %add3A_486 : vector<16xi32>
    %gather3A_488 = tpu.vector_load_idx %arg5[%add3A_487] : memref<3328xi32, #tpu.memory_space<vmem>>[vector<16xi32>], vector<16xi32>,
    %parallel_loop3A_489 = arith.constant 0 : i32
    %parallel_loop3A_490 = arith.constant 448 : i32
    %parallel_loop3A_491 = arith.constant 1 : i32
    scf.for %parallel_loop3A_1746 = %parallel_loop3A_489 to %parallel_loop3A_490 step %parallel_loop3A_491  : i32 {
      %parallel_loop3A_1747 = arith.constant 16 : i32
      %parallel_loop3A_1748 = arith.muli %parallel_loop3A_1746, %parallel_loop3A_1747 : i32
      %parallel_loop3A_1749 = arith.index_cast %parallel_loop3A_1748 : i32 to index
      %parallel_loop3A_1750 = tpu.vector_load %arg6[%parallel_loop3A_1749] {strides = array<i32>} : memref<7168xf32, #tpu.memory_space<vmem>>, vector<16xf32>,
      %parallel_loop3A_1751 = vector.shape_cast %gather3A_460 : vector<16xi32> to vector<16x1xi32>
      %parallel_loop3A_1752 = vector.shape_cast %parallel_loop3A_1751 : vector<16x1xi32> to vector<16xi32>
      %parallel_loop3A_1753 = tpu.dynamic_gather %parallel_loop3A_1750[%parallel_loop3A_1752] in [0] : vector<16xf32>, vector<16xi32> -> vector<16xf32>
      %parallel_loop3A_1754 = arith.constant 1 : i32
      %parallel_loop3A_1755 = arith.index_cast %parallel_loop3A_1754 : i32 to index
      %parallel_loop3A_1756 = arith.index_cast %parallel_loop3A_1746 : i32 to index
      %parallel_loop3A_1757 = arith.constant 0 : index
      %parallel_loop3A_1758 = tpu.vector_load %arg7[%parallel_loop3A_1755, %parallel_loop3A_1756, %parallel_loop3A_1757] {strides = array<i32>} : memref<2x448x128xf32, #tpu.memory_space<vmem>>, vector<16xf32>,
      tpu.vector_store %arg7[%parallel_loop3A_1755, %parallel_loop3A_1756, %parallel_loop3A_1757], %parallel_loop3A_1753 {strides = array<i32>} : memref<2x448x128xf32, #tpu.memory_space<vmem>>, vector<16xf32>,
      %parallel_loop3A_1759 = vector.shape_cast %gather3A_464 : vector<16xi32> to vector<16x1xi32>
      %parallel_loop3A_1760 = vector.shape_cast %parallel_loop3A_1759 : vector<16x1xi32> to vector<16xi32>
      %parallel_loop3A_1761 = tpu.dynamic_gather %parallel_loop3A_1750[%parallel_loop3A_1760] in [0] : vector<16xf32>, vector<16xi32> -> vector<16xf32>
      %parallel_loop3A_1762 = arith.constant 1 : i32
      %parallel_loop3A_1763 = arith.index_cast %parallel_loop3A_1762 : i32 to index
      %parallel_loop3A_1764 = arith.index_cast %parallel_loop3A_1746 : i32 to index
      %parallel_loop3A_1765 = arith.constant 16 : index
      %parallel_loop3A_1766 = tpu.vector_load %arg7[%parallel_loop3A_1763, %parallel_loop3A_1764, %parallel_loop3A_1765] {strides = array<i32>} : memref<2x448x128xf32, #tpu.memory_space<vmem>>, vector<16xf32>,
      tpu.vector_store %arg7[%parallel_loop3A_1763, %parallel_loop3A_1764, %parallel_loop3A_1765], %parallel_loop3A_1761 {strides = array<i32>} : memref<2x448x128xf32, #tpu.memory_space<vmem>>, vector<16xf32>,
      %parallel_loop3A_1767 = vector.shape_cast %gather3A_468 : vector<16xi32> to vector<16x1xi32>
      %parallel_loop3A_1768 = vector.shape_cast %parallel_loop3A_1767 : vector<16x1xi32> to vector<16xi32>
      %parallel_loop3A_1769 = tpu.dynamic_gather %parallel_loop3A_1750[%parallel_loop3A_1768] in [0] : vector<16xf32>, vector<16xi32> -> vector<16xf32>
      %parallel_loop3A_1770 = arith.constant 1 : i32
      %parallel_loop3A_1771 = arith.index_cast %parallel_loop3A_1770 : i32 to index
      %parallel_loop3A_1772 = arith.index_cast %parallel_loop3A_1746 : i32 to index
      %parallel_loop3A_1773 = arith.constant 32 : index
      %parallel_loop3A_1774 = tpu.vector_load %arg7[%parallel_loop3A_1771, %parallel_loop3A_1772, %parallel_loop3A_1773] {strides = array<i32>} : memref<2x448x128xf32, #tpu.memory_space<vmem>>, vector<16xf32>,
      tpu.vector_store %arg7[%parallel_loop3A_1771, %parallel_loop3A_1772, %parallel_loop3A_1773], %parallel_loop3A_1769 {strides = array<i32>} : memref<2x448x128xf32, #tpu.memory_space<vmem>>, vector<16xf32>,
      %parallel_loop3A_1775 = vector.shape_cast %gather3A_472 : vector<16xi32> to vector<16x1xi32>
      %parallel_loop3A_1776 = vector.shape_cast %parallel_loop3A_1775 : vector<16x1xi32> to vector<16xi32>
      %parallel_loop3A_1777 = tpu.dynamic_gather %parallel_loop3A_1750[%parallel_loop3A_1776] in [0] : vector<16xf32>, vector<16xi32> -> vector<16xf32>
      %parallel_loop3A_1778 = arith.constant 1 : i32
      %parallel_loop3A_1779 = arith.index_cast %parallel_loop3A_1778 : i32 to index
      %parallel_loop3A_1780 = arith.index_cast %parallel_loop3A_1746 : i32 to index
      %parallel_loop3A_1781 = arith.constant 48 : index
      %parallel_loop3A_1782 = tpu.vector_load %arg7[%parallel_loop3A_1779, %parallel_loop3A_1780, %parallel_loop3A_1781] {strides = array<i32>} : memref<2x448x128xf32, #tpu.memory_space<vmem>>, vector<16xf32>,
      tpu.vector_store %arg7[%parallel_loop3A_1779, %parallel_loop3A_1780, %parallel_loop3A_1781], %parallel_loop3A_1777 {strides = array<i32>} : memref<2x448x128xf32, #tpu.memory_space<vmem>>, vector<16xf32>,
      %parallel_loop3A_1783 = vector.shape_cast %gather3A_476 : vector<16xi32> to vector<16x1xi32>
      %parallel_loop3A_1784 = vector.shape_cast %parallel_loop3A_1783 : vector<16x1xi32> to vector<16xi32>
      %parallel_loop3A_1785 = tpu.dynamic_gather %parallel_loop3A_1750[%parallel_loop3A_1784] in [0] : vector<16xf32>, vector<16xi32> -> vector<16xf32>
      %parallel_loop3A_1786 = arith.constant 1 : i32
      %parallel_loop3A_1787 = arith.index_cast %parallel_loop3A_1786 : i32 to index
      %parallel_loop3A_1788 = arith.index_cast %parallel_loop3A_1746 : i32 to index
      %parallel_loop3A_1789 = arith.constant 64 : index
      %parallel_loop3A_1790 = tpu.vector_load %arg7[%parallel_loop3A_1787, %parallel_loop3A_1788, %parallel_loop3A_1789] {strides = array<i32>} : memref<2x448x128xf32, #tpu.memory_space<vmem>>, vector<16xf32>,
      tpu.vector_store %arg7[%parallel_loop3A_1787, %parallel_loop3A_1788, %parallel_loop3A_1789], %parallel_loop3A_1785 {strides = array<i32>} : memref<2x448x128xf32, #tpu.memory_space<vmem>>, vector<16xf32>,
      %parallel_loop3A_1791 = vector.shape_cast %gather3A_480 : vector<16xi32> to vector<16x1xi32>
      %parallel_loop3A_1792 = vector.shape_cast %parallel_loop3A_1791 : vector<16x1xi32> to vector<16xi32>
      %parallel_loop3A_1793 = tpu.dynamic_gather %parallel_loop3A_1750[%parallel_loop3A_1792] in [0] : vector<16xf32>, vector<16xi32> -> vector<16xf32>
      %parallel_loop3A_1794 = arith.constant 1 : i32
      %parallel_loop3A_1795 = arith.index_cast %parallel_loop3A_1794 : i32 to index
      %parallel_loop3A_1796 = arith.index_cast %parallel_loop3A_1746 : i32 to index
      %parallel_loop3A_1797 = arith.constant 80 : index
      %parallel_loop3A_1798 = tpu.vector_load %arg7[%parallel_loop3A_1795, %parallel_loop3A_1796, %parallel_loop3A_1797] {strides = array<i32>} : memref<2x448x128xf32, #tpu.memory_space<vmem>>, vector<16xf32>,
      tpu.vector_store %arg7[%parallel_loop3A_1795, %parallel_loop3A_1796, %parallel_loop3A_1797], %parallel_loop3A_1793 {strides = array<i32>} : memref<2x448x128xf32, #tpu.memory_space<vmem>>, vector<16xf32>,
      %parallel_loop3A_1799 = vector.shape_cast %gather3A_484 : vector<16xi32> to vector<16x1xi32>
      %parallel_loop3A_1800 = vector.shape_cast %parallel_loop3A_1799 : vector<16x1xi32> to vector<16xi32>
      %parallel_loop3A_1801 = tpu.dynamic_gather %parallel_loop3A_1750[%parallel_loop3A_1800] in [0] : vector<16xf32>, vector<16xi32> -> vector<16xf32>
      %parallel_loop3A_1802 = arith.constant 1 : i32
      %parallel_loop3A_1803 = arith.index_cast %parallel_loop3A_1802 : i32 to index
      %parallel_loop3A_1804 = arith.index_cast %parallel_loop3A_1746 : i32 to index
      %parallel_loop3A_1805 = arith.constant 96 : index
      %parallel_loop3A_1806 = tpu.vector_load %arg7[%parallel_loop3A_1803, %parallel_loop3A_1804, %parallel_loop3A_1805] {strides = array<i32>} : memref<2x448x128xf32, #tpu.memory_space<vmem>>, vector<16xf32>,
      tpu.vector_store %arg7[%parallel_loop3A_1803, %parallel_loop3A_1804, %parallel_loop3A_1805], %parallel_loop3A_1801 {strides = array<i32>} : memref<2x448x128xf32, #tpu.memory_space<vmem>>, vector<16xf32>,
      %parallel_loop3A_1807 = vector.shape_cast %gather3A_488 : vector<16xi32> to vector<16x1xi32>
      %parallel_loop3A_1808 = vector.shape_cast %parallel_loop3A_1807 : vector<16x1xi32> to vector<16xi32>
      %parallel_loop3A_1809 = tpu.dynamic_gather %parallel_loop3A_1750[%parallel_loop3A_1808] in [0] : vector<16xf32>, vector<16xi32> -> vector<16xf32>
      %parallel_loop3A_1810 = arith.constant 1 : i32
      %parallel_loop3A_1811 = arith.index_cast %parallel_loop3A_1810 : i32 to index
      %parallel_loop3A_1812 = arith.index_cast %parallel_loop3A_1746 : i32 to index
      %parallel_loop3A_1813 = arith.constant 112 : index
      %parallel_loop3A_1814 = tpu.vector_load %arg7[%parallel_loop3A_1811, %parallel_loop3A_1812, %parallel_loop3A_1813] {strides = array<i32>} : memref<2x448x128xf32, #tpu.memory_space<vmem>>, vector<16xf32>,
      tpu.vector_store %arg7[%parallel_loop3A_1811, %parallel_loop3A_1812, %parallel_loop3A_1813], %parallel_loop3A_1809 {strides = array<i32>} : memref<2x448x128xf32, #tpu.memory_space<vmem>>, vector<16xf32>,
    } {sc.loop_unroll_factor = 1 : i64, sc.parallel_access}
    %dma_start3A_492 = arith.constant 1 : i32
    %dma_start3A_493 = arith.constant 7 : i32
    %dma_start3A_494 = arith.constant 0 : i32
    %dma_start3A_495 = arith.constant 0 : i32
    %dma_start3A_496 = tpu.memref_slice %arg7[%dma_start3A_492, %dma_start3A_494, %dma_start3A_495] : memref<2x448x128xf32, #tpu.memory_space<vmem>> -> memref<1x448x128xf32, #tpu.memory_space<vmem>>
    %dma_start3A_497 = tpu.memref_squeeze %dma_start3A_496 : memref<1x448x128xf32, #tpu.memory_space<vmem>> -> memref<448x128xf32, #tpu.memory_space<vmem>>
    %dma_start3A_498 = arith.constant 0 : i32
    %dma_start3A_499 = tpu.memref_slice %arg4[%dma_start3A_493, %dma_start3A_498, %mul3A_2] : memref<26x448x4096xf32, #tpu.memory_space<hbm>> -> memref<1x448x128xf32, #tpu.memory_space<hbm>>
    %dma_start3A_500 = tpu.memref_squeeze %dma_start3A_499 : memref<1x448x128xf32, #tpu.memory_space<hbm>> -> memref<448x128xf32, #tpu.memory_space<hbm>>
    %dma_start3A_501 = arith.constant 0 : i32
    %dma_start3A_502 = tpu.memref_slice %arg4[%dma_start3A_493, %dma_start3A_501, %mul3A_2] : memref<26x448x4096xf32, #tpu.memory_space<hbm>> -> memref<1x448x128xf32, #tpu.memory_space<hbm>>
    %dma_start3A_503 = tpu.memref_squeeze %dma_start3A_502 : memref<1x448x128xf32, #tpu.memory_space<hbm>> -> memref<448x128xf32, #tpu.memory_space<hbm>>
    %dma_start3A_504 = arith.constant 0 : i32
    %dma_start3A_505 = arith.constant 0 : i32
    %dma_start3A_506 = tpu.memref_slice %arg7[%dma_start3A_492, %dma_start3A_504, %dma_start3A_505] : memref<2x448x128xf32, #tpu.memory_space<vmem>> -> memref<1x448x128xf32, #tpu.memory_space<vmem>>
    %dma_start3A_507 = tpu.memref_squeeze %dma_start3A_506 : memref<1x448x128xf32, #tpu.memory_space<vmem>> -> memref<448x128xf32, #tpu.memory_space<vmem>>
    tpu.enqueue_dma source(%dma_start3A_507 : memref<448x128xf32, #tpu.memory_space<vmem>>) target(%dma_start3A_503 : memref<448x128xf32, #tpu.memory_space<hbm>>) target_semaphore(%arg9 : memref<!tpu.dma_semaphore, #tpu.memory_space<semaphore_mem>>)
    %dma_wait3A_508 = arith.constant 0 : i32
    %dma_wait3A_509 = arith.constant 6 : i32
    %dma_wait3A_510 = arith.constant 0 : i32
    %dma_wait3A_511 = arith.constant 0 : i32
    %dma_wait3A_512 = tpu.memref_slice %arg7[%dma_wait3A_508, %dma_wait3A_510, %dma_wait3A_511] : memref<2x448x128xf32, #tpu.memory_space<vmem>> -> memref<1x448x128xf32, #tpu.memory_space<vmem>>
    %dma_wait3A_513 = tpu.memref_squeeze %dma_wait3A_512 : memref<1x448x128xf32, #tpu.memory_space<vmem>> -> memref<448x128xf32, #tpu.memory_space<vmem>>
    %dma_wait3A_514 = arith.constant 0 : i32
    %dma_wait3A_515 = tpu.memref_slice %arg4[%dma_wait3A_509, %dma_wait3A_514, %mul3A_2] : memref<26x448x4096xf32, #tpu.memory_space<hbm>> -> memref<1x448x128xf32, #tpu.memory_space<hbm>>
    %dma_wait3A_516 = tpu.memref_squeeze %dma_wait3A_515 : memref<1x448x128xf32, #tpu.memory_space<hbm>> -> memref<448x128xf32, #tpu.memory_space<hbm>>
    %dma_wait3A_517 = arith.constant 0 : i32
    %dma_wait3A_518 = tpu.memref_slice %arg4[%dma_wait3A_509, %dma_wait3A_517, %mul3A_2] : memref<26x448x4096xf32, #tpu.memory_space<hbm>> -> memref<1x448x128xf32, #tpu.memory_space<hbm>>
    %dma_wait3A_519 = tpu.memref_squeeze %dma_wait3A_518 : memref<1x448x128xf32, #tpu.memory_space<hbm>> -> memref<448x128xf32, #tpu.memory_space<hbm>>
    %dma_wait3A_520 = arith.constant 0 : i32
    %dma_wait3A_521 = arith.constant 0 : i32
    %dma_wait3A_522 = tpu.memref_slice %arg7[%dma_wait3A_508, %dma_wait3A_520, %dma_wait3A_521] : memref<2x448x128xf32, #tpu.memory_space<vmem>> -> memref<1x448x128xf32, #tpu.memory_space<vmem>>
    %dma_wait3A_523 = tpu.memref_squeeze %dma_wait3A_522 : memref<1x448x128xf32, #tpu.memory_space<vmem>> -> memref<448x128xf32, #tpu.memory_space<vmem>>
    tpu.wait_dma2 semaphore(%arg8 : memref<!tpu.dma_semaphore, #tpu.memory_space<semaphore_mem>>) src(%dma_wait3A_523 : memref<448x128xf32, #tpu.memory_space<vmem>>) dst(%dma_wait3A_519 : memref<448x128xf32, #tpu.memory_space<hbm>>)
    %add3A_524 = arith.constant 8 : i32
    %add3A_525 = vector.broadcast %add3A_524 : i32 to vector<16xi32>
    %add3A_526 = arith.addi %mul3A_7, %add3A_525 : vector<16xi32>
    %gather3A_527 = tpu.vector_load_idx %arg5[%add3A_526] : memref<3328xi32, #tpu.memory_space<vmem>>[vector<16xi32>], vector<16xi32>,
    %add3A_528 = arith.constant 424 : i32
    %add3A_529 = vector.broadcast %add3A_528 : i32 to vector<16xi32>
    %add3A_530 = arith.addi %mul3A_7, %add3A_529 : vector<16xi32>
    %gather3A_531 = tpu.vector_load_idx %arg5[%add3A_530] : memref<3328xi32, #tpu.memory_space<vmem>>[vector<16xi32>], vector<16xi32>,
    %add3A_532 = arith.constant 840 : i32
    %add3A_533 = vector.broadcast %add3A_532 : i32 to vector<16xi32>
    %add3A_534 = arith.addi %mul3A_7, %add3A_533 : vector<16xi32>
    %gather3A_535 = tpu.vector_load_idx %arg5[%add3A_534] : memref<3328xi32, #tpu.memory_space<vmem>>[vector<16xi32>], vector<16xi32>,
    %add3A_536 = arith.constant 1256 : i32
    %add3A_537 = vector.broadcast %add3A_536 : i32 to vector<16xi32>
    %add3A_538 = arith.addi %mul3A_7, %add3A_537 : vector<16xi32>
    %gather3A_539 = tpu.vector_load_idx %arg5[%add3A_538] : memref<3328xi32, #tpu.memory_space<vmem>>[vector<16xi32>], vector<16xi32>,
    %add3A_540 = arith.constant 1672 : i32
    %add3A_541 = vector.broadcast %add3A_540 : i32 to vector<16xi32>
    %add3A_542 = arith.addi %mul3A_7, %add3A_541 : vector<16xi32>
    %gather3A_543 = tpu.vector_load_idx %arg5[%add3A_542] : memref<3328xi32, #tpu.memory_space<vmem>>[vector<16xi32>], vector<16xi32>,
    %add3A_544 = arith.constant 2088 : i32
    %add3A_545 = vector.broadcast %add3A_544 : i32 to vector<16xi32>
    %add3A_546 = arith.addi %mul3A_7, %add3A_545 : vector<16xi32>
    %gather3A_547 = tpu.vector_load_idx %arg5[%add3A_546] : memref<3328xi32, #tpu.memory_space<vmem>>[vector<16xi32>], vector<16xi32>,
    %add3A_548 = arith.constant 2504 : i32
    %add3A_549 = vector.broadcast %add3A_548 : i32 to vector<16xi32>
    %add3A_550 = arith.addi %mul3A_7, %add3A_549 : vector<16xi32>
    %gather3A_551 = tpu.vector_load_idx %arg5[%add3A_550] : memref<3328xi32, #tpu.memory_space<vmem>>[vector<16xi32>], vector<16xi32>,
    %add3A_552 = arith.constant 2920 : i32
    %add3A_553 = vector.broadcast %add3A_552 : i32 to vector<16xi32>
    %add3A_554 = arith.addi %mul3A_7, %add3A_553 : vector<16xi32>
    %gather3A_555 = tpu.vector_load_idx %arg5[%add3A_554] : memref<3328xi32, #tpu.memory_space<vmem>>[vector<16xi32>], vector<16xi32>,
    %parallel_loop3A_556 = arith.constant 0 : i32
    %parallel_loop3A_557 = arith.constant 448 : i32
    %parallel_loop3A_558 = arith.constant 1 : i32
    scf.for %parallel_loop3A_1746 = %parallel_loop3A_556 to %parallel_loop3A_557 step %parallel_loop3A_558  : i32 {
      %parallel_loop3A_1747 = arith.constant 16 : i32
      %parallel_loop3A_1748 = arith.muli %parallel_loop3A_1746, %parallel_loop3A_1747 : i32
      %parallel_loop3A_1749 = arith.index_cast %parallel_loop3A_1748 : i32 to index
      %parallel_loop3A_1750 = tpu.vector_load %arg6[%parallel_loop3A_1749] {strides = array<i32>} : memref<7168xf32, #tpu.memory_space<vmem>>, vector<16xf32>,
      %parallel_loop3A_1751 = vector.shape_cast %gather3A_527 : vector<16xi32> to vector<16x1xi32>
      %parallel_loop3A_1752 = vector.shape_cast %parallel_loop3A_1751 : vector<16x1xi32> to vector<16xi32>
      %parallel_loop3A_1753 = tpu.dynamic_gather %parallel_loop3A_1750[%parallel_loop3A_1752] in [0] : vector<16xf32>, vector<16xi32> -> vector<16xf32>
      %parallel_loop3A_1754 = arith.constant 0 : i32
      %parallel_loop3A_1755 = arith.index_cast %parallel_loop3A_1754 : i32 to index
      %parallel_loop3A_1756 = arith.index_cast %parallel_loop3A_1746 : i32 to index
      %parallel_loop3A_1757 = arith.constant 0 : index
      %parallel_loop3A_1758 = tpu.vector_load %arg7[%parallel_loop3A_1755, %parallel_loop3A_1756, %parallel_loop3A_1757] {strides = array<i32>} : memref<2x448x128xf32, #tpu.memory_space<vmem>>, vector<16xf32>,
      tpu.vector_store %arg7[%parallel_loop3A_1755, %parallel_loop3A_1756, %parallel_loop3A_1757], %parallel_loop3A_1753 {strides = array<i32>} : memref<2x448x128xf32, #tpu.memory_space<vmem>>, vector<16xf32>,
      %parallel_loop3A_1759 = vector.shape_cast %gather3A_531 : vector<16xi32> to vector<16x1xi32>
      %parallel_loop3A_1760 = vector.shape_cast %parallel_loop3A_1759 : vector<16x1xi32> to vector<16xi32>
      %parallel_loop3A_1761 = tpu.dynamic_gather %parallel_loop3A_1750[%parallel_loop3A_1760] in [0] : vector<16xf32>, vector<16xi32> -> vector<16xf32>
      %parallel_loop3A_1762 = arith.constant 0 : i32
      %parallel_loop3A_1763 = arith.index_cast %parallel_loop3A_1762 : i32 to index
      %parallel_loop3A_1764 = arith.index_cast %parallel_loop3A_1746 : i32 to index
      %parallel_loop3A_1765 = arith.constant 16 : index
      %parallel_loop3A_1766 = tpu.vector_load %arg7[%parallel_loop3A_1763, %parallel_loop3A_1764, %parallel_loop3A_1765] {strides = array<i32>} : memref<2x448x128xf32, #tpu.memory_space<vmem>>, vector<16xf32>,
      tpu.vector_store %arg7[%parallel_loop3A_1763, %parallel_loop3A_1764, %parallel_loop3A_1765], %parallel_loop3A_1761 {strides = array<i32>} : memref<2x448x128xf32, #tpu.memory_space<vmem>>, vector<16xf32>,
      %parallel_loop3A_1767 = vector.shape_cast %gather3A_535 : vector<16xi32> to vector<16x1xi32>
      %parallel_loop3A_1768 = vector.shape_cast %parallel_loop3A_1767 : vector<16x1xi32> to vector<16xi32>
      %parallel_loop3A_1769 = tpu.dynamic_gather %parallel_loop3A_1750[%parallel_loop3A_1768] in [0] : vector<16xf32>, vector<16xi32> -> vector<16xf32>
      %parallel_loop3A_1770 = arith.constant 0 : i32
      %parallel_loop3A_1771 = arith.index_cast %parallel_loop3A_1770 : i32 to index
      %parallel_loop3A_1772 = arith.index_cast %parallel_loop3A_1746 : i32 to index
      %parallel_loop3A_1773 = arith.constant 32 : index
      %parallel_loop3A_1774 = tpu.vector_load %arg7[%parallel_loop3A_1771, %parallel_loop3A_1772, %parallel_loop3A_1773] {strides = array<i32>} : memref<2x448x128xf32, #tpu.memory_space<vmem>>, vector<16xf32>,
      tpu.vector_store %arg7[%parallel_loop3A_1771, %parallel_loop3A_1772, %parallel_loop3A_1773], %parallel_loop3A_1769 {strides = array<i32>} : memref<2x448x128xf32, #tpu.memory_space<vmem>>, vector<16xf32>,
      %parallel_loop3A_1775 = vector.shape_cast %gather3A_539 : vector<16xi32> to vector<16x1xi32>
      %parallel_loop3A_1776 = vector.shape_cast %parallel_loop3A_1775 : vector<16x1xi32> to vector<16xi32>
      %parallel_loop3A_1777 = tpu.dynamic_gather %parallel_loop3A_1750[%parallel_loop3A_1776] in [0] : vector<16xf32>, vector<16xi32> -> vector<16xf32>
      %parallel_loop3A_1778 = arith.constant 0 : i32
      %parallel_loop3A_1779 = arith.index_cast %parallel_loop3A_1778 : i32 to index
      %parallel_loop3A_1780 = arith.index_cast %parallel_loop3A_1746 : i32 to index
      %parallel_loop3A_1781 = arith.constant 48 : index
      %parallel_loop3A_1782 = tpu.vector_load %arg7[%parallel_loop3A_1779, %parallel_loop3A_1780, %parallel_loop3A_1781] {strides = array<i32>} : memref<2x448x128xf32, #tpu.memory_space<vmem>>, vector<16xf32>,
      tpu.vector_store %arg7[%parallel_loop3A_1779, %parallel_loop3A_1780, %parallel_loop3A_1781], %parallel_loop3A_1777 {strides = array<i32>} : memref<2x448x128xf32, #tpu.memory_space<vmem>>, vector<16xf32>,
      %parallel_loop3A_1783 = vector.shape_cast %gather3A_543 : vector<16xi32> to vector<16x1xi32>
      %parallel_loop3A_1784 = vector.shape_cast %parallel_loop3A_1783 : vector<16x1xi32> to vector<16xi32>
      %parallel_loop3A_1785 = tpu.dynamic_gather %parallel_loop3A_1750[%parallel_loop3A_1784] in [0] : vector<16xf32>, vector<16xi32> -> vector<16xf32>
      %parallel_loop3A_1786 = arith.constant 0 : i32
      %parallel_loop3A_1787 = arith.index_cast %parallel_loop3A_1786 : i32 to index
      %parallel_loop3A_1788 = arith.index_cast %parallel_loop3A_1746 : i32 to index
      %parallel_loop3A_1789 = arith.constant 64 : index
      %parallel_loop3A_1790 = tpu.vector_load %arg7[%parallel_loop3A_1787, %parallel_loop3A_1788, %parallel_loop3A_1789] {strides = array<i32>} : memref<2x448x128xf32, #tpu.memory_space<vmem>>, vector<16xf32>,
      tpu.vector_store %arg7[%parallel_loop3A_1787, %parallel_loop3A_1788, %parallel_loop3A_1789], %parallel_loop3A_1785 {strides = array<i32>} : memref<2x448x128xf32, #tpu.memory_space<vmem>>, vector<16xf32>,
      %parallel_loop3A_1791 = vector.shape_cast %gather3A_547 : vector<16xi32> to vector<16x1xi32>
      %parallel_loop3A_1792 = vector.shape_cast %parallel_loop3A_1791 : vector<16x1xi32> to vector<16xi32>
      %parallel_loop3A_1793 = tpu.dynamic_gather %parallel_loop3A_1750[%parallel_loop3A_1792] in [0] : vector<16xf32>, vector<16xi32> -> vector<16xf32>
      %parallel_loop3A_1794 = arith.constant 0 : i32
      %parallel_loop3A_1795 = arith.index_cast %parallel_loop3A_1794 : i32 to index
      %parallel_loop3A_1796 = arith.index_cast %parallel_loop3A_1746 : i32 to index
      %parallel_loop3A_1797 = arith.constant 80 : index
      %parallel_loop3A_1798 = tpu.vector_load %arg7[%parallel_loop3A_1795, %parallel_loop3A_1796, %parallel_loop3A_1797] {strides = array<i32>} : memref<2x448x128xf32, #tpu.memory_space<vmem>>, vector<16xf32>,
      tpu.vector_store %arg7[%parallel_loop3A_1795, %parallel_loop3A_1796, %parallel_loop3A_1797], %parallel_loop3A_1793 {strides = array<i32>} : memref<2x448x128xf32, #tpu.memory_space<vmem>>, vector<16xf32>,
      %parallel_loop3A_1799 = vector.shape_cast %gather3A_551 : vector<16xi32> to vector<16x1xi32>
      %parallel_loop3A_1800 = vector.shape_cast %parallel_loop3A_1799 : vector<16x1xi32> to vector<16xi32>
      %parallel_loop3A_1801 = tpu.dynamic_gather %parallel_loop3A_1750[%parallel_loop3A_1800] in [0] : vector<16xf32>, vector<16xi32> -> vector<16xf32>
      %parallel_loop3A_1802 = arith.constant 0 : i32
      %parallel_loop3A_1803 = arith.index_cast %parallel_loop3A_1802 : i32 to index
      %parallel_loop3A_1804 = arith.index_cast %parallel_loop3A_1746 : i32 to index
      %parallel_loop3A_1805 = arith.constant 96 : index
      %parallel_loop3A_1806 = tpu.vector_load %arg7[%parallel_loop3A_1803, %parallel_loop3A_1804, %parallel_loop3A_1805] {strides = array<i32>} : memref<2x448x128xf32, #tpu.memory_space<vmem>>, vector<16xf32>,
      tpu.vector_store %arg7[%parallel_loop3A_1803, %parallel_loop3A_1804, %parallel_loop3A_1805], %parallel_loop3A_1801 {strides = array<i32>} : memref<2x448x128xf32, #tpu.memory_space<vmem>>, vector<16xf32>,
      %parallel_loop3A_1807 = vector.shape_cast %gather3A_555 : vector<16xi32> to vector<16x1xi32>
      %parallel_loop3A_1808 = vector.shape_cast %parallel_loop3A_1807 : vector<16x1xi32> to vector<16xi32>
      %parallel_loop3A_1809 = tpu.dynamic_gather %parallel_loop3A_1750[%parallel_loop3A_1808] in [0] : vector<16xf32>, vector<16xi32> -> vector<16xf32>
      %parallel_loop3A_1810 = arith.constant 0 : i32
      %parallel_loop3A_1811 = arith.index_cast %parallel_loop3A_1810 : i32 to index
      %parallel_loop3A_1812 = arith.index_cast %parallel_loop3A_1746 : i32 to index
      %parallel_loop3A_1813 = arith.constant 112 : index
      %parallel_loop3A_1814 = tpu.vector_load %arg7[%parallel_loop3A_1811, %parallel_loop3A_1812, %parallel_loop3A_1813] {strides = array<i32>} : memref<2x448x128xf32, #tpu.memory_space<vmem>>, vector<16xf32>,
      tpu.vector_store %arg7[%parallel_loop3A_1811, %parallel_loop3A_1812, %parallel_loop3A_1813], %parallel_loop3A_1809 {strides = array<i32>} : memref<2x448x128xf32, #tpu.memory_space<vmem>>, vector<16xf32>,
    } {sc.loop_unroll_factor = 1 : i64, sc.parallel_access}
    %dma_start3A_559 = arith.constant 0 : i32
    %dma_start3A_560 = arith.constant 8 : i32
    %dma_start3A_561 = arith.constant 0 : i32
    %dma_start3A_562 = arith.constant 0 : i32
    %dma_start3A_563 = tpu.memref_slice %arg7[%dma_start3A_559, %dma_start3A_561, %dma_start3A_562] : memref<2x448x128xf32, #tpu.memory_space<vmem>> -> memref<1x448x128xf32, #tpu.memory_space<vmem>>
    %dma_start3A_564 = tpu.memref_squeeze %dma_start3A_563 : memref<1x448x128xf32, #tpu.memory_space<vmem>> -> memref<448x128xf32, #tpu.memory_space<vmem>>
    %dma_start3A_565 = arith.constant 0 : i32
    %dma_start3A_566 = tpu.memref_slice %arg4[%dma_start3A_560, %dma_start3A_565, %mul3A_2] : memref<26x448x4096xf32, #tpu.memory_space<hbm>> -> memref<1x448x128xf32, #tpu.memory_space<hbm>>
    %dma_start3A_567 = tpu.memref_squeeze %dma_start3A_566 : memref<1x448x128xf32, #tpu.memory_space<hbm>> -> memref<448x128xf32, #tpu.memory_space<hbm>>
    %dma_start3A_568 = arith.constant 0 : i32
    %dma_start3A_569 = tpu.memref_slice %arg4[%dma_start3A_560, %dma_start3A_568, %mul3A_2] : memref<26x448x4096xf32, #tpu.memory_space<hbm>> -> memref<1x448x128xf32, #tpu.memory_space<hbm>>
    %dma_start3A_570 = tpu.memref_squeeze %dma_start3A_569 : memref<1x448x128xf32, #tpu.memory_space<hbm>> -> memref<448x128xf32, #tpu.memory_space<hbm>>
    %dma_start3A_571 = arith.constant 0 : i32
    %dma_start3A_572 = arith.constant 0 : i32
    %dma_start3A_573 = tpu.memref_slice %arg7[%dma_start3A_559, %dma_start3A_571, %dma_start3A_572] : memref<2x448x128xf32, #tpu.memory_space<vmem>> -> memref<1x448x128xf32, #tpu.memory_space<vmem>>
    %dma_start3A_574 = tpu.memref_squeeze %dma_start3A_573 : memref<1x448x128xf32, #tpu.memory_space<vmem>> -> memref<448x128xf32, #tpu.memory_space<vmem>>
    tpu.enqueue_dma source(%dma_start3A_574 : memref<448x128xf32, #tpu.memory_space<vmem>>) target(%dma_start3A_570 : memref<448x128xf32, #tpu.memory_space<hbm>>) target_semaphore(%arg8 : memref<!tpu.dma_semaphore, #tpu.memory_space<semaphore_mem>>)
    %dma_wait3A_575 = arith.constant 1 : i32
    %dma_wait3A_576 = arith.constant 7 : i32
    %dma_wait3A_577 = arith.constant 0 : i32
    %dma_wait3A_578 = arith.constant 0 : i32
    %dma_wait3A_579 = tpu.memref_slice %arg7[%dma_wait3A_575, %dma_wait3A_577, %dma_wait3A_578] : memref<2x448x128xf32, #tpu.memory_space<vmem>> -> memref<1x448x128xf32, #tpu.memory_space<vmem>>
    %dma_wait3A_580 = tpu.memref_squeeze %dma_wait3A_579 : memref<1x448x128xf32, #tpu.memory_space<vmem>> -> memref<448x128xf32, #tpu.memory_space<vmem>>
    %dma_wait3A_581 = arith.constant 0 : i32
    %dma_wait3A_582 = tpu.memref_slice %arg4[%dma_wait3A_576, %dma_wait3A_581, %mul3A_2] : memref<26x448x4096xf32, #tpu.memory_space<hbm>> -> memref<1x448x128xf32, #tpu.memory_space<hbm>>
    %dma_wait3A_583 = tpu.memref_squeeze %dma_wait3A_582 : memref<1x448x128xf32, #tpu.memory_space<hbm>> -> memref<448x128xf32, #tpu.memory_space<hbm>>
    %dma_wait3A_584 = arith.constant 0 : i32
    %dma_wait3A_585 = tpu.memref_slice %arg4[%dma_wait3A_576, %dma_wait3A_584, %mul3A_2] : memref<26x448x4096xf32, #tpu.memory_space<hbm>> -> memref<1x448x128xf32, #tpu.memory_space<hbm>>
    %dma_wait3A_586 = tpu.memref_squeeze %dma_wait3A_585 : memref<1x448x128xf32, #tpu.memory_space<hbm>> -> memref<448x128xf32, #tpu.memory_space<hbm>>
    %dma_wait3A_587 = arith.constant 0 : i32
    %dma_wait3A_588 = arith.constant 0 : i32
    %dma_wait3A_589 = tpu.memref_slice %arg7[%dma_wait3A_575, %dma_wait3A_587, %dma_wait3A_588] : memref<2x448x128xf32, #tpu.memory_space<vmem>> -> memref<1x448x128xf32, #tpu.memory_space<vmem>>
    %dma_wait3A_590 = tpu.memref_squeeze %dma_wait3A_589 : memref<1x448x128xf32, #tpu.memory_space<vmem>> -> memref<448x128xf32, #tpu.memory_space<vmem>>
    tpu.wait_dma2 semaphore(%arg9 : memref<!tpu.dma_semaphore, #tpu.memory_space<semaphore_mem>>) src(%dma_wait3A_590 : memref<448x128xf32, #tpu.memory_space<vmem>>) dst(%dma_wait3A_586 : memref<448x128xf32, #tpu.memory_space<hbm>>)
    %add3A_591 = arith.constant 9 : i32
    %add3A_592 = vector.broadcast %add3A_591 : i32 to vector<16xi32>
    %add3A_593 = arith.addi %mul3A_7, %add3A_592 : vector<16xi32>
    %gather3A_594 = tpu.vector_load_idx %arg5[%add3A_593] : memref<3328xi32, #tpu.memory_space<vmem>>[vector<16xi32>], vector<16xi32>,
    %add3A_595 = arith.constant 425 : i32
    %add3A_596 = vector.broadcast %add3A_595 : i32 to vector<16xi32>
    %add3A_597 = arith.addi %mul3A_7, %add3A_596 : vector<16xi32>
    %gather3A_598 = tpu.vector_load_idx %arg5[%add3A_597] : memref<3328xi32, #tpu.memory_space<vmem>>[vector<16xi32>], vector<16xi32>,
    %add3A_599 = arith.constant 841 : i32
    %add3A_600 = vector.broadcast %add3A_599 : i32 to vector<16xi32>
    %add3A_601 = arith.addi %mul3A_7, %add3A_600 : vector<16xi32>
    %gather3A_602 = tpu.vector_load_idx %arg5[%add3A_601] : memref<3328xi32, #tpu.memory_space<vmem>>[vector<16xi32>], vector<16xi32>,
    %add3A_603 = arith.constant 1257 : i32
    %add3A_604 = vector.broadcast %add3A_603 : i32 to vector<16xi32>
    %add3A_605 = arith.addi %mul3A_7, %add3A_604 : vector<16xi32>
    %gather3A_606 = tpu.vector_load_idx %arg5[%add3A_605] : memref<3328xi32, #tpu.memory_space<vmem>>[vector<16xi32>], vector<16xi32>,
    %add3A_607 = arith.constant 1673 : i32
    %add3A_608 = vector.broadcast %add3A_607 : i32 to vector<16xi32>
    %add3A_609 = arith.addi %mul3A_7, %add3A_608 : vector<16xi32>
    %gather3A_610 = tpu.vector_load_idx %arg5[%add3A_609] : memref<3328xi32, #tpu.memory_space<vmem>>[vector<16xi32>], vector<16xi32>,
    %add3A_611 = arith.constant 2089 : i32
    %add3A_612 = vector.broadcast %add3A_611 : i32 to vector<16xi32>
    %add3A_613 = arith.addi %mul3A_7, %add3A_612 : vector<16xi32>
    %gather3A_614 = tpu.vector_load_idx %arg5[%add3A_613] : memref<3328xi32, #tpu.memory_space<vmem>>[vector<16xi32>], vector<16xi32>,
    %add3A_615 = arith.constant 2505 : i32
    %add3A_616 = vector.broadcast %add3A_615 : i32 to vector<16xi32>
    %add3A_617 = arith.addi %mul3A_7, %add3A_616 : vector<16xi32>
    %gather3A_618 = tpu.vector_load_idx %arg5[%add3A_617] : memref<3328xi32, #tpu.memory_space<vmem>>[vector<16xi32>], vector<16xi32>,
    %add3A_619 = arith.constant 2921 : i32
    %add3A_620 = vector.broadcast %add3A_619 : i32 to vector<16xi32>
    %add3A_621 = arith.addi %mul3A_7, %add3A_620 : vector<16xi32>
    %gather3A_622 = tpu.vector_load_idx %arg5[%add3A_621] : memref<3328xi32, #tpu.memory_space<vmem>>[vector<16xi32>], vector<16xi32>,
    %parallel_loop3A_623 = arith.constant 0 : i32
    %parallel_loop3A_624 = arith.constant 448 : i32
    %parallel_loop3A_625 = arith.constant 1 : i32
    scf.for %parallel_loop3A_1746 = %parallel_loop3A_623 to %parallel_loop3A_624 step %parallel_loop3A_625  : i32 {
      %parallel_loop3A_1747 = arith.constant 16 : i32
      %parallel_loop3A_1748 = arith.muli %parallel_loop3A_1746, %parallel_loop3A_1747 : i32
      %parallel_loop3A_1749 = arith.index_cast %parallel_loop3A_1748 : i32 to index
      %parallel_loop3A_1750 = tpu.vector_load %arg6[%parallel_loop3A_1749] {strides = array<i32>} : memref<7168xf32, #tpu.memory_space<vmem>>, vector<16xf32>,
      %parallel_loop3A_1751 = vector.shape_cast %gather3A_594 : vector<16xi32> to vector<16x1xi32>
      %parallel_loop3A_1752 = vector.shape_cast %parallel_loop3A_1751 : vector<16x1xi32> to vector<16xi32>
      %parallel_loop3A_1753 = tpu.dynamic_gather %parallel_loop3A_1750[%parallel_loop3A_1752] in [0] : vector<16xf32>, vector<16xi32> -> vector<16xf32>
      %parallel_loop3A_1754 = arith.constant 1 : i32
      %parallel_loop3A_1755 = arith.index_cast %parallel_loop3A_1754 : i32 to index
      %parallel_loop3A_1756 = arith.index_cast %parallel_loop3A_1746 : i32 to index
      %parallel_loop3A_1757 = arith.constant 0 : index
      %parallel_loop3A_1758 = tpu.vector_load %arg7[%parallel_loop3A_1755, %parallel_loop3A_1756, %parallel_loop3A_1757] {strides = array<i32>} : memref<2x448x128xf32, #tpu.memory_space<vmem>>, vector<16xf32>,
      tpu.vector_store %arg7[%parallel_loop3A_1755, %parallel_loop3A_1756, %parallel_loop3A_1757], %parallel_loop3A_1753 {strides = array<i32>} : memref<2x448x128xf32, #tpu.memory_space<vmem>>, vector<16xf32>,
      %parallel_loop3A_1759 = vector.shape_cast %gather3A_598 : vector<16xi32> to vector<16x1xi32>
      %parallel_loop3A_1760 = vector.shape_cast %parallel_loop3A_1759 : vector<16x1xi32> to vector<16xi32>
      %parallel_loop3A_1761 = tpu.dynamic_gather %parallel_loop3A_1750[%parallel_loop3A_1760] in [0] : vector<16xf32>, vector<16xi32> -> vector<16xf32>
      %parallel_loop3A_1762 = arith.constant 1 : i32
      %parallel_loop3A_1763 = arith.index_cast %parallel_loop3A_1762 : i32 to index
      %parallel_loop3A_1764 = arith.index_cast %parallel_loop3A_1746 : i32 to index
      %parallel_loop3A_1765 = arith.constant 16 : index
      %parallel_loop3A_1766 = tpu.vector_load %arg7[%parallel_loop3A_1763, %parallel_loop3A_1764, %parallel_loop3A_1765] {strides = array<i32>} : memref<2x448x128xf32, #tpu.memory_space<vmem>>, vector<16xf32>,
      tpu.vector_store %arg7[%parallel_loop3A_1763, %parallel_loop3A_1764, %parallel_loop3A_1765], %parallel_loop3A_1761 {strides = array<i32>} : memref<2x448x128xf32, #tpu.memory_space<vmem>>, vector<16xf32>,
      %parallel_loop3A_1767 = vector.shape_cast %gather3A_602 : vector<16xi32> to vector<16x1xi32>
      %parallel_loop3A_1768 = vector.shape_cast %parallel_loop3A_1767 : vector<16x1xi32> to vector<16xi32>
      %parallel_loop3A_1769 = tpu.dynamic_gather %parallel_loop3A_1750[%parallel_loop3A_1768] in [0] : vector<16xf32>, vector<16xi32> -> vector<16xf32>
      %parallel_loop3A_1770 = arith.constant 1 : i32
      %parallel_loop3A_1771 = arith.index_cast %parallel_loop3A_1770 : i32 to index
      %parallel_loop3A_1772 = arith.index_cast %parallel_loop3A_1746 : i32 to index
      %parallel_loop3A_1773 = arith.constant 32 : index
      %parallel_loop3A_1774 = tpu.vector_load %arg7[%parallel_loop3A_1771, %parallel_loop3A_1772, %parallel_loop3A_1773] {strides = array<i32>} : memref<2x448x128xf32, #tpu.memory_space<vmem>>, vector<16xf32>,
      tpu.vector_store %arg7[%parallel_loop3A_1771, %parallel_loop3A_1772, %parallel_loop3A_1773], %parallel_loop3A_1769 {strides = array<i32>} : memref<2x448x128xf32, #tpu.memory_space<vmem>>, vector<16xf32>,
      %parallel_loop3A_1775 = vector.shape_cast %gather3A_606 : vector<16xi32> to vector<16x1xi32>
      %parallel_loop3A_1776 = vector.shape_cast %parallel_loop3A_1775 : vector<16x1xi32> to vector<16xi32>
      %parallel_loop3A_1777 = tpu.dynamic_gather %parallel_loop3A_1750[%parallel_loop3A_1776] in [0] : vector<16xf32>, vector<16xi32> -> vector<16xf32>
      %parallel_loop3A_1778 = arith.constant 1 : i32
      %parallel_loop3A_1779 = arith.index_cast %parallel_loop3A_1778 : i32 to index
      %parallel_loop3A_1780 = arith.index_cast %parallel_loop3A_1746 : i32 to index
      %parallel_loop3A_1781 = arith.constant 48 : index
      %parallel_loop3A_1782 = tpu.vector_load %arg7[%parallel_loop3A_1779, %parallel_loop3A_1780, %parallel_loop3A_1781] {strides = array<i32>} : memref<2x448x128xf32, #tpu.memory_space<vmem>>, vector<16xf32>,
      tpu.vector_store %arg7[%parallel_loop3A_1779, %parallel_loop3A_1780, %parallel_loop3A_1781], %parallel_loop3A_1777 {strides = array<i32>} : memref<2x448x128xf32, #tpu.memory_space<vmem>>, vector<16xf32>,
      %parallel_loop3A_1783 = vector.shape_cast %gather3A_610 : vector<16xi32> to vector<16x1xi32>
      %parallel_loop3A_1784 = vector.shape_cast %parallel_loop3A_1783 : vector<16x1xi32> to vector<16xi32>
      %parallel_loop3A_1785 = tpu.dynamic_gather %parallel_loop3A_1750[%parallel_loop3A_1784] in [0] : vector<16xf32>, vector<16xi32> -> vector<16xf32>
      %parallel_loop3A_1786 = arith.constant 1 : i32
      %parallel_loop3A_1787 = arith.index_cast %parallel_loop3A_1786 : i32 to index
      %parallel_loop3A_1788 = arith.index_cast %parallel_loop3A_1746 : i32 to index
      %parallel_loop3A_1789 = arith.constant 64 : index
      %parallel_loop3A_1790 = tpu.vector_load %arg7[%parallel_loop3A_1787, %parallel_loop3A_1788, %parallel_loop3A_1789] {strides = array<i32>} : memref<2x448x128xf32, #tpu.memory_space<vmem>>, vector<16xf32>,
      tpu.vector_store %arg7[%parallel_loop3A_1787, %parallel_loop3A_1788, %parallel_loop3A_1789], %parallel_loop3A_1785 {strides = array<i32>} : memref<2x448x128xf32, #tpu.memory_space<vmem>>, vector<16xf32>,
      %parallel_loop3A_1791 = vector.shape_cast %gather3A_614 : vector<16xi32> to vector<16x1xi32>
      %parallel_loop3A_1792 = vector.shape_cast %parallel_loop3A_1791 : vector<16x1xi32> to vector<16xi32>
      %parallel_loop3A_1793 = tpu.dynamic_gather %parallel_loop3A_1750[%parallel_loop3A_1792] in [0] : vector<16xf32>, vector<16xi32> -> vector<16xf32>
      %parallel_loop3A_1794 = arith.constant 1 : i32
      %parallel_loop3A_1795 = arith.index_cast %parallel_loop3A_1794 : i32 to index
      %parallel_loop3A_1796 = arith.index_cast %parallel_loop3A_1746 : i32 to index
      %parallel_loop3A_1797 = arith.constant 80 : index
      %parallel_loop3A_1798 = tpu.vector_load %arg7[%parallel_loop3A_1795, %parallel_loop3A_1796, %parallel_loop3A_1797] {strides = array<i32>} : memref<2x448x128xf32, #tpu.memory_space<vmem>>, vector<16xf32>,
      tpu.vector_store %arg7[%parallel_loop3A_1795, %parallel_loop3A_1796, %parallel_loop3A_1797], %parallel_loop3A_1793 {strides = array<i32>} : memref<2x448x128xf32, #tpu.memory_space<vmem>>, vector<16xf32>,
      %parallel_loop3A_1799 = vector.shape_cast %gather3A_618 : vector<16xi32> to vector<16x1xi32>
      %parallel_loop3A_1800 = vector.shape_cast %parallel_loop3A_1799 : vector<16x1xi32> to vector<16xi32>
      %parallel_loop3A_1801 = tpu.dynamic_gather %parallel_loop3A_1750[%parallel_loop3A_1800] in [0] : vector<16xf32>, vector<16xi32> -> vector<16xf32>
      %parallel_loop3A_1802 = arith.constant 1 : i32
      %parallel_loop3A_1803 = arith.index_cast %parallel_loop3A_1802 : i32 to index
      %parallel_loop3A_1804 = arith.index_cast %parallel_loop3A_1746 : i32 to index
      %parallel_loop3A_1805 = arith.constant 96 : index
      %parallel_loop3A_1806 = tpu.vector_load %arg7[%parallel_loop3A_1803, %parallel_loop3A_1804, %parallel_loop3A_1805] {strides = array<i32>} : memref<2x448x128xf32, #tpu.memory_space<vmem>>, vector<16xf32>,
      tpu.vector_store %arg7[%parallel_loop3A_1803, %parallel_loop3A_1804, %parallel_loop3A_1805], %parallel_loop3A_1801 {strides = array<i32>} : memref<2x448x128xf32, #tpu.memory_space<vmem>>, vector<16xf32>,
      %parallel_loop3A_1807 = vector.shape_cast %gather3A_622 : vector<16xi32> to vector<16x1xi32>
      %parallel_loop3A_1808 = vector.shape_cast %parallel_loop3A_1807 : vector<16x1xi32> to vector<16xi32>
      %parallel_loop3A_1809 = tpu.dynamic_gather %parallel_loop3A_1750[%parallel_loop3A_1808] in [0] : vector<16xf32>, vector<16xi32> -> vector<16xf32>
      %parallel_loop3A_1810 = arith.constant 1 : i32
      %parallel_loop3A_1811 = arith.index_cast %parallel_loop3A_1810 : i32 to index
      %parallel_loop3A_1812 = arith.index_cast %parallel_loop3A_1746 : i32 to index
      %parallel_loop3A_1813 = arith.constant 112 : index
      %parallel_loop3A_1814 = tpu.vector_load %arg7[%parallel_loop3A_1811, %parallel_loop3A_1812, %parallel_loop3A_1813] {strides = array<i32>} : memref<2x448x128xf32, #tpu.memory_space<vmem>>, vector<16xf32>,
      tpu.vector_store %arg7[%parallel_loop3A_1811, %parallel_loop3A_1812, %parallel_loop3A_1813], %parallel_loop3A_1809 {strides = array<i32>} : memref<2x448x128xf32, #tpu.memory_space<vmem>>, vector<16xf32>,
    } {sc.loop_unroll_factor = 1 : i64, sc.parallel_access}
    %dma_start3A_626 = arith.constant 1 : i32
    %dma_start3A_627 = arith.constant 9 : i32
    %dma_start3A_628 = arith.constant 0 : i32
    %dma_start3A_629 = arith.constant 0 : i32
    %dma_start3A_630 = tpu.memref_slice %arg7[%dma_start3A_626, %dma_start3A_628, %dma_start3A_629] : memref<2x448x128xf32, #tpu.memory_space<vmem>> -> memref<1x448x128xf32, #tpu.memory_space<vmem>>
    %dma_start3A_631 = tpu.memref_squeeze %dma_start3A_630 : memref<1x448x128xf32, #tpu.memory_space<vmem>> -> memref<448x128xf32, #tpu.memory_space<vmem>>
    %dma_start3A_632 = arith.constant 0 : i32
    %dma_start3A_633 = tpu.memref_slice %arg4[%dma_start3A_627, %dma_start3A_632, %mul3A_2] : memref<26x448x4096xf32, #tpu.memory_space<hbm>> -> memref<1x448x128xf32, #tpu.memory_space<hbm>>
    %dma_start3A_634 = tpu.memref_squeeze %dma_start3A_633 : memref<1x448x128xf32, #tpu.memory_space<hbm>> -> memref<448x128xf32, #tpu.memory_space<hbm>>
    %dma_start3A_635 = arith.constant 0 : i32
    %dma_start3A_636 = tpu.memref_slice %arg4[%dma_start3A_627, %dma_start3A_635, %mul3A_2] : memref<26x448x4096xf32, #tpu.memory_space<hbm>> -> memref<1x448x128xf32, #tpu.memory_space<hbm>>
    %dma_start3A_637 = tpu.memref_squeeze %dma_start3A_636 : memref<1x448x128xf32, #tpu.memory_space<hbm>> -> memref<448x128xf32, #tpu.memory_space<hbm>>
    %dma_start3A_638 = arith.constant 0 : i32
    %dma_start3A_639 = arith.constant 0 : i32
    %dma_start3A_640 = tpu.memref_slice %arg7[%dma_start3A_626, %dma_start3A_638, %dma_start3A_639] : memref<2x448x128xf32, #tpu.memory_space<vmem>> -> memref<1x448x128xf32, #tpu.memory_space<vmem>>
    %dma_start3A_641 = tpu.memref_squeeze %dma_start3A_640 : memref<1x448x128xf32, #tpu.memory_space<vmem>> -> memref<448x128xf32, #tpu.memory_space<vmem>>
    tpu.enqueue_dma source(%dma_start3A_641 : memref<448x128xf32, #tpu.memory_space<vmem>>) target(%dma_start3A_637 : memref<448x128xf32, #tpu.memory_space<hbm>>) target_semaphore(%arg9 : memref<!tpu.dma_semaphore, #tpu.memory_space<semaphore_mem>>)
    %dma_wait3A_642 = arith.constant 0 : i32
    %dma_wait3A_643 = arith.constant 8 : i32
    %dma_wait3A_644 = arith.constant 0 : i32
    %dma_wait3A_645 = arith.constant 0 : i32
    %dma_wait3A_646 = tpu.memref_slice %arg7[%dma_wait3A_642, %dma_wait3A_644, %dma_wait3A_645] : memref<2x448x128xf32, #tpu.memory_space<vmem>> -> memref<1x448x128xf32, #tpu.memory_space<vmem>>
    %dma_wait3A_647 = tpu.memref_squeeze %dma_wait3A_646 : memref<1x448x128xf32, #tpu.memory_space<vmem>> -> memref<448x128xf32, #tpu.memory_space<vmem>>
    %dma_wait3A_648 = arith.constant 0 : i32
    %dma_wait3A_649 = tpu.memref_slice %arg4[%dma_wait3A_643, %dma_wait3A_648, %mul3A_2] : memref<26x448x4096xf32, #tpu.memory_space<hbm>> -> memref<1x448x128xf32, #tpu.memory_space<hbm>>
    %dma_wait3A_650 = tpu.memref_squeeze %dma_wait3A_649 : memref<1x448x128xf32, #tpu.memory_space<hbm>> -> memref<448x128xf32, #tpu.memory_space<hbm>>
    %dma_wait3A_651 = arith.constant 0 : i32
    %dma_wait3A_652 = tpu.memref_slice %arg4[%dma_wait3A_643, %dma_wait3A_651, %mul3A_2] : memref<26x448x4096xf32, #tpu.memory_space<hbm>> -> memref<1x448x128xf32, #tpu.memory_space<hbm>>
    %dma_wait3A_653 = tpu.memref_squeeze %dma_wait3A_652 : memref<1x448x128xf32, #tpu.memory_space<hbm>> -> memref<448x128xf32, #tpu.memory_space<hbm>>
    %dma_wait3A_654 = arith.constant 0 : i32
    %dma_wait3A_655 = arith.constant 0 : i32
    %dma_wait3A_656 = tpu.memref_slice %arg7[%dma_wait3A_642, %dma_wait3A_654, %dma_wait3A_655] : memref<2x448x128xf32, #tpu.memory_space<vmem>> -> memref<1x448x128xf32, #tpu.memory_space<vmem>>
    %dma_wait3A_657 = tpu.memref_squeeze %dma_wait3A_656 : memref<1x448x128xf32, #tpu.memory_space<vmem>> -> memref<448x128xf32, #tpu.memory_space<vmem>>
    tpu.wait_dma2 semaphore(%arg8 : memref<!tpu.dma_semaphore, #tpu.memory_space<semaphore_mem>>) src(%dma_wait3A_657 : memref<448x128xf32, #tpu.memory_space<vmem>>) dst(%dma_wait3A_653 : memref<448x128xf32, #tpu.memory_space<hbm>>)
    %add3A_658 = arith.constant 10 : i32
    %add3A_659 = vector.broadcast %add3A_658 : i32 to vector<16xi32>
    %add3A_660 = arith.addi %mul3A_7, %add3A_659 : vector<16xi32>
    %gather3A_661 = tpu.vector_load_idx %arg5[%add3A_660] : memref<3328xi32, #tpu.memory_space<vmem>>[vector<16xi32>], vector<16xi32>,
    %add3A_662 = arith.constant 426 : i32
    %add3A_663 = vector.broadcast %add3A_662 : i32 to vector<16xi32>
    %add3A_664 = arith.addi %mul3A_7, %add3A_663 : vector<16xi32>
    %gather3A_665 = tpu.vector_load_idx %arg5[%add3A_664] : memref<3328xi32, #tpu.memory_space<vmem>>[vector<16xi32>], vector<16xi32>,
    %add3A_666 = arith.constant 842 : i32
    %add3A_667 = vector.broadcast %add3A_666 : i32 to vector<16xi32>
    %add3A_668 = arith.addi %mul3A_7, %add3A_667 : vector<16xi32>
    %gather3A_669 = tpu.vector_load_idx %arg5[%add3A_668] : memref<3328xi32, #tpu.memory_space<vmem>>[vector<16xi32>], vector<16xi32>,
    %add3A_670 = arith.constant 1258 : i32
    %add3A_671 = vector.broadcast %add3A_670 : i32 to vector<16xi32>
    %add3A_672 = arith.addi %mul3A_7, %add3A_671 : vector<16xi32>
    %gather3A_673 = tpu.vector_load_idx %arg5[%add3A_672] : memref<3328xi32, #tpu.memory_space<vmem>>[vector<16xi32>], vector<16xi32>,
    %add3A_674 = arith.constant 1674 : i32
    %add3A_675 = vector.broadcast %add3A_674 : i32 to vector<16xi32>
    %add3A_676 = arith.addi %mul3A_7, %add3A_675 : vector<16xi32>
    %gather3A_677 = tpu.vector_load_idx %arg5[%add3A_676] : memref<3328xi32, #tpu.memory_space<vmem>>[vector<16xi32>], vector<16xi32>,
    %add3A_678 = arith.constant 2090 : i32
    %add3A_679 = vector.broadcast %add3A_678 : i32 to vector<16xi32>
    %add3A_680 = arith.addi %mul3A_7, %add3A_679 : vector<16xi32>
    %gather3A_681 = tpu.vector_load_idx %arg5[%add3A_680] : memref<3328xi32, #tpu.memory_space<vmem>>[vector<16xi32>], vector<16xi32>,
    %add3A_682 = arith.constant 2506 : i32
    %add3A_683 = vector.broadcast %add3A_682 : i32 to vector<16xi32>
    %add3A_684 = arith.addi %mul3A_7, %add3A_683 : vector<16xi32>
    %gather3A_685 = tpu.vector_load_idx %arg5[%add3A_684] : memref<3328xi32, #tpu.memory_space<vmem>>[vector<16xi32>], vector<16xi32>,
    %add3A_686 = arith.constant 2922 : i32
    %add3A_687 = vector.broadcast %add3A_686 : i32 to vector<16xi32>
    %add3A_688 = arith.addi %mul3A_7, %add3A_687 : vector<16xi32>
    %gather3A_689 = tpu.vector_load_idx %arg5[%add3A_688] : memref<3328xi32, #tpu.memory_space<vmem>>[vector<16xi32>], vector<16xi32>,
    %parallel_loop3A_690 = arith.constant 0 : i32
    %parallel_loop3A_691 = arith.constant 448 : i32
    %parallel_loop3A_692 = arith.constant 1 : i32
    scf.for %parallel_loop3A_1746 = %parallel_loop3A_690 to %parallel_loop3A_691 step %parallel_loop3A_692  : i32 {
      %parallel_loop3A_1747 = arith.constant 16 : i32
      %parallel_loop3A_1748 = arith.muli %parallel_loop3A_1746, %parallel_loop3A_1747 : i32
      %parallel_loop3A_1749 = arith.index_cast %parallel_loop3A_1748 : i32 to index
      %parallel_loop3A_1750 = tpu.vector_load %arg6[%parallel_loop3A_1749] {strides = array<i32>} : memref<7168xf32, #tpu.memory_space<vmem>>, vector<16xf32>,
      %parallel_loop3A_1751 = vector.shape_cast %gather3A_661 : vector<16xi32> to vector<16x1xi32>
      %parallel_loop3A_1752 = vector.shape_cast %parallel_loop3A_1751 : vector<16x1xi32> to vector<16xi32>
      %parallel_loop3A_1753 = tpu.dynamic_gather %parallel_loop3A_1750[%parallel_loop3A_1752] in [0] : vector<16xf32>, vector<16xi32> -> vector<16xf32>
      %parallel_loop3A_1754 = arith.constant 0 : i32
      %parallel_loop3A_1755 = arith.index_cast %parallel_loop3A_1754 : i32 to index
      %parallel_loop3A_1756 = arith.index_cast %parallel_loop3A_1746 : i32 to index
      %parallel_loop3A_1757 = arith.constant 0 : index
      %parallel_loop3A_1758 = tpu.vector_load %arg7[%parallel_loop3A_1755, %parallel_loop3A_1756, %parallel_loop3A_1757] {strides = array<i32>} : memref<2x448x128xf32, #tpu.memory_space<vmem>>, vector<16xf32>,
      tpu.vector_store %arg7[%parallel_loop3A_1755, %parallel_loop3A_1756, %parallel_loop3A_1757], %parallel_loop3A_1753 {strides = array<i32>} : memref<2x448x128xf32, #tpu.memory_space<vmem>>, vector<16xf32>,
      %parallel_loop3A_1759 = vector.shape_cast %gather3A_665 : vector<16xi32> to vector<16x1xi32>
      %parallel_loop3A_1760 = vector.shape_cast %parallel_loop3A_1759 : vector<16x1xi32> to vector<16xi32>
      %parallel_loop3A_1761 = tpu.dynamic_gather %parallel_loop3A_1750[%parallel_loop3A_1760] in [0] : vector<16xf32>, vector<16xi32> -> vector<16xf32>
      %parallel_loop3A_1762 = arith.constant 0 : i32
      %parallel_loop3A_1763 = arith.index_cast %parallel_loop3A_1762 : i32 to index
      %parallel_loop3A_1764 = arith.index_cast %parallel_loop3A_1746 : i32 to index
      %parallel_loop3A_1765 = arith.constant 16 : index
      %parallel_loop3A_1766 = tpu.vector_load %arg7[%parallel_loop3A_1763, %parallel_loop3A_1764, %parallel_loop3A_1765] {strides = array<i32>} : memref<2x448x128xf32, #tpu.memory_space<vmem>>, vector<16xf32>,
      tpu.vector_store %arg7[%parallel_loop3A_1763, %parallel_loop3A_1764, %parallel_loop3A_1765], %parallel_loop3A_1761 {strides = array<i32>} : memref<2x448x128xf32, #tpu.memory_space<vmem>>, vector<16xf32>,
      %parallel_loop3A_1767 = vector.shape_cast %gather3A_669 : vector<16xi32> to vector<16x1xi32>
      %parallel_loop3A_1768 = vector.shape_cast %parallel_loop3A_1767 : vector<16x1xi32> to vector<16xi32>
      %parallel_loop3A_1769 = tpu.dynamic_gather %parallel_loop3A_1750[%parallel_loop3A_1768] in [0] : vector<16xf32>, vector<16xi32> -> vector<16xf32>
      %parallel_loop3A_1770 = arith.constant 0 : i32
      %parallel_loop3A_1771 = arith.index_cast %parallel_loop3A_1770 : i32 to index
      %parallel_loop3A_1772 = arith.index_cast %parallel_loop3A_1746 : i32 to index
      %parallel_loop3A_1773 = arith.constant 32 : index
      %parallel_loop3A_1774 = tpu.vector_load %arg7[%parallel_loop3A_1771, %parallel_loop3A_1772, %parallel_loop3A_1773] {strides = array<i32>} : memref<2x448x128xf32, #tpu.memory_space<vmem>>, vector<16xf32>,
      tpu.vector_store %arg7[%parallel_loop3A_1771, %parallel_loop3A_1772, %parallel_loop3A_1773], %parallel_loop3A_1769 {strides = array<i32>} : memref<2x448x128xf32, #tpu.memory_space<vmem>>, vector<16xf32>,
      %parallel_loop3A_1775 = vector.shape_cast %gather3A_673 : vector<16xi32> to vector<16x1xi32>
      %parallel_loop3A_1776 = vector.shape_cast %parallel_loop3A_1775 : vector<16x1xi32> to vector<16xi32>
      %parallel_loop3A_1777 = tpu.dynamic_gather %parallel_loop3A_1750[%parallel_loop3A_1776] in [0] : vector<16xf32>, vector<16xi32> -> vector<16xf32>
      %parallel_loop3A_1778 = arith.constant 0 : i32
      %parallel_loop3A_1779 = arith.index_cast %parallel_loop3A_1778 : i32 to index
      %parallel_loop3A_1780 = arith.index_cast %parallel_loop3A_1746 : i32 to index
      %parallel_loop3A_1781 = arith.constant 48 : index
      %parallel_loop3A_1782 = tpu.vector_load %arg7[%parallel_loop3A_1779, %parallel_loop3A_1780, %parallel_loop3A_1781] {strides = array<i32>} : memref<2x448x128xf32, #tpu.memory_space<vmem>>, vector<16xf32>,
      tpu.vector_store %arg7[%parallel_loop3A_1779, %parallel_loop3A_1780, %parallel_loop3A_1781], %parallel_loop3A_1777 {strides = array<i32>} : memref<2x448x128xf32, #tpu.memory_space<vmem>>, vector<16xf32>,
      %parallel_loop3A_1783 = vector.shape_cast %gather3A_677 : vector<16xi32> to vector<16x1xi32>
      %parallel_loop3A_1784 = vector.shape_cast %parallel_loop3A_1783 : vector<16x1xi32> to vector<16xi32>
      %parallel_loop3A_1785 = tpu.dynamic_gather %parallel_loop3A_1750[%parallel_loop3A_1784] in [0] : vector<16xf32>, vector<16xi32> -> vector<16xf32>
      %parallel_loop3A_1786 = arith.constant 0 : i32
      %parallel_loop3A_1787 = arith.index_cast %parallel_loop3A_1786 : i32 to index
      %parallel_loop3A_1788 = arith.index_cast %parallel_loop3A_1746 : i32 to index
      %parallel_loop3A_1789 = arith.constant 64 : index
      %parallel_loop3A_1790 = tpu.vector_load %arg7[%parallel_loop3A_1787, %parallel_loop3A_1788, %parallel_loop3A_1789] {strides = array<i32>} : memref<2x448x128xf32, #tpu.memory_space<vmem>>, vector<16xf32>,
      tpu.vector_store %arg7[%parallel_loop3A_1787, %parallel_loop3A_1788, %parallel_loop3A_1789], %parallel_loop3A_1785 {strides = array<i32>} : memref<2x448x128xf32, #tpu.memory_space<vmem>>, vector<16xf32>,
      %parallel_loop3A_1791 = vector.shape_cast %gather3A_681 : vector<16xi32> to vector<16x1xi32>
      %parallel_loop3A_1792 = vector.shape_cast %parallel_loop3A_1791 : vector<16x1xi32> to vector<16xi32>
      %parallel_loop3A_1793 = tpu.dynamic_gather %parallel_loop3A_1750[%parallel_loop3A_1792] in [0] : vector<16xf32>, vector<16xi32> -> vector<16xf32>
      %parallel_loop3A_1794 = arith.constant 0 : i32
      %parallel_loop3A_1795 = arith.index_cast %parallel_loop3A_1794 : i32 to index
      %parallel_loop3A_1796 = arith.index_cast %parallel_loop3A_1746 : i32 to index
      %parallel_loop3A_1797 = arith.constant 80 : index
      %parallel_loop3A_1798 = tpu.vector_load %arg7[%parallel_loop3A_1795, %parallel_loop3A_1796, %parallel_loop3A_1797] {strides = array<i32>} : memref<2x448x128xf32, #tpu.memory_space<vmem>>, vector<16xf32>,
      tpu.vector_store %arg7[%parallel_loop3A_1795, %parallel_loop3A_1796, %parallel_loop3A_1797], %parallel_loop3A_1793 {strides = array<i32>} : memref<2x448x128xf32, #tpu.memory_space<vmem>>, vector<16xf32>,
      %parallel_loop3A_1799 = vector.shape_cast %gather3A_685 : vector<16xi32> to vector<16x1xi32>
      %parallel_loop3A_1800 = vector.shape_cast %parallel_loop3A_1799 : vector<16x1xi32> to vector<16xi32>
      %parallel_loop3A_1801 = tpu.dynamic_gather %parallel_loop3A_1750[%parallel_loop3A_1800] in [0] : vector<16xf32>, vector<16xi32> -> vector<16xf32>
      %parallel_loop3A_1802 = arith.constant 0 : i32
      %parallel_loop3A_1803 = arith.index_cast %parallel_loop3A_1802 : i32 to index
      %parallel_loop3A_1804 = arith.index_cast %parallel_loop3A_1746 : i32 to index
      %parallel_loop3A_1805 = arith.constant 96 : index
      %parallel_loop3A_1806 = tpu.vector_load %arg7[%parallel_loop3A_1803, %parallel_loop3A_1804, %parallel_loop3A_1805] {strides = array<i32>} : memref<2x448x128xf32, #tpu.memory_space<vmem>>, vector<16xf32>,
      tpu.vector_store %arg7[%parallel_loop3A_1803, %parallel_loop3A_1804, %parallel_loop3A_1805], %parallel_loop3A_1801 {strides = array<i32>} : memref<2x448x128xf32, #tpu.memory_space<vmem>>, vector<16xf32>,
      %parallel_loop3A_1807 = vector.shape_cast %gather3A_689 : vector<16xi32> to vector<16x1xi32>
      %parallel_loop3A_1808 = vector.shape_cast %parallel_loop3A_1807 : vector<16x1xi32> to vector<16xi32>
      %parallel_loop3A_1809 = tpu.dynamic_gather %parallel_loop3A_1750[%parallel_loop3A_1808] in [0] : vector<16xf32>, vector<16xi32> -> vector<16xf32>
      %parallel_loop3A_1810 = arith.constant 0 : i32
      %parallel_loop3A_1811 = arith.index_cast %parallel_loop3A_1810 : i32 to index
      %parallel_loop3A_1812 = arith.index_cast %parallel_loop3A_1746 : i32 to index
      %parallel_loop3A_1813 = arith.constant 112 : index
      %parallel_loop3A_1814 = tpu.vector_load %arg7[%parallel_loop3A_1811, %parallel_loop3A_1812, %parallel_loop3A_1813] {strides = array<i32>} : memref<2x448x128xf32, #tpu.memory_space<vmem>>, vector<16xf32>,
      tpu.vector_store %arg7[%parallel_loop3A_1811, %parallel_loop3A_1812, %parallel_loop3A_1813], %parallel_loop3A_1809 {strides = array<i32>} : memref<2x448x128xf32, #tpu.memory_space<vmem>>, vector<16xf32>,
    } {sc.loop_unroll_factor = 1 : i64, sc.parallel_access}
    %dma_start3A_693 = arith.constant 0 : i32
    %dma_start3A_694 = arith.constant 10 : i32
    %dma_start3A_695 = arith.constant 0 : i32
    %dma_start3A_696 = arith.constant 0 : i32
    %dma_start3A_697 = tpu.memref_slice %arg7[%dma_start3A_693, %dma_start3A_695, %dma_start3A_696] : memref<2x448x128xf32, #tpu.memory_space<vmem>> -> memref<1x448x128xf32, #tpu.memory_space<vmem>>
    %dma_start3A_698 = tpu.memref_squeeze %dma_start3A_697 : memref<1x448x128xf32, #tpu.memory_space<vmem>> -> memref<448x128xf32, #tpu.memory_space<vmem>>
    %dma_start3A_699 = arith.constant 0 : i32
    %dma_start3A_700 = tpu.memref_slice %arg4[%dma_start3A_694, %dma_start3A_699, %mul3A_2] : memref<26x448x4096xf32, #tpu.memory_space<hbm>> -> memref<1x448x128xf32, #tpu.memory_space<hbm>>
    %dma_start3A_701 = tpu.memref_squeeze %dma_start3A_700 : memref<1x448x128xf32, #tpu.memory_space<hbm>> -> memref<448x128xf32, #tpu.memory_space<hbm>>
    %dma_start3A_702 = arith.constant 0 : i32
    %dma_start3A_703 = tpu.memref_slice %arg4[%dma_start3A_694, %dma_start3A_702, %mul3A_2] : memref<26x448x4096xf32, #tpu.memory_space<hbm>> -> memref<1x448x128xf32, #tpu.memory_space<hbm>>
    %dma_start3A_704 = tpu.memref_squeeze %dma_start3A_703 : memref<1x448x128xf32, #tpu.memory_space<hbm>> -> memref<448x128xf32, #tpu.memory_space<hbm>>
    %dma_start3A_705 = arith.constant 0 : i32
    %dma_start3A_706 = arith.constant 0 : i32
    %dma_start3A_707 = tpu.memref_slice %arg7[%dma_start3A_693, %dma_start3A_705, %dma_start3A_706] : memref<2x448x128xf32, #tpu.memory_space<vmem>> -> memref<1x448x128xf32, #tpu.memory_space<vmem>>
    %dma_start3A_708 = tpu.memref_squeeze %dma_start3A_707 : memref<1x448x128xf32, #tpu.memory_space<vmem>> -> memref<448x128xf32, #tpu.memory_space<vmem>>
    tpu.enqueue_dma source(%dma_start3A_708 : memref<448x128xf32, #tpu.memory_space<vmem>>) target(%dma_start3A_704 : memref<448x128xf32, #tpu.memory_space<hbm>>) target_semaphore(%arg8 : memref<!tpu.dma_semaphore, #tpu.memory_space<semaphore_mem>>)
    %dma_wait3A_709 = arith.constant 1 : i32
    %dma_wait3A_710 = arith.constant 9 : i32
    %dma_wait3A_711 = arith.constant 0 : i32
    %dma_wait3A_712 = arith.constant 0 : i32
    %dma_wait3A_713 = tpu.memref_slice %arg7[%dma_wait3A_709, %dma_wait3A_711, %dma_wait3A_712] : memref<2x448x128xf32, #tpu.memory_space<vmem>> -> memref<1x448x128xf32, #tpu.memory_space<vmem>>
    %dma_wait3A_714 = tpu.memref_squeeze %dma_wait3A_713 : memref<1x448x128xf32, #tpu.memory_space<vmem>> -> memref<448x128xf32, #tpu.memory_space<vmem>>
    %dma_wait3A_715 = arith.constant 0 : i32
    %dma_wait3A_716 = tpu.memref_slice %arg4[%dma_wait3A_710, %dma_wait3A_715, %mul3A_2] : memref<26x448x4096xf32, #tpu.memory_space<hbm>> -> memref<1x448x128xf32, #tpu.memory_space<hbm>>
    %dma_wait3A_717 = tpu.memref_squeeze %dma_wait3A_716 : memref<1x448x128xf32, #tpu.memory_space<hbm>> -> memref<448x128xf32, #tpu.memory_space<hbm>>
    %dma_wait3A_718 = arith.constant 0 : i32
    %dma_wait3A_719 = tpu.memref_slice %arg4[%dma_wait3A_710, %dma_wait3A_718, %mul3A_2] : memref<26x448x4096xf32, #tpu.memory_space<hbm>> -> memref<1x448x128xf32, #tpu.memory_space<hbm>>
    %dma_wait3A_720 = tpu.memref_squeeze %dma_wait3A_719 : memref<1x448x128xf32, #tpu.memory_space<hbm>> -> memref<448x128xf32, #tpu.memory_space<hbm>>
    %dma_wait3A_721 = arith.constant 0 : i32
    %dma_wait3A_722 = arith.constant 0 : i32
    %dma_wait3A_723 = tpu.memref_slice %arg7[%dma_wait3A_709, %dma_wait3A_721, %dma_wait3A_722] : memref<2x448x128xf32, #tpu.memory_space<vmem>> -> memref<1x448x128xf32, #tpu.memory_space<vmem>>
    %dma_wait3A_724 = tpu.memref_squeeze %dma_wait3A_723 : memref<1x448x128xf32, #tpu.memory_space<vmem>> -> memref<448x128xf32, #tpu.memory_space<vmem>>
    tpu.wait_dma2 semaphore(%arg9 : memref<!tpu.dma_semaphore, #tpu.memory_space<semaphore_mem>>) src(%dma_wait3A_724 : memref<448x128xf32, #tpu.memory_space<vmem>>) dst(%dma_wait3A_720 : memref<448x128xf32, #tpu.memory_space<hbm>>)
    %add3A_725 = arith.constant 11 : i32
    %add3A_726 = vector.broadcast %add3A_725 : i32 to vector<16xi32>
    %add3A_727 = arith.addi %mul3A_7, %add3A_726 : vector<16xi32>
    %gather3A_728 = tpu.vector_load_idx %arg5[%add3A_727] : memref<3328xi32, #tpu.memory_space<vmem>>[vector<16xi32>], vector<16xi32>,
    %add3A_729 = arith.constant 427 : i32
    %add3A_730 = vector.broadcast %add3A_729 : i32 to vector<16xi32>
    %add3A_731 = arith.addi %mul3A_7, %add3A_730 : vector<16xi32>
    %gather3A_732 = tpu.vector_load_idx %arg5[%add3A_731] : memref<3328xi32, #tpu.memory_space<vmem>>[vector<16xi32>], vector<16xi32>,
    %add3A_733 = arith.constant 843 : i32
    %add3A_734 = vector.broadcast %add3A_733 : i32 to vector<16xi32>
    %add3A_735 = arith.addi %mul3A_7, %add3A_734 : vector<16xi32>
    %gather3A_736 = tpu.vector_load_idx %arg5[%add3A_735] : memref<3328xi32, #tpu.memory_space<vmem>>[vector<16xi32>], vector<16xi32>,
    %add3A_737 = arith.constant 1259 : i32
    %add3A_738 = vector.broadcast %add3A_737 : i32 to vector<16xi32>
    %add3A_739 = arith.addi %mul3A_7, %add3A_738 : vector<16xi32>
    %gather3A_740 = tpu.vector_load_idx %arg5[%add3A_739] : memref<3328xi32, #tpu.memory_space<vmem>>[vector<16xi32>], vector<16xi32>,
    %add3A_741 = arith.constant 1675 : i32
    %add3A_742 = vector.broadcast %add3A_741 : i32 to vector<16xi32>
    %add3A_743 = arith.addi %mul3A_7, %add3A_742 : vector<16xi32>
    %gather3A_744 = tpu.vector_load_idx %arg5[%add3A_743] : memref<3328xi32, #tpu.memory_space<vmem>>[vector<16xi32>], vector<16xi32>,
    %add3A_745 = arith.constant 2091 : i32
    %add3A_746 = vector.broadcast %add3A_745 : i32 to vector<16xi32>
    %add3A_747 = arith.addi %mul3A_7, %add3A_746 : vector<16xi32>
    %gather3A_748 = tpu.vector_load_idx %arg5[%add3A_747] : memref<3328xi32, #tpu.memory_space<vmem>>[vector<16xi32>], vector<16xi32>,
    %add3A_749 = arith.constant 2507 : i32
    %add3A_750 = vector.broadcast %add3A_749 : i32 to vector<16xi32>
    %add3A_751 = arith.addi %mul3A_7, %add3A_750 : vector<16xi32>
    %gather3A_752 = tpu.vector_load_idx %arg5[%add3A_751] : memref<3328xi32, #tpu.memory_space<vmem>>[vector<16xi32>], vector<16xi32>,
    %add3A_753 = arith.constant 2923 : i32
    %add3A_754 = vector.broadcast %add3A_753 : i32 to vector<16xi32>
    %add3A_755 = arith.addi %mul3A_7, %add3A_754 : vector<16xi32>
    %gather3A_756 = tpu.vector_load_idx %arg5[%add3A_755] : memref<3328xi32, #tpu.memory_space<vmem>>[vector<16xi32>], vector<16xi32>,
    %parallel_loop3A_757 = arith.constant 0 : i32
    %parallel_loop3A_758 = arith.constant 448 : i32
    %parallel_loop3A_759 = arith.constant 1 : i32
    scf.for %parallel_loop3A_1746 = %parallel_loop3A_757 to %parallel_loop3A_758 step %parallel_loop3A_759  : i32 {
      %parallel_loop3A_1747 = arith.constant 16 : i32
      %parallel_loop3A_1748 = arith.muli %parallel_loop3A_1746, %parallel_loop3A_1747 : i32
      %parallel_loop3A_1749 = arith.index_cast %parallel_loop3A_1748 : i32 to index
      %parallel_loop3A_1750 = tpu.vector_load %arg6[%parallel_loop3A_1749] {strides = array<i32>} : memref<7168xf32, #tpu.memory_space<vmem>>, vector<16xf32>,
      %parallel_loop3A_1751 = vector.shape_cast %gather3A_728 : vector<16xi32> to vector<16x1xi32>
      %parallel_loop3A_1752 = vector.shape_cast %parallel_loop3A_1751 : vector<16x1xi32> to vector<16xi32>
      %parallel_loop3A_1753 = tpu.dynamic_gather %parallel_loop3A_1750[%parallel_loop3A_1752] in [0] : vector<16xf32>, vector<16xi32> -> vector<16xf32>
      %parallel_loop3A_1754 = arith.constant 1 : i32
      %parallel_loop3A_1755 = arith.index_cast %parallel_loop3A_1754 : i32 to index
      %parallel_loop3A_1756 = arith.index_cast %parallel_loop3A_1746 : i32 to index
      %parallel_loop3A_1757 = arith.constant 0 : index
      %parallel_loop3A_1758 = tpu.vector_load %arg7[%parallel_loop3A_1755, %parallel_loop3A_1756, %parallel_loop3A_1757] {strides = array<i32>} : memref<2x448x128xf32, #tpu.memory_space<vmem>>, vector<16xf32>,
      tpu.vector_store %arg7[%parallel_loop3A_1755, %parallel_loop3A_1756, %parallel_loop3A_1757], %parallel_loop3A_1753 {strides = array<i32>} : memref<2x448x128xf32, #tpu.memory_space<vmem>>, vector<16xf32>,
      %parallel_loop3A_1759 = vector.shape_cast %gather3A_732 : vector<16xi32> to vector<16x1xi32>
      %parallel_loop3A_1760 = vector.shape_cast %parallel_loop3A_1759 : vector<16x1xi32> to vector<16xi32>
      %parallel_loop3A_1761 = tpu.dynamic_gather %parallel_loop3A_1750[%parallel_loop3A_1760] in [0] : vector<16xf32>, vector<16xi32> -> vector<16xf32>
      %parallel_loop3A_1762 = arith.constant 1 : i32
      %parallel_loop3A_1763 = arith.index_cast %parallel_loop3A_1762 : i32 to index
      %parallel_loop3A_1764 = arith.index_cast %parallel_loop3A_1746 : i32 to index
      %parallel_loop3A_1765 = arith.constant 16 : index
      %parallel_loop3A_1766 = tpu.vector_load %arg7[%parallel_loop3A_1763, %parallel_loop3A_1764, %parallel_loop3A_1765] {strides = array<i32>} : memref<2x448x128xf32, #tpu.memory_space<vmem>>, vector<16xf32>,
      tpu.vector_store %arg7[%parallel_loop3A_1763, %parallel_loop3A_1764, %parallel_loop3A_1765], %parallel_loop3A_1761 {strides = array<i32>} : memref<2x448x128xf32, #tpu.memory_space<vmem>>, vector<16xf32>,
      %parallel_loop3A_1767 = vector.shape_cast %gather3A_736 : vector<16xi32> to vector<16x1xi32>
      %parallel_loop3A_1768 = vector.shape_cast %parallel_loop3A_1767 : vector<16x1xi32> to vector<16xi32>
      %parallel_loop3A_1769 = tpu.dynamic_gather %parallel_loop3A_1750[%parallel_loop3A_1768] in [0] : vector<16xf32>, vector<16xi32> -> vector<16xf32>
      %parallel_loop3A_1770 = arith.constant 1 : i32
      %parallel_loop3A_1771 = arith.index_cast %parallel_loop3A_1770 : i32 to index
      %parallel_loop3A_1772 = arith.index_cast %parallel_loop3A_1746 : i32 to index
      %parallel_loop3A_1773 = arith.constant 32 : index
      %parallel_loop3A_1774 = tpu.vector_load %arg7[%parallel_loop3A_1771, %parallel_loop3A_1772, %parallel_loop3A_1773] {strides = array<i32>} : memref<2x448x128xf32, #tpu.memory_space<vmem>>, vector<16xf32>,
      tpu.vector_store %arg7[%parallel_loop3A_1771, %parallel_loop3A_1772, %parallel_loop3A_1773], %parallel_loop3A_1769 {strides = array<i32>} : memref<2x448x128xf32, #tpu.memory_space<vmem>>, vector<16xf32>,
      %parallel_loop3A_1775 = vector.shape_cast %gather3A_740 : vector<16xi32> to vector<16x1xi32>
      %parallel_loop3A_1776 = vector.shape_cast %parallel_loop3A_1775 : vector<16x1xi32> to vector<16xi32>
      %parallel_loop3A_1777 = tpu.dynamic_gather %parallel_loop3A_1750[%parallel_loop3A_1776] in [0] : vector<16xf32>, vector<16xi32> -> vector<16xf32>
      %parallel_loop3A_1778 = arith.constant 1 : i32
      %parallel_loop3A_1779 = arith.index_cast %parallel_loop3A_1778 : i32 to index
      %parallel_loop3A_1780 = arith.index_cast %parallel_loop3A_1746 : i32 to index
      %parallel_loop3A_1781 = arith.constant 48 : index
      %parallel_loop3A_1782 = tpu.vector_load %arg7[%parallel_loop3A_1779, %parallel_loop3A_1780, %parallel_loop3A_1781] {strides = array<i32>} : memref<2x448x128xf32, #tpu.memory_space<vmem>>, vector<16xf32>,
      tpu.vector_store %arg7[%parallel_loop3A_1779, %parallel_loop3A_1780, %parallel_loop3A_1781], %parallel_loop3A_1777 {strides = array<i32>} : memref<2x448x128xf32, #tpu.memory_space<vmem>>, vector<16xf32>,
      %parallel_loop3A_1783 = vector.shape_cast %gather3A_744 : vector<16xi32> to vector<16x1xi32>
      %parallel_loop3A_1784 = vector.shape_cast %parallel_loop3A_1783 : vector<16x1xi32> to vector<16xi32>
      %parallel_loop3A_1785 = tpu.dynamic_gather %parallel_loop3A_1750[%parallel_loop3A_1784] in [0] : vector<16xf32>, vector<16xi32> -> vector<16xf32>
      %parallel_loop3A_1786 = arith.constant 1 : i32
      %parallel_loop3A_1787 = arith.index_cast %parallel_loop3A_1786 : i32 to index
      %parallel_loop3A_1788 = arith.index_cast %parallel_loop3A_1746 : i32 to index
      %parallel_loop3A_1789 = arith.constant 64 : index
      %parallel_loop3A_1790 = tpu.vector_load %arg7[%parallel_loop3A_1787, %parallel_loop3A_1788, %parallel_loop3A_1789] {strides = array<i32>} : memref<2x448x128xf32, #tpu.memory_space<vmem>>, vector<16xf32>,
      tpu.vector_store %arg7[%parallel_loop3A_1787, %parallel_loop3A_1788, %parallel_loop3A_1789], %parallel_loop3A_1785 {strides = array<i32>} : memref<2x448x128xf32, #tpu.memory_space<vmem>>, vector<16xf32>,
      %parallel_loop3A_1791 = vector.shape_cast %gather3A_748 : vector<16xi32> to vector<16x1xi32>
      %parallel_loop3A_1792 = vector.shape_cast %parallel_loop3A_1791 : vector<16x1xi32> to vector<16xi32>
      %parallel_loop3A_1793 = tpu.dynamic_gather %parallel_loop3A_1750[%parallel_loop3A_1792] in [0] : vector<16xf32>, vector<16xi32> -> vector<16xf32>
      %parallel_loop3A_1794 = arith.constant 1 : i32
      %parallel_loop3A_1795 = arith.index_cast %parallel_loop3A_1794 : i32 to index
      %parallel_loop3A_1796 = arith.index_cast %parallel_loop3A_1746 : i32 to index
      %parallel_loop3A_1797 = arith.constant 80 : index
      %parallel_loop3A_1798 = tpu.vector_load %arg7[%parallel_loop3A_1795, %parallel_loop3A_1796, %parallel_loop3A_1797] {strides = array<i32>} : memref<2x448x128xf32, #tpu.memory_space<vmem>>, vector<16xf32>,
      tpu.vector_store %arg7[%parallel_loop3A_1795, %parallel_loop3A_1796, %parallel_loop3A_1797], %parallel_loop3A_1793 {strides = array<i32>} : memref<2x448x128xf32, #tpu.memory_space<vmem>>, vector<16xf32>,
      %parallel_loop3A_1799 = vector.shape_cast %gather3A_752 : vector<16xi32> to vector<16x1xi32>
      %parallel_loop3A_1800 = vector.shape_cast %parallel_loop3A_1799 : vector<16x1xi32> to vector<16xi32>
      %parallel_loop3A_1801 = tpu.dynamic_gather %parallel_loop3A_1750[%parallel_loop3A_1800] in [0] : vector<16xf32>, vector<16xi32> -> vector<16xf32>
      %parallel_loop3A_1802 = arith.constant 1 : i32
      %parallel_loop3A_1803 = arith.index_cast %parallel_loop3A_1802 : i32 to index
      %parallel_loop3A_1804 = arith.index_cast %parallel_loop3A_1746 : i32 to index
      %parallel_loop3A_1805 = arith.constant 96 : index
      %parallel_loop3A_1806 = tpu.vector_load %arg7[%parallel_loop3A_1803, %parallel_loop3A_1804, %parallel_loop3A_1805] {strides = array<i32>} : memref<2x448x128xf32, #tpu.memory_space<vmem>>, vector<16xf32>,
      tpu.vector_store %arg7[%parallel_loop3A_1803, %parallel_loop3A_1804, %parallel_loop3A_1805], %parallel_loop3A_1801 {strides = array<i32>} : memref<2x448x128xf32, #tpu.memory_space<vmem>>, vector<16xf32>,
      %parallel_loop3A_1807 = vector.shape_cast %gather3A_756 : vector<16xi32> to vector<16x1xi32>
      %parallel_loop3A_1808 = vector.shape_cast %parallel_loop3A_1807 : vector<16x1xi32> to vector<16xi32>
      %parallel_loop3A_1809 = tpu.dynamic_gather %parallel_loop3A_1750[%parallel_loop3A_1808] in [0] : vector<16xf32>, vector<16xi32> -> vector<16xf32>
      %parallel_loop3A_1810 = arith.constant 1 : i32
      %parallel_loop3A_1811 = arith.index_cast %parallel_loop3A_1810 : i32 to index
      %parallel_loop3A_1812 = arith.index_cast %parallel_loop3A_1746 : i32 to index
      %parallel_loop3A_1813 = arith.constant 112 : index
      %parallel_loop3A_1814 = tpu.vector_load %arg7[%parallel_loop3A_1811, %parallel_loop3A_1812, %parallel_loop3A_1813] {strides = array<i32>} : memref<2x448x128xf32, #tpu.memory_space<vmem>>, vector<16xf32>,
      tpu.vector_store %arg7[%parallel_loop3A_1811, %parallel_loop3A_1812, %parallel_loop3A_1813], %parallel_loop3A_1809 {strides = array<i32>} : memref<2x448x128xf32, #tpu.memory_space<vmem>>, vector<16xf32>,
    } {sc.loop_unroll_factor = 1 : i64, sc.parallel_access}
    %dma_start3A_760 = arith.constant 1 : i32
    %dma_start3A_761 = arith.constant 11 : i32
    %dma_start3A_762 = arith.constant 0 : i32
    %dma_start3A_763 = arith.constant 0 : i32
    %dma_start3A_764 = tpu.memref_slice %arg7[%dma_start3A_760, %dma_start3A_762, %dma_start3A_763] : memref<2x448x128xf32, #tpu.memory_space<vmem>> -> memref<1x448x128xf32, #tpu.memory_space<vmem>>
    %dma_start3A_765 = tpu.memref_squeeze %dma_start3A_764 : memref<1x448x128xf32, #tpu.memory_space<vmem>> -> memref<448x128xf32, #tpu.memory_space<vmem>>
    %dma_start3A_766 = arith.constant 0 : i32
    %dma_start3A_767 = tpu.memref_slice %arg4[%dma_start3A_761, %dma_start3A_766, %mul3A_2] : memref<26x448x4096xf32, #tpu.memory_space<hbm>> -> memref<1x448x128xf32, #tpu.memory_space<hbm>>
    %dma_start3A_768 = tpu.memref_squeeze %dma_start3A_767 : memref<1x448x128xf32, #tpu.memory_space<hbm>> -> memref<448x128xf32, #tpu.memory_space<hbm>>
    %dma_start3A_769 = arith.constant 0 : i32
    %dma_start3A_770 = tpu.memref_slice %arg4[%dma_start3A_761, %dma_start3A_769, %mul3A_2] : memref<26x448x4096xf32, #tpu.memory_space<hbm>> -> memref<1x448x128xf32, #tpu.memory_space<hbm>>
    %dma_start3A_771 = tpu.memref_squeeze %dma_start3A_770 : memref<1x448x128xf32, #tpu.memory_space<hbm>> -> memref<448x128xf32, #tpu.memory_space<hbm>>
    %dma_start3A_772 = arith.constant 0 : i32
    %dma_start3A_773 = arith.constant 0 : i32
    %dma_start3A_774 = tpu.memref_slice %arg7[%dma_start3A_760, %dma_start3A_772, %dma_start3A_773] : memref<2x448x128xf32, #tpu.memory_space<vmem>> -> memref<1x448x128xf32, #tpu.memory_space<vmem>>
    %dma_start3A_775 = tpu.memref_squeeze %dma_start3A_774 : memref<1x448x128xf32, #tpu.memory_space<vmem>> -> memref<448x128xf32, #tpu.memory_space<vmem>>
    tpu.enqueue_dma source(%dma_start3A_775 : memref<448x128xf32, #tpu.memory_space<vmem>>) target(%dma_start3A_771 : memref<448x128xf32, #tpu.memory_space<hbm>>) target_semaphore(%arg9 : memref<!tpu.dma_semaphore, #tpu.memory_space<semaphore_mem>>)
    %dma_wait3A_776 = arith.constant 0 : i32
    %dma_wait3A_777 = arith.constant 10 : i32
    %dma_wait3A_778 = arith.constant 0 : i32
    %dma_wait3A_779 = arith.constant 0 : i32
    %dma_wait3A_780 = tpu.memref_slice %arg7[%dma_wait3A_776, %dma_wait3A_778, %dma_wait3A_779] : memref<2x448x128xf32, #tpu.memory_space<vmem>> -> memref<1x448x128xf32, #tpu.memory_space<vmem>>
    %dma_wait3A_781 = tpu.memref_squeeze %dma_wait3A_780 : memref<1x448x128xf32, #tpu.memory_space<vmem>> -> memref<448x128xf32, #tpu.memory_space<vmem>>
    %dma_wait3A_782 = arith.constant 0 : i32
    %dma_wait3A_783 = tpu.memref_slice %arg4[%dma_wait3A_777, %dma_wait3A_782, %mul3A_2] : memref<26x448x4096xf32, #tpu.memory_space<hbm>> -> memref<1x448x128xf32, #tpu.memory_space<hbm>>
    %dma_wait3A_784 = tpu.memref_squeeze %dma_wait3A_783 : memref<1x448x128xf32, #tpu.memory_space<hbm>> -> memref<448x128xf32, #tpu.memory_space<hbm>>
    %dma_wait3A_785 = arith.constant 0 : i32
    %dma_wait3A_786 = tpu.memref_slice %arg4[%dma_wait3A_777, %dma_wait3A_785, %mul3A_2] : memref<26x448x4096xf32, #tpu.memory_space<hbm>> -> memref<1x448x128xf32, #tpu.memory_space<hbm>>
    %dma_wait3A_787 = tpu.memref_squeeze %dma_wait3A_786 : memref<1x448x128xf32, #tpu.memory_space<hbm>> -> memref<448x128xf32, #tpu.memory_space<hbm>>
    %dma_wait3A_788 = arith.constant 0 : i32
    %dma_wait3A_789 = arith.constant 0 : i32
    %dma_wait3A_790 = tpu.memref_slice %arg7[%dma_wait3A_776, %dma_wait3A_788, %dma_wait3A_789] : memref<2x448x128xf32, #tpu.memory_space<vmem>> -> memref<1x448x128xf32, #tpu.memory_space<vmem>>
    %dma_wait3A_791 = tpu.memref_squeeze %dma_wait3A_790 : memref<1x448x128xf32, #tpu.memory_space<vmem>> -> memref<448x128xf32, #tpu.memory_space<vmem>>
    tpu.wait_dma2 semaphore(%arg8 : memref<!tpu.dma_semaphore, #tpu.memory_space<semaphore_mem>>) src(%dma_wait3A_791 : memref<448x128xf32, #tpu.memory_space<vmem>>) dst(%dma_wait3A_787 : memref<448x128xf32, #tpu.memory_space<hbm>>)
    %add3A_792 = arith.constant 12 : i32
    %add3A_793 = vector.broadcast %add3A_792 : i32 to vector<16xi32>
    %add3A_794 = arith.addi %mul3A_7, %add3A_793 : vector<16xi32>
    %gather3A_795 = tpu.vector_load_idx %arg5[%add3A_794] : memref<3328xi32, #tpu.memory_space<vmem>>[vector<16xi32>], vector<16xi32>,
    %add3A_796 = arith.constant 428 : i32
    %add3A_797 = vector.broadcast %add3A_796 : i32 to vector<16xi32>
    %add3A_798 = arith.addi %mul3A_7, %add3A_797 : vector<16xi32>
    %gather3A_799 = tpu.vector_load_idx %arg5[%add3A_798] : memref<3328xi32, #tpu.memory_space<vmem>>[vector<16xi32>], vector<16xi32>,
    %add3A_800 = arith.constant 844 : i32
    %add3A_801 = vector.broadcast %add3A_800 : i32 to vector<16xi32>
    %add3A_802 = arith.addi %mul3A_7, %add3A_801 : vector<16xi32>
    %gather3A_803 = tpu.vector_load_idx %arg5[%add3A_802] : memref<3328xi32, #tpu.memory_space<vmem>>[vector<16xi32>], vector<16xi32>,
    %add3A_804 = arith.constant 1260 : i32
    %add3A_805 = vector.broadcast %add3A_804 : i32 to vector<16xi32>
    %add3A_806 = arith.addi %mul3A_7, %add3A_805 : vector<16xi32>
    %gather3A_807 = tpu.vector_load_idx %arg5[%add3A_806] : memref<3328xi32, #tpu.memory_space<vmem>>[vector<16xi32>], vector<16xi32>,
    %add3A_808 = arith.constant 1676 : i32
    %add3A_809 = vector.broadcast %add3A_808 : i32 to vector<16xi32>
    %add3A_810 = arith.addi %mul3A_7, %add3A_809 : vector<16xi32>
    %gather3A_811 = tpu.vector_load_idx %arg5[%add3A_810] : memref<3328xi32, #tpu.memory_space<vmem>>[vector<16xi32>], vector<16xi32>,
    %add3A_812 = arith.constant 2092 : i32
    %add3A_813 = vector.broadcast %add3A_812 : i32 to vector<16xi32>
    %add3A_814 = arith.addi %mul3A_7, %add3A_813 : vector<16xi32>
    %gather3A_815 = tpu.vector_load_idx %arg5[%add3A_814] : memref<3328xi32, #tpu.memory_space<vmem>>[vector<16xi32>], vector<16xi32>,
    %add3A_816 = arith.constant 2508 : i32
    %add3A_817 = vector.broadcast %add3A_816 : i32 to vector<16xi32>
    %add3A_818 = arith.addi %mul3A_7, %add3A_817 : vector<16xi32>
    %gather3A_819 = tpu.vector_load_idx %arg5[%add3A_818] : memref<3328xi32, #tpu.memory_space<vmem>>[vector<16xi32>], vector<16xi32>,
    %add3A_820 = arith.constant 2924 : i32
    %add3A_821 = vector.broadcast %add3A_820 : i32 to vector<16xi32>
    %add3A_822 = arith.addi %mul3A_7, %add3A_821 : vector<16xi32>
    %gather3A_823 = tpu.vector_load_idx %arg5[%add3A_822] : memref<3328xi32, #tpu.memory_space<vmem>>[vector<16xi32>], vector<16xi32>,
    %parallel_loop3A_824 = arith.constant 0 : i32
    %parallel_loop3A_825 = arith.constant 448 : i32
    %parallel_loop3A_826 = arith.constant 1 : i32
    scf.for %parallel_loop3A_1746 = %parallel_loop3A_824 to %parallel_loop3A_825 step %parallel_loop3A_826  : i32 {
      %parallel_loop3A_1747 = arith.constant 16 : i32
      %parallel_loop3A_1748 = arith.muli %parallel_loop3A_1746, %parallel_loop3A_1747 : i32
      %parallel_loop3A_1749 = arith.index_cast %parallel_loop3A_1748 : i32 to index
      %parallel_loop3A_1750 = tpu.vector_load %arg6[%parallel_loop3A_1749] {strides = array<i32>} : memref<7168xf32, #tpu.memory_space<vmem>>, vector<16xf32>,
      %parallel_loop3A_1751 = vector.shape_cast %gather3A_795 : vector<16xi32> to vector<16x1xi32>
      %parallel_loop3A_1752 = vector.shape_cast %parallel_loop3A_1751 : vector<16x1xi32> to vector<16xi32>
      %parallel_loop3A_1753 = tpu.dynamic_gather %parallel_loop3A_1750[%parallel_loop3A_1752] in [0] : vector<16xf32>, vector<16xi32> -> vector<16xf32>
      %parallel_loop3A_1754 = arith.constant 0 : i32
      %parallel_loop3A_1755 = arith.index_cast %parallel_loop3A_1754 : i32 to index
      %parallel_loop3A_1756 = arith.index_cast %parallel_loop3A_1746 : i32 to index
      %parallel_loop3A_1757 = arith.constant 0 : index
      %parallel_loop3A_1758 = tpu.vector_load %arg7[%parallel_loop3A_1755, %parallel_loop3A_1756, %parallel_loop3A_1757] {strides = array<i32>} : memref<2x448x128xf32, #tpu.memory_space<vmem>>, vector<16xf32>,
      tpu.vector_store %arg7[%parallel_loop3A_1755, %parallel_loop3A_1756, %parallel_loop3A_1757], %parallel_loop3A_1753 {strides = array<i32>} : memref<2x448x128xf32, #tpu.memory_space<vmem>>, vector<16xf32>,
      %parallel_loop3A_1759 = vector.shape_cast %gather3A_799 : vector<16xi32> to vector<16x1xi32>
      %parallel_loop3A_1760 = vector.shape_cast %parallel_loop3A_1759 : vector<16x1xi32> to vector<16xi32>
      %parallel_loop3A_1761 = tpu.dynamic_gather %parallel_loop3A_1750[%parallel_loop3A_1760] in [0] : vector<16xf32>, vector<16xi32> -> vector<16xf32>
      %parallel_loop3A_1762 = arith.constant 0 : i32
      %parallel_loop3A_1763 = arith.index_cast %parallel_loop3A_1762 : i32 to index
      %parallel_loop3A_1764 = arith.index_cast %parallel_loop3A_1746 : i32 to index
      %parallel_loop3A_1765 = arith.constant 16 : index
      %parallel_loop3A_1766 = tpu.vector_load %arg7[%parallel_loop3A_1763, %parallel_loop3A_1764, %parallel_loop3A_1765] {strides = array<i32>} : memref<2x448x128xf32, #tpu.memory_space<vmem>>, vector<16xf32>,
      tpu.vector_store %arg7[%parallel_loop3A_1763, %parallel_loop3A_1764, %parallel_loop3A_1765], %parallel_loop3A_1761 {strides = array<i32>} : memref<2x448x128xf32, #tpu.memory_space<vmem>>, vector<16xf32>,
      %parallel_loop3A_1767 = vector.shape_cast %gather3A_803 : vector<16xi32> to vector<16x1xi32>
      %parallel_loop3A_1768 = vector.shape_cast %parallel_loop3A_1767 : vector<16x1xi32> to vector<16xi32>
      %parallel_loop3A_1769 = tpu.dynamic_gather %parallel_loop3A_1750[%parallel_loop3A_1768] in [0] : vector<16xf32>, vector<16xi32> -> vector<16xf32>
      %parallel_loop3A_1770 = arith.constant 0 : i32
      %parallel_loop3A_1771 = arith.index_cast %parallel_loop3A_1770 : i32 to index
      %parallel_loop3A_1772 = arith.index_cast %parallel_loop3A_1746 : i32 to index
      %parallel_loop3A_1773 = arith.constant 32 : index
      %parallel_loop3A_1774 = tpu.vector_load %arg7[%parallel_loop3A_1771, %parallel_loop3A_1772, %parallel_loop3A_1773] {strides = array<i32>} : memref<2x448x128xf32, #tpu.memory_space<vmem>>, vector<16xf32>,
      tpu.vector_store %arg7[%parallel_loop3A_1771, %parallel_loop3A_1772, %parallel_loop3A_1773], %parallel_loop3A_1769 {strides = array<i32>} : memref<2x448x128xf32, #tpu.memory_space<vmem>>, vector<16xf32>,
      %parallel_loop3A_1775 = vector.shape_cast %gather3A_807 : vector<16xi32> to vector<16x1xi32>
      %parallel_loop3A_1776 = vector.shape_cast %parallel_loop3A_1775 : vector<16x1xi32> to vector<16xi32>
      %parallel_loop3A_1777 = tpu.dynamic_gather %parallel_loop3A_1750[%parallel_loop3A_1776] in [0] : vector<16xf32>, vector<16xi32> -> vector<16xf32>
      %parallel_loop3A_1778 = arith.constant 0 : i32
      %parallel_loop3A_1779 = arith.index_cast %parallel_loop3A_1778 : i32 to index
      %parallel_loop3A_1780 = arith.index_cast %parallel_loop3A_1746 : i32 to index
      %parallel_loop3A_1781 = arith.constant 48 : index
      %parallel_loop3A_1782 = tpu.vector_load %arg7[%parallel_loop3A_1779, %parallel_loop3A_1780, %parallel_loop3A_1781] {strides = array<i32>} : memref<2x448x128xf32, #tpu.memory_space<vmem>>, vector<16xf32>,
      tpu.vector_store %arg7[%parallel_loop3A_1779, %parallel_loop3A_1780, %parallel_loop3A_1781], %parallel_loop3A_1777 {strides = array<i32>} : memref<2x448x128xf32, #tpu.memory_space<vmem>>, vector<16xf32>,
      %parallel_loop3A_1783 = vector.shape_cast %gather3A_811 : vector<16xi32> to vector<16x1xi32>
      %parallel_loop3A_1784 = vector.shape_cast %parallel_loop3A_1783 : vector<16x1xi32> to vector<16xi32>
      %parallel_loop3A_1785 = tpu.dynamic_gather %parallel_loop3A_1750[%parallel_loop3A_1784] in [0] : vector<16xf32>, vector<16xi32> -> vector<16xf32>
      %parallel_loop3A_1786 = arith.constant 0 : i32
      %parallel_loop3A_1787 = arith.index_cast %parallel_loop3A_1786 : i32 to index
      %parallel_loop3A_1788 = arith.index_cast %parallel_loop3A_1746 : i32 to index
      %parallel_loop3A_1789 = arith.constant 64 : index
      %parallel_loop3A_1790 = tpu.vector_load %arg7[%parallel_loop3A_1787, %parallel_loop3A_1788, %parallel_loop3A_1789] {strides = array<i32>} : memref<2x448x128xf32, #tpu.memory_space<vmem>>, vector<16xf32>,
      tpu.vector_store %arg7[%parallel_loop3A_1787, %parallel_loop3A_1788, %parallel_loop3A_1789], %parallel_loop3A_1785 {strides = array<i32>} : memref<2x448x128xf32, #tpu.memory_space<vmem>>, vector<16xf32>,
      %parallel_loop3A_1791 = vector.shape_cast %gather3A_815 : vector<16xi32> to vector<16x1xi32>
      %parallel_loop3A_1792 = vector.shape_cast %parallel_loop3A_1791 : vector<16x1xi32> to vector<16xi32>
      %parallel_loop3A_1793 = tpu.dynamic_gather %parallel_loop3A_1750[%parallel_loop3A_1792] in [0] : vector<16xf32>, vector<16xi32> -> vector<16xf32>
      %parallel_loop3A_1794 = arith.constant 0 : i32
      %parallel_loop3A_1795 = arith.index_cast %parallel_loop3A_1794 : i32 to index
      %parallel_loop3A_1796 = arith.index_cast %parallel_loop3A_1746 : i32 to index
      %parallel_loop3A_1797 = arith.constant 80 : index
      %parallel_loop3A_1798 = tpu.vector_load %arg7[%parallel_loop3A_1795, %parallel_loop3A_1796, %parallel_loop3A_1797] {strides = array<i32>} : memref<2x448x128xf32, #tpu.memory_space<vmem>>, vector<16xf32>,
      tpu.vector_store %arg7[%parallel_loop3A_1795, %parallel_loop3A_1796, %parallel_loop3A_1797], %parallel_loop3A_1793 {strides = array<i32>} : memref<2x448x128xf32, #tpu.memory_space<vmem>>, vector<16xf32>,
      %parallel_loop3A_1799 = vector.shape_cast %gather3A_819 : vector<16xi32> to vector<16x1xi32>
      %parallel_loop3A_1800 = vector.shape_cast %parallel_loop3A_1799 : vector<16x1xi32> to vector<16xi32>
      %parallel_loop3A_1801 = tpu.dynamic_gather %parallel_loop3A_1750[%parallel_loop3A_1800] in [0] : vector<16xf32>, vector<16xi32> -> vector<16xf32>
      %parallel_loop3A_1802 = arith.constant 0 : i32
      %parallel_loop3A_1803 = arith.index_cast %parallel_loop3A_1802 : i32 to index
      %parallel_loop3A_1804 = arith.index_cast %parallel_loop3A_1746 : i32 to index
      %parallel_loop3A_1805 = arith.constant 96 : index
      %parallel_loop3A_1806 = tpu.vector_load %arg7[%parallel_loop3A_1803, %parallel_loop3A_1804, %parallel_loop3A_1805] {strides = array<i32>} : memref<2x448x128xf32, #tpu.memory_space<vmem>>, vector<16xf32>,
      tpu.vector_store %arg7[%parallel_loop3A_1803, %parallel_loop3A_1804, %parallel_loop3A_1805], %parallel_loop3A_1801 {strides = array<i32>} : memref<2x448x128xf32, #tpu.memory_space<vmem>>, vector<16xf32>,
      %parallel_loop3A_1807 = vector.shape_cast %gather3A_823 : vector<16xi32> to vector<16x1xi32>
      %parallel_loop3A_1808 = vector.shape_cast %parallel_loop3A_1807 : vector<16x1xi32> to vector<16xi32>
      %parallel_loop3A_1809 = tpu.dynamic_gather %parallel_loop3A_1750[%parallel_loop3A_1808] in [0] : vector<16xf32>, vector<16xi32> -> vector<16xf32>
      %parallel_loop3A_1810 = arith.constant 0 : i32
      %parallel_loop3A_1811 = arith.index_cast %parallel_loop3A_1810 : i32 to index
      %parallel_loop3A_1812 = arith.index_cast %parallel_loop3A_1746 : i32 to index
      %parallel_loop3A_1813 = arith.constant 112 : index
      %parallel_loop3A_1814 = tpu.vector_load %arg7[%parallel_loop3A_1811, %parallel_loop3A_1812, %parallel_loop3A_1813] {strides = array<i32>} : memref<2x448x128xf32, #tpu.memory_space<vmem>>, vector<16xf32>,
      tpu.vector_store %arg7[%parallel_loop3A_1811, %parallel_loop3A_1812, %parallel_loop3A_1813], %parallel_loop3A_1809 {strides = array<i32>} : memref<2x448x128xf32, #tpu.memory_space<vmem>>, vector<16xf32>,
    } {sc.loop_unroll_factor = 1 : i64, sc.parallel_access}
    %dma_start3A_827 = arith.constant 0 : i32
    %dma_start3A_828 = arith.constant 12 : i32
    %dma_start3A_829 = arith.constant 0 : i32
    %dma_start3A_830 = arith.constant 0 : i32
    %dma_start3A_831 = tpu.memref_slice %arg7[%dma_start3A_827, %dma_start3A_829, %dma_start3A_830] : memref<2x448x128xf32, #tpu.memory_space<vmem>> -> memref<1x448x128xf32, #tpu.memory_space<vmem>>
    %dma_start3A_832 = tpu.memref_squeeze %dma_start3A_831 : memref<1x448x128xf32, #tpu.memory_space<vmem>> -> memref<448x128xf32, #tpu.memory_space<vmem>>
    %dma_start3A_833 = arith.constant 0 : i32
    %dma_start3A_834 = tpu.memref_slice %arg4[%dma_start3A_828, %dma_start3A_833, %mul3A_2] : memref<26x448x4096xf32, #tpu.memory_space<hbm>> -> memref<1x448x128xf32, #tpu.memory_space<hbm>>
    %dma_start3A_835 = tpu.memref_squeeze %dma_start3A_834 : memref<1x448x128xf32, #tpu.memory_space<hbm>> -> memref<448x128xf32, #tpu.memory_space<hbm>>
    %dma_start3A_836 = arith.constant 0 : i32
    %dma_start3A_837 = tpu.memref_slice %arg4[%dma_start3A_828, %dma_start3A_836, %mul3A_2] : memref<26x448x4096xf32, #tpu.memory_space<hbm>> -> memref<1x448x128xf32, #tpu.memory_space<hbm>>
    %dma_start3A_838 = tpu.memref_squeeze %dma_start3A_837 : memref<1x448x128xf32, #tpu.memory_space<hbm>> -> memref<448x128xf32, #tpu.memory_space<hbm>>
    %dma_start3A_839 = arith.constant 0 : i32
    %dma_start3A_840 = arith.constant 0 : i32
    %dma_start3A_841 = tpu.memref_slice %arg7[%dma_start3A_827, %dma_start3A_839, %dma_start3A_840] : memref<2x448x128xf32, #tpu.memory_space<vmem>> -> memref<1x448x128xf32, #tpu.memory_space<vmem>>
    %dma_start3A_842 = tpu.memref_squeeze %dma_start3A_841 : memref<1x448x128xf32, #tpu.memory_space<vmem>> -> memref<448x128xf32, #tpu.memory_space<vmem>>
    tpu.enqueue_dma source(%dma_start3A_842 : memref<448x128xf32, #tpu.memory_space<vmem>>) target(%dma_start3A_838 : memref<448x128xf32, #tpu.memory_space<hbm>>) target_semaphore(%arg8 : memref<!tpu.dma_semaphore, #tpu.memory_space<semaphore_mem>>)
    %dma_wait3A_843 = arith.constant 1 : i32
    %dma_wait3A_844 = arith.constant 11 : i32
    %dma_wait3A_845 = arith.constant 0 : i32
    %dma_wait3A_846 = arith.constant 0 : i32
    %dma_wait3A_847 = tpu.memref_slice %arg7[%dma_wait3A_843, %dma_wait3A_845, %dma_wait3A_846] : memref<2x448x128xf32, #tpu.memory_space<vmem>> -> memref<1x448x128xf32, #tpu.memory_space<vmem>>
    %dma_wait3A_848 = tpu.memref_squeeze %dma_wait3A_847 : memref<1x448x128xf32, #tpu.memory_space<vmem>> -> memref<448x128xf32, #tpu.memory_space<vmem>>
    %dma_wait3A_849 = arith.constant 0 : i32
    %dma_wait3A_850 = tpu.memref_slice %arg4[%dma_wait3A_844, %dma_wait3A_849, %mul3A_2] : memref<26x448x4096xf32, #tpu.memory_space<hbm>> -> memref<1x448x128xf32, #tpu.memory_space<hbm>>
    %dma_wait3A_851 = tpu.memref_squeeze %dma_wait3A_850 : memref<1x448x128xf32, #tpu.memory_space<hbm>> -> memref<448x128xf32, #tpu.memory_space<hbm>>
    %dma_wait3A_852 = arith.constant 0 : i32
    %dma_wait3A_853 = tpu.memref_slice %arg4[%dma_wait3A_844, %dma_wait3A_852, %mul3A_2] : memref<26x448x4096xf32, #tpu.memory_space<hbm>> -> memref<1x448x128xf32, #tpu.memory_space<hbm>>
    %dma_wait3A_854 = tpu.memref_squeeze %dma_wait3A_853 : memref<1x448x128xf32, #tpu.memory_space<hbm>> -> memref<448x128xf32, #tpu.memory_space<hbm>>
    %dma_wait3A_855 = arith.constant 0 : i32
    %dma_wait3A_856 = arith.constant 0 : i32
    %dma_wait3A_857 = tpu.memref_slice %arg7[%dma_wait3A_843, %dma_wait3A_855, %dma_wait3A_856] : memref<2x448x128xf32, #tpu.memory_space<vmem>> -> memref<1x448x128xf32, #tpu.memory_space<vmem>>
    %dma_wait3A_858 = tpu.memref_squeeze %dma_wait3A_857 : memref<1x448x128xf32, #tpu.memory_space<vmem>> -> memref<448x128xf32, #tpu.memory_space<vmem>>
    tpu.wait_dma2 semaphore(%arg9 : memref<!tpu.dma_semaphore, #tpu.memory_space<semaphore_mem>>) src(%dma_wait3A_858 : memref<448x128xf32, #tpu.memory_space<vmem>>) dst(%dma_wait3A_854 : memref<448x128xf32, #tpu.memory_space<hbm>>)
    %add3A_859 = arith.constant 13 : i32
    %add3A_860 = vector.broadcast %add3A_859 : i32 to vector<16xi32>
    %add3A_861 = arith.addi %mul3A_7, %add3A_860 : vector<16xi32>
    %gather3A_862 = tpu.vector_load_idx %arg5[%add3A_861] : memref<3328xi32, #tpu.memory_space<vmem>>[vector<16xi32>], vector<16xi32>,
    %add3A_863 = arith.constant 429 : i32
    %add3A_864 = vector.broadcast %add3A_863 : i32 to vector<16xi32>
    %add3A_865 = arith.addi %mul3A_7, %add3A_864 : vector<16xi32>
    %gather3A_866 = tpu.vector_load_idx %arg5[%add3A_865] : memref<3328xi32, #tpu.memory_space<vmem>>[vector<16xi32>], vector<16xi32>,
    %add3A_867 = arith.constant 845 : i32
    %add3A_868 = vector.broadcast %add3A_867 : i32 to vector<16xi32>
    %add3A_869 = arith.addi %mul3A_7, %add3A_868 : vector<16xi32>
    %gather3A_870 = tpu.vector_load_idx %arg5[%add3A_869] : memref<3328xi32, #tpu.memory_space<vmem>>[vector<16xi32>], vector<16xi32>,
    %add3A_871 = arith.constant 1261 : i32
    %add3A_872 = vector.broadcast %add3A_871 : i32 to vector<16xi32>
    %add3A_873 = arith.addi %mul3A_7, %add3A_872 : vector<16xi32>
    %gather3A_874 = tpu.vector_load_idx %arg5[%add3A_873] : memref<3328xi32, #tpu.memory_space<vmem>>[vector<16xi32>], vector<16xi32>,
    %add3A_875 = arith.constant 1677 : i32
    %add3A_876 = vector.broadcast %add3A_875 : i32 to vector<16xi32>
    %add3A_877 = arith.addi %mul3A_7, %add3A_876 : vector<16xi32>
    %gather3A_878 = tpu.vector_load_idx %arg5[%add3A_877] : memref<3328xi32, #tpu.memory_space<vmem>>[vector<16xi32>], vector<16xi32>,
    %add3A_879 = arith.constant 2093 : i32
    %add3A_880 = vector.broadcast %add3A_879 : i32 to vector<16xi32>
    %add3A_881 = arith.addi %mul3A_7, %add3A_880 : vector<16xi32>
    %gather3A_882 = tpu.vector_load_idx %arg5[%add3A_881] : memref<3328xi32, #tpu.memory_space<vmem>>[vector<16xi32>], vector<16xi32>,
    %add3A_883 = arith.constant 2509 : i32
    %add3A_884 = vector.broadcast %add3A_883 : i32 to vector<16xi32>
    %add3A_885 = arith.addi %mul3A_7, %add3A_884 : vector<16xi32>
    %gather3A_886 = tpu.vector_load_idx %arg5[%add3A_885] : memref<3328xi32, #tpu.memory_space<vmem>>[vector<16xi32>], vector<16xi32>,
    %add3A_887 = arith.constant 2925 : i32
    %add3A_888 = vector.broadcast %add3A_887 : i32 to vector<16xi32>
    %add3A_889 = arith.addi %mul3A_7, %add3A_888 : vector<16xi32>
    %gather3A_890 = tpu.vector_load_idx %arg5[%add3A_889] : memref<3328xi32, #tpu.memory_space<vmem>>[vector<16xi32>], vector<16xi32>,
    %parallel_loop3A_891 = arith.constant 0 : i32
    %parallel_loop3A_892 = arith.constant 448 : i32
    %parallel_loop3A_893 = arith.constant 1 : i32
    scf.for %parallel_loop3A_1746 = %parallel_loop3A_891 to %parallel_loop3A_892 step %parallel_loop3A_893  : i32 {
      %parallel_loop3A_1747 = arith.constant 16 : i32
      %parallel_loop3A_1748 = arith.muli %parallel_loop3A_1746, %parallel_loop3A_1747 : i32
      %parallel_loop3A_1749 = arith.index_cast %parallel_loop3A_1748 : i32 to index
      %parallel_loop3A_1750 = tpu.vector_load %arg6[%parallel_loop3A_1749] {strides = array<i32>} : memref<7168xf32, #tpu.memory_space<vmem>>, vector<16xf32>,
      %parallel_loop3A_1751 = vector.shape_cast %gather3A_862 : vector<16xi32> to vector<16x1xi32>
      %parallel_loop3A_1752 = vector.shape_cast %parallel_loop3A_1751 : vector<16x1xi32> to vector<16xi32>
      %parallel_loop3A_1753 = tpu.dynamic_gather %parallel_loop3A_1750[%parallel_loop3A_1752] in [0] : vector<16xf32>, vector<16xi32> -> vector<16xf32>
      %parallel_loop3A_1754 = arith.constant 1 : i32
      %parallel_loop3A_1755 = arith.index_cast %parallel_loop3A_1754 : i32 to index
      %parallel_loop3A_1756 = arith.index_cast %parallel_loop3A_1746 : i32 to index
      %parallel_loop3A_1757 = arith.constant 0 : index
      %parallel_loop3A_1758 = tpu.vector_load %arg7[%parallel_loop3A_1755, %parallel_loop3A_1756, %parallel_loop3A_1757] {strides = array<i32>} : memref<2x448x128xf32, #tpu.memory_space<vmem>>, vector<16xf32>,
      tpu.vector_store %arg7[%parallel_loop3A_1755, %parallel_loop3A_1756, %parallel_loop3A_1757], %parallel_loop3A_1753 {strides = array<i32>} : memref<2x448x128xf32, #tpu.memory_space<vmem>>, vector<16xf32>,
      %parallel_loop3A_1759 = vector.shape_cast %gather3A_866 : vector<16xi32> to vector<16x1xi32>
      %parallel_loop3A_1760 = vector.shape_cast %parallel_loop3A_1759 : vector<16x1xi32> to vector<16xi32>
      %parallel_loop3A_1761 = tpu.dynamic_gather %parallel_loop3A_1750[%parallel_loop3A_1760] in [0] : vector<16xf32>, vector<16xi32> -> vector<16xf32>
      %parallel_loop3A_1762 = arith.constant 1 : i32
      %parallel_loop3A_1763 = arith.index_cast %parallel_loop3A_1762 : i32 to index
      %parallel_loop3A_1764 = arith.index_cast %parallel_loop3A_1746 : i32 to index
      %parallel_loop3A_1765 = arith.constant 16 : index
      %parallel_loop3A_1766 = tpu.vector_load %arg7[%parallel_loop3A_1763, %parallel_loop3A_1764, %parallel_loop3A_1765] {strides = array<i32>} : memref<2x448x128xf32, #tpu.memory_space<vmem>>, vector<16xf32>,
      tpu.vector_store %arg7[%parallel_loop3A_1763, %parallel_loop3A_1764, %parallel_loop3A_1765], %parallel_loop3A_1761 {strides = array<i32>} : memref<2x448x128xf32, #tpu.memory_space<vmem>>, vector<16xf32>,
      %parallel_loop3A_1767 = vector.shape_cast %gather3A_870 : vector<16xi32> to vector<16x1xi32>
      %parallel_loop3A_1768 = vector.shape_cast %parallel_loop3A_1767 : vector<16x1xi32> to vector<16xi32>
      %parallel_loop3A_1769 = tpu.dynamic_gather %parallel_loop3A_1750[%parallel_loop3A_1768] in [0] : vector<16xf32>, vector<16xi32> -> vector<16xf32>
      %parallel_loop3A_1770 = arith.constant 1 : i32
      %parallel_loop3A_1771 = arith.index_cast %parallel_loop3A_1770 : i32 to index
      %parallel_loop3A_1772 = arith.index_cast %parallel_loop3A_1746 : i32 to index
      %parallel_loop3A_1773 = arith.constant 32 : index
      %parallel_loop3A_1774 = tpu.vector_load %arg7[%parallel_loop3A_1771, %parallel_loop3A_1772, %parallel_loop3A_1773] {strides = array<i32>} : memref<2x448x128xf32, #tpu.memory_space<vmem>>, vector<16xf32>,
      tpu.vector_store %arg7[%parallel_loop3A_1771, %parallel_loop3A_1772, %parallel_loop3A_1773], %parallel_loop3A_1769 {strides = array<i32>} : memref<2x448x128xf32, #tpu.memory_space<vmem>>, vector<16xf32>,
      %parallel_loop3A_1775 = vector.shape_cast %gather3A_874 : vector<16xi32> to vector<16x1xi32>
      %parallel_loop3A_1776 = vector.shape_cast %parallel_loop3A_1775 : vector<16x1xi32> to vector<16xi32>
      %parallel_loop3A_1777 = tpu.dynamic_gather %parallel_loop3A_1750[%parallel_loop3A_1776] in [0] : vector<16xf32>, vector<16xi32> -> vector<16xf32>
      %parallel_loop3A_1778 = arith.constant 1 : i32
      %parallel_loop3A_1779 = arith.index_cast %parallel_loop3A_1778 : i32 to index
      %parallel_loop3A_1780 = arith.index_cast %parallel_loop3A_1746 : i32 to index
      %parallel_loop3A_1781 = arith.constant 48 : index
      %parallel_loop3A_1782 = tpu.vector_load %arg7[%parallel_loop3A_1779, %parallel_loop3A_1780, %parallel_loop3A_1781] {strides = array<i32>} : memref<2x448x128xf32, #tpu.memory_space<vmem>>, vector<16xf32>,
      tpu.vector_store %arg7[%parallel_loop3A_1779, %parallel_loop3A_1780, %parallel_loop3A_1781], %parallel_loop3A_1777 {strides = array<i32>} : memref<2x448x128xf32, #tpu.memory_space<vmem>>, vector<16xf32>,
      %parallel_loop3A_1783 = vector.shape_cast %gather3A_878 : vector<16xi32> to vector<16x1xi32>
      %parallel_loop3A_1784 = vector.shape_cast %parallel_loop3A_1783 : vector<16x1xi32> to vector<16xi32>
      %parallel_loop3A_1785 = tpu.dynamic_gather %parallel_loop3A_1750[%parallel_loop3A_1784] in [0] : vector<16xf32>, vector<16xi32> -> vector<16xf32>
      %parallel_loop3A_1786 = arith.constant 1 : i32
      %parallel_loop3A_1787 = arith.index_cast %parallel_loop3A_1786 : i32 to index
      %parallel_loop3A_1788 = arith.index_cast %parallel_loop3A_1746 : i32 to index
      %parallel_loop3A_1789 = arith.constant 64 : index
      %parallel_loop3A_1790 = tpu.vector_load %arg7[%parallel_loop3A_1787, %parallel_loop3A_1788, %parallel_loop3A_1789] {strides = array<i32>} : memref<2x448x128xf32, #tpu.memory_space<vmem>>, vector<16xf32>,
      tpu.vector_store %arg7[%parallel_loop3A_1787, %parallel_loop3A_1788, %parallel_loop3A_1789], %parallel_loop3A_1785 {strides = array<i32>} : memref<2x448x128xf32, #tpu.memory_space<vmem>>, vector<16xf32>,
      %parallel_loop3A_1791 = vector.shape_cast %gather3A_882 : vector<16xi32> to vector<16x1xi32>
      %parallel_loop3A_1792 = vector.shape_cast %parallel_loop3A_1791 : vector<16x1xi32> to vector<16xi32>
      %parallel_loop3A_1793 = tpu.dynamic_gather %parallel_loop3A_1750[%parallel_loop3A_1792] in [0] : vector<16xf32>, vector<16xi32> -> vector<16xf32>
      %parallel_loop3A_1794 = arith.constant 1 : i32
      %parallel_loop3A_1795 = arith.index_cast %parallel_loop3A_1794 : i32 to index
      %parallel_loop3A_1796 = arith.index_cast %parallel_loop3A_1746 : i32 to index
      %parallel_loop3A_1797 = arith.constant 80 : index
      %parallel_loop3A_1798 = tpu.vector_load %arg7[%parallel_loop3A_1795, %parallel_loop3A_1796, %parallel_loop3A_1797] {strides = array<i32>} : memref<2x448x128xf32, #tpu.memory_space<vmem>>, vector<16xf32>,
      tpu.vector_store %arg7[%parallel_loop3A_1795, %parallel_loop3A_1796, %parallel_loop3A_1797], %parallel_loop3A_1793 {strides = array<i32>} : memref<2x448x128xf32, #tpu.memory_space<vmem>>, vector<16xf32>,
      %parallel_loop3A_1799 = vector.shape_cast %gather3A_886 : vector<16xi32> to vector<16x1xi32>
      %parallel_loop3A_1800 = vector.shape_cast %parallel_loop3A_1799 : vector<16x1xi32> to vector<16xi32>
      %parallel_loop3A_1801 = tpu.dynamic_gather %parallel_loop3A_1750[%parallel_loop3A_1800] in [0] : vector<16xf32>, vector<16xi32> -> vector<16xf32>
      %parallel_loop3A_1802 = arith.constant 1 : i32
      %parallel_loop3A_1803 = arith.index_cast %parallel_loop3A_1802 : i32 to index
      %parallel_loop3A_1804 = arith.index_cast %parallel_loop3A_1746 : i32 to index
      %parallel_loop3A_1805 = arith.constant 96 : index
      %parallel_loop3A_1806 = tpu.vector_load %arg7[%parallel_loop3A_1803, %parallel_loop3A_1804, %parallel_loop3A_1805] {strides = array<i32>} : memref<2x448x128xf32, #tpu.memory_space<vmem>>, vector<16xf32>,
      tpu.vector_store %arg7[%parallel_loop3A_1803, %parallel_loop3A_1804, %parallel_loop3A_1805], %parallel_loop3A_1801 {strides = array<i32>} : memref<2x448x128xf32, #tpu.memory_space<vmem>>, vector<16xf32>,
      %parallel_loop3A_1807 = vector.shape_cast %gather3A_890 : vector<16xi32> to vector<16x1xi32>
      %parallel_loop3A_1808 = vector.shape_cast %parallel_loop3A_1807 : vector<16x1xi32> to vector<16xi32>
      %parallel_loop3A_1809 = tpu.dynamic_gather %parallel_loop3A_1750[%parallel_loop3A_1808] in [0] : vector<16xf32>, vector<16xi32> -> vector<16xf32>
      %parallel_loop3A_1810 = arith.constant 1 : i32
      %parallel_loop3A_1811 = arith.index_cast %parallel_loop3A_1810 : i32 to index
      %parallel_loop3A_1812 = arith.index_cast %parallel_loop3A_1746 : i32 to index
      %parallel_loop3A_1813 = arith.constant 112 : index
      %parallel_loop3A_1814 = tpu.vector_load %arg7[%parallel_loop3A_1811, %parallel_loop3A_1812, %parallel_loop3A_1813] {strides = array<i32>} : memref<2x448x128xf32, #tpu.memory_space<vmem>>, vector<16xf32>,
      tpu.vector_store %arg7[%parallel_loop3A_1811, %parallel_loop3A_1812, %parallel_loop3A_1813], %parallel_loop3A_1809 {strides = array<i32>} : memref<2x448x128xf32, #tpu.memory_space<vmem>>, vector<16xf32>,
    } {sc.loop_unroll_factor = 1 : i64, sc.parallel_access}
    %dma_start3A_894 = arith.constant 1 : i32
    %dma_start3A_895 = arith.constant 13 : i32
    %dma_start3A_896 = arith.constant 0 : i32
    %dma_start3A_897 = arith.constant 0 : i32
    %dma_start3A_898 = tpu.memref_slice %arg7[%dma_start3A_894, %dma_start3A_896, %dma_start3A_897] : memref<2x448x128xf32, #tpu.memory_space<vmem>> -> memref<1x448x128xf32, #tpu.memory_space<vmem>>
    %dma_start3A_899 = tpu.memref_squeeze %dma_start3A_898 : memref<1x448x128xf32, #tpu.memory_space<vmem>> -> memref<448x128xf32, #tpu.memory_space<vmem>>
    %dma_start3A_900 = arith.constant 0 : i32
    %dma_start3A_901 = tpu.memref_slice %arg4[%dma_start3A_895, %dma_start3A_900, %mul3A_2] : memref<26x448x4096xf32, #tpu.memory_space<hbm>> -> memref<1x448x128xf32, #tpu.memory_space<hbm>>
    %dma_start3A_902 = tpu.memref_squeeze %dma_start3A_901 : memref<1x448x128xf32, #tpu.memory_space<hbm>> -> memref<448x128xf32, #tpu.memory_space<hbm>>
    %dma_start3A_903 = arith.constant 0 : i32
    %dma_start3A_904 = tpu.memref_slice %arg4[%dma_start3A_895, %dma_start3A_903, %mul3A_2] : memref<26x448x4096xf32, #tpu.memory_space<hbm>> -> memref<1x448x128xf32, #tpu.memory_space<hbm>>
    %dma_start3A_905 = tpu.memref_squeeze %dma_start3A_904 : memref<1x448x128xf32, #tpu.memory_space<hbm>> -> memref<448x128xf32, #tpu.memory_space<hbm>>
    %dma_start3A_906 = arith.constant 0 : i32
    %dma_start3A_907 = arith.constant 0 : i32
    %dma_start3A_908 = tpu.memref_slice %arg7[%dma_start3A_894, %dma_start3A_906, %dma_start3A_907] : memref<2x448x128xf32, #tpu.memory_space<vmem>> -> memref<1x448x128xf32, #tpu.memory_space<vmem>>
    %dma_start3A_909 = tpu.memref_squeeze %dma_start3A_908 : memref<1x448x128xf32, #tpu.memory_space<vmem>> -> memref<448x128xf32, #tpu.memory_space<vmem>>
    tpu.enqueue_dma source(%dma_start3A_909 : memref<448x128xf32, #tpu.memory_space<vmem>>) target(%dma_start3A_905 : memref<448x128xf32, #tpu.memory_space<hbm>>) target_semaphore(%arg9 : memref<!tpu.dma_semaphore, #tpu.memory_space<semaphore_mem>>)
    %dma_wait3A_910 = arith.constant 0 : i32
    %dma_wait3A_911 = arith.constant 12 : i32
    %dma_wait3A_912 = arith.constant 0 : i32
    %dma_wait3A_913 = arith.constant 0 : i32
    %dma_wait3A_914 = tpu.memref_slice %arg7[%dma_wait3A_910, %dma_wait3A_912, %dma_wait3A_913] : memref<2x448x128xf32, #tpu.memory_space<vmem>> -> memref<1x448x128xf32, #tpu.memory_space<vmem>>
    %dma_wait3A_915 = tpu.memref_squeeze %dma_wait3A_914 : memref<1x448x128xf32, #tpu.memory_space<vmem>> -> memref<448x128xf32, #tpu.memory_space<vmem>>
    %dma_wait3A_916 = arith.constant 0 : i32
    %dma_wait3A_917 = tpu.memref_slice %arg4[%dma_wait3A_911, %dma_wait3A_916, %mul3A_2] : memref<26x448x4096xf32, #tpu.memory_space<hbm>> -> memref<1x448x128xf32, #tpu.memory_space<hbm>>
    %dma_wait3A_918 = tpu.memref_squeeze %dma_wait3A_917 : memref<1x448x128xf32, #tpu.memory_space<hbm>> -> memref<448x128xf32, #tpu.memory_space<hbm>>
    %dma_wait3A_919 = arith.constant 0 : i32
    %dma_wait3A_920 = tpu.memref_slice %arg4[%dma_wait3A_911, %dma_wait3A_919, %mul3A_2] : memref<26x448x4096xf32, #tpu.memory_space<hbm>> -> memref<1x448x128xf32, #tpu.memory_space<hbm>>
    %dma_wait3A_921 = tpu.memref_squeeze %dma_wait3A_920 : memref<1x448x128xf32, #tpu.memory_space<hbm>> -> memref<448x128xf32, #tpu.memory_space<hbm>>
    %dma_wait3A_922 = arith.constant 0 : i32
    %dma_wait3A_923 = arith.constant 0 : i32
    %dma_wait3A_924 = tpu.memref_slice %arg7[%dma_wait3A_910, %dma_wait3A_922, %dma_wait3A_923] : memref<2x448x128xf32, #tpu.memory_space<vmem>> -> memref<1x448x128xf32, #tpu.memory_space<vmem>>
    %dma_wait3A_925 = tpu.memref_squeeze %dma_wait3A_924 : memref<1x448x128xf32, #tpu.memory_space<vmem>> -> memref<448x128xf32, #tpu.memory_space<vmem>>
    tpu.wait_dma2 semaphore(%arg8 : memref<!tpu.dma_semaphore, #tpu.memory_space<semaphore_mem>>) src(%dma_wait3A_925 : memref<448x128xf32, #tpu.memory_space<vmem>>) dst(%dma_wait3A_921 : memref<448x128xf32, #tpu.memory_space<hbm>>)
    %add3A_926 = arith.constant 14 : i32
    %add3A_927 = vector.broadcast %add3A_926 : i32 to vector<16xi32>
    %add3A_928 = arith.addi %mul3A_7, %add3A_927 : vector<16xi32>
    %gather3A_929 = tpu.vector_load_idx %arg5[%add3A_928] : memref<3328xi32, #tpu.memory_space<vmem>>[vector<16xi32>], vector<16xi32>,
    %add3A_930 = arith.constant 430 : i32
    %add3A_931 = vector.broadcast %add3A_930 : i32 to vector<16xi32>
    %add3A_932 = arith.addi %mul3A_7, %add3A_931 : vector<16xi32>
    %gather3A_933 = tpu.vector_load_idx %arg5[%add3A_932] : memref<3328xi32, #tpu.memory_space<vmem>>[vector<16xi32>], vector<16xi32>,
    %add3A_934 = arith.constant 846 : i32
    %add3A_935 = vector.broadcast %add3A_934 : i32 to vector<16xi32>
    %add3A_936 = arith.addi %mul3A_7, %add3A_935 : vector<16xi32>
    %gather3A_937 = tpu.vector_load_idx %arg5[%add3A_936] : memref<3328xi32, #tpu.memory_space<vmem>>[vector<16xi32>], vector<16xi32>,
    %add3A_938 = arith.constant 1262 : i32
    %add3A_939 = vector.broadcast %add3A_938 : i32 to vector<16xi32>
    %add3A_940 = arith.addi %mul3A_7, %add3A_939 : vector<16xi32>
    %gather3A_941 = tpu.vector_load_idx %arg5[%add3A_940] : memref<3328xi32, #tpu.memory_space<vmem>>[vector<16xi32>], vector<16xi32>,
    %add3A_942 = arith.constant 1678 : i32
    %add3A_943 = vector.broadcast %add3A_942 : i32 to vector<16xi32>
    %add3A_944 = arith.addi %mul3A_7, %add3A_943 : vector<16xi32>
    %gather3A_945 = tpu.vector_load_idx %arg5[%add3A_944] : memref<3328xi32, #tpu.memory_space<vmem>>[vector<16xi32>], vector<16xi32>,
    %add3A_946 = arith.constant 2094 : i32
    %add3A_947 = vector.broadcast %add3A_946 : i32 to vector<16xi32>
    %add3A_948 = arith.addi %mul3A_7, %add3A_947 : vector<16xi32>
    %gather3A_949 = tpu.vector_load_idx %arg5[%add3A_948] : memref<3328xi32, #tpu.memory_space<vmem>>[vector<16xi32>], vector<16xi32>,
    %add3A_950 = arith.constant 2510 : i32
    %add3A_951 = vector.broadcast %add3A_950 : i32 to vector<16xi32>
    %add3A_952 = arith.addi %mul3A_7, %add3A_951 : vector<16xi32>
    %gather3A_953 = tpu.vector_load_idx %arg5[%add3A_952] : memref<3328xi32, #tpu.memory_space<vmem>>[vector<16xi32>], vector<16xi32>,
    %add3A_954 = arith.constant 2926 : i32
    %add3A_955 = vector.broadcast %add3A_954 : i32 to vector<16xi32>
    %add3A_956 = arith.addi %mul3A_7, %add3A_955 : vector<16xi32>
    %gather3A_957 = tpu.vector_load_idx %arg5[%add3A_956] : memref<3328xi32, #tpu.memory_space<vmem>>[vector<16xi32>], vector<16xi32>,
    %parallel_loop3A_958 = arith.constant 0 : i32
    %parallel_loop3A_959 = arith.constant 448 : i32
    %parallel_loop3A_960 = arith.constant 1 : i32
    scf.for %parallel_loop3A_1746 = %parallel_loop3A_958 to %parallel_loop3A_959 step %parallel_loop3A_960  : i32 {
      %parallel_loop3A_1747 = arith.constant 16 : i32
      %parallel_loop3A_1748 = arith.muli %parallel_loop3A_1746, %parallel_loop3A_1747 : i32
      %parallel_loop3A_1749 = arith.index_cast %parallel_loop3A_1748 : i32 to index
      %parallel_loop3A_1750 = tpu.vector_load %arg6[%parallel_loop3A_1749] {strides = array<i32>} : memref<7168xf32, #tpu.memory_space<vmem>>, vector<16xf32>,
      %parallel_loop3A_1751 = vector.shape_cast %gather3A_929 : vector<16xi32> to vector<16x1xi32>
      %parallel_loop3A_1752 = vector.shape_cast %parallel_loop3A_1751 : vector<16x1xi32> to vector<16xi32>
      %parallel_loop3A_1753 = tpu.dynamic_gather %parallel_loop3A_1750[%parallel_loop3A_1752] in [0] : vector<16xf32>, vector<16xi32> -> vector<16xf32>
      %parallel_loop3A_1754 = arith.constant 0 : i32
      %parallel_loop3A_1755 = arith.index_cast %parallel_loop3A_1754 : i32 to index
      %parallel_loop3A_1756 = arith.index_cast %parallel_loop3A_1746 : i32 to index
      %parallel_loop3A_1757 = arith.constant 0 : index
      %parallel_loop3A_1758 = tpu.vector_load %arg7[%parallel_loop3A_1755, %parallel_loop3A_1756, %parallel_loop3A_1757] {strides = array<i32>} : memref<2x448x128xf32, #tpu.memory_space<vmem>>, vector<16xf32>,
      tpu.vector_store %arg7[%parallel_loop3A_1755, %parallel_loop3A_1756, %parallel_loop3A_1757], %parallel_loop3A_1753 {strides = array<i32>} : memref<2x448x128xf32, #tpu.memory_space<vmem>>, vector<16xf32>,
      %parallel_loop3A_1759 = vector.shape_cast %gather3A_933 : vector<16xi32> to vector<16x1xi32>
      %parallel_loop3A_1760 = vector.shape_cast %parallel_loop3A_1759 : vector<16x1xi32> to vector<16xi32>
      %parallel_loop3A_1761 = tpu.dynamic_gather %parallel_loop3A_1750[%parallel_loop3A_1760] in [0] : vector<16xf32>, vector<16xi32> -> vector<16xf32>
      %parallel_loop3A_1762 = arith.constant 0 : i32
      %parallel_loop3A_1763 = arith.index_cast %parallel_loop3A_1762 : i32 to index
      %parallel_loop3A_1764 = arith.index_cast %parallel_loop3A_1746 : i32 to index
      %parallel_loop3A_1765 = arith.constant 16 : index
      %parallel_loop3A_1766 = tpu.vector_load %arg7[%parallel_loop3A_1763, %parallel_loop3A_1764, %parallel_loop3A_1765] {strides = array<i32>} : memref<2x448x128xf32, #tpu.memory_space<vmem>>, vector<16xf32>,
      tpu.vector_store %arg7[%parallel_loop3A_1763, %parallel_loop3A_1764, %parallel_loop3A_1765], %parallel_loop3A_1761 {strides = array<i32>} : memref<2x448x128xf32, #tpu.memory_space<vmem>>, vector<16xf32>,
      %parallel_loop3A_1767 = vector.shape_cast %gather3A_937 : vector<16xi32> to vector<16x1xi32>
      %parallel_loop3A_1768 = vector.shape_cast %parallel_loop3A_1767 : vector<16x1xi32> to vector<16xi32>
      %parallel_loop3A_1769 = tpu.dynamic_gather %parallel_loop3A_1750[%parallel_loop3A_1768] in [0] : vector<16xf32>, vector<16xi32> -> vector<16xf32>
      %parallel_loop3A_1770 = arith.constant 0 : i32
      %parallel_loop3A_1771 = arith.index_cast %parallel_loop3A_1770 : i32 to index
      %parallel_loop3A_1772 = arith.index_cast %parallel_loop3A_1746 : i32 to index
      %parallel_loop3A_1773 = arith.constant 32 : index
      %parallel_loop3A_1774 = tpu.vector_load %arg7[%parallel_loop3A_1771, %parallel_loop3A_1772, %parallel_loop3A_1773] {strides = array<i32>} : memref<2x448x128xf32, #tpu.memory_space<vmem>>, vector<16xf32>,
      tpu.vector_store %arg7[%parallel_loop3A_1771, %parallel_loop3A_1772, %parallel_loop3A_1773], %parallel_loop3A_1769 {strides = array<i32>} : memref<2x448x128xf32, #tpu.memory_space<vmem>>, vector<16xf32>,
      %parallel_loop3A_1775 = vector.shape_cast %gather3A_941 : vector<16xi32> to vector<16x1xi32>
      %parallel_loop3A_1776 = vector.shape_cast %parallel_loop3A_1775 : vector<16x1xi32> to vector<16xi32>
      %parallel_loop3A_1777 = tpu.dynamic_gather %parallel_loop3A_1750[%parallel_loop3A_1776] in [0] : vector<16xf32>, vector<16xi32> -> vector<16xf32>
      %parallel_loop3A_1778 = arith.constant 0 : i32
      %parallel_loop3A_1779 = arith.index_cast %parallel_loop3A_1778 : i32 to index
      %parallel_loop3A_1780 = arith.index_cast %parallel_loop3A_1746 : i32 to index
      %parallel_loop3A_1781 = arith.constant 48 : index
      %parallel_loop3A_1782 = tpu.vector_load %arg7[%parallel_loop3A_1779, %parallel_loop3A_1780, %parallel_loop3A_1781] {strides = array<i32>} : memref<2x448x128xf32, #tpu.memory_space<vmem>>, vector<16xf32>,
      tpu.vector_store %arg7[%parallel_loop3A_1779, %parallel_loop3A_1780, %parallel_loop3A_1781], %parallel_loop3A_1777 {strides = array<i32>} : memref<2x448x128xf32, #tpu.memory_space<vmem>>, vector<16xf32>,
      %parallel_loop3A_1783 = vector.shape_cast %gather3A_945 : vector<16xi32> to vector<16x1xi32>
      %parallel_loop3A_1784 = vector.shape_cast %parallel_loop3A_1783 : vector<16x1xi32> to vector<16xi32>
      %parallel_loop3A_1785 = tpu.dynamic_gather %parallel_loop3A_1750[%parallel_loop3A_1784] in [0] : vector<16xf32>, vector<16xi32> -> vector<16xf32>
      %parallel_loop3A_1786 = arith.constant 0 : i32
      %parallel_loop3A_1787 = arith.index_cast %parallel_loop3A_1786 : i32 to index
      %parallel_loop3A_1788 = arith.index_cast %parallel_loop3A_1746 : i32 to index
      %parallel_loop3A_1789 = arith.constant 64 : index
      %parallel_loop3A_1790 = tpu.vector_load %arg7[%parallel_loop3A_1787, %parallel_loop3A_1788, %parallel_loop3A_1789] {strides = array<i32>} : memref<2x448x128xf32, #tpu.memory_space<vmem>>, vector<16xf32>,
      tpu.vector_store %arg7[%parallel_loop3A_1787, %parallel_loop3A_1788, %parallel_loop3A_1789], %parallel_loop3A_1785 {strides = array<i32>} : memref<2x448x128xf32, #tpu.memory_space<vmem>>, vector<16xf32>,
      %parallel_loop3A_1791 = vector.shape_cast %gather3A_949 : vector<16xi32> to vector<16x1xi32>
      %parallel_loop3A_1792 = vector.shape_cast %parallel_loop3A_1791 : vector<16x1xi32> to vector<16xi32>
      %parallel_loop3A_1793 = tpu.dynamic_gather %parallel_loop3A_1750[%parallel_loop3A_1792] in [0] : vector<16xf32>, vector<16xi32> -> vector<16xf32>
      %parallel_loop3A_1794 = arith.constant 0 : i32
      %parallel_loop3A_1795 = arith.index_cast %parallel_loop3A_1794 : i32 to index
      %parallel_loop3A_1796 = arith.index_cast %parallel_loop3A_1746 : i32 to index
      %parallel_loop3A_1797 = arith.constant 80 : index
      %parallel_loop3A_1798 = tpu.vector_load %arg7[%parallel_loop3A_1795, %parallel_loop3A_1796, %parallel_loop3A_1797] {strides = array<i32>} : memref<2x448x128xf32, #tpu.memory_space<vmem>>, vector<16xf32>,
      tpu.vector_store %arg7[%parallel_loop3A_1795, %parallel_loop3A_1796, %parallel_loop3A_1797], %parallel_loop3A_1793 {strides = array<i32>} : memref<2x448x128xf32, #tpu.memory_space<vmem>>, vector<16xf32>,
      %parallel_loop3A_1799 = vector.shape_cast %gather3A_953 : vector<16xi32> to vector<16x1xi32>
      %parallel_loop3A_1800 = vector.shape_cast %parallel_loop3A_1799 : vector<16x1xi32> to vector<16xi32>
      %parallel_loop3A_1801 = tpu.dynamic_gather %parallel_loop3A_1750[%parallel_loop3A_1800] in [0] : vector<16xf32>, vector<16xi32> -> vector<16xf32>
      %parallel_loop3A_1802 = arith.constant 0 : i32
      %parallel_loop3A_1803 = arith.index_cast %parallel_loop3A_1802 : i32 to index
      %parallel_loop3A_1804 = arith.index_cast %parallel_loop3A_1746 : i32 to index
      %parallel_loop3A_1805 = arith.constant 96 : index
      %parallel_loop3A_1806 = tpu.vector_load %arg7[%parallel_loop3A_1803, %parallel_loop3A_1804, %parallel_loop3A_1805] {strides = array<i32>} : memref<2x448x128xf32, #tpu.memory_space<vmem>>, vector<16xf32>,
      tpu.vector_store %arg7[%parallel_loop3A_1803, %parallel_loop3A_1804, %parallel_loop3A_1805], %parallel_loop3A_1801 {strides = array<i32>} : memref<2x448x128xf32, #tpu.memory_space<vmem>>, vector<16xf32>,
      %parallel_loop3A_1807 = vector.shape_cast %gather3A_957 : vector<16xi32> to vector<16x1xi32>
      %parallel_loop3A_1808 = vector.shape_cast %parallel_loop3A_1807 : vector<16x1xi32> to vector<16xi32>
      %parallel_loop3A_1809 = tpu.dynamic_gather %parallel_loop3A_1750[%parallel_loop3A_1808] in [0] : vector<16xf32>, vector<16xi32> -> vector<16xf32>
      %parallel_loop3A_1810 = arith.constant 0 : i32
      %parallel_loop3A_1811 = arith.index_cast %parallel_loop3A_1810 : i32 to index
      %parallel_loop3A_1812 = arith.index_cast %parallel_loop3A_1746 : i32 to index
      %parallel_loop3A_1813 = arith.constant 112 : index
      %parallel_loop3A_1814 = tpu.vector_load %arg7[%parallel_loop3A_1811, %parallel_loop3A_1812, %parallel_loop3A_1813] {strides = array<i32>} : memref<2x448x128xf32, #tpu.memory_space<vmem>>, vector<16xf32>,
      tpu.vector_store %arg7[%parallel_loop3A_1811, %parallel_loop3A_1812, %parallel_loop3A_1813], %parallel_loop3A_1809 {strides = array<i32>} : memref<2x448x128xf32, #tpu.memory_space<vmem>>, vector<16xf32>,
    } {sc.loop_unroll_factor = 1 : i64, sc.parallel_access}
    %dma_start3A_961 = arith.constant 0 : i32
    %dma_start3A_962 = arith.constant 14 : i32
    %dma_start3A_963 = arith.constant 0 : i32
    %dma_start3A_964 = arith.constant 0 : i32
    %dma_start3A_965 = tpu.memref_slice %arg7[%dma_start3A_961, %dma_start3A_963, %dma_start3A_964] : memref<2x448x128xf32, #tpu.memory_space<vmem>> -> memref<1x448x128xf32, #tpu.memory_space<vmem>>
    %dma_start3A_966 = tpu.memref_squeeze %dma_start3A_965 : memref<1x448x128xf32, #tpu.memory_space<vmem>> -> memref<448x128xf32, #tpu.memory_space<vmem>>
    %dma_start3A_967 = arith.constant 0 : i32
    %dma_start3A_968 = tpu.memref_slice %arg4[%dma_start3A_962, %dma_start3A_967, %mul3A_2] : memref<26x448x4096xf32, #tpu.memory_space<hbm>> -> memref<1x448x128xf32, #tpu.memory_space<hbm>>
    %dma_start3A_969 = tpu.memref_squeeze %dma_start3A_968 : memref<1x448x128xf32, #tpu.memory_space<hbm>> -> memref<448x128xf32, #tpu.memory_space<hbm>>
    %dma_start3A_970 = arith.constant 0 : i32
    %dma_start3A_971 = tpu.memref_slice %arg4[%dma_start3A_962, %dma_start3A_970, %mul3A_2] : memref<26x448x4096xf32, #tpu.memory_space<hbm>> -> memref<1x448x128xf32, #tpu.memory_space<hbm>>
    %dma_start3A_972 = tpu.memref_squeeze %dma_start3A_971 : memref<1x448x128xf32, #tpu.memory_space<hbm>> -> memref<448x128xf32, #tpu.memory_space<hbm>>
    %dma_start3A_973 = arith.constant 0 : i32
    %dma_start3A_974 = arith.constant 0 : i32
    %dma_start3A_975 = tpu.memref_slice %arg7[%dma_start3A_961, %dma_start3A_973, %dma_start3A_974] : memref<2x448x128xf32, #tpu.memory_space<vmem>> -> memref<1x448x128xf32, #tpu.memory_space<vmem>>
    %dma_start3A_976 = tpu.memref_squeeze %dma_start3A_975 : memref<1x448x128xf32, #tpu.memory_space<vmem>> -> memref<448x128xf32, #tpu.memory_space<vmem>>
    tpu.enqueue_dma source(%dma_start3A_976 : memref<448x128xf32, #tpu.memory_space<vmem>>) target(%dma_start3A_972 : memref<448x128xf32, #tpu.memory_space<hbm>>) target_semaphore(%arg8 : memref<!tpu.dma_semaphore, #tpu.memory_space<semaphore_mem>>)
    %dma_wait3A_977 = arith.constant 1 : i32
    %dma_wait3A_978 = arith.constant 13 : i32
    %dma_wait3A_979 = arith.constant 0 : i32
    %dma_wait3A_980 = arith.constant 0 : i32
    %dma_wait3A_981 = tpu.memref_slice %arg7[%dma_wait3A_977, %dma_wait3A_979, %dma_wait3A_980] : memref<2x448x128xf32, #tpu.memory_space<vmem>> -> memref<1x448x128xf32, #tpu.memory_space<vmem>>
    %dma_wait3A_982 = tpu.memref_squeeze %dma_wait3A_981 : memref<1x448x128xf32, #tpu.memory_space<vmem>> -> memref<448x128xf32, #tpu.memory_space<vmem>>
    %dma_wait3A_983 = arith.constant 0 : i32
    %dma_wait3A_984 = tpu.memref_slice %arg4[%dma_wait3A_978, %dma_wait3A_983, %mul3A_2] : memref<26x448x4096xf32, #tpu.memory_space<hbm>> -> memref<1x448x128xf32, #tpu.memory_space<hbm>>
    %dma_wait3A_985 = tpu.memref_squeeze %dma_wait3A_984 : memref<1x448x128xf32, #tpu.memory_space<hbm>> -> memref<448x128xf32, #tpu.memory_space<hbm>>
    %dma_wait3A_986 = arith.constant 0 : i32
    %dma_wait3A_987 = tpu.memref_slice %arg4[%dma_wait3A_978, %dma_wait3A_986, %mul3A_2] : memref<26x448x4096xf32, #tpu.memory_space<hbm>> -> memref<1x448x128xf32, #tpu.memory_space<hbm>>
    %dma_wait3A_988 = tpu.memref_squeeze %dma_wait3A_987 : memref<1x448x128xf32, #tpu.memory_space<hbm>> -> memref<448x128xf32, #tpu.memory_space<hbm>>
    %dma_wait3A_989 = arith.constant 0 : i32
    %dma_wait3A_990 = arith.constant 0 : i32
    %dma_wait3A_991 = tpu.memref_slice %arg7[%dma_wait3A_977, %dma_wait3A_989, %dma_wait3A_990] : memref<2x448x128xf32, #tpu.memory_space<vmem>> -> memref<1x448x128xf32, #tpu.memory_space<vmem>>
    %dma_wait3A_992 = tpu.memref_squeeze %dma_wait3A_991 : memref<1x448x128xf32, #tpu.memory_space<vmem>> -> memref<448x128xf32, #tpu.memory_space<vmem>>
    tpu.wait_dma2 semaphore(%arg9 : memref<!tpu.dma_semaphore, #tpu.memory_space<semaphore_mem>>) src(%dma_wait3A_992 : memref<448x128xf32, #tpu.memory_space<vmem>>) dst(%dma_wait3A_988 : memref<448x128xf32, #tpu.memory_space<hbm>>)
    %add3A_993 = arith.constant 15 : i32
    %add3A_994 = vector.broadcast %add3A_993 : i32 to vector<16xi32>
    %add3A_995 = arith.addi %mul3A_7, %add3A_994 : vector<16xi32>
    %gather3A_996 = tpu.vector_load_idx %arg5[%add3A_995] : memref<3328xi32, #tpu.memory_space<vmem>>[vector<16xi32>], vector<16xi32>,
    %add3A_997 = arith.constant 431 : i32
    %add3A_998 = vector.broadcast %add3A_997 : i32 to vector<16xi32>
    %add3A_999 = arith.addi %mul3A_7, %add3A_998 : vector<16xi32>
    %gather3A_1000 = tpu.vector_load_idx %arg5[%add3A_999] : memref<3328xi32, #tpu.memory_space<vmem>>[vector<16xi32>], vector<16xi32>,
    %add3A_1001 = arith.constant 847 : i32
    %add3A_1002 = vector.broadcast %add3A_1001 : i32 to vector<16xi32>
    %add3A_1003 = arith.addi %mul3A_7, %add3A_1002 : vector<16xi32>
    %gather3A_1004 = tpu.vector_load_idx %arg5[%add3A_1003] : memref<3328xi32, #tpu.memory_space<vmem>>[vector<16xi32>], vector<16xi32>,
    %add3A_1005 = arith.constant 1263 : i32
    %add3A_1006 = vector.broadcast %add3A_1005 : i32 to vector<16xi32>
    %add3A_1007 = arith.addi %mul3A_7, %add3A_1006 : vector<16xi32>
    %gather3A_1008 = tpu.vector_load_idx %arg5[%add3A_1007] : memref<3328xi32, #tpu.memory_space<vmem>>[vector<16xi32>], vector<16xi32>,
    %add3A_1009 = arith.constant 1679 : i32
    %add3A_1010 = vector.broadcast %add3A_1009 : i32 to vector<16xi32>
    %add3A_1011 = arith.addi %mul3A_7, %add3A_1010 : vector<16xi32>
    %gather3A_1012 = tpu.vector_load_idx %arg5[%add3A_1011] : memref<3328xi32, #tpu.memory_space<vmem>>[vector<16xi32>], vector<16xi32>,
    %add3A_1013 = arith.constant 2095 : i32
    %add3A_1014 = vector.broadcast %add3A_1013 : i32 to vector<16xi32>
    %add3A_1015 = arith.addi %mul3A_7, %add3A_1014 : vector<16xi32>
    %gather3A_1016 = tpu.vector_load_idx %arg5[%add3A_1015] : memref<3328xi32, #tpu.memory_space<vmem>>[vector<16xi32>], vector<16xi32>,
    %add3A_1017 = arith.constant 2511 : i32
    %add3A_1018 = vector.broadcast %add3A_1017 : i32 to vector<16xi32>
    %add3A_1019 = arith.addi %mul3A_7, %add3A_1018 : vector<16xi32>
    %gather3A_1020 = tpu.vector_load_idx %arg5[%add3A_1019] : memref<3328xi32, #tpu.memory_space<vmem>>[vector<16xi32>], vector<16xi32>,
    %add3A_1021 = arith.constant 2927 : i32
    %add3A_1022 = vector.broadcast %add3A_1021 : i32 to vector<16xi32>
    %add3A_1023 = arith.addi %mul3A_7, %add3A_1022 : vector<16xi32>
    %gather3A_1024 = tpu.vector_load_idx %arg5[%add3A_1023] : memref<3328xi32, #tpu.memory_space<vmem>>[vector<16xi32>], vector<16xi32>,
    %parallel_loop3A_1025 = arith.constant 0 : i32
    %parallel_loop3A_1026 = arith.constant 448 : i32
    %parallel_loop3A_1027 = arith.constant 1 : i32
    scf.for %parallel_loop3A_1746 = %parallel_loop3A_1025 to %parallel_loop3A_1026 step %parallel_loop3A_1027  : i32 {
      %parallel_loop3A_1747 = arith.constant 16 : i32
      %parallel_loop3A_1748 = arith.muli %parallel_loop3A_1746, %parallel_loop3A_1747 : i32
      %parallel_loop3A_1749 = arith.index_cast %parallel_loop3A_1748 : i32 to index
      %parallel_loop3A_1750 = tpu.vector_load %arg6[%parallel_loop3A_1749] {strides = array<i32>} : memref<7168xf32, #tpu.memory_space<vmem>>, vector<16xf32>,
      %parallel_loop3A_1751 = vector.shape_cast %gather3A_996 : vector<16xi32> to vector<16x1xi32>
      %parallel_loop3A_1752 = vector.shape_cast %parallel_loop3A_1751 : vector<16x1xi32> to vector<16xi32>
      %parallel_loop3A_1753 = tpu.dynamic_gather %parallel_loop3A_1750[%parallel_loop3A_1752] in [0] : vector<16xf32>, vector<16xi32> -> vector<16xf32>
      %parallel_loop3A_1754 = arith.constant 1 : i32
      %parallel_loop3A_1755 = arith.index_cast %parallel_loop3A_1754 : i32 to index
      %parallel_loop3A_1756 = arith.index_cast %parallel_loop3A_1746 : i32 to index
      %parallel_loop3A_1757 = arith.constant 0 : index
      %parallel_loop3A_1758 = tpu.vector_load %arg7[%parallel_loop3A_1755, %parallel_loop3A_1756, %parallel_loop3A_1757] {strides = array<i32>} : memref<2x448x128xf32, #tpu.memory_space<vmem>>, vector<16xf32>,
      tpu.vector_store %arg7[%parallel_loop3A_1755, %parallel_loop3A_1756, %parallel_loop3A_1757], %parallel_loop3A_1753 {strides = array<i32>} : memref<2x448x128xf32, #tpu.memory_space<vmem>>, vector<16xf32>,
      %parallel_loop3A_1759 = vector.shape_cast %gather3A_1000 : vector<16xi32> to vector<16x1xi32>
      %parallel_loop3A_1760 = vector.shape_cast %parallel_loop3A_1759 : vector<16x1xi32> to vector<16xi32>
      %parallel_loop3A_1761 = tpu.dynamic_gather %parallel_loop3A_1750[%parallel_loop3A_1760] in [0] : vector<16xf32>, vector<16xi32> -> vector<16xf32>
      %parallel_loop3A_1762 = arith.constant 1 : i32
      %parallel_loop3A_1763 = arith.index_cast %parallel_loop3A_1762 : i32 to index
      %parallel_loop3A_1764 = arith.index_cast %parallel_loop3A_1746 : i32 to index
      %parallel_loop3A_1765 = arith.constant 16 : index
      %parallel_loop3A_1766 = tpu.vector_load %arg7[%parallel_loop3A_1763, %parallel_loop3A_1764, %parallel_loop3A_1765] {strides = array<i32>} : memref<2x448x128xf32, #tpu.memory_space<vmem>>, vector<16xf32>,
      tpu.vector_store %arg7[%parallel_loop3A_1763, %parallel_loop3A_1764, %parallel_loop3A_1765], %parallel_loop3A_1761 {strides = array<i32>} : memref<2x448x128xf32, #tpu.memory_space<vmem>>, vector<16xf32>,
      %parallel_loop3A_1767 = vector.shape_cast %gather3A_1004 : vector<16xi32> to vector<16x1xi32>
      %parallel_loop3A_1768 = vector.shape_cast %parallel_loop3A_1767 : vector<16x1xi32> to vector<16xi32>
      %parallel_loop3A_1769 = tpu.dynamic_gather %parallel_loop3A_1750[%parallel_loop3A_1768] in [0] : vector<16xf32>, vector<16xi32> -> vector<16xf32>
      %parallel_loop3A_1770 = arith.constant 1 : i32
      %parallel_loop3A_1771 = arith.index_cast %parallel_loop3A_1770 : i32 to index
      %parallel_loop3A_1772 = arith.index_cast %parallel_loop3A_1746 : i32 to index
      %parallel_loop3A_1773 = arith.constant 32 : index
      %parallel_loop3A_1774 = tpu.vector_load %arg7[%parallel_loop3A_1771, %parallel_loop3A_1772, %parallel_loop3A_1773] {strides = array<i32>} : memref<2x448x128xf32, #tpu.memory_space<vmem>>, vector<16xf32>,
      tpu.vector_store %arg7[%parallel_loop3A_1771, %parallel_loop3A_1772, %parallel_loop3A_1773], %parallel_loop3A_1769 {strides = array<i32>} : memref<2x448x128xf32, #tpu.memory_space<vmem>>, vector<16xf32>,
      %parallel_loop3A_1775 = vector.shape_cast %gather3A_1008 : vector<16xi32> to vector<16x1xi32>
      %parallel_loop3A_1776 = vector.shape_cast %parallel_loop3A_1775 : vector<16x1xi32> to vector<16xi32>
      %parallel_loop3A_1777 = tpu.dynamic_gather %parallel_loop3A_1750[%parallel_loop3A_1776] in [0] : vector<16xf32>, vector<16xi32> -> vector<16xf32>
      %parallel_loop3A_1778 = arith.constant 1 : i32
      %parallel_loop3A_1779 = arith.index_cast %parallel_loop3A_1778 : i32 to index
      %parallel_loop3A_1780 = arith.index_cast %parallel_loop3A_1746 : i32 to index
      %parallel_loop3A_1781 = arith.constant 48 : index
      %parallel_loop3A_1782 = tpu.vector_load %arg7[%parallel_loop3A_1779, %parallel_loop3A_1780, %parallel_loop3A_1781] {strides = array<i32>} : memref<2x448x128xf32, #tpu.memory_space<vmem>>, vector<16xf32>,
      tpu.vector_store %arg7[%parallel_loop3A_1779, %parallel_loop3A_1780, %parallel_loop3A_1781], %parallel_loop3A_1777 {strides = array<i32>} : memref<2x448x128xf32, #tpu.memory_space<vmem>>, vector<16xf32>,
      %parallel_loop3A_1783 = vector.shape_cast %gather3A_1012 : vector<16xi32> to vector<16x1xi32>
      %parallel_loop3A_1784 = vector.shape_cast %parallel_loop3A_1783 : vector<16x1xi32> to vector<16xi32>
      %parallel_loop3A_1785 = tpu.dynamic_gather %parallel_loop3A_1750[%parallel_loop3A_1784] in [0] : vector<16xf32>, vector<16xi32> -> vector<16xf32>
      %parallel_loop3A_1786 = arith.constant 1 : i32
      %parallel_loop3A_1787 = arith.index_cast %parallel_loop3A_1786 : i32 to index
      %parallel_loop3A_1788 = arith.index_cast %parallel_loop3A_1746 : i32 to index
      %parallel_loop3A_1789 = arith.constant 64 : index
      %parallel_loop3A_1790 = tpu.vector_load %arg7[%parallel_loop3A_1787, %parallel_loop3A_1788, %parallel_loop3A_1789] {strides = array<i32>} : memref<2x448x128xf32, #tpu.memory_space<vmem>>, vector<16xf32>,
      tpu.vector_store %arg7[%parallel_loop3A_1787, %parallel_loop3A_1788, %parallel_loop3A_1789], %parallel_loop3A_1785 {strides = array<i32>} : memref<2x448x128xf32, #tpu.memory_space<vmem>>, vector<16xf32>,
      %parallel_loop3A_1791 = vector.shape_cast %gather3A_1016 : vector<16xi32> to vector<16x1xi32>
      %parallel_loop3A_1792 = vector.shape_cast %parallel_loop3A_1791 : vector<16x1xi32> to vector<16xi32>
      %parallel_loop3A_1793 = tpu.dynamic_gather %parallel_loop3A_1750[%parallel_loop3A_1792] in [0] : vector<16xf32>, vector<16xi32> -> vector<16xf32>
      %parallel_loop3A_1794 = arith.constant 1 : i32
      %parallel_loop3A_1795 = arith.index_cast %parallel_loop3A_1794 : i32 to index
      %parallel_loop3A_1796 = arith.index_cast %parallel_loop3A_1746 : i32 to index
      %parallel_loop3A_1797 = arith.constant 80 : index
      %parallel_loop3A_1798 = tpu.vector_load %arg7[%parallel_loop3A_1795, %parallel_loop3A_1796, %parallel_loop3A_1797] {strides = array<i32>} : memref<2x448x128xf32, #tpu.memory_space<vmem>>, vector<16xf32>,
      tpu.vector_store %arg7[%parallel_loop3A_1795, %parallel_loop3A_1796, %parallel_loop3A_1797], %parallel_loop3A_1793 {strides = array<i32>} : memref<2x448x128xf32, #tpu.memory_space<vmem>>, vector<16xf32>,
      %parallel_loop3A_1799 = vector.shape_cast %gather3A_1020 : vector<16xi32> to vector<16x1xi32>
      %parallel_loop3A_1800 = vector.shape_cast %parallel_loop3A_1799 : vector<16x1xi32> to vector<16xi32>
      %parallel_loop3A_1801 = tpu.dynamic_gather %parallel_loop3A_1750[%parallel_loop3A_1800] in [0] : vector<16xf32>, vector<16xi32> -> vector<16xf32>
      %parallel_loop3A_1802 = arith.constant 1 : i32
      %parallel_loop3A_1803 = arith.index_cast %parallel_loop3A_1802 : i32 to index
      %parallel_loop3A_1804 = arith.index_cast %parallel_loop3A_1746 : i32 to index
      %parallel_loop3A_1805 = arith.constant 96 : index
      %parallel_loop3A_1806 = tpu.vector_load %arg7[%parallel_loop3A_1803, %parallel_loop3A_1804, %parallel_loop3A_1805] {strides = array<i32>} : memref<2x448x128xf32, #tpu.memory_space<vmem>>, vector<16xf32>,
      tpu.vector_store %arg7[%parallel_loop3A_1803, %parallel_loop3A_1804, %parallel_loop3A_1805], %parallel_loop3A_1801 {strides = array<i32>} : memref<2x448x128xf32, #tpu.memory_space<vmem>>, vector<16xf32>,
      %parallel_loop3A_1807 = vector.shape_cast %gather3A_1024 : vector<16xi32> to vector<16x1xi32>
      %parallel_loop3A_1808 = vector.shape_cast %parallel_loop3A_1807 : vector<16x1xi32> to vector<16xi32>
      %parallel_loop3A_1809 = tpu.dynamic_gather %parallel_loop3A_1750[%parallel_loop3A_1808] in [0] : vector<16xf32>, vector<16xi32> -> vector<16xf32>
      %parallel_loop3A_1810 = arith.constant 1 : i32
      %parallel_loop3A_1811 = arith.index_cast %parallel_loop3A_1810 : i32 to index
      %parallel_loop3A_1812 = arith.index_cast %parallel_loop3A_1746 : i32 to index
      %parallel_loop3A_1813 = arith.constant 112 : index
      %parallel_loop3A_1814 = tpu.vector_load %arg7[%parallel_loop3A_1811, %parallel_loop3A_1812, %parallel_loop3A_1813] {strides = array<i32>} : memref<2x448x128xf32, #tpu.memory_space<vmem>>, vector<16xf32>,
      tpu.vector_store %arg7[%parallel_loop3A_1811, %parallel_loop3A_1812, %parallel_loop3A_1813], %parallel_loop3A_1809 {strides = array<i32>} : memref<2x448x128xf32, #tpu.memory_space<vmem>>, vector<16xf32>,
    } {sc.loop_unroll_factor = 1 : i64, sc.parallel_access}
    %dma_start3A_1028 = arith.constant 1 : i32
    %dma_start3A_1029 = arith.constant 15 : i32
    %dma_start3A_1030 = arith.constant 0 : i32
    %dma_start3A_1031 = arith.constant 0 : i32
    %dma_start3A_1032 = tpu.memref_slice %arg7[%dma_start3A_1028, %dma_start3A_1030, %dma_start3A_1031] : memref<2x448x128xf32, #tpu.memory_space<vmem>> -> memref<1x448x128xf32, #tpu.memory_space<vmem>>
    %dma_start3A_1033 = tpu.memref_squeeze %dma_start3A_1032 : memref<1x448x128xf32, #tpu.memory_space<vmem>> -> memref<448x128xf32, #tpu.memory_space<vmem>>
    %dma_start3A_1034 = arith.constant 0 : i32
    %dma_start3A_1035 = tpu.memref_slice %arg4[%dma_start3A_1029, %dma_start3A_1034, %mul3A_2] : memref<26x448x4096xf32, #tpu.memory_space<hbm>> -> memref<1x448x128xf32, #tpu.memory_space<hbm>>
    %dma_start3A_1036 = tpu.memref_squeeze %dma_start3A_1035 : memref<1x448x128xf32, #tpu.memory_space<hbm>> -> memref<448x128xf32, #tpu.memory_space<hbm>>
    %dma_start3A_1037 = arith.constant 0 : i32
    %dma_start3A_1038 = tpu.memref_slice %arg4[%dma_start3A_1029, %dma_start3A_1037, %mul3A_2] : memref<26x448x4096xf32, #tpu.memory_space<hbm>> -> memref<1x448x128xf32, #tpu.memory_space<hbm>>
    %dma_start3A_1039 = tpu.memref_squeeze %dma_start3A_1038 : memref<1x448x128xf32, #tpu.memory_space<hbm>> -> memref<448x128xf32, #tpu.memory_space<hbm>>
    %dma_start3A_1040 = arith.constant 0 : i32
    %dma_start3A_1041 = arith.constant 0 : i32
    %dma_start3A_1042 = tpu.memref_slice %arg7[%dma_start3A_1028, %dma_start3A_1040, %dma_start3A_1041] : memref<2x448x128xf32, #tpu.memory_space<vmem>> -> memref<1x448x128xf32, #tpu.memory_space<vmem>>
    %dma_start3A_1043 = tpu.memref_squeeze %dma_start3A_1042 : memref<1x448x128xf32, #tpu.memory_space<vmem>> -> memref<448x128xf32, #tpu.memory_space<vmem>>
    tpu.enqueue_dma source(%dma_start3A_1043 : memref<448x128xf32, #tpu.memory_space<vmem>>) target(%dma_start3A_1039 : memref<448x128xf32, #tpu.memory_space<hbm>>) target_semaphore(%arg9 : memref<!tpu.dma_semaphore, #tpu.memory_space<semaphore_mem>>)
    %dma_wait3A_1044 = arith.constant 0 : i32
    %dma_wait3A_1045 = arith.constant 14 : i32
    %dma_wait3A_1046 = arith.constant 0 : i32
    %dma_wait3A_1047 = arith.constant 0 : i32
    %dma_wait3A_1048 = tpu.memref_slice %arg7[%dma_wait3A_1044, %dma_wait3A_1046, %dma_wait3A_1047] : memref<2x448x128xf32, #tpu.memory_space<vmem>> -> memref<1x448x128xf32, #tpu.memory_space<vmem>>
    %dma_wait3A_1049 = tpu.memref_squeeze %dma_wait3A_1048 : memref<1x448x128xf32, #tpu.memory_space<vmem>> -> memref<448x128xf32, #tpu.memory_space<vmem>>
    %dma_wait3A_1050 = arith.constant 0 : i32
    %dma_wait3A_1051 = tpu.memref_slice %arg4[%dma_wait3A_1045, %dma_wait3A_1050, %mul3A_2] : memref<26x448x4096xf32, #tpu.memory_space<hbm>> -> memref<1x448x128xf32, #tpu.memory_space<hbm>>
    %dma_wait3A_1052 = tpu.memref_squeeze %dma_wait3A_1051 : memref<1x448x128xf32, #tpu.memory_space<hbm>> -> memref<448x128xf32, #tpu.memory_space<hbm>>
    %dma_wait3A_1053 = arith.constant 0 : i32
    %dma_wait3A_1054 = tpu.memref_slice %arg4[%dma_wait3A_1045, %dma_wait3A_1053, %mul3A_2] : memref<26x448x4096xf32, #tpu.memory_space<hbm>> -> memref<1x448x128xf32, #tpu.memory_space<hbm>>
    %dma_wait3A_1055 = tpu.memref_squeeze %dma_wait3A_1054 : memref<1x448x128xf32, #tpu.memory_space<hbm>> -> memref<448x128xf32, #tpu.memory_space<hbm>>
    %dma_wait3A_1056 = arith.constant 0 : i32
    %dma_wait3A_1057 = arith.constant 0 : i32
    %dma_wait3A_1058 = tpu.memref_slice %arg7[%dma_wait3A_1044, %dma_wait3A_1056, %dma_wait3A_1057] : memref<2x448x128xf32, #tpu.memory_space<vmem>> -> memref<1x448x128xf32, #tpu.memory_space<vmem>>
    %dma_wait3A_1059 = tpu.memref_squeeze %dma_wait3A_1058 : memref<1x448x128xf32, #tpu.memory_space<vmem>> -> memref<448x128xf32, #tpu.memory_space<vmem>>
    tpu.wait_dma2 semaphore(%arg8 : memref<!tpu.dma_semaphore, #tpu.memory_space<semaphore_mem>>) src(%dma_wait3A_1059 : memref<448x128xf32, #tpu.memory_space<vmem>>) dst(%dma_wait3A_1055 : memref<448x128xf32, #tpu.memory_space<hbm>>)
    %add3A_1060 = arith.constant 16 : i32
    %add3A_1061 = vector.broadcast %add3A_1060 : i32 to vector<16xi32>
    %add3A_1062 = arith.addi %mul3A_7, %add3A_1061 : vector<16xi32>
    %gather3A_1063 = tpu.vector_load_idx %arg5[%add3A_1062] : memref<3328xi32, #tpu.memory_space<vmem>>[vector<16xi32>], vector<16xi32>,
    %add3A_1064 = arith.constant 432 : i32
    %add3A_1065 = vector.broadcast %add3A_1064 : i32 to vector<16xi32>
    %add3A_1066 = arith.addi %mul3A_7, %add3A_1065 : vector<16xi32>
    %gather3A_1067 = tpu.vector_load_idx %arg5[%add3A_1066] : memref<3328xi32, #tpu.memory_space<vmem>>[vector<16xi32>], vector<16xi32>,
    %add3A_1068 = arith.constant 848 : i32
    %add3A_1069 = vector.broadcast %add3A_1068 : i32 to vector<16xi32>
    %add3A_1070 = arith.addi %mul3A_7, %add3A_1069 : vector<16xi32>
    %gather3A_1071 = tpu.vector_load_idx %arg5[%add3A_1070] : memref<3328xi32, #tpu.memory_space<vmem>>[vector<16xi32>], vector<16xi32>,
    %add3A_1072 = arith.constant 1264 : i32
    %add3A_1073 = vector.broadcast %add3A_1072 : i32 to vector<16xi32>
    %add3A_1074 = arith.addi %mul3A_7, %add3A_1073 : vector<16xi32>
    %gather3A_1075 = tpu.vector_load_idx %arg5[%add3A_1074] : memref<3328xi32, #tpu.memory_space<vmem>>[vector<16xi32>], vector<16xi32>,
    %add3A_1076 = arith.constant 1680 : i32
    %add3A_1077 = vector.broadcast %add3A_1076 : i32 to vector<16xi32>
    %add3A_1078 = arith.addi %mul3A_7, %add3A_1077 : vector<16xi32>
    %gather3A_1079 = tpu.vector_load_idx %arg5[%add3A_1078] : memref<3328xi32, #tpu.memory_space<vmem>>[vector<16xi32>], vector<16xi32>,
    %add3A_1080 = arith.constant 2096 : i32
    %add3A_1081 = vector.broadcast %add3A_1080 : i32 to vector<16xi32>
    %add3A_1082 = arith.addi %mul3A_7, %add3A_1081 : vector<16xi32>
    %gather3A_1083 = tpu.vector_load_idx %arg5[%add3A_1082] : memref<3328xi32, #tpu.memory_space<vmem>>[vector<16xi32>], vector<16xi32>,
    %add3A_1084 = arith.constant 2512 : i32
    %add3A_1085 = vector.broadcast %add3A_1084 : i32 to vector<16xi32>
    %add3A_1086 = arith.addi %mul3A_7, %add3A_1085 : vector<16xi32>
    %gather3A_1087 = tpu.vector_load_idx %arg5[%add3A_1086] : memref<3328xi32, #tpu.memory_space<vmem>>[vector<16xi32>], vector<16xi32>,
    %add3A_1088 = arith.constant 2928 : i32
    %add3A_1089 = vector.broadcast %add3A_1088 : i32 to vector<16xi32>
    %add3A_1090 = arith.addi %mul3A_7, %add3A_1089 : vector<16xi32>
    %gather3A_1091 = tpu.vector_load_idx %arg5[%add3A_1090] : memref<3328xi32, #tpu.memory_space<vmem>>[vector<16xi32>], vector<16xi32>,
    %parallel_loop3A_1092 = arith.constant 0 : i32
    %parallel_loop3A_1093 = arith.constant 448 : i32
    %parallel_loop3A_1094 = arith.constant 1 : i32
    scf.for %parallel_loop3A_1746 = %parallel_loop3A_1092 to %parallel_loop3A_1093 step %parallel_loop3A_1094  : i32 {
      %parallel_loop3A_1747 = arith.constant 16 : i32
      %parallel_loop3A_1748 = arith.muli %parallel_loop3A_1746, %parallel_loop3A_1747 : i32
      %parallel_loop3A_1749 = arith.index_cast %parallel_loop3A_1748 : i32 to index
      %parallel_loop3A_1750 = tpu.vector_load %arg6[%parallel_loop3A_1749] {strides = array<i32>} : memref<7168xf32, #tpu.memory_space<vmem>>, vector<16xf32>,
      %parallel_loop3A_1751 = vector.shape_cast %gather3A_1063 : vector<16xi32> to vector<16x1xi32>
      %parallel_loop3A_1752 = vector.shape_cast %parallel_loop3A_1751 : vector<16x1xi32> to vector<16xi32>
      %parallel_loop3A_1753 = tpu.dynamic_gather %parallel_loop3A_1750[%parallel_loop3A_1752] in [0] : vector<16xf32>, vector<16xi32> -> vector<16xf32>
      %parallel_loop3A_1754 = arith.constant 0 : i32
      %parallel_loop3A_1755 = arith.index_cast %parallel_loop3A_1754 : i32 to index
      %parallel_loop3A_1756 = arith.index_cast %parallel_loop3A_1746 : i32 to index
      %parallel_loop3A_1757 = arith.constant 0 : index
      %parallel_loop3A_1758 = tpu.vector_load %arg7[%parallel_loop3A_1755, %parallel_loop3A_1756, %parallel_loop3A_1757] {strides = array<i32>} : memref<2x448x128xf32, #tpu.memory_space<vmem>>, vector<16xf32>,
      tpu.vector_store %arg7[%parallel_loop3A_1755, %parallel_loop3A_1756, %parallel_loop3A_1757], %parallel_loop3A_1753 {strides = array<i32>} : memref<2x448x128xf32, #tpu.memory_space<vmem>>, vector<16xf32>,
      %parallel_loop3A_1759 = vector.shape_cast %gather3A_1067 : vector<16xi32> to vector<16x1xi32>
      %parallel_loop3A_1760 = vector.shape_cast %parallel_loop3A_1759 : vector<16x1xi32> to vector<16xi32>
      %parallel_loop3A_1761 = tpu.dynamic_gather %parallel_loop3A_1750[%parallel_loop3A_1760] in [0] : vector<16xf32>, vector<16xi32> -> vector<16xf32>
      %parallel_loop3A_1762 = arith.constant 0 : i32
      %parallel_loop3A_1763 = arith.index_cast %parallel_loop3A_1762 : i32 to index
      %parallel_loop3A_1764 = arith.index_cast %parallel_loop3A_1746 : i32 to index
      %parallel_loop3A_1765 = arith.constant 16 : index
      %parallel_loop3A_1766 = tpu.vector_load %arg7[%parallel_loop3A_1763, %parallel_loop3A_1764, %parallel_loop3A_1765] {strides = array<i32>} : memref<2x448x128xf32, #tpu.memory_space<vmem>>, vector<16xf32>,
      tpu.vector_store %arg7[%parallel_loop3A_1763, %parallel_loop3A_1764, %parallel_loop3A_1765], %parallel_loop3A_1761 {strides = array<i32>} : memref<2x448x128xf32, #tpu.memory_space<vmem>>, vector<16xf32>,
      %parallel_loop3A_1767 = vector.shape_cast %gather3A_1071 : vector<16xi32> to vector<16x1xi32>
      %parallel_loop3A_1768 = vector.shape_cast %parallel_loop3A_1767 : vector<16x1xi32> to vector<16xi32>
      %parallel_loop3A_1769 = tpu.dynamic_gather %parallel_loop3A_1750[%parallel_loop3A_1768] in [0] : vector<16xf32>, vector<16xi32> -> vector<16xf32>
      %parallel_loop3A_1770 = arith.constant 0 : i32
      %parallel_loop3A_1771 = arith.index_cast %parallel_loop3A_1770 : i32 to index
      %parallel_loop3A_1772 = arith.index_cast %parallel_loop3A_1746 : i32 to index
      %parallel_loop3A_1773 = arith.constant 32 : index
      %parallel_loop3A_1774 = tpu.vector_load %arg7[%parallel_loop3A_1771, %parallel_loop3A_1772, %parallel_loop3A_1773] {strides = array<i32>} : memref<2x448x128xf32, #tpu.memory_space<vmem>>, vector<16xf32>,
      tpu.vector_store %arg7[%parallel_loop3A_1771, %parallel_loop3A_1772, %parallel_loop3A_1773], %parallel_loop3A_1769 {strides = array<i32>} : memref<2x448x128xf32, #tpu.memory_space<vmem>>, vector<16xf32>,
      %parallel_loop3A_1775 = vector.shape_cast %gather3A_1075 : vector<16xi32> to vector<16x1xi32>
      %parallel_loop3A_1776 = vector.shape_cast %parallel_loop3A_1775 : vector<16x1xi32> to vector<16xi32>
      %parallel_loop3A_1777 = tpu.dynamic_gather %parallel_loop3A_1750[%parallel_loop3A_1776] in [0] : vector<16xf32>, vector<16xi32> -> vector<16xf32>
      %parallel_loop3A_1778 = arith.constant 0 : i32
      %parallel_loop3A_1779 = arith.index_cast %parallel_loop3A_1778 : i32 to index
      %parallel_loop3A_1780 = arith.index_cast %parallel_loop3A_1746 : i32 to index
      %parallel_loop3A_1781 = arith.constant 48 : index
      %parallel_loop3A_1782 = tpu.vector_load %arg7[%parallel_loop3A_1779, %parallel_loop3A_1780, %parallel_loop3A_1781] {strides = array<i32>} : memref<2x448x128xf32, #tpu.memory_space<vmem>>, vector<16xf32>,
      tpu.vector_store %arg7[%parallel_loop3A_1779, %parallel_loop3A_1780, %parallel_loop3A_1781], %parallel_loop3A_1777 {strides = array<i32>} : memref<2x448x128xf32, #tpu.memory_space<vmem>>, vector<16xf32>,
      %parallel_loop3A_1783 = vector.shape_cast %gather3A_1079 : vector<16xi32> to vector<16x1xi32>
      %parallel_loop3A_1784 = vector.shape_cast %parallel_loop3A_1783 : vector<16x1xi32> to vector<16xi32>
      %parallel_loop3A_1785 = tpu.dynamic_gather %parallel_loop3A_1750[%parallel_loop3A_1784] in [0] : vector<16xf32>, vector<16xi32> -> vector<16xf32>
      %parallel_loop3A_1786 = arith.constant 0 : i32
      %parallel_loop3A_1787 = arith.index_cast %parallel_loop3A_1786 : i32 to index
      %parallel_loop3A_1788 = arith.index_cast %parallel_loop3A_1746 : i32 to index
      %parallel_loop3A_1789 = arith.constant 64 : index
      %parallel_loop3A_1790 = tpu.vector_load %arg7[%parallel_loop3A_1787, %parallel_loop3A_1788, %parallel_loop3A_1789] {strides = array<i32>} : memref<2x448x128xf32, #tpu.memory_space<vmem>>, vector<16xf32>,
      tpu.vector_store %arg7[%parallel_loop3A_1787, %parallel_loop3A_1788, %parallel_loop3A_1789], %parallel_loop3A_1785 {strides = array<i32>} : memref<2x448x128xf32, #tpu.memory_space<vmem>>, vector<16xf32>,
      %parallel_loop3A_1791 = vector.shape_cast %gather3A_1083 : vector<16xi32> to vector<16x1xi32>
      %parallel_loop3A_1792 = vector.shape_cast %parallel_loop3A_1791 : vector<16x1xi32> to vector<16xi32>
      %parallel_loop3A_1793 = tpu.dynamic_gather %parallel_loop3A_1750[%parallel_loop3A_1792] in [0] : vector<16xf32>, vector<16xi32> -> vector<16xf32>
      %parallel_loop3A_1794 = arith.constant 0 : i32
      %parallel_loop3A_1795 = arith.index_cast %parallel_loop3A_1794 : i32 to index
      %parallel_loop3A_1796 = arith.index_cast %parallel_loop3A_1746 : i32 to index
      %parallel_loop3A_1797 = arith.constant 80 : index
      %parallel_loop3A_1798 = tpu.vector_load %arg7[%parallel_loop3A_1795, %parallel_loop3A_1796, %parallel_loop3A_1797] {strides = array<i32>} : memref<2x448x128xf32, #tpu.memory_space<vmem>>, vector<16xf32>,
      tpu.vector_store %arg7[%parallel_loop3A_1795, %parallel_loop3A_1796, %parallel_loop3A_1797], %parallel_loop3A_1793 {strides = array<i32>} : memref<2x448x128xf32, #tpu.memory_space<vmem>>, vector<16xf32>,
      %parallel_loop3A_1799 = vector.shape_cast %gather3A_1087 : vector<16xi32> to vector<16x1xi32>
      %parallel_loop3A_1800 = vector.shape_cast %parallel_loop3A_1799 : vector<16x1xi32> to vector<16xi32>
      %parallel_loop3A_1801 = tpu.dynamic_gather %parallel_loop3A_1750[%parallel_loop3A_1800] in [0] : vector<16xf32>, vector<16xi32> -> vector<16xf32>
      %parallel_loop3A_1802 = arith.constant 0 : i32
      %parallel_loop3A_1803 = arith.index_cast %parallel_loop3A_1802 : i32 to index
      %parallel_loop3A_1804 = arith.index_cast %parallel_loop3A_1746 : i32 to index
      %parallel_loop3A_1805 = arith.constant 96 : index
      %parallel_loop3A_1806 = tpu.vector_load %arg7[%parallel_loop3A_1803, %parallel_loop3A_1804, %parallel_loop3A_1805] {strides = array<i32>} : memref<2x448x128xf32, #tpu.memory_space<vmem>>, vector<16xf32>,
      tpu.vector_store %arg7[%parallel_loop3A_1803, %parallel_loop3A_1804, %parallel_loop3A_1805], %parallel_loop3A_1801 {strides = array<i32>} : memref<2x448x128xf32, #tpu.memory_space<vmem>>, vector<16xf32>,
      %parallel_loop3A_1807 = vector.shape_cast %gather3A_1091 : vector<16xi32> to vector<16x1xi32>
      %parallel_loop3A_1808 = vector.shape_cast %parallel_loop3A_1807 : vector<16x1xi32> to vector<16xi32>
      %parallel_loop3A_1809 = tpu.dynamic_gather %parallel_loop3A_1750[%parallel_loop3A_1808] in [0] : vector<16xf32>, vector<16xi32> -> vector<16xf32>
      %parallel_loop3A_1810 = arith.constant 0 : i32
      %parallel_loop3A_1811 = arith.index_cast %parallel_loop3A_1810 : i32 to index
      %parallel_loop3A_1812 = arith.index_cast %parallel_loop3A_1746 : i32 to index
      %parallel_loop3A_1813 = arith.constant 112 : index
      %parallel_loop3A_1814 = tpu.vector_load %arg7[%parallel_loop3A_1811, %parallel_loop3A_1812, %parallel_loop3A_1813] {strides = array<i32>} : memref<2x448x128xf32, #tpu.memory_space<vmem>>, vector<16xf32>,
      tpu.vector_store %arg7[%parallel_loop3A_1811, %parallel_loop3A_1812, %parallel_loop3A_1813], %parallel_loop3A_1809 {strides = array<i32>} : memref<2x448x128xf32, #tpu.memory_space<vmem>>, vector<16xf32>,
    } {sc.loop_unroll_factor = 1 : i64, sc.parallel_access}
    %dma_start3A_1095 = arith.constant 0 : i32
    %dma_start3A_1096 = arith.constant 16 : i32
    %dma_start3A_1097 = arith.constant 0 : i32
    %dma_start3A_1098 = arith.constant 0 : i32
    %dma_start3A_1099 = tpu.memref_slice %arg7[%dma_start3A_1095, %dma_start3A_1097, %dma_start3A_1098] : memref<2x448x128xf32, #tpu.memory_space<vmem>> -> memref<1x448x128xf32, #tpu.memory_space<vmem>>
    %dma_start3A_1100 = tpu.memref_squeeze %dma_start3A_1099 : memref<1x448x128xf32, #tpu.memory_space<vmem>> -> memref<448x128xf32, #tpu.memory_space<vmem>>
    %dma_start3A_1101 = arith.constant 0 : i32
    %dma_start3A_1102 = tpu.memref_slice %arg4[%dma_start3A_1096, %dma_start3A_1101, %mul3A_2] : memref<26x448x4096xf32, #tpu.memory_space<hbm>> -> memref<1x448x128xf32, #tpu.memory_space<hbm>>
    %dma_start3A_1103 = tpu.memref_squeeze %dma_start3A_1102 : memref<1x448x128xf32, #tpu.memory_space<hbm>> -> memref<448x128xf32, #tpu.memory_space<hbm>>
    %dma_start3A_1104 = arith.constant 0 : i32
    %dma_start3A_1105 = tpu.memref_slice %arg4[%dma_start3A_1096, %dma_start3A_1104, %mul3A_2] : memref<26x448x4096xf32, #tpu.memory_space<hbm>> -> memref<1x448x128xf32, #tpu.memory_space<hbm>>
    %dma_start3A_1106 = tpu.memref_squeeze %dma_start3A_1105 : memref<1x448x128xf32, #tpu.memory_space<hbm>> -> memref<448x128xf32, #tpu.memory_space<hbm>>
    %dma_start3A_1107 = arith.constant 0 : i32
    %dma_start3A_1108 = arith.constant 0 : i32
    %dma_start3A_1109 = tpu.memref_slice %arg7[%dma_start3A_1095, %dma_start3A_1107, %dma_start3A_1108] : memref<2x448x128xf32, #tpu.memory_space<vmem>> -> memref<1x448x128xf32, #tpu.memory_space<vmem>>
    %dma_start3A_1110 = tpu.memref_squeeze %dma_start3A_1109 : memref<1x448x128xf32, #tpu.memory_space<vmem>> -> memref<448x128xf32, #tpu.memory_space<vmem>>
    tpu.enqueue_dma source(%dma_start3A_1110 : memref<448x128xf32, #tpu.memory_space<vmem>>) target(%dma_start3A_1106 : memref<448x128xf32, #tpu.memory_space<hbm>>) target_semaphore(%arg8 : memref<!tpu.dma_semaphore, #tpu.memory_space<semaphore_mem>>)
    %dma_wait3A_1111 = arith.constant 1 : i32
    %dma_wait3A_1112 = arith.constant 15 : i32
    %dma_wait3A_1113 = arith.constant 0 : i32
    %dma_wait3A_1114 = arith.constant 0 : i32
    %dma_wait3A_1115 = tpu.memref_slice %arg7[%dma_wait3A_1111, %dma_wait3A_1113, %dma_wait3A_1114] : memref<2x448x128xf32, #tpu.memory_space<vmem>> -> memref<1x448x128xf32, #tpu.memory_space<vmem>>
    %dma_wait3A_1116 = tpu.memref_squeeze %dma_wait3A_1115 : memref<1x448x128xf32, #tpu.memory_space<vmem>> -> memref<448x128xf32, #tpu.memory_space<vmem>>
    %dma_wait3A_1117 = arith.constant 0 : i32
    %dma_wait3A_1118 = tpu.memref_slice %arg4[%dma_wait3A_1112, %dma_wait3A_1117, %mul3A_2] : memref<26x448x4096xf32, #tpu.memory_space<hbm>> -> memref<1x448x128xf32, #tpu.memory_space<hbm>>
    %dma_wait3A_1119 = tpu.memref_squeeze %dma_wait3A_1118 : memref<1x448x128xf32, #tpu.memory_space<hbm>> -> memref<448x128xf32, #tpu.memory_space<hbm>>
    %dma_wait3A_1120 = arith.constant 0 : i32
    %dma_wait3A_1121 = tpu.memref_slice %arg4[%dma_wait3A_1112, %dma_wait3A_1120, %mul3A_2] : memref<26x448x4096xf32, #tpu.memory_space<hbm>> -> memref<1x448x128xf32, #tpu.memory_space<hbm>>
    %dma_wait3A_1122 = tpu.memref_squeeze %dma_wait3A_1121 : memref<1x448x128xf32, #tpu.memory_space<hbm>> -> memref<448x128xf32, #tpu.memory_space<hbm>>
    %dma_wait3A_1123 = arith.constant 0 : i32
    %dma_wait3A_1124 = arith.constant 0 : i32
    %dma_wait3A_1125 = tpu.memref_slice %arg7[%dma_wait3A_1111, %dma_wait3A_1123, %dma_wait3A_1124] : memref<2x448x128xf32, #tpu.memory_space<vmem>> -> memref<1x448x128xf32, #tpu.memory_space<vmem>>
    %dma_wait3A_1126 = tpu.memref_squeeze %dma_wait3A_1125 : memref<1x448x128xf32, #tpu.memory_space<vmem>> -> memref<448x128xf32, #tpu.memory_space<vmem>>
    tpu.wait_dma2 semaphore(%arg9 : memref<!tpu.dma_semaphore, #tpu.memory_space<semaphore_mem>>) src(%dma_wait3A_1126 : memref<448x128xf32, #tpu.memory_space<vmem>>) dst(%dma_wait3A_1122 : memref<448x128xf32, #tpu.memory_space<hbm>>)
    %add3A_1127 = arith.constant 17 : i32
    %add3A_1128 = vector.broadcast %add3A_1127 : i32 to vector<16xi32>
    %add3A_1129 = arith.addi %mul3A_7, %add3A_1128 : vector<16xi32>
    %gather3A_1130 = tpu.vector_load_idx %arg5[%add3A_1129] : memref<3328xi32, #tpu.memory_space<vmem>>[vector<16xi32>], vector<16xi32>,
    %add3A_1131 = arith.constant 433 : i32
    %add3A_1132 = vector.broadcast %add3A_1131 : i32 to vector<16xi32>
    %add3A_1133 = arith.addi %mul3A_7, %add3A_1132 : vector<16xi32>
    %gather3A_1134 = tpu.vector_load_idx %arg5[%add3A_1133] : memref<3328xi32, #tpu.memory_space<vmem>>[vector<16xi32>], vector<16xi32>,
    %add3A_1135 = arith.constant 849 : i32
    %add3A_1136 = vector.broadcast %add3A_1135 : i32 to vector<16xi32>
    %add3A_1137 = arith.addi %mul3A_7, %add3A_1136 : vector<16xi32>
    %gather3A_1138 = tpu.vector_load_idx %arg5[%add3A_1137] : memref<3328xi32, #tpu.memory_space<vmem>>[vector<16xi32>], vector<16xi32>,
    %add3A_1139 = arith.constant 1265 : i32
    %add3A_1140 = vector.broadcast %add3A_1139 : i32 to vector<16xi32>
    %add3A_1141 = arith.addi %mul3A_7, %add3A_1140 : vector<16xi32>
    %gather3A_1142 = tpu.vector_load_idx %arg5[%add3A_1141] : memref<3328xi32, #tpu.memory_space<vmem>>[vector<16xi32>], vector<16xi32>,
    %add3A_1143 = arith.constant 1681 : i32
    %add3A_1144 = vector.broadcast %add3A_1143 : i32 to vector<16xi32>
    %add3A_1145 = arith.addi %mul3A_7, %add3A_1144 : vector<16xi32>
    %gather3A_1146 = tpu.vector_load_idx %arg5[%add3A_1145] : memref<3328xi32, #tpu.memory_space<vmem>>[vector<16xi32>], vector<16xi32>,
    %add3A_1147 = arith.constant 2097 : i32
    %add3A_1148 = vector.broadcast %add3A_1147 : i32 to vector<16xi32>
    %add3A_1149 = arith.addi %mul3A_7, %add3A_1148 : vector<16xi32>
    %gather3A_1150 = tpu.vector_load_idx %arg5[%add3A_1149] : memref<3328xi32, #tpu.memory_space<vmem>>[vector<16xi32>], vector<16xi32>,
    %add3A_1151 = arith.constant 2513 : i32
    %add3A_1152 = vector.broadcast %add3A_1151 : i32 to vector<16xi32>
    %add3A_1153 = arith.addi %mul3A_7, %add3A_1152 : vector<16xi32>
    %gather3A_1154 = tpu.vector_load_idx %arg5[%add3A_1153] : memref<3328xi32, #tpu.memory_space<vmem>>[vector<16xi32>], vector<16xi32>,
    %add3A_1155 = arith.constant 2929 : i32
    %add3A_1156 = vector.broadcast %add3A_1155 : i32 to vector<16xi32>
    %add3A_1157 = arith.addi %mul3A_7, %add3A_1156 : vector<16xi32>
    %gather3A_1158 = tpu.vector_load_idx %arg5[%add3A_1157] : memref<3328xi32, #tpu.memory_space<vmem>>[vector<16xi32>], vector<16xi32>,
    %parallel_loop3A_1159 = arith.constant 0 : i32
    %parallel_loop3A_1160 = arith.constant 448 : i32
    %parallel_loop3A_1161 = arith.constant 1 : i32
    scf.for %parallel_loop3A_1746 = %parallel_loop3A_1159 to %parallel_loop3A_1160 step %parallel_loop3A_1161  : i32 {
      %parallel_loop3A_1747 = arith.constant 16 : i32
      %parallel_loop3A_1748 = arith.muli %parallel_loop3A_1746, %parallel_loop3A_1747 : i32
      %parallel_loop3A_1749 = arith.index_cast %parallel_loop3A_1748 : i32 to index
      %parallel_loop3A_1750 = tpu.vector_load %arg6[%parallel_loop3A_1749] {strides = array<i32>} : memref<7168xf32, #tpu.memory_space<vmem>>, vector<16xf32>,
      %parallel_loop3A_1751 = vector.shape_cast %gather3A_1130 : vector<16xi32> to vector<16x1xi32>
      %parallel_loop3A_1752 = vector.shape_cast %parallel_loop3A_1751 : vector<16x1xi32> to vector<16xi32>
      %parallel_loop3A_1753 = tpu.dynamic_gather %parallel_loop3A_1750[%parallel_loop3A_1752] in [0] : vector<16xf32>, vector<16xi32> -> vector<16xf32>
      %parallel_loop3A_1754 = arith.constant 1 : i32
      %parallel_loop3A_1755 = arith.index_cast %parallel_loop3A_1754 : i32 to index
      %parallel_loop3A_1756 = arith.index_cast %parallel_loop3A_1746 : i32 to index
      %parallel_loop3A_1757 = arith.constant 0 : index
      %parallel_loop3A_1758 = tpu.vector_load %arg7[%parallel_loop3A_1755, %parallel_loop3A_1756, %parallel_loop3A_1757] {strides = array<i32>} : memref<2x448x128xf32, #tpu.memory_space<vmem>>, vector<16xf32>,
      tpu.vector_store %arg7[%parallel_loop3A_1755, %parallel_loop3A_1756, %parallel_loop3A_1757], %parallel_loop3A_1753 {strides = array<i32>} : memref<2x448x128xf32, #tpu.memory_space<vmem>>, vector<16xf32>,
      %parallel_loop3A_1759 = vector.shape_cast %gather3A_1134 : vector<16xi32> to vector<16x1xi32>
      %parallel_loop3A_1760 = vector.shape_cast %parallel_loop3A_1759 : vector<16x1xi32> to vector<16xi32>
      %parallel_loop3A_1761 = tpu.dynamic_gather %parallel_loop3A_1750[%parallel_loop3A_1760] in [0] : vector<16xf32>, vector<16xi32> -> vector<16xf32>
      %parallel_loop3A_1762 = arith.constant 1 : i32
      %parallel_loop3A_1763 = arith.index_cast %parallel_loop3A_1762 : i32 to index
      %parallel_loop3A_1764 = arith.index_cast %parallel_loop3A_1746 : i32 to index
      %parallel_loop3A_1765 = arith.constant 16 : index
      %parallel_loop3A_1766 = tpu.vector_load %arg7[%parallel_loop3A_1763, %parallel_loop3A_1764, %parallel_loop3A_1765] {strides = array<i32>} : memref<2x448x128xf32, #tpu.memory_space<vmem>>, vector<16xf32>,
      tpu.vector_store %arg7[%parallel_loop3A_1763, %parallel_loop3A_1764, %parallel_loop3A_1765], %parallel_loop3A_1761 {strides = array<i32>} : memref<2x448x128xf32, #tpu.memory_space<vmem>>, vector<16xf32>,
      %parallel_loop3A_1767 = vector.shape_cast %gather3A_1138 : vector<16xi32> to vector<16x1xi32>
      %parallel_loop3A_1768 = vector.shape_cast %parallel_loop3A_1767 : vector<16x1xi32> to vector<16xi32>
      %parallel_loop3A_1769 = tpu.dynamic_gather %parallel_loop3A_1750[%parallel_loop3A_1768] in [0] : vector<16xf32>, vector<16xi32> -> vector<16xf32>
      %parallel_loop3A_1770 = arith.constant 1 : i32
      %parallel_loop3A_1771 = arith.index_cast %parallel_loop3A_1770 : i32 to index
      %parallel_loop3A_1772 = arith.index_cast %parallel_loop3A_1746 : i32 to index
      %parallel_loop3A_1773 = arith.constant 32 : index
      %parallel_loop3A_1774 = tpu.vector_load %arg7[%parallel_loop3A_1771, %parallel_loop3A_1772, %parallel_loop3A_1773] {strides = array<i32>} : memref<2x448x128xf32, #tpu.memory_space<vmem>>, vector<16xf32>,
      tpu.vector_store %arg7[%parallel_loop3A_1771, %parallel_loop3A_1772, %parallel_loop3A_1773], %parallel_loop3A_1769 {strides = array<i32>} : memref<2x448x128xf32, #tpu.memory_space<vmem>>, vector<16xf32>,
      %parallel_loop3A_1775 = vector.shape_cast %gather3A_1142 : vector<16xi32> to vector<16x1xi32>
      %parallel_loop3A_1776 = vector.shape_cast %parallel_loop3A_1775 : vector<16x1xi32> to vector<16xi32>
      %parallel_loop3A_1777 = tpu.dynamic_gather %parallel_loop3A_1750[%parallel_loop3A_1776] in [0] : vector<16xf32>, vector<16xi32> -> vector<16xf32>
      %parallel_loop3A_1778 = arith.constant 1 : i32
      %parallel_loop3A_1779 = arith.index_cast %parallel_loop3A_1778 : i32 to index
      %parallel_loop3A_1780 = arith.index_cast %parallel_loop3A_1746 : i32 to index
      %parallel_loop3A_1781 = arith.constant 48 : index
      %parallel_loop3A_1782 = tpu.vector_load %arg7[%parallel_loop3A_1779, %parallel_loop3A_1780, %parallel_loop3A_1781] {strides = array<i32>} : memref<2x448x128xf32, #tpu.memory_space<vmem>>, vector<16xf32>,
      tpu.vector_store %arg7[%parallel_loop3A_1779, %parallel_loop3A_1780, %parallel_loop3A_1781], %parallel_loop3A_1777 {strides = array<i32>} : memref<2x448x128xf32, #tpu.memory_space<vmem>>, vector<16xf32>,
      %parallel_loop3A_1783 = vector.shape_cast %gather3A_1146 : vector<16xi32> to vector<16x1xi32>
      %parallel_loop3A_1784 = vector.shape_cast %parallel_loop3A_1783 : vector<16x1xi32> to vector<16xi32>
      %parallel_loop3A_1785 = tpu.dynamic_gather %parallel_loop3A_1750[%parallel_loop3A_1784] in [0] : vector<16xf32>, vector<16xi32> -> vector<16xf32>
      %parallel_loop3A_1786 = arith.constant 1 : i32
      %parallel_loop3A_1787 = arith.index_cast %parallel_loop3A_1786 : i32 to index
      %parallel_loop3A_1788 = arith.index_cast %parallel_loop3A_1746 : i32 to index
      %parallel_loop3A_1789 = arith.constant 64 : index
      %parallel_loop3A_1790 = tpu.vector_load %arg7[%parallel_loop3A_1787, %parallel_loop3A_1788, %parallel_loop3A_1789] {strides = array<i32>} : memref<2x448x128xf32, #tpu.memory_space<vmem>>, vector<16xf32>,
      tpu.vector_store %arg7[%parallel_loop3A_1787, %parallel_loop3A_1788, %parallel_loop3A_1789], %parallel_loop3A_1785 {strides = array<i32>} : memref<2x448x128xf32, #tpu.memory_space<vmem>>, vector<16xf32>,
      %parallel_loop3A_1791 = vector.shape_cast %gather3A_1150 : vector<16xi32> to vector<16x1xi32>
      %parallel_loop3A_1792 = vector.shape_cast %parallel_loop3A_1791 : vector<16x1xi32> to vector<16xi32>
      %parallel_loop3A_1793 = tpu.dynamic_gather %parallel_loop3A_1750[%parallel_loop3A_1792] in [0] : vector<16xf32>, vector<16xi32> -> vector<16xf32>
      %parallel_loop3A_1794 = arith.constant 1 : i32
      %parallel_loop3A_1795 = arith.index_cast %parallel_loop3A_1794 : i32 to index
      %parallel_loop3A_1796 = arith.index_cast %parallel_loop3A_1746 : i32 to index
      %parallel_loop3A_1797 = arith.constant 80 : index
      %parallel_loop3A_1798 = tpu.vector_load %arg7[%parallel_loop3A_1795, %parallel_loop3A_1796, %parallel_loop3A_1797] {strides = array<i32>} : memref<2x448x128xf32, #tpu.memory_space<vmem>>, vector<16xf32>,
      tpu.vector_store %arg7[%parallel_loop3A_1795, %parallel_loop3A_1796, %parallel_loop3A_1797], %parallel_loop3A_1793 {strides = array<i32>} : memref<2x448x128xf32, #tpu.memory_space<vmem>>, vector<16xf32>,
      %parallel_loop3A_1799 = vector.shape_cast %gather3A_1154 : vector<16xi32> to vector<16x1xi32>
      %parallel_loop3A_1800 = vector.shape_cast %parallel_loop3A_1799 : vector<16x1xi32> to vector<16xi32>
      %parallel_loop3A_1801 = tpu.dynamic_gather %parallel_loop3A_1750[%parallel_loop3A_1800] in [0] : vector<16xf32>, vector<16xi32> -> vector<16xf32>
      %parallel_loop3A_1802 = arith.constant 1 : i32
      %parallel_loop3A_1803 = arith.index_cast %parallel_loop3A_1802 : i32 to index
      %parallel_loop3A_1804 = arith.index_cast %parallel_loop3A_1746 : i32 to index
      %parallel_loop3A_1805 = arith.constant 96 : index
      %parallel_loop3A_1806 = tpu.vector_load %arg7[%parallel_loop3A_1803, %parallel_loop3A_1804, %parallel_loop3A_1805] {strides = array<i32>} : memref<2x448x128xf32, #tpu.memory_space<vmem>>, vector<16xf32>,
      tpu.vector_store %arg7[%parallel_loop3A_1803, %parallel_loop3A_1804, %parallel_loop3A_1805], %parallel_loop3A_1801 {strides = array<i32>} : memref<2x448x128xf32, #tpu.memory_space<vmem>>, vector<16xf32>,
      %parallel_loop3A_1807 = vector.shape_cast %gather3A_1158 : vector<16xi32> to vector<16x1xi32>
      %parallel_loop3A_1808 = vector.shape_cast %parallel_loop3A_1807 : vector<16x1xi32> to vector<16xi32>
      %parallel_loop3A_1809 = tpu.dynamic_gather %parallel_loop3A_1750[%parallel_loop3A_1808] in [0] : vector<16xf32>, vector<16xi32> -> vector<16xf32>
      %parallel_loop3A_1810 = arith.constant 1 : i32
      %parallel_loop3A_1811 = arith.index_cast %parallel_loop3A_1810 : i32 to index
      %parallel_loop3A_1812 = arith.index_cast %parallel_loop3A_1746 : i32 to index
      %parallel_loop3A_1813 = arith.constant 112 : index
      %parallel_loop3A_1814 = tpu.vector_load %arg7[%parallel_loop3A_1811, %parallel_loop3A_1812, %parallel_loop3A_1813] {strides = array<i32>} : memref<2x448x128xf32, #tpu.memory_space<vmem>>, vector<16xf32>,
      tpu.vector_store %arg7[%parallel_loop3A_1811, %parallel_loop3A_1812, %parallel_loop3A_1813], %parallel_loop3A_1809 {strides = array<i32>} : memref<2x448x128xf32, #tpu.memory_space<vmem>>, vector<16xf32>,
    } {sc.loop_unroll_factor = 1 : i64, sc.parallel_access}
    %dma_start3A_1162 = arith.constant 1 : i32
    %dma_start3A_1163 = arith.constant 17 : i32
    %dma_start3A_1164 = arith.constant 0 : i32
    %dma_start3A_1165 = arith.constant 0 : i32
    %dma_start3A_1166 = tpu.memref_slice %arg7[%dma_start3A_1162, %dma_start3A_1164, %dma_start3A_1165] : memref<2x448x128xf32, #tpu.memory_space<vmem>> -> memref<1x448x128xf32, #tpu.memory_space<vmem>>
    %dma_start3A_1167 = tpu.memref_squeeze %dma_start3A_1166 : memref<1x448x128xf32, #tpu.memory_space<vmem>> -> memref<448x128xf32, #tpu.memory_space<vmem>>
    %dma_start3A_1168 = arith.constant 0 : i32
    %dma_start3A_1169 = tpu.memref_slice %arg4[%dma_start3A_1163, %dma_start3A_1168, %mul3A_2] : memref<26x448x4096xf32, #tpu.memory_space<hbm>> -> memref<1x448x128xf32, #tpu.memory_space<hbm>>
    %dma_start3A_1170 = tpu.memref_squeeze %dma_start3A_1169 : memref<1x448x128xf32, #tpu.memory_space<hbm>> -> memref<448x128xf32, #tpu.memory_space<hbm>>
    %dma_start3A_1171 = arith.constant 0 : i32
    %dma_start3A_1172 = tpu.memref_slice %arg4[%dma_start3A_1163, %dma_start3A_1171, %mul3A_2] : memref<26x448x4096xf32, #tpu.memory_space<hbm>> -> memref<1x448x128xf32, #tpu.memory_space<hbm>>
    %dma_start3A_1173 = tpu.memref_squeeze %dma_start3A_1172 : memref<1x448x128xf32, #tpu.memory_space<hbm>> -> memref<448x128xf32, #tpu.memory_space<hbm>>
    %dma_start3A_1174 = arith.constant 0 : i32
    %dma_start3A_1175 = arith.constant 0 : i32
    %dma_start3A_1176 = tpu.memref_slice %arg7[%dma_start3A_1162, %dma_start3A_1174, %dma_start3A_1175] : memref<2x448x128xf32, #tpu.memory_space<vmem>> -> memref<1x448x128xf32, #tpu.memory_space<vmem>>
    %dma_start3A_1177 = tpu.memref_squeeze %dma_start3A_1176 : memref<1x448x128xf32, #tpu.memory_space<vmem>> -> memref<448x128xf32, #tpu.memory_space<vmem>>
    tpu.enqueue_dma source(%dma_start3A_1177 : memref<448x128xf32, #tpu.memory_space<vmem>>) target(%dma_start3A_1173 : memref<448x128xf32, #tpu.memory_space<hbm>>) target_semaphore(%arg9 : memref<!tpu.dma_semaphore, #tpu.memory_space<semaphore_mem>>)
    %dma_wait3A_1178 = arith.constant 0 : i32
    %dma_wait3A_1179 = arith.constant 16 : i32
    %dma_wait3A_1180 = arith.constant 0 : i32
    %dma_wait3A_1181 = arith.constant 0 : i32
    %dma_wait3A_1182 = tpu.memref_slice %arg7[%dma_wait3A_1178, %dma_wait3A_1180, %dma_wait3A_1181] : memref<2x448x128xf32, #tpu.memory_space<vmem>> -> memref<1x448x128xf32, #tpu.memory_space<vmem>>
    %dma_wait3A_1183 = tpu.memref_squeeze %dma_wait3A_1182 : memref<1x448x128xf32, #tpu.memory_space<vmem>> -> memref<448x128xf32, #tpu.memory_space<vmem>>
    %dma_wait3A_1184 = arith.constant 0 : i32
    %dma_wait3A_1185 = tpu.memref_slice %arg4[%dma_wait3A_1179, %dma_wait3A_1184, %mul3A_2] : memref<26x448x4096xf32, #tpu.memory_space<hbm>> -> memref<1x448x128xf32, #tpu.memory_space<hbm>>
    %dma_wait3A_1186 = tpu.memref_squeeze %dma_wait3A_1185 : memref<1x448x128xf32, #tpu.memory_space<hbm>> -> memref<448x128xf32, #tpu.memory_space<hbm>>
    %dma_wait3A_1187 = arith.constant 0 : i32
    %dma_wait3A_1188 = tpu.memref_slice %arg4[%dma_wait3A_1179, %dma_wait3A_1187, %mul3A_2] : memref<26x448x4096xf32, #tpu.memory_space<hbm>> -> memref<1x448x128xf32, #tpu.memory_space<hbm>>
    %dma_wait3A_1189 = tpu.memref_squeeze %dma_wait3A_1188 : memref<1x448x128xf32, #tpu.memory_space<hbm>> -> memref<448x128xf32, #tpu.memory_space<hbm>>
    %dma_wait3A_1190 = arith.constant 0 : i32
    %dma_wait3A_1191 = arith.constant 0 : i32
    %dma_wait3A_1192 = tpu.memref_slice %arg7[%dma_wait3A_1178, %dma_wait3A_1190, %dma_wait3A_1191] : memref<2x448x128xf32, #tpu.memory_space<vmem>> -> memref<1x448x128xf32, #tpu.memory_space<vmem>>
    %dma_wait3A_1193 = tpu.memref_squeeze %dma_wait3A_1192 : memref<1x448x128xf32, #tpu.memory_space<vmem>> -> memref<448x128xf32, #tpu.memory_space<vmem>>
    tpu.wait_dma2 semaphore(%arg8 : memref<!tpu.dma_semaphore, #tpu.memory_space<semaphore_mem>>) src(%dma_wait3A_1193 : memref<448x128xf32, #tpu.memory_space<vmem>>) dst(%dma_wait3A_1189 : memref<448x128xf32, #tpu.memory_space<hbm>>)
    %add3A_1194 = arith.constant 18 : i32
    %add3A_1195 = vector.broadcast %add3A_1194 : i32 to vector<16xi32>
    %add3A_1196 = arith.addi %mul3A_7, %add3A_1195 : vector<16xi32>
    %gather3A_1197 = tpu.vector_load_idx %arg5[%add3A_1196] : memref<3328xi32, #tpu.memory_space<vmem>>[vector<16xi32>], vector<16xi32>,
    %add3A_1198 = arith.constant 434 : i32
    %add3A_1199 = vector.broadcast %add3A_1198 : i32 to vector<16xi32>
    %add3A_1200 = arith.addi %mul3A_7, %add3A_1199 : vector<16xi32>
    %gather3A_1201 = tpu.vector_load_idx %arg5[%add3A_1200] : memref<3328xi32, #tpu.memory_space<vmem>>[vector<16xi32>], vector<16xi32>,
    %add3A_1202 = arith.constant 850 : i32
    %add3A_1203 = vector.broadcast %add3A_1202 : i32 to vector<16xi32>
    %add3A_1204 = arith.addi %mul3A_7, %add3A_1203 : vector<16xi32>
    %gather3A_1205 = tpu.vector_load_idx %arg5[%add3A_1204] : memref<3328xi32, #tpu.memory_space<vmem>>[vector<16xi32>], vector<16xi32>,
    %add3A_1206 = arith.constant 1266 : i32
    %add3A_1207 = vector.broadcast %add3A_1206 : i32 to vector<16xi32>
    %add3A_1208 = arith.addi %mul3A_7, %add3A_1207 : vector<16xi32>
    %gather3A_1209 = tpu.vector_load_idx %arg5[%add3A_1208] : memref<3328xi32, #tpu.memory_space<vmem>>[vector<16xi32>], vector<16xi32>,
    %add3A_1210 = arith.constant 1682 : i32
    %add3A_1211 = vector.broadcast %add3A_1210 : i32 to vector<16xi32>
    %add3A_1212 = arith.addi %mul3A_7, %add3A_1211 : vector<16xi32>
    %gather3A_1213 = tpu.vector_load_idx %arg5[%add3A_1212] : memref<3328xi32, #tpu.memory_space<vmem>>[vector<16xi32>], vector<16xi32>,
    %add3A_1214 = arith.constant 2098 : i32
    %add3A_1215 = vector.broadcast %add3A_1214 : i32 to vector<16xi32>
    %add3A_1216 = arith.addi %mul3A_7, %add3A_1215 : vector<16xi32>
    %gather3A_1217 = tpu.vector_load_idx %arg5[%add3A_1216] : memref<3328xi32, #tpu.memory_space<vmem>>[vector<16xi32>], vector<16xi32>,
    %add3A_1218 = arith.constant 2514 : i32
    %add3A_1219 = vector.broadcast %add3A_1218 : i32 to vector<16xi32>
    %add3A_1220 = arith.addi %mul3A_7, %add3A_1219 : vector<16xi32>
    %gather3A_1221 = tpu.vector_load_idx %arg5[%add3A_1220] : memref<3328xi32, #tpu.memory_space<vmem>>[vector<16xi32>], vector<16xi32>,
    %add3A_1222 = arith.constant 2930 : i32
    %add3A_1223 = vector.broadcast %add3A_1222 : i32 to vector<16xi32>
    %add3A_1224 = arith.addi %mul3A_7, %add3A_1223 : vector<16xi32>
    %gather3A_1225 = tpu.vector_load_idx %arg5[%add3A_1224] : memref<3328xi32, #tpu.memory_space<vmem>>[vector<16xi32>], vector<16xi32>,
    %parallel_loop3A_1226 = arith.constant 0 : i32
    %parallel_loop3A_1227 = arith.constant 448 : i32
    %parallel_loop3A_1228 = arith.constant 1 : i32
    scf.for %parallel_loop3A_1746 = %parallel_loop3A_1226 to %parallel_loop3A_1227 step %parallel_loop3A_1228  : i32 {
      %parallel_loop3A_1747 = arith.constant 16 : i32
      %parallel_loop3A_1748 = arith.muli %parallel_loop3A_1746, %parallel_loop3A_1747 : i32
      %parallel_loop3A_1749 = arith.index_cast %parallel_loop3A_1748 : i32 to index
      %parallel_loop3A_1750 = tpu.vector_load %arg6[%parallel_loop3A_1749] {strides = array<i32>} : memref<7168xf32, #tpu.memory_space<vmem>>, vector<16xf32>,
      %parallel_loop3A_1751 = vector.shape_cast %gather3A_1197 : vector<16xi32> to vector<16x1xi32>
      %parallel_loop3A_1752 = vector.shape_cast %parallel_loop3A_1751 : vector<16x1xi32> to vector<16xi32>
      %parallel_loop3A_1753 = tpu.dynamic_gather %parallel_loop3A_1750[%parallel_loop3A_1752] in [0] : vector<16xf32>, vector<16xi32> -> vector<16xf32>
      %parallel_loop3A_1754 = arith.constant 0 : i32
      %parallel_loop3A_1755 = arith.index_cast %parallel_loop3A_1754 : i32 to index
      %parallel_loop3A_1756 = arith.index_cast %parallel_loop3A_1746 : i32 to index
      %parallel_loop3A_1757 = arith.constant 0 : index
      %parallel_loop3A_1758 = tpu.vector_load %arg7[%parallel_loop3A_1755, %parallel_loop3A_1756, %parallel_loop3A_1757] {strides = array<i32>} : memref<2x448x128xf32, #tpu.memory_space<vmem>>, vector<16xf32>,
      tpu.vector_store %arg7[%parallel_loop3A_1755, %parallel_loop3A_1756, %parallel_loop3A_1757], %parallel_loop3A_1753 {strides = array<i32>} : memref<2x448x128xf32, #tpu.memory_space<vmem>>, vector<16xf32>,
      %parallel_loop3A_1759 = vector.shape_cast %gather3A_1201 : vector<16xi32> to vector<16x1xi32>
      %parallel_loop3A_1760 = vector.shape_cast %parallel_loop3A_1759 : vector<16x1xi32> to vector<16xi32>
      %parallel_loop3A_1761 = tpu.dynamic_gather %parallel_loop3A_1750[%parallel_loop3A_1760] in [0] : vector<16xf32>, vector<16xi32> -> vector<16xf32>
      %parallel_loop3A_1762 = arith.constant 0 : i32
      %parallel_loop3A_1763 = arith.index_cast %parallel_loop3A_1762 : i32 to index
      %parallel_loop3A_1764 = arith.index_cast %parallel_loop3A_1746 : i32 to index
      %parallel_loop3A_1765 = arith.constant 16 : index
      %parallel_loop3A_1766 = tpu.vector_load %arg7[%parallel_loop3A_1763, %parallel_loop3A_1764, %parallel_loop3A_1765] {strides = array<i32>} : memref<2x448x128xf32, #tpu.memory_space<vmem>>, vector<16xf32>,
      tpu.vector_store %arg7[%parallel_loop3A_1763, %parallel_loop3A_1764, %parallel_loop3A_1765], %parallel_loop3A_1761 {strides = array<i32>} : memref<2x448x128xf32, #tpu.memory_space<vmem>>, vector<16xf32>,
      %parallel_loop3A_1767 = vector.shape_cast %gather3A_1205 : vector<16xi32> to vector<16x1xi32>
      %parallel_loop3A_1768 = vector.shape_cast %parallel_loop3A_1767 : vector<16x1xi32> to vector<16xi32>
      %parallel_loop3A_1769 = tpu.dynamic_gather %parallel_loop3A_1750[%parallel_loop3A_1768] in [0] : vector<16xf32>, vector<16xi32> -> vector<16xf32>
      %parallel_loop3A_1770 = arith.constant 0 : i32
      %parallel_loop3A_1771 = arith.index_cast %parallel_loop3A_1770 : i32 to index
      %parallel_loop3A_1772 = arith.index_cast %parallel_loop3A_1746 : i32 to index
      %parallel_loop3A_1773 = arith.constant 32 : index
      %parallel_loop3A_1774 = tpu.vector_load %arg7[%parallel_loop3A_1771, %parallel_loop3A_1772, %parallel_loop3A_1773] {strides = array<i32>} : memref<2x448x128xf32, #tpu.memory_space<vmem>>, vector<16xf32>,
      tpu.vector_store %arg7[%parallel_loop3A_1771, %parallel_loop3A_1772, %parallel_loop3A_1773], %parallel_loop3A_1769 {strides = array<i32>} : memref<2x448x128xf32, #tpu.memory_space<vmem>>, vector<16xf32>,
      %parallel_loop3A_1775 = vector.shape_cast %gather3A_1209 : vector<16xi32> to vector<16x1xi32>
      %parallel_loop3A_1776 = vector.shape_cast %parallel_loop3A_1775 : vector<16x1xi32> to vector<16xi32>
      %parallel_loop3A_1777 = tpu.dynamic_gather %parallel_loop3A_1750[%parallel_loop3A_1776] in [0] : vector<16xf32>, vector<16xi32> -> vector<16xf32>
      %parallel_loop3A_1778 = arith.constant 0 : i32
      %parallel_loop3A_1779 = arith.index_cast %parallel_loop3A_1778 : i32 to index
      %parallel_loop3A_1780 = arith.index_cast %parallel_loop3A_1746 : i32 to index
      %parallel_loop3A_1781 = arith.constant 48 : index
      %parallel_loop3A_1782 = tpu.vector_load %arg7[%parallel_loop3A_1779, %parallel_loop3A_1780, %parallel_loop3A_1781] {strides = array<i32>} : memref<2x448x128xf32, #tpu.memory_space<vmem>>, vector<16xf32>,
      tpu.vector_store %arg7[%parallel_loop3A_1779, %parallel_loop3A_1780, %parallel_loop3A_1781], %parallel_loop3A_1777 {strides = array<i32>} : memref<2x448x128xf32, #tpu.memory_space<vmem>>, vector<16xf32>,
      %parallel_loop3A_1783 = vector.shape_cast %gather3A_1213 : vector<16xi32> to vector<16x1xi32>
      %parallel_loop3A_1784 = vector.shape_cast %parallel_loop3A_1783 : vector<16x1xi32> to vector<16xi32>
      %parallel_loop3A_1785 = tpu.dynamic_gather %parallel_loop3A_1750[%parallel_loop3A_1784] in [0] : vector<16xf32>, vector<16xi32> -> vector<16xf32>
      %parallel_loop3A_1786 = arith.constant 0 : i32
      %parallel_loop3A_1787 = arith.index_cast %parallel_loop3A_1786 : i32 to index
      %parallel_loop3A_1788 = arith.index_cast %parallel_loop3A_1746 : i32 to index
      %parallel_loop3A_1789 = arith.constant 64 : index
      %parallel_loop3A_1790 = tpu.vector_load %arg7[%parallel_loop3A_1787, %parallel_loop3A_1788, %parallel_loop3A_1789] {strides = array<i32>} : memref<2x448x128xf32, #tpu.memory_space<vmem>>, vector<16xf32>,
      tpu.vector_store %arg7[%parallel_loop3A_1787, %parallel_loop3A_1788, %parallel_loop3A_1789], %parallel_loop3A_1785 {strides = array<i32>} : memref<2x448x128xf32, #tpu.memory_space<vmem>>, vector<16xf32>,
      %parallel_loop3A_1791 = vector.shape_cast %gather3A_1217 : vector<16xi32> to vector<16x1xi32>
      %parallel_loop3A_1792 = vector.shape_cast %parallel_loop3A_1791 : vector<16x1xi32> to vector<16xi32>
      %parallel_loop3A_1793 = tpu.dynamic_gather %parallel_loop3A_1750[%parallel_loop3A_1792] in [0] : vector<16xf32>, vector<16xi32> -> vector<16xf32>
      %parallel_loop3A_1794 = arith.constant 0 : i32
      %parallel_loop3A_1795 = arith.index_cast %parallel_loop3A_1794 : i32 to index
      %parallel_loop3A_1796 = arith.index_cast %parallel_loop3A_1746 : i32 to index
      %parallel_loop3A_1797 = arith.constant 80 : index
      %parallel_loop3A_1798 = tpu.vector_load %arg7[%parallel_loop3A_1795, %parallel_loop3A_1796, %parallel_loop3A_1797] {strides = array<i32>} : memref<2x448x128xf32, #tpu.memory_space<vmem>>, vector<16xf32>,
      tpu.vector_store %arg7[%parallel_loop3A_1795, %parallel_loop3A_1796, %parallel_loop3A_1797], %parallel_loop3A_1793 {strides = array<i32>} : memref<2x448x128xf32, #tpu.memory_space<vmem>>, vector<16xf32>,
      %parallel_loop3A_1799 = vector.shape_cast %gather3A_1221 : vector<16xi32> to vector<16x1xi32>
      %parallel_loop3A_1800 = vector.shape_cast %parallel_loop3A_1799 : vector<16x1xi32> to vector<16xi32>
      %parallel_loop3A_1801 = tpu.dynamic_gather %parallel_loop3A_1750[%parallel_loop3A_1800] in [0] : vector<16xf32>, vector<16xi32> -> vector<16xf32>
      %parallel_loop3A_1802 = arith.constant 0 : i32
      %parallel_loop3A_1803 = arith.index_cast %parallel_loop3A_1802 : i32 to index
      %parallel_loop3A_1804 = arith.index_cast %parallel_loop3A_1746 : i32 to index
      %parallel_loop3A_1805 = arith.constant 96 : index
      %parallel_loop3A_1806 = tpu.vector_load %arg7[%parallel_loop3A_1803, %parallel_loop3A_1804, %parallel_loop3A_1805] {strides = array<i32>} : memref<2x448x128xf32, #tpu.memory_space<vmem>>, vector<16xf32>,
      tpu.vector_store %arg7[%parallel_loop3A_1803, %parallel_loop3A_1804, %parallel_loop3A_1805], %parallel_loop3A_1801 {strides = array<i32>} : memref<2x448x128xf32, #tpu.memory_space<vmem>>, vector<16xf32>,
      %parallel_loop3A_1807 = vector.shape_cast %gather3A_1225 : vector<16xi32> to vector<16x1xi32>
      %parallel_loop3A_1808 = vector.shape_cast %parallel_loop3A_1807 : vector<16x1xi32> to vector<16xi32>
      %parallel_loop3A_1809 = tpu.dynamic_gather %parallel_loop3A_1750[%parallel_loop3A_1808] in [0] : vector<16xf32>, vector<16xi32> -> vector<16xf32>
      %parallel_loop3A_1810 = arith.constant 0 : i32
      %parallel_loop3A_1811 = arith.index_cast %parallel_loop3A_1810 : i32 to index
      %parallel_loop3A_1812 = arith.index_cast %parallel_loop3A_1746 : i32 to index
      %parallel_loop3A_1813 = arith.constant 112 : index
      %parallel_loop3A_1814 = tpu.vector_load %arg7[%parallel_loop3A_1811, %parallel_loop3A_1812, %parallel_loop3A_1813] {strides = array<i32>} : memref<2x448x128xf32, #tpu.memory_space<vmem>>, vector<16xf32>,
      tpu.vector_store %arg7[%parallel_loop3A_1811, %parallel_loop3A_1812, %parallel_loop3A_1813], %parallel_loop3A_1809 {strides = array<i32>} : memref<2x448x128xf32, #tpu.memory_space<vmem>>, vector<16xf32>,
    } {sc.loop_unroll_factor = 1 : i64, sc.parallel_access}
    %dma_start3A_1229 = arith.constant 0 : i32
    %dma_start3A_1230 = arith.constant 18 : i32
    %dma_start3A_1231 = arith.constant 0 : i32
    %dma_start3A_1232 = arith.constant 0 : i32
    %dma_start3A_1233 = tpu.memref_slice %arg7[%dma_start3A_1229, %dma_start3A_1231, %dma_start3A_1232] : memref<2x448x128xf32, #tpu.memory_space<vmem>> -> memref<1x448x128xf32, #tpu.memory_space<vmem>>
    %dma_start3A_1234 = tpu.memref_squeeze %dma_start3A_1233 : memref<1x448x128xf32, #tpu.memory_space<vmem>> -> memref<448x128xf32, #tpu.memory_space<vmem>>
    %dma_start3A_1235 = arith.constant 0 : i32
    %dma_start3A_1236 = tpu.memref_slice %arg4[%dma_start3A_1230, %dma_start3A_1235, %mul3A_2] : memref<26x448x4096xf32, #tpu.memory_space<hbm>> -> memref<1x448x128xf32, #tpu.memory_space<hbm>>
    %dma_start3A_1237 = tpu.memref_squeeze %dma_start3A_1236 : memref<1x448x128xf32, #tpu.memory_space<hbm>> -> memref<448x128xf32, #tpu.memory_space<hbm>>
    %dma_start3A_1238 = arith.constant 0 : i32
    %dma_start3A_1239 = tpu.memref_slice %arg4[%dma_start3A_1230, %dma_start3A_1238, %mul3A_2] : memref<26x448x4096xf32, #tpu.memory_space<hbm>> -> memref<1x448x128xf32, #tpu.memory_space<hbm>>
    %dma_start3A_1240 = tpu.memref_squeeze %dma_start3A_1239 : memref<1x448x128xf32, #tpu.memory_space<hbm>> -> memref<448x128xf32, #tpu.memory_space<hbm>>
    %dma_start3A_1241 = arith.constant 0 : i32
    %dma_start3A_1242 = arith.constant 0 : i32
    %dma_start3A_1243 = tpu.memref_slice %arg7[%dma_start3A_1229, %dma_start3A_1241, %dma_start3A_1242] : memref<2x448x128xf32, #tpu.memory_space<vmem>> -> memref<1x448x128xf32, #tpu.memory_space<vmem>>
    %dma_start3A_1244 = tpu.memref_squeeze %dma_start3A_1243 : memref<1x448x128xf32, #tpu.memory_space<vmem>> -> memref<448x128xf32, #tpu.memory_space<vmem>>
    tpu.enqueue_dma source(%dma_start3A_1244 : memref<448x128xf32, #tpu.memory_space<vmem>>) target(%dma_start3A_1240 : memref<448x128xf32, #tpu.memory_space<hbm>>) target_semaphore(%arg8 : memref<!tpu.dma_semaphore, #tpu.memory_space<semaphore_mem>>)
    %dma_wait3A_1245 = arith.constant 1 : i32
    %dma_wait3A_1246 = arith.constant 17 : i32
    %dma_wait3A_1247 = arith.constant 0 : i32
    %dma_wait3A_1248 = arith.constant 0 : i32
    %dma_wait3A_1249 = tpu.memref_slice %arg7[%dma_wait3A_1245, %dma_wait3A_1247, %dma_wait3A_1248] : memref<2x448x128xf32, #tpu.memory_space<vmem>> -> memref<1x448x128xf32, #tpu.memory_space<vmem>>
    %dma_wait3A_1250 = tpu.memref_squeeze %dma_wait3A_1249 : memref<1x448x128xf32, #tpu.memory_space<vmem>> -> memref<448x128xf32, #tpu.memory_space<vmem>>
    %dma_wait3A_1251 = arith.constant 0 : i32
    %dma_wait3A_1252 = tpu.memref_slice %arg4[%dma_wait3A_1246, %dma_wait3A_1251, %mul3A_2] : memref<26x448x4096xf32, #tpu.memory_space<hbm>> -> memref<1x448x128xf32, #tpu.memory_space<hbm>>
    %dma_wait3A_1253 = tpu.memref_squeeze %dma_wait3A_1252 : memref<1x448x128xf32, #tpu.memory_space<hbm>> -> memref<448x128xf32, #tpu.memory_space<hbm>>
    %dma_wait3A_1254 = arith.constant 0 : i32
    %dma_wait3A_1255 = tpu.memref_slice %arg4[%dma_wait3A_1246, %dma_wait3A_1254, %mul3A_2] : memref<26x448x4096xf32, #tpu.memory_space<hbm>> -> memref<1x448x128xf32, #tpu.memory_space<hbm>>
    %dma_wait3A_1256 = tpu.memref_squeeze %dma_wait3A_1255 : memref<1x448x128xf32, #tpu.memory_space<hbm>> -> memref<448x128xf32, #tpu.memory_space<hbm>>
    %dma_wait3A_1257 = arith.constant 0 : i32
    %dma_wait3A_1258 = arith.constant 0 : i32
    %dma_wait3A_1259 = tpu.memref_slice %arg7[%dma_wait3A_1245, %dma_wait3A_1257, %dma_wait3A_1258] : memref<2x448x128xf32, #tpu.memory_space<vmem>> -> memref<1x448x128xf32, #tpu.memory_space<vmem>>
    %dma_wait3A_1260 = tpu.memref_squeeze %dma_wait3A_1259 : memref<1x448x128xf32, #tpu.memory_space<vmem>> -> memref<448x128xf32, #tpu.memory_space<vmem>>
    tpu.wait_dma2 semaphore(%arg9 : memref<!tpu.dma_semaphore, #tpu.memory_space<semaphore_mem>>) src(%dma_wait3A_1260 : memref<448x128xf32, #tpu.memory_space<vmem>>) dst(%dma_wait3A_1256 : memref<448x128xf32, #tpu.memory_space<hbm>>)
    %add3A_1261 = arith.constant 19 : i32
    %add3A_1262 = vector.broadcast %add3A_1261 : i32 to vector<16xi32>
    %add3A_1263 = arith.addi %mul3A_7, %add3A_1262 : vector<16xi32>
    %gather3A_1264 = tpu.vector_load_idx %arg5[%add3A_1263] : memref<3328xi32, #tpu.memory_space<vmem>>[vector<16xi32>], vector<16xi32>,
    %add3A_1265 = arith.constant 435 : i32
    %add3A_1266 = vector.broadcast %add3A_1265 : i32 to vector<16xi32>
    %add3A_1267 = arith.addi %mul3A_7, %add3A_1266 : vector<16xi32>
    %gather3A_1268 = tpu.vector_load_idx %arg5[%add3A_1267] : memref<3328xi32, #tpu.memory_space<vmem>>[vector<16xi32>], vector<16xi32>,
    %add3A_1269 = arith.constant 851 : i32
    %add3A_1270 = vector.broadcast %add3A_1269 : i32 to vector<16xi32>
    %add3A_1271 = arith.addi %mul3A_7, %add3A_1270 : vector<16xi32>
    %gather3A_1272 = tpu.vector_load_idx %arg5[%add3A_1271] : memref<3328xi32, #tpu.memory_space<vmem>>[vector<16xi32>], vector<16xi32>,
    %add3A_1273 = arith.constant 1267 : i32
    %add3A_1274 = vector.broadcast %add3A_1273 : i32 to vector<16xi32>
    %add3A_1275 = arith.addi %mul3A_7, %add3A_1274 : vector<16xi32>
    %gather3A_1276 = tpu.vector_load_idx %arg5[%add3A_1275] : memref<3328xi32, #tpu.memory_space<vmem>>[vector<16xi32>], vector<16xi32>,
    %add3A_1277 = arith.constant 1683 : i32
    %add3A_1278 = vector.broadcast %add3A_1277 : i32 to vector<16xi32>
    %add3A_1279 = arith.addi %mul3A_7, %add3A_1278 : vector<16xi32>
    %gather3A_1280 = tpu.vector_load_idx %arg5[%add3A_1279] : memref<3328xi32, #tpu.memory_space<vmem>>[vector<16xi32>], vector<16xi32>,
    %add3A_1281 = arith.constant 2099 : i32
    %add3A_1282 = vector.broadcast %add3A_1281 : i32 to vector<16xi32>
    %add3A_1283 = arith.addi %mul3A_7, %add3A_1282 : vector<16xi32>
    %gather3A_1284 = tpu.vector_load_idx %arg5[%add3A_1283] : memref<3328xi32, #tpu.memory_space<vmem>>[vector<16xi32>], vector<16xi32>,
    %add3A_1285 = arith.constant 2515 : i32
    %add3A_1286 = vector.broadcast %add3A_1285 : i32 to vector<16xi32>
    %add3A_1287 = arith.addi %mul3A_7, %add3A_1286 : vector<16xi32>
    %gather3A_1288 = tpu.vector_load_idx %arg5[%add3A_1287] : memref<3328xi32, #tpu.memory_space<vmem>>[vector<16xi32>], vector<16xi32>,
    %add3A_1289 = arith.constant 2931 : i32
    %add3A_1290 = vector.broadcast %add3A_1289 : i32 to vector<16xi32>
    %add3A_1291 = arith.addi %mul3A_7, %add3A_1290 : vector<16xi32>
    %gather3A_1292 = tpu.vector_load_idx %arg5[%add3A_1291] : memref<3328xi32, #tpu.memory_space<vmem>>[vector<16xi32>], vector<16xi32>,
    %parallel_loop3A_1293 = arith.constant 0 : i32
    %parallel_loop3A_1294 = arith.constant 448 : i32
    %parallel_loop3A_1295 = arith.constant 1 : i32
    scf.for %parallel_loop3A_1746 = %parallel_loop3A_1293 to %parallel_loop3A_1294 step %parallel_loop3A_1295  : i32 {
      %parallel_loop3A_1747 = arith.constant 16 : i32
      %parallel_loop3A_1748 = arith.muli %parallel_loop3A_1746, %parallel_loop3A_1747 : i32
      %parallel_loop3A_1749 = arith.index_cast %parallel_loop3A_1748 : i32 to index
      %parallel_loop3A_1750 = tpu.vector_load %arg6[%parallel_loop3A_1749] {strides = array<i32>} : memref<7168xf32, #tpu.memory_space<vmem>>, vector<16xf32>,
      %parallel_loop3A_1751 = vector.shape_cast %gather3A_1264 : vector<16xi32> to vector<16x1xi32>
      %parallel_loop3A_1752 = vector.shape_cast %parallel_loop3A_1751 : vector<16x1xi32> to vector<16xi32>
      %parallel_loop3A_1753 = tpu.dynamic_gather %parallel_loop3A_1750[%parallel_loop3A_1752] in [0] : vector<16xf32>, vector<16xi32> -> vector<16xf32>
      %parallel_loop3A_1754 = arith.constant 1 : i32
      %parallel_loop3A_1755 = arith.index_cast %parallel_loop3A_1754 : i32 to index
      %parallel_loop3A_1756 = arith.index_cast %parallel_loop3A_1746 : i32 to index
      %parallel_loop3A_1757 = arith.constant 0 : index
      %parallel_loop3A_1758 = tpu.vector_load %arg7[%parallel_loop3A_1755, %parallel_loop3A_1756, %parallel_loop3A_1757] {strides = array<i32>} : memref<2x448x128xf32, #tpu.memory_space<vmem>>, vector<16xf32>,
      tpu.vector_store %arg7[%parallel_loop3A_1755, %parallel_loop3A_1756, %parallel_loop3A_1757], %parallel_loop3A_1753 {strides = array<i32>} : memref<2x448x128xf32, #tpu.memory_space<vmem>>, vector<16xf32>,
      %parallel_loop3A_1759 = vector.shape_cast %gather3A_1268 : vector<16xi32> to vector<16x1xi32>
      %parallel_loop3A_1760 = vector.shape_cast %parallel_loop3A_1759 : vector<16x1xi32> to vector<16xi32>
      %parallel_loop3A_1761 = tpu.dynamic_gather %parallel_loop3A_1750[%parallel_loop3A_1760] in [0] : vector<16xf32>, vector<16xi32> -> vector<16xf32>
      %parallel_loop3A_1762 = arith.constant 1 : i32
      %parallel_loop3A_1763 = arith.index_cast %parallel_loop3A_1762 : i32 to index
      %parallel_loop3A_1764 = arith.index_cast %parallel_loop3A_1746 : i32 to index
      %parallel_loop3A_1765 = arith.constant 16 : index
      %parallel_loop3A_1766 = tpu.vector_load %arg7[%parallel_loop3A_1763, %parallel_loop3A_1764, %parallel_loop3A_1765] {strides = array<i32>} : memref<2x448x128xf32, #tpu.memory_space<vmem>>, vector<16xf32>,
      tpu.vector_store %arg7[%parallel_loop3A_1763, %parallel_loop3A_1764, %parallel_loop3A_1765], %parallel_loop3A_1761 {strides = array<i32>} : memref<2x448x128xf32, #tpu.memory_space<vmem>>, vector<16xf32>,
      %parallel_loop3A_1767 = vector.shape_cast %gather3A_1272 : vector<16xi32> to vector<16x1xi32>
      %parallel_loop3A_1768 = vector.shape_cast %parallel_loop3A_1767 : vector<16x1xi32> to vector<16xi32>
      %parallel_loop3A_1769 = tpu.dynamic_gather %parallel_loop3A_1750[%parallel_loop3A_1768] in [0] : vector<16xf32>, vector<16xi32> -> vector<16xf32>
      %parallel_loop3A_1770 = arith.constant 1 : i32
      %parallel_loop3A_1771 = arith.index_cast %parallel_loop3A_1770 : i32 to index
      %parallel_loop3A_1772 = arith.index_cast %parallel_loop3A_1746 : i32 to index
      %parallel_loop3A_1773 = arith.constant 32 : index
      %parallel_loop3A_1774 = tpu.vector_load %arg7[%parallel_loop3A_1771, %parallel_loop3A_1772, %parallel_loop3A_1773] {strides = array<i32>} : memref<2x448x128xf32, #tpu.memory_space<vmem>>, vector<16xf32>,
      tpu.vector_store %arg7[%parallel_loop3A_1771, %parallel_loop3A_1772, %parallel_loop3A_1773], %parallel_loop3A_1769 {strides = array<i32>} : memref<2x448x128xf32, #tpu.memory_space<vmem>>, vector<16xf32>,
      %parallel_loop3A_1775 = vector.shape_cast %gather3A_1276 : vector<16xi32> to vector<16x1xi32>
      %parallel_loop3A_1776 = vector.shape_cast %parallel_loop3A_1775 : vector<16x1xi32> to vector<16xi32>
      %parallel_loop3A_1777 = tpu.dynamic_gather %parallel_loop3A_1750[%parallel_loop3A_1776] in [0] : vector<16xf32>, vector<16xi32> -> vector<16xf32>
      %parallel_loop3A_1778 = arith.constant 1 : i32
      %parallel_loop3A_1779 = arith.index_cast %parallel_loop3A_1778 : i32 to index
      %parallel_loop3A_1780 = arith.index_cast %parallel_loop3A_1746 : i32 to index
      %parallel_loop3A_1781 = arith.constant 48 : index
      %parallel_loop3A_1782 = tpu.vector_load %arg7[%parallel_loop3A_1779, %parallel_loop3A_1780, %parallel_loop3A_1781] {strides = array<i32>} : memref<2x448x128xf32, #tpu.memory_space<vmem>>, vector<16xf32>,
      tpu.vector_store %arg7[%parallel_loop3A_1779, %parallel_loop3A_1780, %parallel_loop3A_1781], %parallel_loop3A_1777 {strides = array<i32>} : memref<2x448x128xf32, #tpu.memory_space<vmem>>, vector<16xf32>,
      %parallel_loop3A_1783 = vector.shape_cast %gather3A_1280 : vector<16xi32> to vector<16x1xi32>
      %parallel_loop3A_1784 = vector.shape_cast %parallel_loop3A_1783 : vector<16x1xi32> to vector<16xi32>
      %parallel_loop3A_1785 = tpu.dynamic_gather %parallel_loop3A_1750[%parallel_loop3A_1784] in [0] : vector<16xf32>, vector<16xi32> -> vector<16xf32>
      %parallel_loop3A_1786 = arith.constant 1 : i32
      %parallel_loop3A_1787 = arith.index_cast %parallel_loop3A_1786 : i32 to index
      %parallel_loop3A_1788 = arith.index_cast %parallel_loop3A_1746 : i32 to index
      %parallel_loop3A_1789 = arith.constant 64 : index
      %parallel_loop3A_1790 = tpu.vector_load %arg7[%parallel_loop3A_1787, %parallel_loop3A_1788, %parallel_loop3A_1789] {strides = array<i32>} : memref<2x448x128xf32, #tpu.memory_space<vmem>>, vector<16xf32>,
      tpu.vector_store %arg7[%parallel_loop3A_1787, %parallel_loop3A_1788, %parallel_loop3A_1789], %parallel_loop3A_1785 {strides = array<i32>} : memref<2x448x128xf32, #tpu.memory_space<vmem>>, vector<16xf32>,
      %parallel_loop3A_1791 = vector.shape_cast %gather3A_1284 : vector<16xi32> to vector<16x1xi32>
      %parallel_loop3A_1792 = vector.shape_cast %parallel_loop3A_1791 : vector<16x1xi32> to vector<16xi32>
      %parallel_loop3A_1793 = tpu.dynamic_gather %parallel_loop3A_1750[%parallel_loop3A_1792] in [0] : vector<16xf32>, vector<16xi32> -> vector<16xf32>
      %parallel_loop3A_1794 = arith.constant 1 : i32
      %parallel_loop3A_1795 = arith.index_cast %parallel_loop3A_1794 : i32 to index
      %parallel_loop3A_1796 = arith.index_cast %parallel_loop3A_1746 : i32 to index
      %parallel_loop3A_1797 = arith.constant 80 : index
      %parallel_loop3A_1798 = tpu.vector_load %arg7[%parallel_loop3A_1795, %parallel_loop3A_1796, %parallel_loop3A_1797] {strides = array<i32>} : memref<2x448x128xf32, #tpu.memory_space<vmem>>, vector<16xf32>,
      tpu.vector_store %arg7[%parallel_loop3A_1795, %parallel_loop3A_1796, %parallel_loop3A_1797], %parallel_loop3A_1793 {strides = array<i32>} : memref<2x448x128xf32, #tpu.memory_space<vmem>>, vector<16xf32>,
      %parallel_loop3A_1799 = vector.shape_cast %gather3A_1288 : vector<16xi32> to vector<16x1xi32>
      %parallel_loop3A_1800 = vector.shape_cast %parallel_loop3A_1799 : vector<16x1xi32> to vector<16xi32>
      %parallel_loop3A_1801 = tpu.dynamic_gather %parallel_loop3A_1750[%parallel_loop3A_1800] in [0] : vector<16xf32>, vector<16xi32> -> vector<16xf32>
      %parallel_loop3A_1802 = arith.constant 1 : i32
      %parallel_loop3A_1803 = arith.index_cast %parallel_loop3A_1802 : i32 to index
      %parallel_loop3A_1804 = arith.index_cast %parallel_loop3A_1746 : i32 to index
      %parallel_loop3A_1805 = arith.constant 96 : index
      %parallel_loop3A_1806 = tpu.vector_load %arg7[%parallel_loop3A_1803, %parallel_loop3A_1804, %parallel_loop3A_1805] {strides = array<i32>} : memref<2x448x128xf32, #tpu.memory_space<vmem>>, vector<16xf32>,
      tpu.vector_store %arg7[%parallel_loop3A_1803, %parallel_loop3A_1804, %parallel_loop3A_1805], %parallel_loop3A_1801 {strides = array<i32>} : memref<2x448x128xf32, #tpu.memory_space<vmem>>, vector<16xf32>,
      %parallel_loop3A_1807 = vector.shape_cast %gather3A_1292 : vector<16xi32> to vector<16x1xi32>
      %parallel_loop3A_1808 = vector.shape_cast %parallel_loop3A_1807 : vector<16x1xi32> to vector<16xi32>
      %parallel_loop3A_1809 = tpu.dynamic_gather %parallel_loop3A_1750[%parallel_loop3A_1808] in [0] : vector<16xf32>, vector<16xi32> -> vector<16xf32>
      %parallel_loop3A_1810 = arith.constant 1 : i32
      %parallel_loop3A_1811 = arith.index_cast %parallel_loop3A_1810 : i32 to index
      %parallel_loop3A_1812 = arith.index_cast %parallel_loop3A_1746 : i32 to index
      %parallel_loop3A_1813 = arith.constant 112 : index
      %parallel_loop3A_1814 = tpu.vector_load %arg7[%parallel_loop3A_1811, %parallel_loop3A_1812, %parallel_loop3A_1813] {strides = array<i32>} : memref<2x448x128xf32, #tpu.memory_space<vmem>>, vector<16xf32>,
      tpu.vector_store %arg7[%parallel_loop3A_1811, %parallel_loop3A_1812, %parallel_loop3A_1813], %parallel_loop3A_1809 {strides = array<i32>} : memref<2x448x128xf32, #tpu.memory_space<vmem>>, vector<16xf32>,
    } {sc.loop_unroll_factor = 1 : i64, sc.parallel_access}
    %dma_start3A_1296 = arith.constant 1 : i32
    %dma_start3A_1297 = arith.constant 19 : i32
    %dma_start3A_1298 = arith.constant 0 : i32
    %dma_start3A_1299 = arith.constant 0 : i32
    %dma_start3A_1300 = tpu.memref_slice %arg7[%dma_start3A_1296, %dma_start3A_1298, %dma_start3A_1299] : memref<2x448x128xf32, #tpu.memory_space<vmem>> -> memref<1x448x128xf32, #tpu.memory_space<vmem>>
    %dma_start3A_1301 = tpu.memref_squeeze %dma_start3A_1300 : memref<1x448x128xf32, #tpu.memory_space<vmem>> -> memref<448x128xf32, #tpu.memory_space<vmem>>
    %dma_start3A_1302 = arith.constant 0 : i32
    %dma_start3A_1303 = tpu.memref_slice %arg4[%dma_start3A_1297, %dma_start3A_1302, %mul3A_2] : memref<26x448x4096xf32, #tpu.memory_space<hbm>> -> memref<1x448x128xf32, #tpu.memory_space<hbm>>
    %dma_start3A_1304 = tpu.memref_squeeze %dma_start3A_1303 : memref<1x448x128xf32, #tpu.memory_space<hbm>> -> memref<448x128xf32, #tpu.memory_space<hbm>>
    %dma_start3A_1305 = arith.constant 0 : i32
    %dma_start3A_1306 = tpu.memref_slice %arg4[%dma_start3A_1297, %dma_start3A_1305, %mul3A_2] : memref<26x448x4096xf32, #tpu.memory_space<hbm>> -> memref<1x448x128xf32, #tpu.memory_space<hbm>>
    %dma_start3A_1307 = tpu.memref_squeeze %dma_start3A_1306 : memref<1x448x128xf32, #tpu.memory_space<hbm>> -> memref<448x128xf32, #tpu.memory_space<hbm>>
    %dma_start3A_1308 = arith.constant 0 : i32
    %dma_start3A_1309 = arith.constant 0 : i32
    %dma_start3A_1310 = tpu.memref_slice %arg7[%dma_start3A_1296, %dma_start3A_1308, %dma_start3A_1309] : memref<2x448x128xf32, #tpu.memory_space<vmem>> -> memref<1x448x128xf32, #tpu.memory_space<vmem>>
    %dma_start3A_1311 = tpu.memref_squeeze %dma_start3A_1310 : memref<1x448x128xf32, #tpu.memory_space<vmem>> -> memref<448x128xf32, #tpu.memory_space<vmem>>
    tpu.enqueue_dma source(%dma_start3A_1311 : memref<448x128xf32, #tpu.memory_space<vmem>>) target(%dma_start3A_1307 : memref<448x128xf32, #tpu.memory_space<hbm>>) target_semaphore(%arg9 : memref<!tpu.dma_semaphore, #tpu.memory_space<semaphore_mem>>)
    %dma_wait3A_1312 = arith.constant 0 : i32
    %dma_wait3A_1313 = arith.constant 18 : i32
    %dma_wait3A_1314 = arith.constant 0 : i32
    %dma_wait3A_1315 = arith.constant 0 : i32
    %dma_wait3A_1316 = tpu.memref_slice %arg7[%dma_wait3A_1312, %dma_wait3A_1314, %dma_wait3A_1315] : memref<2x448x128xf32, #tpu.memory_space<vmem>> -> memref<1x448x128xf32, #tpu.memory_space<vmem>>
    %dma_wait3A_1317 = tpu.memref_squeeze %dma_wait3A_1316 : memref<1x448x128xf32, #tpu.memory_space<vmem>> -> memref<448x128xf32, #tpu.memory_space<vmem>>
    %dma_wait3A_1318 = arith.constant 0 : i32
    %dma_wait3A_1319 = tpu.memref_slice %arg4[%dma_wait3A_1313, %dma_wait3A_1318, %mul3A_2] : memref<26x448x4096xf32, #tpu.memory_space<hbm>> -> memref<1x448x128xf32, #tpu.memory_space<hbm>>
    %dma_wait3A_1320 = tpu.memref_squeeze %dma_wait3A_1319 : memref<1x448x128xf32, #tpu.memory_space<hbm>> -> memref<448x128xf32, #tpu.memory_space<hbm>>
    %dma_wait3A_1321 = arith.constant 0 : i32
    %dma_wait3A_1322 = tpu.memref_slice %arg4[%dma_wait3A_1313, %dma_wait3A_1321, %mul3A_2] : memref<26x448x4096xf32, #tpu.memory_space<hbm>> -> memref<1x448x128xf32, #tpu.memory_space<hbm>>
    %dma_wait3A_1323 = tpu.memref_squeeze %dma_wait3A_1322 : memref<1x448x128xf32, #tpu.memory_space<hbm>> -> memref<448x128xf32, #tpu.memory_space<hbm>>
    %dma_wait3A_1324 = arith.constant 0 : i32
    %dma_wait3A_1325 = arith.constant 0 : i32
    %dma_wait3A_1326 = tpu.memref_slice %arg7[%dma_wait3A_1312, %dma_wait3A_1324, %dma_wait3A_1325] : memref<2x448x128xf32, #tpu.memory_space<vmem>> -> memref<1x448x128xf32, #tpu.memory_space<vmem>>
    %dma_wait3A_1327 = tpu.memref_squeeze %dma_wait3A_1326 : memref<1x448x128xf32, #tpu.memory_space<vmem>> -> memref<448x128xf32, #tpu.memory_space<vmem>>
    tpu.wait_dma2 semaphore(%arg8 : memref<!tpu.dma_semaphore, #tpu.memory_space<semaphore_mem>>) src(%dma_wait3A_1327 : memref<448x128xf32, #tpu.memory_space<vmem>>) dst(%dma_wait3A_1323 : memref<448x128xf32, #tpu.memory_space<hbm>>)
    %add3A_1328 = arith.constant 20 : i32
    %add3A_1329 = vector.broadcast %add3A_1328 : i32 to vector<16xi32>
    %add3A_1330 = arith.addi %mul3A_7, %add3A_1329 : vector<16xi32>
    %gather3A_1331 = tpu.vector_load_idx %arg5[%add3A_1330] : memref<3328xi32, #tpu.memory_space<vmem>>[vector<16xi32>], vector<16xi32>,
    %add3A_1332 = arith.constant 436 : i32
    %add3A_1333 = vector.broadcast %add3A_1332 : i32 to vector<16xi32>
    %add3A_1334 = arith.addi %mul3A_7, %add3A_1333 : vector<16xi32>
    %gather3A_1335 = tpu.vector_load_idx %arg5[%add3A_1334] : memref<3328xi32, #tpu.memory_space<vmem>>[vector<16xi32>], vector<16xi32>,
    %add3A_1336 = arith.constant 852 : i32
    %add3A_1337 = vector.broadcast %add3A_1336 : i32 to vector<16xi32>
    %add3A_1338 = arith.addi %mul3A_7, %add3A_1337 : vector<16xi32>
    %gather3A_1339 = tpu.vector_load_idx %arg5[%add3A_1338] : memref<3328xi32, #tpu.memory_space<vmem>>[vector<16xi32>], vector<16xi32>,
    %add3A_1340 = arith.constant 1268 : i32
    %add3A_1341 = vector.broadcast %add3A_1340 : i32 to vector<16xi32>
    %add3A_1342 = arith.addi %mul3A_7, %add3A_1341 : vector<16xi32>
    %gather3A_1343 = tpu.vector_load_idx %arg5[%add3A_1342] : memref<3328xi32, #tpu.memory_space<vmem>>[vector<16xi32>], vector<16xi32>,
    %add3A_1344 = arith.constant 1684 : i32
    %add3A_1345 = vector.broadcast %add3A_1344 : i32 to vector<16xi32>
    %add3A_1346 = arith.addi %mul3A_7, %add3A_1345 : vector<16xi32>
    %gather3A_1347 = tpu.vector_load_idx %arg5[%add3A_1346] : memref<3328xi32, #tpu.memory_space<vmem>>[vector<16xi32>], vector<16xi32>,
    %add3A_1348 = arith.constant 2100 : i32
    %add3A_1349 = vector.broadcast %add3A_1348 : i32 to vector<16xi32>
    %add3A_1350 = arith.addi %mul3A_7, %add3A_1349 : vector<16xi32>
    %gather3A_1351 = tpu.vector_load_idx %arg5[%add3A_1350] : memref<3328xi32, #tpu.memory_space<vmem>>[vector<16xi32>], vector<16xi32>,
    %add3A_1352 = arith.constant 2516 : i32
    %add3A_1353 = vector.broadcast %add3A_1352 : i32 to vector<16xi32>
    %add3A_1354 = arith.addi %mul3A_7, %add3A_1353 : vector<16xi32>
    %gather3A_1355 = tpu.vector_load_idx %arg5[%add3A_1354] : memref<3328xi32, #tpu.memory_space<vmem>>[vector<16xi32>], vector<16xi32>,
    %add3A_1356 = arith.constant 2932 : i32
    %add3A_1357 = vector.broadcast %add3A_1356 : i32 to vector<16xi32>
    %add3A_1358 = arith.addi %mul3A_7, %add3A_1357 : vector<16xi32>
    %gather3A_1359 = tpu.vector_load_idx %arg5[%add3A_1358] : memref<3328xi32, #tpu.memory_space<vmem>>[vector<16xi32>], vector<16xi32>,
    %parallel_loop3A_1360 = arith.constant 0 : i32
    %parallel_loop3A_1361 = arith.constant 448 : i32
    %parallel_loop3A_1362 = arith.constant 1 : i32
    scf.for %parallel_loop3A_1746 = %parallel_loop3A_1360 to %parallel_loop3A_1361 step %parallel_loop3A_1362  : i32 {
      %parallel_loop3A_1747 = arith.constant 16 : i32
      %parallel_loop3A_1748 = arith.muli %parallel_loop3A_1746, %parallel_loop3A_1747 : i32
      %parallel_loop3A_1749 = arith.index_cast %parallel_loop3A_1748 : i32 to index
      %parallel_loop3A_1750 = tpu.vector_load %arg6[%parallel_loop3A_1749] {strides = array<i32>} : memref<7168xf32, #tpu.memory_space<vmem>>, vector<16xf32>,
      %parallel_loop3A_1751 = vector.shape_cast %gather3A_1331 : vector<16xi32> to vector<16x1xi32>
      %parallel_loop3A_1752 = vector.shape_cast %parallel_loop3A_1751 : vector<16x1xi32> to vector<16xi32>
      %parallel_loop3A_1753 = tpu.dynamic_gather %parallel_loop3A_1750[%parallel_loop3A_1752] in [0] : vector<16xf32>, vector<16xi32> -> vector<16xf32>
      %parallel_loop3A_1754 = arith.constant 0 : i32
      %parallel_loop3A_1755 = arith.index_cast %parallel_loop3A_1754 : i32 to index
      %parallel_loop3A_1756 = arith.index_cast %parallel_loop3A_1746 : i32 to index
      %parallel_loop3A_1757 = arith.constant 0 : index
      %parallel_loop3A_1758 = tpu.vector_load %arg7[%parallel_loop3A_1755, %parallel_loop3A_1756, %parallel_loop3A_1757] {strides = array<i32>} : memref<2x448x128xf32, #tpu.memory_space<vmem>>, vector<16xf32>,
      tpu.vector_store %arg7[%parallel_loop3A_1755, %parallel_loop3A_1756, %parallel_loop3A_1757], %parallel_loop3A_1753 {strides = array<i32>} : memref<2x448x128xf32, #tpu.memory_space<vmem>>, vector<16xf32>,
      %parallel_loop3A_1759 = vector.shape_cast %gather3A_1335 : vector<16xi32> to vector<16x1xi32>
      %parallel_loop3A_1760 = vector.shape_cast %parallel_loop3A_1759 : vector<16x1xi32> to vector<16xi32>
      %parallel_loop3A_1761 = tpu.dynamic_gather %parallel_loop3A_1750[%parallel_loop3A_1760] in [0] : vector<16xf32>, vector<16xi32> -> vector<16xf32>
      %parallel_loop3A_1762 = arith.constant 0 : i32
      %parallel_loop3A_1763 = arith.index_cast %parallel_loop3A_1762 : i32 to index
      %parallel_loop3A_1764 = arith.index_cast %parallel_loop3A_1746 : i32 to index
      %parallel_loop3A_1765 = arith.constant 16 : index
      %parallel_loop3A_1766 = tpu.vector_load %arg7[%parallel_loop3A_1763, %parallel_loop3A_1764, %parallel_loop3A_1765] {strides = array<i32>} : memref<2x448x128xf32, #tpu.memory_space<vmem>>, vector<16xf32>,
      tpu.vector_store %arg7[%parallel_loop3A_1763, %parallel_loop3A_1764, %parallel_loop3A_1765], %parallel_loop3A_1761 {strides = array<i32>} : memref<2x448x128xf32, #tpu.memory_space<vmem>>, vector<16xf32>,
      %parallel_loop3A_1767 = vector.shape_cast %gather3A_1339 : vector<16xi32> to vector<16x1xi32>
      %parallel_loop3A_1768 = vector.shape_cast %parallel_loop3A_1767 : vector<16x1xi32> to vector<16xi32>
      %parallel_loop3A_1769 = tpu.dynamic_gather %parallel_loop3A_1750[%parallel_loop3A_1768] in [0] : vector<16xf32>, vector<16xi32> -> vector<16xf32>
      %parallel_loop3A_1770 = arith.constant 0 : i32
      %parallel_loop3A_1771 = arith.index_cast %parallel_loop3A_1770 : i32 to index
      %parallel_loop3A_1772 = arith.index_cast %parallel_loop3A_1746 : i32 to index
      %parallel_loop3A_1773 = arith.constant 32 : index
      %parallel_loop3A_1774 = tpu.vector_load %arg7[%parallel_loop3A_1771, %parallel_loop3A_1772, %parallel_loop3A_1773] {strides = array<i32>} : memref<2x448x128xf32, #tpu.memory_space<vmem>>, vector<16xf32>,
      tpu.vector_store %arg7[%parallel_loop3A_1771, %parallel_loop3A_1772, %parallel_loop3A_1773], %parallel_loop3A_1769 {strides = array<i32>} : memref<2x448x128xf32, #tpu.memory_space<vmem>>, vector<16xf32>,
      %parallel_loop3A_1775 = vector.shape_cast %gather3A_1343 : vector<16xi32> to vector<16x1xi32>
      %parallel_loop3A_1776 = vector.shape_cast %parallel_loop3A_1775 : vector<16x1xi32> to vector<16xi32>
      %parallel_loop3A_1777 = tpu.dynamic_gather %parallel_loop3A_1750[%parallel_loop3A_1776] in [0] : vector<16xf32>, vector<16xi32> -> vector<16xf32>
      %parallel_loop3A_1778 = arith.constant 0 : i32
      %parallel_loop3A_1779 = arith.index_cast %parallel_loop3A_1778 : i32 to index
      %parallel_loop3A_1780 = arith.index_cast %parallel_loop3A_1746 : i32 to index
      %parallel_loop3A_1781 = arith.constant 48 : index
      %parallel_loop3A_1782 = tpu.vector_load %arg7[%parallel_loop3A_1779, %parallel_loop3A_1780, %parallel_loop3A_1781] {strides = array<i32>} : memref<2x448x128xf32, #tpu.memory_space<vmem>>, vector<16xf32>,
      tpu.vector_store %arg7[%parallel_loop3A_1779, %parallel_loop3A_1780, %parallel_loop3A_1781], %parallel_loop3A_1777 {strides = array<i32>} : memref<2x448x128xf32, #tpu.memory_space<vmem>>, vector<16xf32>,
      %parallel_loop3A_1783 = vector.shape_cast %gather3A_1347 : vector<16xi32> to vector<16x1xi32>
      %parallel_loop3A_1784 = vector.shape_cast %parallel_loop3A_1783 : vector<16x1xi32> to vector<16xi32>
      %parallel_loop3A_1785 = tpu.dynamic_gather %parallel_loop3A_1750[%parallel_loop3A_1784] in [0] : vector<16xf32>, vector<16xi32> -> vector<16xf32>
      %parallel_loop3A_1786 = arith.constant 0 : i32
      %parallel_loop3A_1787 = arith.index_cast %parallel_loop3A_1786 : i32 to index
      %parallel_loop3A_1788 = arith.index_cast %parallel_loop3A_1746 : i32 to index
      %parallel_loop3A_1789 = arith.constant 64 : index
      %parallel_loop3A_1790 = tpu.vector_load %arg7[%parallel_loop3A_1787, %parallel_loop3A_1788, %parallel_loop3A_1789] {strides = array<i32>} : memref<2x448x128xf32, #tpu.memory_space<vmem>>, vector<16xf32>,
      tpu.vector_store %arg7[%parallel_loop3A_1787, %parallel_loop3A_1788, %parallel_loop3A_1789], %parallel_loop3A_1785 {strides = array<i32>} : memref<2x448x128xf32, #tpu.memory_space<vmem>>, vector<16xf32>,
      %parallel_loop3A_1791 = vector.shape_cast %gather3A_1351 : vector<16xi32> to vector<16x1xi32>
      %parallel_loop3A_1792 = vector.shape_cast %parallel_loop3A_1791 : vector<16x1xi32> to vector<16xi32>
      %parallel_loop3A_1793 = tpu.dynamic_gather %parallel_loop3A_1750[%parallel_loop3A_1792] in [0] : vector<16xf32>, vector<16xi32> -> vector<16xf32>
      %parallel_loop3A_1794 = arith.constant 0 : i32
      %parallel_loop3A_1795 = arith.index_cast %parallel_loop3A_1794 : i32 to index
      %parallel_loop3A_1796 = arith.index_cast %parallel_loop3A_1746 : i32 to index
      %parallel_loop3A_1797 = arith.constant 80 : index
      %parallel_loop3A_1798 = tpu.vector_load %arg7[%parallel_loop3A_1795, %parallel_loop3A_1796, %parallel_loop3A_1797] {strides = array<i32>} : memref<2x448x128xf32, #tpu.memory_space<vmem>>, vector<16xf32>,
      tpu.vector_store %arg7[%parallel_loop3A_1795, %parallel_loop3A_1796, %parallel_loop3A_1797], %parallel_loop3A_1793 {strides = array<i32>} : memref<2x448x128xf32, #tpu.memory_space<vmem>>, vector<16xf32>,
      %parallel_loop3A_1799 = vector.shape_cast %gather3A_1355 : vector<16xi32> to vector<16x1xi32>
      %parallel_loop3A_1800 = vector.shape_cast %parallel_loop3A_1799 : vector<16x1xi32> to vector<16xi32>
      %parallel_loop3A_1801 = tpu.dynamic_gather %parallel_loop3A_1750[%parallel_loop3A_1800] in [0] : vector<16xf32>, vector<16xi32> -> vector<16xf32>
      %parallel_loop3A_1802 = arith.constant 0 : i32
      %parallel_loop3A_1803 = arith.index_cast %parallel_loop3A_1802 : i32 to index
      %parallel_loop3A_1804 = arith.index_cast %parallel_loop3A_1746 : i32 to index
      %parallel_loop3A_1805 = arith.constant 96 : index
      %parallel_loop3A_1806 = tpu.vector_load %arg7[%parallel_loop3A_1803, %parallel_loop3A_1804, %parallel_loop3A_1805] {strides = array<i32>} : memref<2x448x128xf32, #tpu.memory_space<vmem>>, vector<16xf32>,
      tpu.vector_store %arg7[%parallel_loop3A_1803, %parallel_loop3A_1804, %parallel_loop3A_1805], %parallel_loop3A_1801 {strides = array<i32>} : memref<2x448x128xf32, #tpu.memory_space<vmem>>, vector<16xf32>,
      %parallel_loop3A_1807 = vector.shape_cast %gather3A_1359 : vector<16xi32> to vector<16x1xi32>
      %parallel_loop3A_1808 = vector.shape_cast %parallel_loop3A_1807 : vector<16x1xi32> to vector<16xi32>
      %parallel_loop3A_1809 = tpu.dynamic_gather %parallel_loop3A_1750[%parallel_loop3A_1808] in [0] : vector<16xf32>, vector<16xi32> -> vector<16xf32>
      %parallel_loop3A_1810 = arith.constant 0 : i32
      %parallel_loop3A_1811 = arith.index_cast %parallel_loop3A_1810 : i32 to index
      %parallel_loop3A_1812 = arith.index_cast %parallel_loop3A_1746 : i32 to index
      %parallel_loop3A_1813 = arith.constant 112 : index
      %parallel_loop3A_1814 = tpu.vector_load %arg7[%parallel_loop3A_1811, %parallel_loop3A_1812, %parallel_loop3A_1813] {strides = array<i32>} : memref<2x448x128xf32, #tpu.memory_space<vmem>>, vector<16xf32>,
      tpu.vector_store %arg7[%parallel_loop3A_1811, %parallel_loop3A_1812, %parallel_loop3A_1813], %parallel_loop3A_1809 {strides = array<i32>} : memref<2x448x128xf32, #tpu.memory_space<vmem>>, vector<16xf32>,
    } {sc.loop_unroll_factor = 1 : i64, sc.parallel_access}
    %dma_start3A_1363 = arith.constant 0 : i32
    %dma_start3A_1364 = arith.constant 20 : i32
    %dma_start3A_1365 = arith.constant 0 : i32
    %dma_start3A_1366 = arith.constant 0 : i32
    %dma_start3A_1367 = tpu.memref_slice %arg7[%dma_start3A_1363, %dma_start3A_1365, %dma_start3A_1366] : memref<2x448x128xf32, #tpu.memory_space<vmem>> -> memref<1x448x128xf32, #tpu.memory_space<vmem>>
    %dma_start3A_1368 = tpu.memref_squeeze %dma_start3A_1367 : memref<1x448x128xf32, #tpu.memory_space<vmem>> -> memref<448x128xf32, #tpu.memory_space<vmem>>
    %dma_start3A_1369 = arith.constant 0 : i32
    %dma_start3A_1370 = tpu.memref_slice %arg4[%dma_start3A_1364, %dma_start3A_1369, %mul3A_2] : memref<26x448x4096xf32, #tpu.memory_space<hbm>> -> memref<1x448x128xf32, #tpu.memory_space<hbm>>
    %dma_start3A_1371 = tpu.memref_squeeze %dma_start3A_1370 : memref<1x448x128xf32, #tpu.memory_space<hbm>> -> memref<448x128xf32, #tpu.memory_space<hbm>>
    %dma_start3A_1372 = arith.constant 0 : i32
    %dma_start3A_1373 = tpu.memref_slice %arg4[%dma_start3A_1364, %dma_start3A_1372, %mul3A_2] : memref<26x448x4096xf32, #tpu.memory_space<hbm>> -> memref<1x448x128xf32, #tpu.memory_space<hbm>>
    %dma_start3A_1374 = tpu.memref_squeeze %dma_start3A_1373 : memref<1x448x128xf32, #tpu.memory_space<hbm>> -> memref<448x128xf32, #tpu.memory_space<hbm>>
    %dma_start3A_1375 = arith.constant 0 : i32
    %dma_start3A_1376 = arith.constant 0 : i32
    %dma_start3A_1377 = tpu.memref_slice %arg7[%dma_start3A_1363, %dma_start3A_1375, %dma_start3A_1376] : memref<2x448x128xf32, #tpu.memory_space<vmem>> -> memref<1x448x128xf32, #tpu.memory_space<vmem>>
    %dma_start3A_1378 = tpu.memref_squeeze %dma_start3A_1377 : memref<1x448x128xf32, #tpu.memory_space<vmem>> -> memref<448x128xf32, #tpu.memory_space<vmem>>
    tpu.enqueue_dma source(%dma_start3A_1378 : memref<448x128xf32, #tpu.memory_space<vmem>>) target(%dma_start3A_1374 : memref<448x128xf32, #tpu.memory_space<hbm>>) target_semaphore(%arg8 : memref<!tpu.dma_semaphore, #tpu.memory_space<semaphore_mem>>)
    %dma_wait3A_1379 = arith.constant 1 : i32
    %dma_wait3A_1380 = arith.constant 19 : i32
    %dma_wait3A_1381 = arith.constant 0 : i32
    %dma_wait3A_1382 = arith.constant 0 : i32
    %dma_wait3A_1383 = tpu.memref_slice %arg7[%dma_wait3A_1379, %dma_wait3A_1381, %dma_wait3A_1382] : memref<2x448x128xf32, #tpu.memory_space<vmem>> -> memref<1x448x128xf32, #tpu.memory_space<vmem>>
    %dma_wait3A_1384 = tpu.memref_squeeze %dma_wait3A_1383 : memref<1x448x128xf32, #tpu.memory_space<vmem>> -> memref<448x128xf32, #tpu.memory_space<vmem>>
    %dma_wait3A_1385 = arith.constant 0 : i32
    %dma_wait3A_1386 = tpu.memref_slice %arg4[%dma_wait3A_1380, %dma_wait3A_1385, %mul3A_2] : memref<26x448x4096xf32, #tpu.memory_space<hbm>> -> memref<1x448x128xf32, #tpu.memory_space<hbm>>
    %dma_wait3A_1387 = tpu.memref_squeeze %dma_wait3A_1386 : memref<1x448x128xf32, #tpu.memory_space<hbm>> -> memref<448x128xf32, #tpu.memory_space<hbm>>
    %dma_wait3A_1388 = arith.constant 0 : i32
    %dma_wait3A_1389 = tpu.memref_slice %arg4[%dma_wait3A_1380, %dma_wait3A_1388, %mul3A_2] : memref<26x448x4096xf32, #tpu.memory_space<hbm>> -> memref<1x448x128xf32, #tpu.memory_space<hbm>>
    %dma_wait3A_1390 = tpu.memref_squeeze %dma_wait3A_1389 : memref<1x448x128xf32, #tpu.memory_space<hbm>> -> memref<448x128xf32, #tpu.memory_space<hbm>>
    %dma_wait3A_1391 = arith.constant 0 : i32
    %dma_wait3A_1392 = arith.constant 0 : i32
    %dma_wait3A_1393 = tpu.memref_slice %arg7[%dma_wait3A_1379, %dma_wait3A_1391, %dma_wait3A_1392] : memref<2x448x128xf32, #tpu.memory_space<vmem>> -> memref<1x448x128xf32, #tpu.memory_space<vmem>>
    %dma_wait3A_1394 = tpu.memref_squeeze %dma_wait3A_1393 : memref<1x448x128xf32, #tpu.memory_space<vmem>> -> memref<448x128xf32, #tpu.memory_space<vmem>>
    tpu.wait_dma2 semaphore(%arg9 : memref<!tpu.dma_semaphore, #tpu.memory_space<semaphore_mem>>) src(%dma_wait3A_1394 : memref<448x128xf32, #tpu.memory_space<vmem>>) dst(%dma_wait3A_1390 : memref<448x128xf32, #tpu.memory_space<hbm>>)
    %add3A_1395 = arith.constant 21 : i32
    %add3A_1396 = vector.broadcast %add3A_1395 : i32 to vector<16xi32>
    %add3A_1397 = arith.addi %mul3A_7, %add3A_1396 : vector<16xi32>
    %gather3A_1398 = tpu.vector_load_idx %arg5[%add3A_1397] : memref<3328xi32, #tpu.memory_space<vmem>>[vector<16xi32>], vector<16xi32>,
    %add3A_1399 = arith.constant 437 : i32
    %add3A_1400 = vector.broadcast %add3A_1399 : i32 to vector<16xi32>
    %add3A_1401 = arith.addi %mul3A_7, %add3A_1400 : vector<16xi32>
    %gather3A_1402 = tpu.vector_load_idx %arg5[%add3A_1401] : memref<3328xi32, #tpu.memory_space<vmem>>[vector<16xi32>], vector<16xi32>,
    %add3A_1403 = arith.constant 853 : i32
    %add3A_1404 = vector.broadcast %add3A_1403 : i32 to vector<16xi32>
    %add3A_1405 = arith.addi %mul3A_7, %add3A_1404 : vector<16xi32>
    %gather3A_1406 = tpu.vector_load_idx %arg5[%add3A_1405] : memref<3328xi32, #tpu.memory_space<vmem>>[vector<16xi32>], vector<16xi32>,
    %add3A_1407 = arith.constant 1269 : i32
    %add3A_1408 = vector.broadcast %add3A_1407 : i32 to vector<16xi32>
    %add3A_1409 = arith.addi %mul3A_7, %add3A_1408 : vector<16xi32>
    %gather3A_1410 = tpu.vector_load_idx %arg5[%add3A_1409] : memref<3328xi32, #tpu.memory_space<vmem>>[vector<16xi32>], vector<16xi32>,
    %add3A_1411 = arith.constant 1685 : i32
    %add3A_1412 = vector.broadcast %add3A_1411 : i32 to vector<16xi32>
    %add3A_1413 = arith.addi %mul3A_7, %add3A_1412 : vector<16xi32>
    %gather3A_1414 = tpu.vector_load_idx %arg5[%add3A_1413] : memref<3328xi32, #tpu.memory_space<vmem>>[vector<16xi32>], vector<16xi32>,
    %add3A_1415 = arith.constant 2101 : i32
    %add3A_1416 = vector.broadcast %add3A_1415 : i32 to vector<16xi32>
    %add3A_1417 = arith.addi %mul3A_7, %add3A_1416 : vector<16xi32>
    %gather3A_1418 = tpu.vector_load_idx %arg5[%add3A_1417] : memref<3328xi32, #tpu.memory_space<vmem>>[vector<16xi32>], vector<16xi32>,
    %add3A_1419 = arith.constant 2517 : i32
    %add3A_1420 = vector.broadcast %add3A_1419 : i32 to vector<16xi32>
    %add3A_1421 = arith.addi %mul3A_7, %add3A_1420 : vector<16xi32>
    %gather3A_1422 = tpu.vector_load_idx %arg5[%add3A_1421] : memref<3328xi32, #tpu.memory_space<vmem>>[vector<16xi32>], vector<16xi32>,
    %add3A_1423 = arith.constant 2933 : i32
    %add3A_1424 = vector.broadcast %add3A_1423 : i32 to vector<16xi32>
    %add3A_1425 = arith.addi %mul3A_7, %add3A_1424 : vector<16xi32>
    %gather3A_1426 = tpu.vector_load_idx %arg5[%add3A_1425] : memref<3328xi32, #tpu.memory_space<vmem>>[vector<16xi32>], vector<16xi32>,
    %parallel_loop3A_1427 = arith.constant 0 : i32
    %parallel_loop3A_1428 = arith.constant 448 : i32
    %parallel_loop3A_1429 = arith.constant 1 : i32
    scf.for %parallel_loop3A_1746 = %parallel_loop3A_1427 to %parallel_loop3A_1428 step %parallel_loop3A_1429  : i32 {
      %parallel_loop3A_1747 = arith.constant 16 : i32
      %parallel_loop3A_1748 = arith.muli %parallel_loop3A_1746, %parallel_loop3A_1747 : i32
      %parallel_loop3A_1749 = arith.index_cast %parallel_loop3A_1748 : i32 to index
      %parallel_loop3A_1750 = tpu.vector_load %arg6[%parallel_loop3A_1749] {strides = array<i32>} : memref<7168xf32, #tpu.memory_space<vmem>>, vector<16xf32>,
      %parallel_loop3A_1751 = vector.shape_cast %gather3A_1398 : vector<16xi32> to vector<16x1xi32>
      %parallel_loop3A_1752 = vector.shape_cast %parallel_loop3A_1751 : vector<16x1xi32> to vector<16xi32>
      %parallel_loop3A_1753 = tpu.dynamic_gather %parallel_loop3A_1750[%parallel_loop3A_1752] in [0] : vector<16xf32>, vector<16xi32> -> vector<16xf32>
      %parallel_loop3A_1754 = arith.constant 1 : i32
      %parallel_loop3A_1755 = arith.index_cast %parallel_loop3A_1754 : i32 to index
      %parallel_loop3A_1756 = arith.index_cast %parallel_loop3A_1746 : i32 to index
      %parallel_loop3A_1757 = arith.constant 0 : index
      %parallel_loop3A_1758 = tpu.vector_load %arg7[%parallel_loop3A_1755, %parallel_loop3A_1756, %parallel_loop3A_1757] {strides = array<i32>} : memref<2x448x128xf32, #tpu.memory_space<vmem>>, vector<16xf32>,
      tpu.vector_store %arg7[%parallel_loop3A_1755, %parallel_loop3A_1756, %parallel_loop3A_1757], %parallel_loop3A_1753 {strides = array<i32>} : memref<2x448x128xf32, #tpu.memory_space<vmem>>, vector<16xf32>,
      %parallel_loop3A_1759 = vector.shape_cast %gather3A_1402 : vector<16xi32> to vector<16x1xi32>
      %parallel_loop3A_1760 = vector.shape_cast %parallel_loop3A_1759 : vector<16x1xi32> to vector<16xi32>
      %parallel_loop3A_1761 = tpu.dynamic_gather %parallel_loop3A_1750[%parallel_loop3A_1760] in [0] : vector<16xf32>, vector<16xi32> -> vector<16xf32>
      %parallel_loop3A_1762 = arith.constant 1 : i32
      %parallel_loop3A_1763 = arith.index_cast %parallel_loop3A_1762 : i32 to index
      %parallel_loop3A_1764 = arith.index_cast %parallel_loop3A_1746 : i32 to index
      %parallel_loop3A_1765 = arith.constant 16 : index
      %parallel_loop3A_1766 = tpu.vector_load %arg7[%parallel_loop3A_1763, %parallel_loop3A_1764, %parallel_loop3A_1765] {strides = array<i32>} : memref<2x448x128xf32, #tpu.memory_space<vmem>>, vector<16xf32>,
      tpu.vector_store %arg7[%parallel_loop3A_1763, %parallel_loop3A_1764, %parallel_loop3A_1765], %parallel_loop3A_1761 {strides = array<i32>} : memref<2x448x128xf32, #tpu.memory_space<vmem>>, vector<16xf32>,
      %parallel_loop3A_1767 = vector.shape_cast %gather3A_1406 : vector<16xi32> to vector<16x1xi32>
      %parallel_loop3A_1768 = vector.shape_cast %parallel_loop3A_1767 : vector<16x1xi32> to vector<16xi32>
      %parallel_loop3A_1769 = tpu.dynamic_gather %parallel_loop3A_1750[%parallel_loop3A_1768] in [0] : vector<16xf32>, vector<16xi32> -> vector<16xf32>
      %parallel_loop3A_1770 = arith.constant 1 : i32
      %parallel_loop3A_1771 = arith.index_cast %parallel_loop3A_1770 : i32 to index
      %parallel_loop3A_1772 = arith.index_cast %parallel_loop3A_1746 : i32 to index
      %parallel_loop3A_1773 = arith.constant 32 : index
      %parallel_loop3A_1774 = tpu.vector_load %arg7[%parallel_loop3A_1771, %parallel_loop3A_1772, %parallel_loop3A_1773] {strides = array<i32>} : memref<2x448x128xf32, #tpu.memory_space<vmem>>, vector<16xf32>,
      tpu.vector_store %arg7[%parallel_loop3A_1771, %parallel_loop3A_1772, %parallel_loop3A_1773], %parallel_loop3A_1769 {strides = array<i32>} : memref<2x448x128xf32, #tpu.memory_space<vmem>>, vector<16xf32>,
      %parallel_loop3A_1775 = vector.shape_cast %gather3A_1410 : vector<16xi32> to vector<16x1xi32>
      %parallel_loop3A_1776 = vector.shape_cast %parallel_loop3A_1775 : vector<16x1xi32> to vector<16xi32>
      %parallel_loop3A_1777 = tpu.dynamic_gather %parallel_loop3A_1750[%parallel_loop3A_1776] in [0] : vector<16xf32>, vector<16xi32> -> vector<16xf32>
      %parallel_loop3A_1778 = arith.constant 1 : i32
      %parallel_loop3A_1779 = arith.index_cast %parallel_loop3A_1778 : i32 to index
      %parallel_loop3A_1780 = arith.index_cast %parallel_loop3A_1746 : i32 to index
      %parallel_loop3A_1781 = arith.constant 48 : index
      %parallel_loop3A_1782 = tpu.vector_load %arg7[%parallel_loop3A_1779, %parallel_loop3A_1780, %parallel_loop3A_1781] {strides = array<i32>} : memref<2x448x128xf32, #tpu.memory_space<vmem>>, vector<16xf32>,
      tpu.vector_store %arg7[%parallel_loop3A_1779, %parallel_loop3A_1780, %parallel_loop3A_1781], %parallel_loop3A_1777 {strides = array<i32>} : memref<2x448x128xf32, #tpu.memory_space<vmem>>, vector<16xf32>,
      %parallel_loop3A_1783 = vector.shape_cast %gather3A_1414 : vector<16xi32> to vector<16x1xi32>
      %parallel_loop3A_1784 = vector.shape_cast %parallel_loop3A_1783 : vector<16x1xi32> to vector<16xi32>
      %parallel_loop3A_1785 = tpu.dynamic_gather %parallel_loop3A_1750[%parallel_loop3A_1784] in [0] : vector<16xf32>, vector<16xi32> -> vector<16xf32>
      %parallel_loop3A_1786 = arith.constant 1 : i32
      %parallel_loop3A_1787 = arith.index_cast %parallel_loop3A_1786 : i32 to index
      %parallel_loop3A_1788 = arith.index_cast %parallel_loop3A_1746 : i32 to index
      %parallel_loop3A_1789 = arith.constant 64 : index
      %parallel_loop3A_1790 = tpu.vector_load %arg7[%parallel_loop3A_1787, %parallel_loop3A_1788, %parallel_loop3A_1789] {strides = array<i32>} : memref<2x448x128xf32, #tpu.memory_space<vmem>>, vector<16xf32>,
      tpu.vector_store %arg7[%parallel_loop3A_1787, %parallel_loop3A_1788, %parallel_loop3A_1789], %parallel_loop3A_1785 {strides = array<i32>} : memref<2x448x128xf32, #tpu.memory_space<vmem>>, vector<16xf32>,
      %parallel_loop3A_1791 = vector.shape_cast %gather3A_1418 : vector<16xi32> to vector<16x1xi32>
      %parallel_loop3A_1792 = vector.shape_cast %parallel_loop3A_1791 : vector<16x1xi32> to vector<16xi32>
      %parallel_loop3A_1793 = tpu.dynamic_gather %parallel_loop3A_1750[%parallel_loop3A_1792] in [0] : vector<16xf32>, vector<16xi32> -> vector<16xf32>
      %parallel_loop3A_1794 = arith.constant 1 : i32
      %parallel_loop3A_1795 = arith.index_cast %parallel_loop3A_1794 : i32 to index
      %parallel_loop3A_1796 = arith.index_cast %parallel_loop3A_1746 : i32 to index
      %parallel_loop3A_1797 = arith.constant 80 : index
      %parallel_loop3A_1798 = tpu.vector_load %arg7[%parallel_loop3A_1795, %parallel_loop3A_1796, %parallel_loop3A_1797] {strides = array<i32>} : memref<2x448x128xf32, #tpu.memory_space<vmem>>, vector<16xf32>,
      tpu.vector_store %arg7[%parallel_loop3A_1795, %parallel_loop3A_1796, %parallel_loop3A_1797], %parallel_loop3A_1793 {strides = array<i32>} : memref<2x448x128xf32, #tpu.memory_space<vmem>>, vector<16xf32>,
      %parallel_loop3A_1799 = vector.shape_cast %gather3A_1422 : vector<16xi32> to vector<16x1xi32>
      %parallel_loop3A_1800 = vector.shape_cast %parallel_loop3A_1799 : vector<16x1xi32> to vector<16xi32>
      %parallel_loop3A_1801 = tpu.dynamic_gather %parallel_loop3A_1750[%parallel_loop3A_1800] in [0] : vector<16xf32>, vector<16xi32> -> vector<16xf32>
      %parallel_loop3A_1802 = arith.constant 1 : i32
      %parallel_loop3A_1803 = arith.index_cast %parallel_loop3A_1802 : i32 to index
      %parallel_loop3A_1804 = arith.index_cast %parallel_loop3A_1746 : i32 to index
      %parallel_loop3A_1805 = arith.constant 96 : index
      %parallel_loop3A_1806 = tpu.vector_load %arg7[%parallel_loop3A_1803, %parallel_loop3A_1804, %parallel_loop3A_1805] {strides = array<i32>} : memref<2x448x128xf32, #tpu.memory_space<vmem>>, vector<16xf32>,
      tpu.vector_store %arg7[%parallel_loop3A_1803, %parallel_loop3A_1804, %parallel_loop3A_1805], %parallel_loop3A_1801 {strides = array<i32>} : memref<2x448x128xf32, #tpu.memory_space<vmem>>, vector<16xf32>,
      %parallel_loop3A_1807 = vector.shape_cast %gather3A_1426 : vector<16xi32> to vector<16x1xi32>
      %parallel_loop3A_1808 = vector.shape_cast %parallel_loop3A_1807 : vector<16x1xi32> to vector<16xi32>
      %parallel_loop3A_1809 = tpu.dynamic_gather %parallel_loop3A_1750[%parallel_loop3A_1808] in [0] : vector<16xf32>, vector<16xi32> -> vector<16xf32>
      %parallel_loop3A_1810 = arith.constant 1 : i32
      %parallel_loop3A_1811 = arith.index_cast %parallel_loop3A_1810 : i32 to index
      %parallel_loop3A_1812 = arith.index_cast %parallel_loop3A_1746 : i32 to index
      %parallel_loop3A_1813 = arith.constant 112 : index
      %parallel_loop3A_1814 = tpu.vector_load %arg7[%parallel_loop3A_1811, %parallel_loop3A_1812, %parallel_loop3A_1813] {strides = array<i32>} : memref<2x448x128xf32, #tpu.memory_space<vmem>>, vector<16xf32>,
      tpu.vector_store %arg7[%parallel_loop3A_1811, %parallel_loop3A_1812, %parallel_loop3A_1813], %parallel_loop3A_1809 {strides = array<i32>} : memref<2x448x128xf32, #tpu.memory_space<vmem>>, vector<16xf32>,
    } {sc.loop_unroll_factor = 1 : i64, sc.parallel_access}
    %dma_start3A_1430 = arith.constant 1 : i32
    %dma_start3A_1431 = arith.constant 21 : i32
    %dma_start3A_1432 = arith.constant 0 : i32
    %dma_start3A_1433 = arith.constant 0 : i32
    %dma_start3A_1434 = tpu.memref_slice %arg7[%dma_start3A_1430, %dma_start3A_1432, %dma_start3A_1433] : memref<2x448x128xf32, #tpu.memory_space<vmem>> -> memref<1x448x128xf32, #tpu.memory_space<vmem>>
    %dma_start3A_1435 = tpu.memref_squeeze %dma_start3A_1434 : memref<1x448x128xf32, #tpu.memory_space<vmem>> -> memref<448x128xf32, #tpu.memory_space<vmem>>
    %dma_start3A_1436 = arith.constant 0 : i32
    %dma_start3A_1437 = tpu.memref_slice %arg4[%dma_start3A_1431, %dma_start3A_1436, %mul3A_2] : memref<26x448x4096xf32, #tpu.memory_space<hbm>> -> memref<1x448x128xf32, #tpu.memory_space<hbm>>
    %dma_start3A_1438 = tpu.memref_squeeze %dma_start3A_1437 : memref<1x448x128xf32, #tpu.memory_space<hbm>> -> memref<448x128xf32, #tpu.memory_space<hbm>>
    %dma_start3A_1439 = arith.constant 0 : i32
    %dma_start3A_1440 = tpu.memref_slice %arg4[%dma_start3A_1431, %dma_start3A_1439, %mul3A_2] : memref<26x448x4096xf32, #tpu.memory_space<hbm>> -> memref<1x448x128xf32, #tpu.memory_space<hbm>>
    %dma_start3A_1441 = tpu.memref_squeeze %dma_start3A_1440 : memref<1x448x128xf32, #tpu.memory_space<hbm>> -> memref<448x128xf32, #tpu.memory_space<hbm>>
    %dma_start3A_1442 = arith.constant 0 : i32
    %dma_start3A_1443 = arith.constant 0 : i32
    %dma_start3A_1444 = tpu.memref_slice %arg7[%dma_start3A_1430, %dma_start3A_1442, %dma_start3A_1443] : memref<2x448x128xf32, #tpu.memory_space<vmem>> -> memref<1x448x128xf32, #tpu.memory_space<vmem>>
    %dma_start3A_1445 = tpu.memref_squeeze %dma_start3A_1444 : memref<1x448x128xf32, #tpu.memory_space<vmem>> -> memref<448x128xf32, #tpu.memory_space<vmem>>
    tpu.enqueue_dma source(%dma_start3A_1445 : memref<448x128xf32, #tpu.memory_space<vmem>>) target(%dma_start3A_1441 : memref<448x128xf32, #tpu.memory_space<hbm>>) target_semaphore(%arg9 : memref<!tpu.dma_semaphore, #tpu.memory_space<semaphore_mem>>)
    %dma_wait3A_1446 = arith.constant 0 : i32
    %dma_wait3A_1447 = arith.constant 20 : i32
    %dma_wait3A_1448 = arith.constant 0 : i32
    %dma_wait3A_1449 = arith.constant 0 : i32
    %dma_wait3A_1450 = tpu.memref_slice %arg7[%dma_wait3A_1446, %dma_wait3A_1448, %dma_wait3A_1449] : memref<2x448x128xf32, #tpu.memory_space<vmem>> -> memref<1x448x128xf32, #tpu.memory_space<vmem>>
    %dma_wait3A_1451 = tpu.memref_squeeze %dma_wait3A_1450 : memref<1x448x128xf32, #tpu.memory_space<vmem>> -> memref<448x128xf32, #tpu.memory_space<vmem>>
    %dma_wait3A_1452 = arith.constant 0 : i32
    %dma_wait3A_1453 = tpu.memref_slice %arg4[%dma_wait3A_1447, %dma_wait3A_1452, %mul3A_2] : memref<26x448x4096xf32, #tpu.memory_space<hbm>> -> memref<1x448x128xf32, #tpu.memory_space<hbm>>
    %dma_wait3A_1454 = tpu.memref_squeeze %dma_wait3A_1453 : memref<1x448x128xf32, #tpu.memory_space<hbm>> -> memref<448x128xf32, #tpu.memory_space<hbm>>
    %dma_wait3A_1455 = arith.constant 0 : i32
    %dma_wait3A_1456 = tpu.memref_slice %arg4[%dma_wait3A_1447, %dma_wait3A_1455, %mul3A_2] : memref<26x448x4096xf32, #tpu.memory_space<hbm>> -> memref<1x448x128xf32, #tpu.memory_space<hbm>>
    %dma_wait3A_1457 = tpu.memref_squeeze %dma_wait3A_1456 : memref<1x448x128xf32, #tpu.memory_space<hbm>> -> memref<448x128xf32, #tpu.memory_space<hbm>>
    %dma_wait3A_1458 = arith.constant 0 : i32
    %dma_wait3A_1459 = arith.constant 0 : i32
    %dma_wait3A_1460 = tpu.memref_slice %arg7[%dma_wait3A_1446, %dma_wait3A_1458, %dma_wait3A_1459] : memref<2x448x128xf32, #tpu.memory_space<vmem>> -> memref<1x448x128xf32, #tpu.memory_space<vmem>>
    %dma_wait3A_1461 = tpu.memref_squeeze %dma_wait3A_1460 : memref<1x448x128xf32, #tpu.memory_space<vmem>> -> memref<448x128xf32, #tpu.memory_space<vmem>>
    tpu.wait_dma2 semaphore(%arg8 : memref<!tpu.dma_semaphore, #tpu.memory_space<semaphore_mem>>) src(%dma_wait3A_1461 : memref<448x128xf32, #tpu.memory_space<vmem>>) dst(%dma_wait3A_1457 : memref<448x128xf32, #tpu.memory_space<hbm>>)
    %add3A_1462 = arith.constant 22 : i32
    %add3A_1463 = vector.broadcast %add3A_1462 : i32 to vector<16xi32>
    %add3A_1464 = arith.addi %mul3A_7, %add3A_1463 : vector<16xi32>
    %gather3A_1465 = tpu.vector_load_idx %arg5[%add3A_1464] : memref<3328xi32, #tpu.memory_space<vmem>>[vector<16xi32>], vector<16xi32>,
    %add3A_1466 = arith.constant 438 : i32
    %add3A_1467 = vector.broadcast %add3A_1466 : i32 to vector<16xi32>
    %add3A_1468 = arith.addi %mul3A_7, %add3A_1467 : vector<16xi32>
    %gather3A_1469 = tpu.vector_load_idx %arg5[%add3A_1468] : memref<3328xi32, #tpu.memory_space<vmem>>[vector<16xi32>], vector<16xi32>,
    %add3A_1470 = arith.constant 854 : i32
    %add3A_1471 = vector.broadcast %add3A_1470 : i32 to vector<16xi32>
    %add3A_1472 = arith.addi %mul3A_7, %add3A_1471 : vector<16xi32>
    %gather3A_1473 = tpu.vector_load_idx %arg5[%add3A_1472] : memref<3328xi32, #tpu.memory_space<vmem>>[vector<16xi32>], vector<16xi32>,
    %add3A_1474 = arith.constant 1270 : i32
    %add3A_1475 = vector.broadcast %add3A_1474 : i32 to vector<16xi32>
    %add3A_1476 = arith.addi %mul3A_7, %add3A_1475 : vector<16xi32>
    %gather3A_1477 = tpu.vector_load_idx %arg5[%add3A_1476] : memref<3328xi32, #tpu.memory_space<vmem>>[vector<16xi32>], vector<16xi32>,
    %add3A_1478 = arith.constant 1686 : i32
    %add3A_1479 = vector.broadcast %add3A_1478 : i32 to vector<16xi32>
    %add3A_1480 = arith.addi %mul3A_7, %add3A_1479 : vector<16xi32>
    %gather3A_1481 = tpu.vector_load_idx %arg5[%add3A_1480] : memref<3328xi32, #tpu.memory_space<vmem>>[vector<16xi32>], vector<16xi32>,
    %add3A_1482 = arith.constant 2102 : i32
    %add3A_1483 = vector.broadcast %add3A_1482 : i32 to vector<16xi32>
    %add3A_1484 = arith.addi %mul3A_7, %add3A_1483 : vector<16xi32>
    %gather3A_1485 = tpu.vector_load_idx %arg5[%add3A_1484] : memref<3328xi32, #tpu.memory_space<vmem>>[vector<16xi32>], vector<16xi32>,
    %add3A_1486 = arith.constant 2518 : i32
    %add3A_1487 = vector.broadcast %add3A_1486 : i32 to vector<16xi32>
    %add3A_1488 = arith.addi %mul3A_7, %add3A_1487 : vector<16xi32>
    %gather3A_1489 = tpu.vector_load_idx %arg5[%add3A_1488] : memref<3328xi32, #tpu.memory_space<vmem>>[vector<16xi32>], vector<16xi32>,
    %add3A_1490 = arith.constant 2934 : i32
    %add3A_1491 = vector.broadcast %add3A_1490 : i32 to vector<16xi32>
    %add3A_1492 = arith.addi %mul3A_7, %add3A_1491 : vector<16xi32>
    %gather3A_1493 = tpu.vector_load_idx %arg5[%add3A_1492] : memref<3328xi32, #tpu.memory_space<vmem>>[vector<16xi32>], vector<16xi32>,
    %parallel_loop3A_1494 = arith.constant 0 : i32
    %parallel_loop3A_1495 = arith.constant 448 : i32
    %parallel_loop3A_1496 = arith.constant 1 : i32
    scf.for %parallel_loop3A_1746 = %parallel_loop3A_1494 to %parallel_loop3A_1495 step %parallel_loop3A_1496  : i32 {
      %parallel_loop3A_1747 = arith.constant 16 : i32
      %parallel_loop3A_1748 = arith.muli %parallel_loop3A_1746, %parallel_loop3A_1747 : i32
      %parallel_loop3A_1749 = arith.index_cast %parallel_loop3A_1748 : i32 to index
      %parallel_loop3A_1750 = tpu.vector_load %arg6[%parallel_loop3A_1749] {strides = array<i32>} : memref<7168xf32, #tpu.memory_space<vmem>>, vector<16xf32>,
      %parallel_loop3A_1751 = vector.shape_cast %gather3A_1465 : vector<16xi32> to vector<16x1xi32>
      %parallel_loop3A_1752 = vector.shape_cast %parallel_loop3A_1751 : vector<16x1xi32> to vector<16xi32>
      %parallel_loop3A_1753 = tpu.dynamic_gather %parallel_loop3A_1750[%parallel_loop3A_1752] in [0] : vector<16xf32>, vector<16xi32> -> vector<16xf32>
      %parallel_loop3A_1754 = arith.constant 0 : i32
      %parallel_loop3A_1755 = arith.index_cast %parallel_loop3A_1754 : i32 to index
      %parallel_loop3A_1756 = arith.index_cast %parallel_loop3A_1746 : i32 to index
      %parallel_loop3A_1757 = arith.constant 0 : index
      %parallel_loop3A_1758 = tpu.vector_load %arg7[%parallel_loop3A_1755, %parallel_loop3A_1756, %parallel_loop3A_1757] {strides = array<i32>} : memref<2x448x128xf32, #tpu.memory_space<vmem>>, vector<16xf32>,
      tpu.vector_store %arg7[%parallel_loop3A_1755, %parallel_loop3A_1756, %parallel_loop3A_1757], %parallel_loop3A_1753 {strides = array<i32>} : memref<2x448x128xf32, #tpu.memory_space<vmem>>, vector<16xf32>,
      %parallel_loop3A_1759 = vector.shape_cast %gather3A_1469 : vector<16xi32> to vector<16x1xi32>
      %parallel_loop3A_1760 = vector.shape_cast %parallel_loop3A_1759 : vector<16x1xi32> to vector<16xi32>
      %parallel_loop3A_1761 = tpu.dynamic_gather %parallel_loop3A_1750[%parallel_loop3A_1760] in [0] : vector<16xf32>, vector<16xi32> -> vector<16xf32>
      %parallel_loop3A_1762 = arith.constant 0 : i32
      %parallel_loop3A_1763 = arith.index_cast %parallel_loop3A_1762 : i32 to index
      %parallel_loop3A_1764 = arith.index_cast %parallel_loop3A_1746 : i32 to index
      %parallel_loop3A_1765 = arith.constant 16 : index
      %parallel_loop3A_1766 = tpu.vector_load %arg7[%parallel_loop3A_1763, %parallel_loop3A_1764, %parallel_loop3A_1765] {strides = array<i32>} : memref<2x448x128xf32, #tpu.memory_space<vmem>>, vector<16xf32>,
      tpu.vector_store %arg7[%parallel_loop3A_1763, %parallel_loop3A_1764, %parallel_loop3A_1765], %parallel_loop3A_1761 {strides = array<i32>} : memref<2x448x128xf32, #tpu.memory_space<vmem>>, vector<16xf32>,
      %parallel_loop3A_1767 = vector.shape_cast %gather3A_1473 : vector<16xi32> to vector<16x1xi32>
      %parallel_loop3A_1768 = vector.shape_cast %parallel_loop3A_1767 : vector<16x1xi32> to vector<16xi32>
      %parallel_loop3A_1769 = tpu.dynamic_gather %parallel_loop3A_1750[%parallel_loop3A_1768] in [0] : vector<16xf32>, vector<16xi32> -> vector<16xf32>
      %parallel_loop3A_1770 = arith.constant 0 : i32
      %parallel_loop3A_1771 = arith.index_cast %parallel_loop3A_1770 : i32 to index
      %parallel_loop3A_1772 = arith.index_cast %parallel_loop3A_1746 : i32 to index
      %parallel_loop3A_1773 = arith.constant 32 : index
      %parallel_loop3A_1774 = tpu.vector_load %arg7[%parallel_loop3A_1771, %parallel_loop3A_1772, %parallel_loop3A_1773] {strides = array<i32>} : memref<2x448x128xf32, #tpu.memory_space<vmem>>, vector<16xf32>,
      tpu.vector_store %arg7[%parallel_loop3A_1771, %parallel_loop3A_1772, %parallel_loop3A_1773], %parallel_loop3A_1769 {strides = array<i32>} : memref<2x448x128xf32, #tpu.memory_space<vmem>>, vector<16xf32>,
      %parallel_loop3A_1775 = vector.shape_cast %gather3A_1477 : vector<16xi32> to vector<16x1xi32>
      %parallel_loop3A_1776 = vector.shape_cast %parallel_loop3A_1775 : vector<16x1xi32> to vector<16xi32>
      %parallel_loop3A_1777 = tpu.dynamic_gather %parallel_loop3A_1750[%parallel_loop3A_1776] in [0] : vector<16xf32>, vector<16xi32> -> vector<16xf32>
      %parallel_loop3A_1778 = arith.constant 0 : i32
      %parallel_loop3A_1779 = arith.index_cast %parallel_loop3A_1778 : i32 to index
      %parallel_loop3A_1780 = arith.index_cast %parallel_loop3A_1746 : i32 to index
      %parallel_loop3A_1781 = arith.constant 48 : index
      %parallel_loop3A_1782 = tpu.vector_load %arg7[%parallel_loop3A_1779, %parallel_loop3A_1780, %parallel_loop3A_1781] {strides = array<i32>} : memref<2x448x128xf32, #tpu.memory_space<vmem>>, vector<16xf32>,
      tpu.vector_store %arg7[%parallel_loop3A_1779, %parallel_loop3A_1780, %parallel_loop3A_1781], %parallel_loop3A_1777 {strides = array<i32>} : memref<2x448x128xf32, #tpu.memory_space<vmem>>, vector<16xf32>,
      %parallel_loop3A_1783 = vector.shape_cast %gather3A_1481 : vector<16xi32> to vector<16x1xi32>
      %parallel_loop3A_1784 = vector.shape_cast %parallel_loop3A_1783 : vector<16x1xi32> to vector<16xi32>
      %parallel_loop3A_1785 = tpu.dynamic_gather %parallel_loop3A_1750[%parallel_loop3A_1784] in [0] : vector<16xf32>, vector<16xi32> -> vector<16xf32>
      %parallel_loop3A_1786 = arith.constant 0 : i32
      %parallel_loop3A_1787 = arith.index_cast %parallel_loop3A_1786 : i32 to index
      %parallel_loop3A_1788 = arith.index_cast %parallel_loop3A_1746 : i32 to index
      %parallel_loop3A_1789 = arith.constant 64 : index
      %parallel_loop3A_1790 = tpu.vector_load %arg7[%parallel_loop3A_1787, %parallel_loop3A_1788, %parallel_loop3A_1789] {strides = array<i32>} : memref<2x448x128xf32, #tpu.memory_space<vmem>>, vector<16xf32>,
      tpu.vector_store %arg7[%parallel_loop3A_1787, %parallel_loop3A_1788, %parallel_loop3A_1789], %parallel_loop3A_1785 {strides = array<i32>} : memref<2x448x128xf32, #tpu.memory_space<vmem>>, vector<16xf32>,
      %parallel_loop3A_1791 = vector.shape_cast %gather3A_1485 : vector<16xi32> to vector<16x1xi32>
      %parallel_loop3A_1792 = vector.shape_cast %parallel_loop3A_1791 : vector<16x1xi32> to vector<16xi32>
      %parallel_loop3A_1793 = tpu.dynamic_gather %parallel_loop3A_1750[%parallel_loop3A_1792] in [0] : vector<16xf32>, vector<16xi32> -> vector<16xf32>
      %parallel_loop3A_1794 = arith.constant 0 : i32
      %parallel_loop3A_1795 = arith.index_cast %parallel_loop3A_1794 : i32 to index
      %parallel_loop3A_1796 = arith.index_cast %parallel_loop3A_1746 : i32 to index
      %parallel_loop3A_1797 = arith.constant 80 : index
      %parallel_loop3A_1798 = tpu.vector_load %arg7[%parallel_loop3A_1795, %parallel_loop3A_1796, %parallel_loop3A_1797] {strides = array<i32>} : memref<2x448x128xf32, #tpu.memory_space<vmem>>, vector<16xf32>,
      tpu.vector_store %arg7[%parallel_loop3A_1795, %parallel_loop3A_1796, %parallel_loop3A_1797], %parallel_loop3A_1793 {strides = array<i32>} : memref<2x448x128xf32, #tpu.memory_space<vmem>>, vector<16xf32>,
      %parallel_loop3A_1799 = vector.shape_cast %gather3A_1489 : vector<16xi32> to vector<16x1xi32>
      %parallel_loop3A_1800 = vector.shape_cast %parallel_loop3A_1799 : vector<16x1xi32> to vector<16xi32>
      %parallel_loop3A_1801 = tpu.dynamic_gather %parallel_loop3A_1750[%parallel_loop3A_1800] in [0] : vector<16xf32>, vector<16xi32> -> vector<16xf32>
      %parallel_loop3A_1802 = arith.constant 0 : i32
      %parallel_loop3A_1803 = arith.index_cast %parallel_loop3A_1802 : i32 to index
      %parallel_loop3A_1804 = arith.index_cast %parallel_loop3A_1746 : i32 to index
      %parallel_loop3A_1805 = arith.constant 96 : index
      %parallel_loop3A_1806 = tpu.vector_load %arg7[%parallel_loop3A_1803, %parallel_loop3A_1804, %parallel_loop3A_1805] {strides = array<i32>} : memref<2x448x128xf32, #tpu.memory_space<vmem>>, vector<16xf32>,
      tpu.vector_store %arg7[%parallel_loop3A_1803, %parallel_loop3A_1804, %parallel_loop3A_1805], %parallel_loop3A_1801 {strides = array<i32>} : memref<2x448x128xf32, #tpu.memory_space<vmem>>, vector<16xf32>,
      %parallel_loop3A_1807 = vector.shape_cast %gather3A_1493 : vector<16xi32> to vector<16x1xi32>
      %parallel_loop3A_1808 = vector.shape_cast %parallel_loop3A_1807 : vector<16x1xi32> to vector<16xi32>
      %parallel_loop3A_1809 = tpu.dynamic_gather %parallel_loop3A_1750[%parallel_loop3A_1808] in [0] : vector<16xf32>, vector<16xi32> -> vector<16xf32>
      %parallel_loop3A_1810 = arith.constant 0 : i32
      %parallel_loop3A_1811 = arith.index_cast %parallel_loop3A_1810 : i32 to index
      %parallel_loop3A_1812 = arith.index_cast %parallel_loop3A_1746 : i32 to index
      %parallel_loop3A_1813 = arith.constant 112 : index
      %parallel_loop3A_1814 = tpu.vector_load %arg7[%parallel_loop3A_1811, %parallel_loop3A_1812, %parallel_loop3A_1813] {strides = array<i32>} : memref<2x448x128xf32, #tpu.memory_space<vmem>>, vector<16xf32>,
      tpu.vector_store %arg7[%parallel_loop3A_1811, %parallel_loop3A_1812, %parallel_loop3A_1813], %parallel_loop3A_1809 {strides = array<i32>} : memref<2x448x128xf32, #tpu.memory_space<vmem>>, vector<16xf32>,
    } {sc.loop_unroll_factor = 1 : i64, sc.parallel_access}
    %dma_start3A_1497 = arith.constant 0 : i32
    %dma_start3A_1498 = arith.constant 22 : i32
    %dma_start3A_1499 = arith.constant 0 : i32
    %dma_start3A_1500 = arith.constant 0 : i32
    %dma_start3A_1501 = tpu.memref_slice %arg7[%dma_start3A_1497, %dma_start3A_1499, %dma_start3A_1500] : memref<2x448x128xf32, #tpu.memory_space<vmem>> -> memref<1x448x128xf32, #tpu.memory_space<vmem>>
    %dma_start3A_1502 = tpu.memref_squeeze %dma_start3A_1501 : memref<1x448x128xf32, #tpu.memory_space<vmem>> -> memref<448x128xf32, #tpu.memory_space<vmem>>
    %dma_start3A_1503 = arith.constant 0 : i32
    %dma_start3A_1504 = tpu.memref_slice %arg4[%dma_start3A_1498, %dma_start3A_1503, %mul3A_2] : memref<26x448x4096xf32, #tpu.memory_space<hbm>> -> memref<1x448x128xf32, #tpu.memory_space<hbm>>
    %dma_start3A_1505 = tpu.memref_squeeze %dma_start3A_1504 : memref<1x448x128xf32, #tpu.memory_space<hbm>> -> memref<448x128xf32, #tpu.memory_space<hbm>>
    %dma_start3A_1506 = arith.constant 0 : i32
    %dma_start3A_1507 = tpu.memref_slice %arg4[%dma_start3A_1498, %dma_start3A_1506, %mul3A_2] : memref<26x448x4096xf32, #tpu.memory_space<hbm>> -> memref<1x448x128xf32, #tpu.memory_space<hbm>>
    %dma_start3A_1508 = tpu.memref_squeeze %dma_start3A_1507 : memref<1x448x128xf32, #tpu.memory_space<hbm>> -> memref<448x128xf32, #tpu.memory_space<hbm>>
    %dma_start3A_1509 = arith.constant 0 : i32
    %dma_start3A_1510 = arith.constant 0 : i32
    %dma_start3A_1511 = tpu.memref_slice %arg7[%dma_start3A_1497, %dma_start3A_1509, %dma_start3A_1510] : memref<2x448x128xf32, #tpu.memory_space<vmem>> -> memref<1x448x128xf32, #tpu.memory_space<vmem>>
    %dma_start3A_1512 = tpu.memref_squeeze %dma_start3A_1511 : memref<1x448x128xf32, #tpu.memory_space<vmem>> -> memref<448x128xf32, #tpu.memory_space<vmem>>
    tpu.enqueue_dma source(%dma_start3A_1512 : memref<448x128xf32, #tpu.memory_space<vmem>>) target(%dma_start3A_1508 : memref<448x128xf32, #tpu.memory_space<hbm>>) target_semaphore(%arg8 : memref<!tpu.dma_semaphore, #tpu.memory_space<semaphore_mem>>)
    %dma_wait3A_1513 = arith.constant 1 : i32
    %dma_wait3A_1514 = arith.constant 21 : i32
    %dma_wait3A_1515 = arith.constant 0 : i32
    %dma_wait3A_1516 = arith.constant 0 : i32
    %dma_wait3A_1517 = tpu.memref_slice %arg7[%dma_wait3A_1513, %dma_wait3A_1515, %dma_wait3A_1516] : memref<2x448x128xf32, #tpu.memory_space<vmem>> -> memref<1x448x128xf32, #tpu.memory_space<vmem>>
    %dma_wait3A_1518 = tpu.memref_squeeze %dma_wait3A_1517 : memref<1x448x128xf32, #tpu.memory_space<vmem>> -> memref<448x128xf32, #tpu.memory_space<vmem>>
    %dma_wait3A_1519 = arith.constant 0 : i32
    %dma_wait3A_1520 = tpu.memref_slice %arg4[%dma_wait3A_1514, %dma_wait3A_1519, %mul3A_2] : memref<26x448x4096xf32, #tpu.memory_space<hbm>> -> memref<1x448x128xf32, #tpu.memory_space<hbm>>
    %dma_wait3A_1521 = tpu.memref_squeeze %dma_wait3A_1520 : memref<1x448x128xf32, #tpu.memory_space<hbm>> -> memref<448x128xf32, #tpu.memory_space<hbm>>
    %dma_wait3A_1522 = arith.constant 0 : i32
    %dma_wait3A_1523 = tpu.memref_slice %arg4[%dma_wait3A_1514, %dma_wait3A_1522, %mul3A_2] : memref<26x448x4096xf32, #tpu.memory_space<hbm>> -> memref<1x448x128xf32, #tpu.memory_space<hbm>>
    %dma_wait3A_1524 = tpu.memref_squeeze %dma_wait3A_1523 : memref<1x448x128xf32, #tpu.memory_space<hbm>> -> memref<448x128xf32, #tpu.memory_space<hbm>>
    %dma_wait3A_1525 = arith.constant 0 : i32
    %dma_wait3A_1526 = arith.constant 0 : i32
    %dma_wait3A_1527 = tpu.memref_slice %arg7[%dma_wait3A_1513, %dma_wait3A_1525, %dma_wait3A_1526] : memref<2x448x128xf32, #tpu.memory_space<vmem>> -> memref<1x448x128xf32, #tpu.memory_space<vmem>>
    %dma_wait3A_1528 = tpu.memref_squeeze %dma_wait3A_1527 : memref<1x448x128xf32, #tpu.memory_space<vmem>> -> memref<448x128xf32, #tpu.memory_space<vmem>>
    tpu.wait_dma2 semaphore(%arg9 : memref<!tpu.dma_semaphore, #tpu.memory_space<semaphore_mem>>) src(%dma_wait3A_1528 : memref<448x128xf32, #tpu.memory_space<vmem>>) dst(%dma_wait3A_1524 : memref<448x128xf32, #tpu.memory_space<hbm>>)
    %add3A_1529 = arith.constant 23 : i32
    %add3A_1530 = vector.broadcast %add3A_1529 : i32 to vector<16xi32>
    %add3A_1531 = arith.addi %mul3A_7, %add3A_1530 : vector<16xi32>
    %gather3A_1532 = tpu.vector_load_idx %arg5[%add3A_1531] : memref<3328xi32, #tpu.memory_space<vmem>>[vector<16xi32>], vector<16xi32>,
    %add3A_1533 = arith.constant 439 : i32
    %add3A_1534 = vector.broadcast %add3A_1533 : i32 to vector<16xi32>
    %add3A_1535 = arith.addi %mul3A_7, %add3A_1534 : vector<16xi32>
    %gather3A_1536 = tpu.vector_load_idx %arg5[%add3A_1535] : memref<3328xi32, #tpu.memory_space<vmem>>[vector<16xi32>], vector<16xi32>,
    %add3A_1537 = arith.constant 855 : i32
    %add3A_1538 = vector.broadcast %add3A_1537 : i32 to vector<16xi32>
    %add3A_1539 = arith.addi %mul3A_7, %add3A_1538 : vector<16xi32>
    %gather3A_1540 = tpu.vector_load_idx %arg5[%add3A_1539] : memref<3328xi32, #tpu.memory_space<vmem>>[vector<16xi32>], vector<16xi32>,
    %add3A_1541 = arith.constant 1271 : i32
    %add3A_1542 = vector.broadcast %add3A_1541 : i32 to vector<16xi32>
    %add3A_1543 = arith.addi %mul3A_7, %add3A_1542 : vector<16xi32>
    %gather3A_1544 = tpu.vector_load_idx %arg5[%add3A_1543] : memref<3328xi32, #tpu.memory_space<vmem>>[vector<16xi32>], vector<16xi32>,
    %add3A_1545 = arith.constant 1687 : i32
    %add3A_1546 = vector.broadcast %add3A_1545 : i32 to vector<16xi32>
    %add3A_1547 = arith.addi %mul3A_7, %add3A_1546 : vector<16xi32>
    %gather3A_1548 = tpu.vector_load_idx %arg5[%add3A_1547] : memref<3328xi32, #tpu.memory_space<vmem>>[vector<16xi32>], vector<16xi32>,
    %add3A_1549 = arith.constant 2103 : i32
    %add3A_1550 = vector.broadcast %add3A_1549 : i32 to vector<16xi32>
    %add3A_1551 = arith.addi %mul3A_7, %add3A_1550 : vector<16xi32>
    %gather3A_1552 = tpu.vector_load_idx %arg5[%add3A_1551] : memref<3328xi32, #tpu.memory_space<vmem>>[vector<16xi32>], vector<16xi32>,
    %add3A_1553 = arith.constant 2519 : i32
    %add3A_1554 = vector.broadcast %add3A_1553 : i32 to vector<16xi32>
    %add3A_1555 = arith.addi %mul3A_7, %add3A_1554 : vector<16xi32>
    %gather3A_1556 = tpu.vector_load_idx %arg5[%add3A_1555] : memref<3328xi32, #tpu.memory_space<vmem>>[vector<16xi32>], vector<16xi32>,
    %add3A_1557 = arith.constant 2935 : i32
    %add3A_1558 = vector.broadcast %add3A_1557 : i32 to vector<16xi32>
    %add3A_1559 = arith.addi %mul3A_7, %add3A_1558 : vector<16xi32>
    %gather3A_1560 = tpu.vector_load_idx %arg5[%add3A_1559] : memref<3328xi32, #tpu.memory_space<vmem>>[vector<16xi32>], vector<16xi32>,
    %parallel_loop3A_1561 = arith.constant 0 : i32
    %parallel_loop3A_1562 = arith.constant 448 : i32
    %parallel_loop3A_1563 = arith.constant 1 : i32
    scf.for %parallel_loop3A_1746 = %parallel_loop3A_1561 to %parallel_loop3A_1562 step %parallel_loop3A_1563  : i32 {
      %parallel_loop3A_1747 = arith.constant 16 : i32
      %parallel_loop3A_1748 = arith.muli %parallel_loop3A_1746, %parallel_loop3A_1747 : i32
      %parallel_loop3A_1749 = arith.index_cast %parallel_loop3A_1748 : i32 to index
      %parallel_loop3A_1750 = tpu.vector_load %arg6[%parallel_loop3A_1749] {strides = array<i32>} : memref<7168xf32, #tpu.memory_space<vmem>>, vector<16xf32>,
      %parallel_loop3A_1751 = vector.shape_cast %gather3A_1532 : vector<16xi32> to vector<16x1xi32>
      %parallel_loop3A_1752 = vector.shape_cast %parallel_loop3A_1751 : vector<16x1xi32> to vector<16xi32>
      %parallel_loop3A_1753 = tpu.dynamic_gather %parallel_loop3A_1750[%parallel_loop3A_1752] in [0] : vector<16xf32>, vector<16xi32> -> vector<16xf32>
      %parallel_loop3A_1754 = arith.constant 1 : i32
      %parallel_loop3A_1755 = arith.index_cast %parallel_loop3A_1754 : i32 to index
      %parallel_loop3A_1756 = arith.index_cast %parallel_loop3A_1746 : i32 to index
      %parallel_loop3A_1757 = arith.constant 0 : index
      %parallel_loop3A_1758 = tpu.vector_load %arg7[%parallel_loop3A_1755, %parallel_loop3A_1756, %parallel_loop3A_1757] {strides = array<i32>} : memref<2x448x128xf32, #tpu.memory_space<vmem>>, vector<16xf32>,
      tpu.vector_store %arg7[%parallel_loop3A_1755, %parallel_loop3A_1756, %parallel_loop3A_1757], %parallel_loop3A_1753 {strides = array<i32>} : memref<2x448x128xf32, #tpu.memory_space<vmem>>, vector<16xf32>,
      %parallel_loop3A_1759 = vector.shape_cast %gather3A_1536 : vector<16xi32> to vector<16x1xi32>
      %parallel_loop3A_1760 = vector.shape_cast %parallel_loop3A_1759 : vector<16x1xi32> to vector<16xi32>
      %parallel_loop3A_1761 = tpu.dynamic_gather %parallel_loop3A_1750[%parallel_loop3A_1760] in [0] : vector<16xf32>, vector<16xi32> -> vector<16xf32>
      %parallel_loop3A_1762 = arith.constant 1 : i32
      %parallel_loop3A_1763 = arith.index_cast %parallel_loop3A_1762 : i32 to index
      %parallel_loop3A_1764 = arith.index_cast %parallel_loop3A_1746 : i32 to index
      %parallel_loop3A_1765 = arith.constant 16 : index
      %parallel_loop3A_1766 = tpu.vector_load %arg7[%parallel_loop3A_1763, %parallel_loop3A_1764, %parallel_loop3A_1765] {strides = array<i32>} : memref<2x448x128xf32, #tpu.memory_space<vmem>>, vector<16xf32>,
      tpu.vector_store %arg7[%parallel_loop3A_1763, %parallel_loop3A_1764, %parallel_loop3A_1765], %parallel_loop3A_1761 {strides = array<i32>} : memref<2x448x128xf32, #tpu.memory_space<vmem>>, vector<16xf32>,
      %parallel_loop3A_1767 = vector.shape_cast %gather3A_1540 : vector<16xi32> to vector<16x1xi32>
      %parallel_loop3A_1768 = vector.shape_cast %parallel_loop3A_1767 : vector<16x1xi32> to vector<16xi32>
      %parallel_loop3A_1769 = tpu.dynamic_gather %parallel_loop3A_1750[%parallel_loop3A_1768] in [0] : vector<16xf32>, vector<16xi32> -> vector<16xf32>
      %parallel_loop3A_1770 = arith.constant 1 : i32
      %parallel_loop3A_1771 = arith.index_cast %parallel_loop3A_1770 : i32 to index
      %parallel_loop3A_1772 = arith.index_cast %parallel_loop3A_1746 : i32 to index
      %parallel_loop3A_1773 = arith.constant 32 : index
      %parallel_loop3A_1774 = tpu.vector_load %arg7[%parallel_loop3A_1771, %parallel_loop3A_1772, %parallel_loop3A_1773] {strides = array<i32>} : memref<2x448x128xf32, #tpu.memory_space<vmem>>, vector<16xf32>,
      tpu.vector_store %arg7[%parallel_loop3A_1771, %parallel_loop3A_1772, %parallel_loop3A_1773], %parallel_loop3A_1769 {strides = array<i32>} : memref<2x448x128xf32, #tpu.memory_space<vmem>>, vector<16xf32>,
      %parallel_loop3A_1775 = vector.shape_cast %gather3A_1544 : vector<16xi32> to vector<16x1xi32>
      %parallel_loop3A_1776 = vector.shape_cast %parallel_loop3A_1775 : vector<16x1xi32> to vector<16xi32>
      %parallel_loop3A_1777 = tpu.dynamic_gather %parallel_loop3A_1750[%parallel_loop3A_1776] in [0] : vector<16xf32>, vector<16xi32> -> vector<16xf32>
      %parallel_loop3A_1778 = arith.constant 1 : i32
      %parallel_loop3A_1779 = arith.index_cast %parallel_loop3A_1778 : i32 to index
      %parallel_loop3A_1780 = arith.index_cast %parallel_loop3A_1746 : i32 to index
      %parallel_loop3A_1781 = arith.constant 48 : index
      %parallel_loop3A_1782 = tpu.vector_load %arg7[%parallel_loop3A_1779, %parallel_loop3A_1780, %parallel_loop3A_1781] {strides = array<i32>} : memref<2x448x128xf32, #tpu.memory_space<vmem>>, vector<16xf32>,
      tpu.vector_store %arg7[%parallel_loop3A_1779, %parallel_loop3A_1780, %parallel_loop3A_1781], %parallel_loop3A_1777 {strides = array<i32>} : memref<2x448x128xf32, #tpu.memory_space<vmem>>, vector<16xf32>,
      %parallel_loop3A_1783 = vector.shape_cast %gather3A_1548 : vector<16xi32> to vector<16x1xi32>
      %parallel_loop3A_1784 = vector.shape_cast %parallel_loop3A_1783 : vector<16x1xi32> to vector<16xi32>
      %parallel_loop3A_1785 = tpu.dynamic_gather %parallel_loop3A_1750[%parallel_loop3A_1784] in [0] : vector<16xf32>, vector<16xi32> -> vector<16xf32>
      %parallel_loop3A_1786 = arith.constant 1 : i32
      %parallel_loop3A_1787 = arith.index_cast %parallel_loop3A_1786 : i32 to index
      %parallel_loop3A_1788 = arith.index_cast %parallel_loop3A_1746 : i32 to index
      %parallel_loop3A_1789 = arith.constant 64 : index
      %parallel_loop3A_1790 = tpu.vector_load %arg7[%parallel_loop3A_1787, %parallel_loop3A_1788, %parallel_loop3A_1789] {strides = array<i32>} : memref<2x448x128xf32, #tpu.memory_space<vmem>>, vector<16xf32>,
      tpu.vector_store %arg7[%parallel_loop3A_1787, %parallel_loop3A_1788, %parallel_loop3A_1789], %parallel_loop3A_1785 {strides = array<i32>} : memref<2x448x128xf32, #tpu.memory_space<vmem>>, vector<16xf32>,
      %parallel_loop3A_1791 = vector.shape_cast %gather3A_1552 : vector<16xi32> to vector<16x1xi32>
      %parallel_loop3A_1792 = vector.shape_cast %parallel_loop3A_1791 : vector<16x1xi32> to vector<16xi32>
      %parallel_loop3A_1793 = tpu.dynamic_gather %parallel_loop3A_1750[%parallel_loop3A_1792] in [0] : vector<16xf32>, vector<16xi32> -> vector<16xf32>
      %parallel_loop3A_1794 = arith.constant 1 : i32
      %parallel_loop3A_1795 = arith.index_cast %parallel_loop3A_1794 : i32 to index
      %parallel_loop3A_1796 = arith.index_cast %parallel_loop3A_1746 : i32 to index
      %parallel_loop3A_1797 = arith.constant 80 : index
      %parallel_loop3A_1798 = tpu.vector_load %arg7[%parallel_loop3A_1795, %parallel_loop3A_1796, %parallel_loop3A_1797] {strides = array<i32>} : memref<2x448x128xf32, #tpu.memory_space<vmem>>, vector<16xf32>,
      tpu.vector_store %arg7[%parallel_loop3A_1795, %parallel_loop3A_1796, %parallel_loop3A_1797], %parallel_loop3A_1793 {strides = array<i32>} : memref<2x448x128xf32, #tpu.memory_space<vmem>>, vector<16xf32>,
      %parallel_loop3A_1799 = vector.shape_cast %gather3A_1556 : vector<16xi32> to vector<16x1xi32>
      %parallel_loop3A_1800 = vector.shape_cast %parallel_loop3A_1799 : vector<16x1xi32> to vector<16xi32>
      %parallel_loop3A_1801 = tpu.dynamic_gather %parallel_loop3A_1750[%parallel_loop3A_1800] in [0] : vector<16xf32>, vector<16xi32> -> vector<16xf32>
      %parallel_loop3A_1802 = arith.constant 1 : i32
      %parallel_loop3A_1803 = arith.index_cast %parallel_loop3A_1802 : i32 to index
      %parallel_loop3A_1804 = arith.index_cast %parallel_loop3A_1746 : i32 to index
      %parallel_loop3A_1805 = arith.constant 96 : index
      %parallel_loop3A_1806 = tpu.vector_load %arg7[%parallel_loop3A_1803, %parallel_loop3A_1804, %parallel_loop3A_1805] {strides = array<i32>} : memref<2x448x128xf32, #tpu.memory_space<vmem>>, vector<16xf32>,
      tpu.vector_store %arg7[%parallel_loop3A_1803, %parallel_loop3A_1804, %parallel_loop3A_1805], %parallel_loop3A_1801 {strides = array<i32>} : memref<2x448x128xf32, #tpu.memory_space<vmem>>, vector<16xf32>,
      %parallel_loop3A_1807 = vector.shape_cast %gather3A_1560 : vector<16xi32> to vector<16x1xi32>
      %parallel_loop3A_1808 = vector.shape_cast %parallel_loop3A_1807 : vector<16x1xi32> to vector<16xi32>
      %parallel_loop3A_1809 = tpu.dynamic_gather %parallel_loop3A_1750[%parallel_loop3A_1808] in [0] : vector<16xf32>, vector<16xi32> -> vector<16xf32>
      %parallel_loop3A_1810 = arith.constant 1 : i32
      %parallel_loop3A_1811 = arith.index_cast %parallel_loop3A_1810 : i32 to index
      %parallel_loop3A_1812 = arith.index_cast %parallel_loop3A_1746 : i32 to index
      %parallel_loop3A_1813 = arith.constant 112 : index
      %parallel_loop3A_1814 = tpu.vector_load %arg7[%parallel_loop3A_1811, %parallel_loop3A_1812, %parallel_loop3A_1813] {strides = array<i32>} : memref<2x448x128xf32, #tpu.memory_space<vmem>>, vector<16xf32>,
      tpu.vector_store %arg7[%parallel_loop3A_1811, %parallel_loop3A_1812, %parallel_loop3A_1813], %parallel_loop3A_1809 {strides = array<i32>} : memref<2x448x128xf32, #tpu.memory_space<vmem>>, vector<16xf32>,
    } {sc.loop_unroll_factor = 1 : i64, sc.parallel_access}
    %dma_start3A_1564 = arith.constant 1 : i32
    %dma_start3A_1565 = arith.constant 23 : i32
    %dma_start3A_1566 = arith.constant 0 : i32
    %dma_start3A_1567 = arith.constant 0 : i32
    %dma_start3A_1568 = tpu.memref_slice %arg7[%dma_start3A_1564, %dma_start3A_1566, %dma_start3A_1567] : memref<2x448x128xf32, #tpu.memory_space<vmem>> -> memref<1x448x128xf32, #tpu.memory_space<vmem>>
    %dma_start3A_1569 = tpu.memref_squeeze %dma_start3A_1568 : memref<1x448x128xf32, #tpu.memory_space<vmem>> -> memref<448x128xf32, #tpu.memory_space<vmem>>
    %dma_start3A_1570 = arith.constant 0 : i32
    %dma_start3A_1571 = tpu.memref_slice %arg4[%dma_start3A_1565, %dma_start3A_1570, %mul3A_2] : memref<26x448x4096xf32, #tpu.memory_space<hbm>> -> memref<1x448x128xf32, #tpu.memory_space<hbm>>
    %dma_start3A_1572 = tpu.memref_squeeze %dma_start3A_1571 : memref<1x448x128xf32, #tpu.memory_space<hbm>> -> memref<448x128xf32, #tpu.memory_space<hbm>>
    %dma_start3A_1573 = arith.constant 0 : i32
    %dma_start3A_1574 = tpu.memref_slice %arg4[%dma_start3A_1565, %dma_start3A_1573, %mul3A_2] : memref<26x448x4096xf32, #tpu.memory_space<hbm>> -> memref<1x448x128xf32, #tpu.memory_space<hbm>>
    %dma_start3A_1575 = tpu.memref_squeeze %dma_start3A_1574 : memref<1x448x128xf32, #tpu.memory_space<hbm>> -> memref<448x128xf32, #tpu.memory_space<hbm>>
    %dma_start3A_1576 = arith.constant 0 : i32
    %dma_start3A_1577 = arith.constant 0 : i32
    %dma_start3A_1578 = tpu.memref_slice %arg7[%dma_start3A_1564, %dma_start3A_1576, %dma_start3A_1577] : memref<2x448x128xf32, #tpu.memory_space<vmem>> -> memref<1x448x128xf32, #tpu.memory_space<vmem>>
    %dma_start3A_1579 = tpu.memref_squeeze %dma_start3A_1578 : memref<1x448x128xf32, #tpu.memory_space<vmem>> -> memref<448x128xf32, #tpu.memory_space<vmem>>
    tpu.enqueue_dma source(%dma_start3A_1579 : memref<448x128xf32, #tpu.memory_space<vmem>>) target(%dma_start3A_1575 : memref<448x128xf32, #tpu.memory_space<hbm>>) target_semaphore(%arg9 : memref<!tpu.dma_semaphore, #tpu.memory_space<semaphore_mem>>)
    %dma_wait3A_1580 = arith.constant 0 : i32
    %dma_wait3A_1581 = arith.constant 22 : i32
    %dma_wait3A_1582 = arith.constant 0 : i32
    %dma_wait3A_1583 = arith.constant 0 : i32
    %dma_wait3A_1584 = tpu.memref_slice %arg7[%dma_wait3A_1580, %dma_wait3A_1582, %dma_wait3A_1583] : memref<2x448x128xf32, #tpu.memory_space<vmem>> -> memref<1x448x128xf32, #tpu.memory_space<vmem>>
    %dma_wait3A_1585 = tpu.memref_squeeze %dma_wait3A_1584 : memref<1x448x128xf32, #tpu.memory_space<vmem>> -> memref<448x128xf32, #tpu.memory_space<vmem>>
    %dma_wait3A_1586 = arith.constant 0 : i32
    %dma_wait3A_1587 = tpu.memref_slice %arg4[%dma_wait3A_1581, %dma_wait3A_1586, %mul3A_2] : memref<26x448x4096xf32, #tpu.memory_space<hbm>> -> memref<1x448x128xf32, #tpu.memory_space<hbm>>
    %dma_wait3A_1588 = tpu.memref_squeeze %dma_wait3A_1587 : memref<1x448x128xf32, #tpu.memory_space<hbm>> -> memref<448x128xf32, #tpu.memory_space<hbm>>
    %dma_wait3A_1589 = arith.constant 0 : i32
    %dma_wait3A_1590 = tpu.memref_slice %arg4[%dma_wait3A_1581, %dma_wait3A_1589, %mul3A_2] : memref<26x448x4096xf32, #tpu.memory_space<hbm>> -> memref<1x448x128xf32, #tpu.memory_space<hbm>>
    %dma_wait3A_1591 = tpu.memref_squeeze %dma_wait3A_1590 : memref<1x448x128xf32, #tpu.memory_space<hbm>> -> memref<448x128xf32, #tpu.memory_space<hbm>>
    %dma_wait3A_1592 = arith.constant 0 : i32
    %dma_wait3A_1593 = arith.constant 0 : i32
    %dma_wait3A_1594 = tpu.memref_slice %arg7[%dma_wait3A_1580, %dma_wait3A_1592, %dma_wait3A_1593] : memref<2x448x128xf32, #tpu.memory_space<vmem>> -> memref<1x448x128xf32, #tpu.memory_space<vmem>>
    %dma_wait3A_1595 = tpu.memref_squeeze %dma_wait3A_1594 : memref<1x448x128xf32, #tpu.memory_space<vmem>> -> memref<448x128xf32, #tpu.memory_space<vmem>>
    tpu.wait_dma2 semaphore(%arg8 : memref<!tpu.dma_semaphore, #tpu.memory_space<semaphore_mem>>) src(%dma_wait3A_1595 : memref<448x128xf32, #tpu.memory_space<vmem>>) dst(%dma_wait3A_1591 : memref<448x128xf32, #tpu.memory_space<hbm>>)
    %add3A_1596 = arith.constant 24 : i32
    %add3A_1597 = vector.broadcast %add3A_1596 : i32 to vector<16xi32>
    %add3A_1598 = arith.addi %mul3A_7, %add3A_1597 : vector<16xi32>
    %gather3A_1599 = tpu.vector_load_idx %arg5[%add3A_1598] : memref<3328xi32, #tpu.memory_space<vmem>>[vector<16xi32>], vector<16xi32>,
    %add3A_1600 = arith.constant 440 : i32
    %add3A_1601 = vector.broadcast %add3A_1600 : i32 to vector<16xi32>
    %add3A_1602 = arith.addi %mul3A_7, %add3A_1601 : vector<16xi32>
    %gather3A_1603 = tpu.vector_load_idx %arg5[%add3A_1602] : memref<3328xi32, #tpu.memory_space<vmem>>[vector<16xi32>], vector<16xi32>,
    %add3A_1604 = arith.constant 856 : i32
    %add3A_1605 = vector.broadcast %add3A_1604 : i32 to vector<16xi32>
    %add3A_1606 = arith.addi %mul3A_7, %add3A_1605 : vector<16xi32>
    %gather3A_1607 = tpu.vector_load_idx %arg5[%add3A_1606] : memref<3328xi32, #tpu.memory_space<vmem>>[vector<16xi32>], vector<16xi32>,
    %add3A_1608 = arith.constant 1272 : i32
    %add3A_1609 = vector.broadcast %add3A_1608 : i32 to vector<16xi32>
    %add3A_1610 = arith.addi %mul3A_7, %add3A_1609 : vector<16xi32>
    %gather3A_1611 = tpu.vector_load_idx %arg5[%add3A_1610] : memref<3328xi32, #tpu.memory_space<vmem>>[vector<16xi32>], vector<16xi32>,
    %add3A_1612 = arith.constant 1688 : i32
    %add3A_1613 = vector.broadcast %add3A_1612 : i32 to vector<16xi32>
    %add3A_1614 = arith.addi %mul3A_7, %add3A_1613 : vector<16xi32>
    %gather3A_1615 = tpu.vector_load_idx %arg5[%add3A_1614] : memref<3328xi32, #tpu.memory_space<vmem>>[vector<16xi32>], vector<16xi32>,
    %add3A_1616 = arith.constant 2104 : i32
    %add3A_1617 = vector.broadcast %add3A_1616 : i32 to vector<16xi32>
    %add3A_1618 = arith.addi %mul3A_7, %add3A_1617 : vector<16xi32>
    %gather3A_1619 = tpu.vector_load_idx %arg5[%add3A_1618] : memref<3328xi32, #tpu.memory_space<vmem>>[vector<16xi32>], vector<16xi32>,
    %add3A_1620 = arith.constant 2520 : i32
    %add3A_1621 = vector.broadcast %add3A_1620 : i32 to vector<16xi32>
    %add3A_1622 = arith.addi %mul3A_7, %add3A_1621 : vector<16xi32>
    %gather3A_1623 = tpu.vector_load_idx %arg5[%add3A_1622] : memref<3328xi32, #tpu.memory_space<vmem>>[vector<16xi32>], vector<16xi32>,
    %add3A_1624 = arith.constant 2936 : i32
    %add3A_1625 = vector.broadcast %add3A_1624 : i32 to vector<16xi32>
    %add3A_1626 = arith.addi %mul3A_7, %add3A_1625 : vector<16xi32>
    %gather3A_1627 = tpu.vector_load_idx %arg5[%add3A_1626] : memref<3328xi32, #tpu.memory_space<vmem>>[vector<16xi32>], vector<16xi32>,
    %parallel_loop3A_1628 = arith.constant 0 : i32
    %parallel_loop3A_1629 = arith.constant 448 : i32
    %parallel_loop3A_1630 = arith.constant 1 : i32
    scf.for %parallel_loop3A_1746 = %parallel_loop3A_1628 to %parallel_loop3A_1629 step %parallel_loop3A_1630  : i32 {
      %parallel_loop3A_1747 = arith.constant 16 : i32
      %parallel_loop3A_1748 = arith.muli %parallel_loop3A_1746, %parallel_loop3A_1747 : i32
      %parallel_loop3A_1749 = arith.index_cast %parallel_loop3A_1748 : i32 to index
      %parallel_loop3A_1750 = tpu.vector_load %arg6[%parallel_loop3A_1749] {strides = array<i32>} : memref<7168xf32, #tpu.memory_space<vmem>>, vector<16xf32>,
      %parallel_loop3A_1751 = vector.shape_cast %gather3A_1599 : vector<16xi32> to vector<16x1xi32>
      %parallel_loop3A_1752 = vector.shape_cast %parallel_loop3A_1751 : vector<16x1xi32> to vector<16xi32>
      %parallel_loop3A_1753 = tpu.dynamic_gather %parallel_loop3A_1750[%parallel_loop3A_1752] in [0] : vector<16xf32>, vector<16xi32> -> vector<16xf32>
      %parallel_loop3A_1754 = arith.constant 0 : i32
      %parallel_loop3A_1755 = arith.index_cast %parallel_loop3A_1754 : i32 to index
      %parallel_loop3A_1756 = arith.index_cast %parallel_loop3A_1746 : i32 to index
      %parallel_loop3A_1757 = arith.constant 0 : index
      %parallel_loop3A_1758 = tpu.vector_load %arg7[%parallel_loop3A_1755, %parallel_loop3A_1756, %parallel_loop3A_1757] {strides = array<i32>} : memref<2x448x128xf32, #tpu.memory_space<vmem>>, vector<16xf32>,
      tpu.vector_store %arg7[%parallel_loop3A_1755, %parallel_loop3A_1756, %parallel_loop3A_1757], %parallel_loop3A_1753 {strides = array<i32>} : memref<2x448x128xf32, #tpu.memory_space<vmem>>, vector<16xf32>,
      %parallel_loop3A_1759 = vector.shape_cast %gather3A_1603 : vector<16xi32> to vector<16x1xi32>
      %parallel_loop3A_1760 = vector.shape_cast %parallel_loop3A_1759 : vector<16x1xi32> to vector<16xi32>
      %parallel_loop3A_1761 = tpu.dynamic_gather %parallel_loop3A_1750[%parallel_loop3A_1760] in [0] : vector<16xf32>, vector<16xi32> -> vector<16xf32>
      %parallel_loop3A_1762 = arith.constant 0 : i32
      %parallel_loop3A_1763 = arith.index_cast %parallel_loop3A_1762 : i32 to index
      %parallel_loop3A_1764 = arith.index_cast %parallel_loop3A_1746 : i32 to index
      %parallel_loop3A_1765 = arith.constant 16 : index
      %parallel_loop3A_1766 = tpu.vector_load %arg7[%parallel_loop3A_1763, %parallel_loop3A_1764, %parallel_loop3A_1765] {strides = array<i32>} : memref<2x448x128xf32, #tpu.memory_space<vmem>>, vector<16xf32>,
      tpu.vector_store %arg7[%parallel_loop3A_1763, %parallel_loop3A_1764, %parallel_loop3A_1765], %parallel_loop3A_1761 {strides = array<i32>} : memref<2x448x128xf32, #tpu.memory_space<vmem>>, vector<16xf32>,
      %parallel_loop3A_1767 = vector.shape_cast %gather3A_1607 : vector<16xi32> to vector<16x1xi32>
      %parallel_loop3A_1768 = vector.shape_cast %parallel_loop3A_1767 : vector<16x1xi32> to vector<16xi32>
      %parallel_loop3A_1769 = tpu.dynamic_gather %parallel_loop3A_1750[%parallel_loop3A_1768] in [0] : vector<16xf32>, vector<16xi32> -> vector<16xf32>
      %parallel_loop3A_1770 = arith.constant 0 : i32
      %parallel_loop3A_1771 = arith.index_cast %parallel_loop3A_1770 : i32 to index
      %parallel_loop3A_1772 = arith.index_cast %parallel_loop3A_1746 : i32 to index
      %parallel_loop3A_1773 = arith.constant 32 : index
      %parallel_loop3A_1774 = tpu.vector_load %arg7[%parallel_loop3A_1771, %parallel_loop3A_1772, %parallel_loop3A_1773] {strides = array<i32>} : memref<2x448x128xf32, #tpu.memory_space<vmem>>, vector<16xf32>,
      tpu.vector_store %arg7[%parallel_loop3A_1771, %parallel_loop3A_1772, %parallel_loop3A_1773], %parallel_loop3A_1769 {strides = array<i32>} : memref<2x448x128xf32, #tpu.memory_space<vmem>>, vector<16xf32>,
      %parallel_loop3A_1775 = vector.shape_cast %gather3A_1611 : vector<16xi32> to vector<16x1xi32>
      %parallel_loop3A_1776 = vector.shape_cast %parallel_loop3A_1775 : vector<16x1xi32> to vector<16xi32>
      %parallel_loop3A_1777 = tpu.dynamic_gather %parallel_loop3A_1750[%parallel_loop3A_1776] in [0] : vector<16xf32>, vector<16xi32> -> vector<16xf32>
      %parallel_loop3A_1778 = arith.constant 0 : i32
      %parallel_loop3A_1779 = arith.index_cast %parallel_loop3A_1778 : i32 to index
      %parallel_loop3A_1780 = arith.index_cast %parallel_loop3A_1746 : i32 to index
      %parallel_loop3A_1781 = arith.constant 48 : index
      %parallel_loop3A_1782 = tpu.vector_load %arg7[%parallel_loop3A_1779, %parallel_loop3A_1780, %parallel_loop3A_1781] {strides = array<i32>} : memref<2x448x128xf32, #tpu.memory_space<vmem>>, vector<16xf32>,
      tpu.vector_store %arg7[%parallel_loop3A_1779, %parallel_loop3A_1780, %parallel_loop3A_1781], %parallel_loop3A_1777 {strides = array<i32>} : memref<2x448x128xf32, #tpu.memory_space<vmem>>, vector<16xf32>,
      %parallel_loop3A_1783 = vector.shape_cast %gather3A_1615 : vector<16xi32> to vector<16x1xi32>
      %parallel_loop3A_1784 = vector.shape_cast %parallel_loop3A_1783 : vector<16x1xi32> to vector<16xi32>
      %parallel_loop3A_1785 = tpu.dynamic_gather %parallel_loop3A_1750[%parallel_loop3A_1784] in [0] : vector<16xf32>, vector<16xi32> -> vector<16xf32>
      %parallel_loop3A_1786 = arith.constant 0 : i32
      %parallel_loop3A_1787 = arith.index_cast %parallel_loop3A_1786 : i32 to index
      %parallel_loop3A_1788 = arith.index_cast %parallel_loop3A_1746 : i32 to index
      %parallel_loop3A_1789 = arith.constant 64 : index
      %parallel_loop3A_1790 = tpu.vector_load %arg7[%parallel_loop3A_1787, %parallel_loop3A_1788, %parallel_loop3A_1789] {strides = array<i32>} : memref<2x448x128xf32, #tpu.memory_space<vmem>>, vector<16xf32>,
      tpu.vector_store %arg7[%parallel_loop3A_1787, %parallel_loop3A_1788, %parallel_loop3A_1789], %parallel_loop3A_1785 {strides = array<i32>} : memref<2x448x128xf32, #tpu.memory_space<vmem>>, vector<16xf32>,
      %parallel_loop3A_1791 = vector.shape_cast %gather3A_1619 : vector<16xi32> to vector<16x1xi32>
      %parallel_loop3A_1792 = vector.shape_cast %parallel_loop3A_1791 : vector<16x1xi32> to vector<16xi32>
      %parallel_loop3A_1793 = tpu.dynamic_gather %parallel_loop3A_1750[%parallel_loop3A_1792] in [0] : vector<16xf32>, vector<16xi32> -> vector<16xf32>
      %parallel_loop3A_1794 = arith.constant 0 : i32
      %parallel_loop3A_1795 = arith.index_cast %parallel_loop3A_1794 : i32 to index
      %parallel_loop3A_1796 = arith.index_cast %parallel_loop3A_1746 : i32 to index
      %parallel_loop3A_1797 = arith.constant 80 : index
      %parallel_loop3A_1798 = tpu.vector_load %arg7[%parallel_loop3A_1795, %parallel_loop3A_1796, %parallel_loop3A_1797] {strides = array<i32>} : memref<2x448x128xf32, #tpu.memory_space<vmem>>, vector<16xf32>,
      tpu.vector_store %arg7[%parallel_loop3A_1795, %parallel_loop3A_1796, %parallel_loop3A_1797], %parallel_loop3A_1793 {strides = array<i32>} : memref<2x448x128xf32, #tpu.memory_space<vmem>>, vector<16xf32>,
      %parallel_loop3A_1799 = vector.shape_cast %gather3A_1623 : vector<16xi32> to vector<16x1xi32>
      %parallel_loop3A_1800 = vector.shape_cast %parallel_loop3A_1799 : vector<16x1xi32> to vector<16xi32>
      %parallel_loop3A_1801 = tpu.dynamic_gather %parallel_loop3A_1750[%parallel_loop3A_1800] in [0] : vector<16xf32>, vector<16xi32> -> vector<16xf32>
      %parallel_loop3A_1802 = arith.constant 0 : i32
      %parallel_loop3A_1803 = arith.index_cast %parallel_loop3A_1802 : i32 to index
      %parallel_loop3A_1804 = arith.index_cast %parallel_loop3A_1746 : i32 to index
      %parallel_loop3A_1805 = arith.constant 96 : index
      %parallel_loop3A_1806 = tpu.vector_load %arg7[%parallel_loop3A_1803, %parallel_loop3A_1804, %parallel_loop3A_1805] {strides = array<i32>} : memref<2x448x128xf32, #tpu.memory_space<vmem>>, vector<16xf32>,
      tpu.vector_store %arg7[%parallel_loop3A_1803, %parallel_loop3A_1804, %parallel_loop3A_1805], %parallel_loop3A_1801 {strides = array<i32>} : memref<2x448x128xf32, #tpu.memory_space<vmem>>, vector<16xf32>,
      %parallel_loop3A_1807 = vector.shape_cast %gather3A_1627 : vector<16xi32> to vector<16x1xi32>
      %parallel_loop3A_1808 = vector.shape_cast %parallel_loop3A_1807 : vector<16x1xi32> to vector<16xi32>
      %parallel_loop3A_1809 = tpu.dynamic_gather %parallel_loop3A_1750[%parallel_loop3A_1808] in [0] : vector<16xf32>, vector<16xi32> -> vector<16xf32>
      %parallel_loop3A_1810 = arith.constant 0 : i32
      %parallel_loop3A_1811 = arith.index_cast %parallel_loop3A_1810 : i32 to index
      %parallel_loop3A_1812 = arith.index_cast %parallel_loop3A_1746 : i32 to index
      %parallel_loop3A_1813 = arith.constant 112 : index
      %parallel_loop3A_1814 = tpu.vector_load %arg7[%parallel_loop3A_1811, %parallel_loop3A_1812, %parallel_loop3A_1813] {strides = array<i32>} : memref<2x448x128xf32, #tpu.memory_space<vmem>>, vector<16xf32>,
      tpu.vector_store %arg7[%parallel_loop3A_1811, %parallel_loop3A_1812, %parallel_loop3A_1813], %parallel_loop3A_1809 {strides = array<i32>} : memref<2x448x128xf32, #tpu.memory_space<vmem>>, vector<16xf32>,
    } {sc.loop_unroll_factor = 1 : i64, sc.parallel_access}
    %dma_start3A_1631 = arith.constant 0 : i32
    %dma_start3A_1632 = arith.constant 24 : i32
    %dma_start3A_1633 = arith.constant 0 : i32
    %dma_start3A_1634 = arith.constant 0 : i32
    %dma_start3A_1635 = tpu.memref_slice %arg7[%dma_start3A_1631, %dma_start3A_1633, %dma_start3A_1634] : memref<2x448x128xf32, #tpu.memory_space<vmem>> -> memref<1x448x128xf32, #tpu.memory_space<vmem>>
    %dma_start3A_1636 = tpu.memref_squeeze %dma_start3A_1635 : memref<1x448x128xf32, #tpu.memory_space<vmem>> -> memref<448x128xf32, #tpu.memory_space<vmem>>
    %dma_start3A_1637 = arith.constant 0 : i32
    %dma_start3A_1638 = tpu.memref_slice %arg4[%dma_start3A_1632, %dma_start3A_1637, %mul3A_2] : memref<26x448x4096xf32, #tpu.memory_space<hbm>> -> memref<1x448x128xf32, #tpu.memory_space<hbm>>
    %dma_start3A_1639 = tpu.memref_squeeze %dma_start3A_1638 : memref<1x448x128xf32, #tpu.memory_space<hbm>> -> memref<448x128xf32, #tpu.memory_space<hbm>>
    %dma_start3A_1640 = arith.constant 0 : i32
    %dma_start3A_1641 = tpu.memref_slice %arg4[%dma_start3A_1632, %dma_start3A_1640, %mul3A_2] : memref<26x448x4096xf32, #tpu.memory_space<hbm>> -> memref<1x448x128xf32, #tpu.memory_space<hbm>>
    %dma_start3A_1642 = tpu.memref_squeeze %dma_start3A_1641 : memref<1x448x128xf32, #tpu.memory_space<hbm>> -> memref<448x128xf32, #tpu.memory_space<hbm>>
    %dma_start3A_1643 = arith.constant 0 : i32
    %dma_start3A_1644 = arith.constant 0 : i32
    %dma_start3A_1645 = tpu.memref_slice %arg7[%dma_start3A_1631, %dma_start3A_1643, %dma_start3A_1644] : memref<2x448x128xf32, #tpu.memory_space<vmem>> -> memref<1x448x128xf32, #tpu.memory_space<vmem>>
    %dma_start3A_1646 = tpu.memref_squeeze %dma_start3A_1645 : memref<1x448x128xf32, #tpu.memory_space<vmem>> -> memref<448x128xf32, #tpu.memory_space<vmem>>
    tpu.enqueue_dma source(%dma_start3A_1646 : memref<448x128xf32, #tpu.memory_space<vmem>>) target(%dma_start3A_1642 : memref<448x128xf32, #tpu.memory_space<hbm>>) target_semaphore(%arg8 : memref<!tpu.dma_semaphore, #tpu.memory_space<semaphore_mem>>)
    %dma_wait3A_1647 = arith.constant 1 : i32
    %dma_wait3A_1648 = arith.constant 23 : i32
    %dma_wait3A_1649 = arith.constant 0 : i32
    %dma_wait3A_1650 = arith.constant 0 : i32
    %dma_wait3A_1651 = tpu.memref_slice %arg7[%dma_wait3A_1647, %dma_wait3A_1649, %dma_wait3A_1650] : memref<2x448x128xf32, #tpu.memory_space<vmem>> -> memref<1x448x128xf32, #tpu.memory_space<vmem>>
    %dma_wait3A_1652 = tpu.memref_squeeze %dma_wait3A_1651 : memref<1x448x128xf32, #tpu.memory_space<vmem>> -> memref<448x128xf32, #tpu.memory_space<vmem>>
    %dma_wait3A_1653 = arith.constant 0 : i32
    %dma_wait3A_1654 = tpu.memref_slice %arg4[%dma_wait3A_1648, %dma_wait3A_1653, %mul3A_2] : memref<26x448x4096xf32, #tpu.memory_space<hbm>> -> memref<1x448x128xf32, #tpu.memory_space<hbm>>
    %dma_wait3A_1655 = tpu.memref_squeeze %dma_wait3A_1654 : memref<1x448x128xf32, #tpu.memory_space<hbm>> -> memref<448x128xf32, #tpu.memory_space<hbm>>
    %dma_wait3A_1656 = arith.constant 0 : i32
    %dma_wait3A_1657 = tpu.memref_slice %arg4[%dma_wait3A_1648, %dma_wait3A_1656, %mul3A_2] : memref<26x448x4096xf32, #tpu.memory_space<hbm>> -> memref<1x448x128xf32, #tpu.memory_space<hbm>>
    %dma_wait3A_1658 = tpu.memref_squeeze %dma_wait3A_1657 : memref<1x448x128xf32, #tpu.memory_space<hbm>> -> memref<448x128xf32, #tpu.memory_space<hbm>>
    %dma_wait3A_1659 = arith.constant 0 : i32
    %dma_wait3A_1660 = arith.constant 0 : i32
    %dma_wait3A_1661 = tpu.memref_slice %arg7[%dma_wait3A_1647, %dma_wait3A_1659, %dma_wait3A_1660] : memref<2x448x128xf32, #tpu.memory_space<vmem>> -> memref<1x448x128xf32, #tpu.memory_space<vmem>>
    %dma_wait3A_1662 = tpu.memref_squeeze %dma_wait3A_1661 : memref<1x448x128xf32, #tpu.memory_space<vmem>> -> memref<448x128xf32, #tpu.memory_space<vmem>>
    tpu.wait_dma2 semaphore(%arg9 : memref<!tpu.dma_semaphore, #tpu.memory_space<semaphore_mem>>) src(%dma_wait3A_1662 : memref<448x128xf32, #tpu.memory_space<vmem>>) dst(%dma_wait3A_1658 : memref<448x128xf32, #tpu.memory_space<hbm>>)
    %add3A_1663 = arith.constant 25 : i32
    %add3A_1664 = vector.broadcast %add3A_1663 : i32 to vector<16xi32>
    %add3A_1665 = arith.addi %mul3A_7, %add3A_1664 : vector<16xi32>
    %gather3A_1666 = tpu.vector_load_idx %arg5[%add3A_1665] : memref<3328xi32, #tpu.memory_space<vmem>>[vector<16xi32>], vector<16xi32>,
    %add3A_1667 = arith.constant 441 : i32
    %add3A_1668 = vector.broadcast %add3A_1667 : i32 to vector<16xi32>
    %add3A_1669 = arith.addi %mul3A_7, %add3A_1668 : vector<16xi32>
    %gather3A_1670 = tpu.vector_load_idx %arg5[%add3A_1669] : memref<3328xi32, #tpu.memory_space<vmem>>[vector<16xi32>], vector<16xi32>,
    %add3A_1671 = arith.constant 857 : i32
    %add3A_1672 = vector.broadcast %add3A_1671 : i32 to vector<16xi32>
    %add3A_1673 = arith.addi %mul3A_7, %add3A_1672 : vector<16xi32>
    %gather3A_1674 = tpu.vector_load_idx %arg5[%add3A_1673] : memref<3328xi32, #tpu.memory_space<vmem>>[vector<16xi32>], vector<16xi32>,
    %add3A_1675 = arith.constant 1273 : i32
    %add3A_1676 = vector.broadcast %add3A_1675 : i32 to vector<16xi32>
    %add3A_1677 = arith.addi %mul3A_7, %add3A_1676 : vector<16xi32>
    %gather3A_1678 = tpu.vector_load_idx %arg5[%add3A_1677] : memref<3328xi32, #tpu.memory_space<vmem>>[vector<16xi32>], vector<16xi32>,
    %add3A_1679 = arith.constant 1689 : i32
    %add3A_1680 = vector.broadcast %add3A_1679 : i32 to vector<16xi32>
    %add3A_1681 = arith.addi %mul3A_7, %add3A_1680 : vector<16xi32>
    %gather3A_1682 = tpu.vector_load_idx %arg5[%add3A_1681] : memref<3328xi32, #tpu.memory_space<vmem>>[vector<16xi32>], vector<16xi32>,
    %add3A_1683 = arith.constant 2105 : i32
    %add3A_1684 = vector.broadcast %add3A_1683 : i32 to vector<16xi32>
    %add3A_1685 = arith.addi %mul3A_7, %add3A_1684 : vector<16xi32>
    %gather3A_1686 = tpu.vector_load_idx %arg5[%add3A_1685] : memref<3328xi32, #tpu.memory_space<vmem>>[vector<16xi32>], vector<16xi32>,
    %add3A_1687 = arith.constant 2521 : i32
    %add3A_1688 = vector.broadcast %add3A_1687 : i32 to vector<16xi32>
    %add3A_1689 = arith.addi %mul3A_7, %add3A_1688 : vector<16xi32>
    %gather3A_1690 = tpu.vector_load_idx %arg5[%add3A_1689] : memref<3328xi32, #tpu.memory_space<vmem>>[vector<16xi32>], vector<16xi32>,
    %add3A_1691 = arith.constant 2937 : i32
    %add3A_1692 = vector.broadcast %add3A_1691 : i32 to vector<16xi32>
    %add3A_1693 = arith.addi %mul3A_7, %add3A_1692 : vector<16xi32>
    %gather3A_1694 = tpu.vector_load_idx %arg5[%add3A_1693] : memref<3328xi32, #tpu.memory_space<vmem>>[vector<16xi32>], vector<16xi32>,
    %parallel_loop3A_1695 = arith.constant 0 : i32
    %parallel_loop3A_1696 = arith.constant 448 : i32
    %parallel_loop3A_1697 = arith.constant 1 : i32
    scf.for %parallel_loop3A_1746 = %parallel_loop3A_1695 to %parallel_loop3A_1696 step %parallel_loop3A_1697  : i32 {
      %parallel_loop3A_1747 = arith.constant 16 : i32
      %parallel_loop3A_1748 = arith.muli %parallel_loop3A_1746, %parallel_loop3A_1747 : i32
      %parallel_loop3A_1749 = arith.index_cast %parallel_loop3A_1748 : i32 to index
      %parallel_loop3A_1750 = tpu.vector_load %arg6[%parallel_loop3A_1749] {strides = array<i32>} : memref<7168xf32, #tpu.memory_space<vmem>>, vector<16xf32>,
      %parallel_loop3A_1751 = vector.shape_cast %gather3A_1666 : vector<16xi32> to vector<16x1xi32>
      %parallel_loop3A_1752 = vector.shape_cast %parallel_loop3A_1751 : vector<16x1xi32> to vector<16xi32>
      %parallel_loop3A_1753 = tpu.dynamic_gather %parallel_loop3A_1750[%parallel_loop3A_1752] in [0] : vector<16xf32>, vector<16xi32> -> vector<16xf32>
      %parallel_loop3A_1754 = arith.constant 1 : i32
      %parallel_loop3A_1755 = arith.index_cast %parallel_loop3A_1754 : i32 to index
      %parallel_loop3A_1756 = arith.index_cast %parallel_loop3A_1746 : i32 to index
      %parallel_loop3A_1757 = arith.constant 0 : index
      %parallel_loop3A_1758 = tpu.vector_load %arg7[%parallel_loop3A_1755, %parallel_loop3A_1756, %parallel_loop3A_1757] {strides = array<i32>} : memref<2x448x128xf32, #tpu.memory_space<vmem>>, vector<16xf32>,
      tpu.vector_store %arg7[%parallel_loop3A_1755, %parallel_loop3A_1756, %parallel_loop3A_1757], %parallel_loop3A_1753 {strides = array<i32>} : memref<2x448x128xf32, #tpu.memory_space<vmem>>, vector<16xf32>,
      %parallel_loop3A_1759 = vector.shape_cast %gather3A_1670 : vector<16xi32> to vector<16x1xi32>
      %parallel_loop3A_1760 = vector.shape_cast %parallel_loop3A_1759 : vector<16x1xi32> to vector<16xi32>
      %parallel_loop3A_1761 = tpu.dynamic_gather %parallel_loop3A_1750[%parallel_loop3A_1760] in [0] : vector<16xf32>, vector<16xi32> -> vector<16xf32>
      %parallel_loop3A_1762 = arith.constant 1 : i32
      %parallel_loop3A_1763 = arith.index_cast %parallel_loop3A_1762 : i32 to index
      %parallel_loop3A_1764 = arith.index_cast %parallel_loop3A_1746 : i32 to index
      %parallel_loop3A_1765 = arith.constant 16 : index
      %parallel_loop3A_1766 = tpu.vector_load %arg7[%parallel_loop3A_1763, %parallel_loop3A_1764, %parallel_loop3A_1765] {strides = array<i32>} : memref<2x448x128xf32, #tpu.memory_space<vmem>>, vector<16xf32>,
      tpu.vector_store %arg7[%parallel_loop3A_1763, %parallel_loop3A_1764, %parallel_loop3A_1765], %parallel_loop3A_1761 {strides = array<i32>} : memref<2x448x128xf32, #tpu.memory_space<vmem>>, vector<16xf32>,
      %parallel_loop3A_1767 = vector.shape_cast %gather3A_1674 : vector<16xi32> to vector<16x1xi32>
      %parallel_loop3A_1768 = vector.shape_cast %parallel_loop3A_1767 : vector<16x1xi32> to vector<16xi32>
      %parallel_loop3A_1769 = tpu.dynamic_gather %parallel_loop3A_1750[%parallel_loop3A_1768] in [0] : vector<16xf32>, vector<16xi32> -> vector<16xf32>
      %parallel_loop3A_1770 = arith.constant 1 : i32
      %parallel_loop3A_1771 = arith.index_cast %parallel_loop3A_1770 : i32 to index
      %parallel_loop3A_1772 = arith.index_cast %parallel_loop3A_1746 : i32 to index
      %parallel_loop3A_1773 = arith.constant 32 : index
      %parallel_loop3A_1774 = tpu.vector_load %arg7[%parallel_loop3A_1771, %parallel_loop3A_1772, %parallel_loop3A_1773] {strides = array<i32>} : memref<2x448x128xf32, #tpu.memory_space<vmem>>, vector<16xf32>,
      tpu.vector_store %arg7[%parallel_loop3A_1771, %parallel_loop3A_1772, %parallel_loop3A_1773], %parallel_loop3A_1769 {strides = array<i32>} : memref<2x448x128xf32, #tpu.memory_space<vmem>>, vector<16xf32>,
      %parallel_loop3A_1775 = vector.shape_cast %gather3A_1678 : vector<16xi32> to vector<16x1xi32>
      %parallel_loop3A_1776 = vector.shape_cast %parallel_loop3A_1775 : vector<16x1xi32> to vector<16xi32>
      %parallel_loop3A_1777 = tpu.dynamic_gather %parallel_loop3A_1750[%parallel_loop3A_1776] in [0] : vector<16xf32>, vector<16xi32> -> vector<16xf32>
      %parallel_loop3A_1778 = arith.constant 1 : i32
      %parallel_loop3A_1779 = arith.index_cast %parallel_loop3A_1778 : i32 to index
      %parallel_loop3A_1780 = arith.index_cast %parallel_loop3A_1746 : i32 to index
      %parallel_loop3A_1781 = arith.constant 48 : index
      %parallel_loop3A_1782 = tpu.vector_load %arg7[%parallel_loop3A_1779, %parallel_loop3A_1780, %parallel_loop3A_1781] {strides = array<i32>} : memref<2x448x128xf32, #tpu.memory_space<vmem>>, vector<16xf32>,
      tpu.vector_store %arg7[%parallel_loop3A_1779, %parallel_loop3A_1780, %parallel_loop3A_1781], %parallel_loop3A_1777 {strides = array<i32>} : memref<2x448x128xf32, #tpu.memory_space<vmem>>, vector<16xf32>,
      %parallel_loop3A_1783 = vector.shape_cast %gather3A_1682 : vector<16xi32> to vector<16x1xi32>
      %parallel_loop3A_1784 = vector.shape_cast %parallel_loop3A_1783 : vector<16x1xi32> to vector<16xi32>
      %parallel_loop3A_1785 = tpu.dynamic_gather %parallel_loop3A_1750[%parallel_loop3A_1784] in [0] : vector<16xf32>, vector<16xi32> -> vector<16xf32>
      %parallel_loop3A_1786 = arith.constant 1 : i32
      %parallel_loop3A_1787 = arith.index_cast %parallel_loop3A_1786 : i32 to index
      %parallel_loop3A_1788 = arith.index_cast %parallel_loop3A_1746 : i32 to index
      %parallel_loop3A_1789 = arith.constant 64 : index
      %parallel_loop3A_1790 = tpu.vector_load %arg7[%parallel_loop3A_1787, %parallel_loop3A_1788, %parallel_loop3A_1789] {strides = array<i32>} : memref<2x448x128xf32, #tpu.memory_space<vmem>>, vector<16xf32>,
      tpu.vector_store %arg7[%parallel_loop3A_1787, %parallel_loop3A_1788, %parallel_loop3A_1789], %parallel_loop3A_1785 {strides = array<i32>} : memref<2x448x128xf32, #tpu.memory_space<vmem>>, vector<16xf32>,
      %parallel_loop3A_1791 = vector.shape_cast %gather3A_1686 : vector<16xi32> to vector<16x1xi32>
      %parallel_loop3A_1792 = vector.shape_cast %parallel_loop3A_1791 : vector<16x1xi32> to vector<16xi32>
      %parallel_loop3A_1793 = tpu.dynamic_gather %parallel_loop3A_1750[%parallel_loop3A_1792] in [0] : vector<16xf32>, vector<16xi32> -> vector<16xf32>
      %parallel_loop3A_1794 = arith.constant 1 : i32
      %parallel_loop3A_1795 = arith.index_cast %parallel_loop3A_1794 : i32 to index
      %parallel_loop3A_1796 = arith.index_cast %parallel_loop3A_1746 : i32 to index
      %parallel_loop3A_1797 = arith.constant 80 : index
      %parallel_loop3A_1798 = tpu.vector_load %arg7[%parallel_loop3A_1795, %parallel_loop3A_1796, %parallel_loop3A_1797] {strides = array<i32>} : memref<2x448x128xf32, #tpu.memory_space<vmem>>, vector<16xf32>,
      tpu.vector_store %arg7[%parallel_loop3A_1795, %parallel_loop3A_1796, %parallel_loop3A_1797], %parallel_loop3A_1793 {strides = array<i32>} : memref<2x448x128xf32, #tpu.memory_space<vmem>>, vector<16xf32>,
      %parallel_loop3A_1799 = vector.shape_cast %gather3A_1690 : vector<16xi32> to vector<16x1xi32>
      %parallel_loop3A_1800 = vector.shape_cast %parallel_loop3A_1799 : vector<16x1xi32> to vector<16xi32>
      %parallel_loop3A_1801 = tpu.dynamic_gather %parallel_loop3A_1750[%parallel_loop3A_1800] in [0] : vector<16xf32>, vector<16xi32> -> vector<16xf32>
      %parallel_loop3A_1802 = arith.constant 1 : i32
      %parallel_loop3A_1803 = arith.index_cast %parallel_loop3A_1802 : i32 to index
      %parallel_loop3A_1804 = arith.index_cast %parallel_loop3A_1746 : i32 to index
      %parallel_loop3A_1805 = arith.constant 96 : index
      %parallel_loop3A_1806 = tpu.vector_load %arg7[%parallel_loop3A_1803, %parallel_loop3A_1804, %parallel_loop3A_1805] {strides = array<i32>} : memref<2x448x128xf32, #tpu.memory_space<vmem>>, vector<16xf32>,
      tpu.vector_store %arg7[%parallel_loop3A_1803, %parallel_loop3A_1804, %parallel_loop3A_1805], %parallel_loop3A_1801 {strides = array<i32>} : memref<2x448x128xf32, #tpu.memory_space<vmem>>, vector<16xf32>,
      %parallel_loop3A_1807 = vector.shape_cast %gather3A_1694 : vector<16xi32> to vector<16x1xi32>
      %parallel_loop3A_1808 = vector.shape_cast %parallel_loop3A_1807 : vector<16x1xi32> to vector<16xi32>
      %parallel_loop3A_1809 = tpu.dynamic_gather %parallel_loop3A_1750[%parallel_loop3A_1808] in [0] : vector<16xf32>, vector<16xi32> -> vector<16xf32>
      %parallel_loop3A_1810 = arith.constant 1 : i32
      %parallel_loop3A_1811 = arith.index_cast %parallel_loop3A_1810 : i32 to index
      %parallel_loop3A_1812 = arith.index_cast %parallel_loop3A_1746 : i32 to index
      %parallel_loop3A_1813 = arith.constant 112 : index
      %parallel_loop3A_1814 = tpu.vector_load %arg7[%parallel_loop3A_1811, %parallel_loop3A_1812, %parallel_loop3A_1813] {strides = array<i32>} : memref<2x448x128xf32, #tpu.memory_space<vmem>>, vector<16xf32>,
      tpu.vector_store %arg7[%parallel_loop3A_1811, %parallel_loop3A_1812, %parallel_loop3A_1813], %parallel_loop3A_1809 {strides = array<i32>} : memref<2x448x128xf32, #tpu.memory_space<vmem>>, vector<16xf32>,
    } {sc.loop_unroll_factor = 1 : i64, sc.parallel_access}
    %dma_start3A_1698 = arith.constant 1 : i32
    %dma_start3A_1699 = arith.constant 25 : i32
    %dma_start3A_1700 = arith.constant 0 : i32
    %dma_start3A_1701 = arith.constant 0 : i32
    %dma_start3A_1702 = tpu.memref_slice %arg7[%dma_start3A_1698, %dma_start3A_1700, %dma_start3A_1701] : memref<2x448x128xf32, #tpu.memory_space<vmem>> -> memref<1x448x128xf32, #tpu.memory_space<vmem>>
    %dma_start3A_1703 = tpu.memref_squeeze %dma_start3A_1702 : memref<1x448x128xf32, #tpu.memory_space<vmem>> -> memref<448x128xf32, #tpu.memory_space<vmem>>
    %dma_start3A_1704 = arith.constant 0 : i32
    %dma_start3A_1705 = tpu.memref_slice %arg4[%dma_start3A_1699, %dma_start3A_1704, %mul3A_2] : memref<26x448x4096xf32, #tpu.memory_space<hbm>> -> memref<1x448x128xf32, #tpu.memory_space<hbm>>
    %dma_start3A_1706 = tpu.memref_squeeze %dma_start3A_1705 : memref<1x448x128xf32, #tpu.memory_space<hbm>> -> memref<448x128xf32, #tpu.memory_space<hbm>>
    %dma_start3A_1707 = arith.constant 0 : i32
    %dma_start3A_1708 = tpu.memref_slice %arg4[%dma_start3A_1699, %dma_start3A_1707, %mul3A_2] : memref<26x448x4096xf32, #tpu.memory_space<hbm>> -> memref<1x448x128xf32, #tpu.memory_space<hbm>>
    %dma_start3A_1709 = tpu.memref_squeeze %dma_start3A_1708 : memref<1x448x128xf32, #tpu.memory_space<hbm>> -> memref<448x128xf32, #tpu.memory_space<hbm>>
    %dma_start3A_1710 = arith.constant 0 : i32
    %dma_start3A_1711 = arith.constant 0 : i32
    %dma_start3A_1712 = tpu.memref_slice %arg7[%dma_start3A_1698, %dma_start3A_1710, %dma_start3A_1711] : memref<2x448x128xf32, #tpu.memory_space<vmem>> -> memref<1x448x128xf32, #tpu.memory_space<vmem>>
    %dma_start3A_1713 = tpu.memref_squeeze %dma_start3A_1712 : memref<1x448x128xf32, #tpu.memory_space<vmem>> -> memref<448x128xf32, #tpu.memory_space<vmem>>
    tpu.enqueue_dma source(%dma_start3A_1713 : memref<448x128xf32, #tpu.memory_space<vmem>>) target(%dma_start3A_1709 : memref<448x128xf32, #tpu.memory_space<hbm>>) target_semaphore(%arg9 : memref<!tpu.dma_semaphore, #tpu.memory_space<semaphore_mem>>)
    %dma_wait3A_1714 = arith.constant 0 : i32
    %dma_wait3A_1715 = arith.constant 24 : i32
    %dma_wait3A_1716 = arith.constant 0 : i32
    %dma_wait3A_1717 = arith.constant 0 : i32
    %dma_wait3A_1718 = tpu.memref_slice %arg7[%dma_wait3A_1714, %dma_wait3A_1716, %dma_wait3A_1717] : memref<2x448x128xf32, #tpu.memory_space<vmem>> -> memref<1x448x128xf32, #tpu.memory_space<vmem>>
    %dma_wait3A_1719 = tpu.memref_squeeze %dma_wait3A_1718 : memref<1x448x128xf32, #tpu.memory_space<vmem>> -> memref<448x128xf32, #tpu.memory_space<vmem>>
    %dma_wait3A_1720 = arith.constant 0 : i32
    %dma_wait3A_1721 = tpu.memref_slice %arg4[%dma_wait3A_1715, %dma_wait3A_1720, %mul3A_2] : memref<26x448x4096xf32, #tpu.memory_space<hbm>> -> memref<1x448x128xf32, #tpu.memory_space<hbm>>
    %dma_wait3A_1722 = tpu.memref_squeeze %dma_wait3A_1721 : memref<1x448x128xf32, #tpu.memory_space<hbm>> -> memref<448x128xf32, #tpu.memory_space<hbm>>
    %dma_wait3A_1723 = arith.constant 0 : i32
    %dma_wait3A_1724 = tpu.memref_slice %arg4[%dma_wait3A_1715, %dma_wait3A_1723, %mul3A_2] : memref<26x448x4096xf32, #tpu.memory_space<hbm>> -> memref<1x448x128xf32, #tpu.memory_space<hbm>>
    %dma_wait3A_1725 = tpu.memref_squeeze %dma_wait3A_1724 : memref<1x448x128xf32, #tpu.memory_space<hbm>> -> memref<448x128xf32, #tpu.memory_space<hbm>>
    %dma_wait3A_1726 = arith.constant 0 : i32
    %dma_wait3A_1727 = arith.constant 0 : i32
    %dma_wait3A_1728 = tpu.memref_slice %arg7[%dma_wait3A_1714, %dma_wait3A_1726, %dma_wait3A_1727] : memref<2x448x128xf32, #tpu.memory_space<vmem>> -> memref<1x448x128xf32, #tpu.memory_space<vmem>>
    %dma_wait3A_1729 = tpu.memref_squeeze %dma_wait3A_1728 : memref<1x448x128xf32, #tpu.memory_space<vmem>> -> memref<448x128xf32, #tpu.memory_space<vmem>>
    tpu.wait_dma2 semaphore(%arg8 : memref<!tpu.dma_semaphore, #tpu.memory_space<semaphore_mem>>) src(%dma_wait3A_1729 : memref<448x128xf32, #tpu.memory_space<vmem>>) dst(%dma_wait3A_1725 : memref<448x128xf32, #tpu.memory_space<hbm>>)
    %dma_wait3A_1730 = arith.constant 1 : i32
    %dma_wait3A_1731 = arith.constant 25 : i32
    %dma_wait3A_1732 = arith.constant 0 : i32
    %dma_wait3A_1733 = arith.constant 0 : i32
    %dma_wait3A_1734 = tpu.memref_slice %arg7[%dma_wait3A_1730, %dma_wait3A_1732, %dma_wait3A_1733] : memref<2x448x128xf32, #tpu.memory_space<vmem>> -> memref<1x448x128xf32, #tpu.memory_space<vmem>>
    %dma_wait3A_1735 = tpu.memref_squeeze %dma_wait3A_1734 : memref<1x448x128xf32, #tpu.memory_space<vmem>> -> memref<448x128xf32, #tpu.memory_space<vmem>>
    %dma_wait3A_1736 = arith.constant 0 : i32
    %dma_wait3A_1737 = tpu.memref_slice %arg4[%dma_wait3A_1731, %dma_wait3A_1736, %mul3A_2] : memref<26x448x4096xf32, #tpu.memory_space<hbm>> -> memref<1x448x128xf32, #tpu.memory_space<hbm>>
    %dma_wait3A_1738 = tpu.memref_squeeze %dma_wait3A_1737 : memref<1x448x128xf32, #tpu.memory_space<hbm>> -> memref<448x128xf32, #tpu.memory_space<hbm>>
    %dma_wait3A_1739 = arith.constant 0 : i32
    %dma_wait3A_1740 = tpu.memref_slice %arg4[%dma_wait3A_1731, %dma_wait3A_1739, %mul3A_2] : memref<26x448x4096xf32, #tpu.memory_space<hbm>> -> memref<1x448x128xf32, #tpu.memory_space<hbm>>
    %dma_wait3A_1741 = tpu.memref_squeeze %dma_wait3A_1740 : memref<1x448x128xf32, #tpu.memory_space<hbm>> -> memref<448x128xf32, #tpu.memory_space<hbm>>
    %dma_wait3A_1742 = arith.constant 0 : i32
    %dma_wait3A_1743 = arith.constant 0 : i32
    %dma_wait3A_1744 = tpu.memref_slice %arg7[%dma_wait3A_1730, %dma_wait3A_1742, %dma_wait3A_1743] : memref<2x448x128xf32, #tpu.memory_space<vmem>> -> memref<1x448x128xf32, #tpu.memory_space<vmem>>
    %dma_wait3A_1745 = tpu.memref_squeeze %dma_wait3A_1744 : memref<1x448x128xf32, #tpu.memory_space<vmem>> -> memref<448x128xf32, #tpu.memory_space<vmem>>
    tpu.wait_dma2 semaphore(%arg9 : memref<!tpu.dma_semaphore, #tpu.memory_space<semaphore_mem>>) src(%dma_wait3A_1745 : memref<448x128xf32, #tpu.memory_space<vmem>>) dst(%dma_wait3A_1741 : memref<448x128xf32, #tpu.memory_space<hbm>>)
    return
  }
}

</mosaic_0001>

<sc_bundles>
// kernel: kernel.3.cloned.1.call-start
scs
__scs_entry_jumppad:
0x0: {  	(pc) =	sbr.rel $0x88, $3  }
0x1: {  	(tag) =	ssettag $0x0;
	lr =	simm.s32 $0x1  }
0x2: {  	[smem:$0x3F9F] =	sst lr;
	_ =	strace $0xD0000000  }
0x3: {  	_ = 	snop  }
0x4: {  	_ = 	snop  }
0x5: {  	_ = 	snop  }
0x6: {  	_ = 	snop  }
0x7: {  	_ = 	snop  }
__scs_overlays_trampoline_lowered:
0x8: {  	[smem:$0x3FAE] =	sst s0  }
0x9: {  	[smem:$0x3FAF] =	sst s1  }
0xa: {  	[smem:$0x3FB0] =	sst s2  }
0xb: {  	[smem:$0x3FB1] =	sst s3  }
0xc: {  	[smem:$0x3FB2] =	sst s4  }
0xd: {  	[smem:$0x3FB3] =	sst s5  }
0xe: {  	[smem:$0x3FB4] =	sst s6  }
0xf: {  	[smem:$0x3FB5] =	sst s7  }
0x10: {  	[smem:$0x3FB6] =	sst s8  }
0x11: {  	[smem:$0x3FB7] =	sst s9;
	s0 =	simm.s32 @!p0 $0x0  }
0x12: {  	s1 =	sld [smem:$0x3F9D];
	s0 =	simm.s32 @p0 $0x1  }
0x13: {  	[smem:$0x3FB8] =	sst s0;
	s0 =	simm.s32 @!p1 $0x0  }
0x14: {  	s2 =	sld [smem:$0x3F9C];
	s0 =	simm.s32 @p1 $0x1  }
0x15: {  	[smem:$0x3FB9] =	sst s0;
	s0 =	simm.s32 @!p2 $0x0  }
0x16: {  	s3 =	sld [smem:$0x3FDB];
	s0 =	simm.s32 @p2 $0x1  }
0x17: {  	s4 =	simm.s32 $0x1BF5;
	[smem:$0x3FBB] =	sst s0  }
0x18: {  	s0 =	sld [smem:$0x3F9E];
	_ =	swait.ge [sflag:s4], $0x0  }
0x19: {  	s7 =	sld [smem:$0x3F9F]  }
0x1a: {  	s8 =	sadd.s32 $0xFFFFE003, lr  }
0x1b: {  	s9 =	sadd.s32 $0xFFFFFEF7, lr;
	s5 =	simm.s32 $0xFFFFFFFF;
	p2 =	slt.u32 s8, $0xFFFFF086  }
0x1c: {  	p1 =	slt.u32 s9, $0xF7A;
	s5 =	simm.s32 @!p2 $0x0  }
0x1d: {  	s5 =	simm.s32 @p1 $0x1;
	p0 =	seq.s32 s7, s2  }
0x1e: {  	s7 =	smul.u32 @!p0 $0xF7A, s2;
	p2 =	seq.s32 @!p0 s5, $0x0  }
0x1f: {  	s9 =	smul.u32 $0xF7A, s1;
	s8 =	simm.s32 @!p0 $0x1BF5;
	p2 =	por !p2, p0  }
0x20: {  	[sflag:s8] =	ssyncset.s32 @!p0 $0xFFFFF086;
	s6 =	sadd.s32 @!p0 s3, s7;
	s7 =	simm.s32 @!p0 $0x108  }
0x21: {  	s3 =	sadd.s32 s3, s9;
	s6 =	sadd.s32 @!p0 $0x88, s6;
	s7 =	simm.s32 @p2 $0x1082  }
0x22: {  	[simem:s7], [sflag:s8] =	dma.local @!p0 [hbm:s6], $0xF7A  }
0x23: {  	s9 =	sor.u32 $0xD0000000, s2;
	s6 =	simm.s32 $0x108;
	_ =	swait.ge @!p0 [sflag:s8], $0x0  }
0x24: {  	s3 =	sadd.s32 $0x88, s3;
	s6 =	simm.s32 @!p1 $0x1082;
	[sflag:s4] =	ssyncset.s32 $0xFFFFF086  }
0x25: {  	[simem:s6], [sflag:s4] =	dma.local [hbm:s3], $0xF7A  }
0x26: {  	[smem:$0x3F9F] =	sst s1;
	(tag) =	ssettag s2;
	_ =	strace s9  }
0x27: {  	s1 =	sld [smem:$0x3FAF]  }
0x28: {  	s2 =	sld [smem:$0x3FB0]  }
0x29: {  	s4 =	sld [smem:$0x3FB2]  }
0x2a: {  	p0 =	seq.s32 s5, $0x0;
	s5 =	sld [smem:$0x3FB3]  }
0x2b: {  	s6 =	sld [smem:$0x3FB4]  }
0x2c: {  	s7 =	sld [smem:$0x3FB5]  }
0x2d: {  	s3 =	simm.s32 $0x108;
	s8 =	sld [smem:$0x3FB6]  }
0x2e: {  	s3 =	simm.s32 @!p0 $0x1082;
	s9 =	sld [smem:$0x3FB7]  }
0x2f: {  	lr =	sadd.s32 s0, s3;
	s0 =	sld [smem:$0x3FAE]  }
0x30: {  	s3 =	sld [smem:$0x3FB1]  }
0x31: {  	[smem:$0x3FBA] =	sst s10  }
0x32: {  	s10 =	sld [smem:$0x3FB8];
	_ =	sdelay $0x3  }
0x33: {  	p0 =	seq.s32 s10, $0x1;
	s10 =	sld [smem:$0x3FBA];
	_ =	sdelay $0x3  }
0x34: {  	[smem:$0x3FBA] =	sst s10  }
0x35: {  	s10 =	sld [smem:$0x3FB9];
	_ =	sdelay $0x3  }
0x36: {  	p1 =	seq.s32 s10, $0x1;
	s10 =	sld [smem:$0x3FBA];
	_ =	sdelay $0x3  }
0x37: {  	[smem:$0x3FBA] =	sst s10  }
0x38: {  	s10 =	sld [smem:$0x3FBB]  }
0x39: {  	_ = 	snop;
	(pc) =	sbr.ind lr, $3  }
0x3a: {  	_ = 	snop  }
0x3b: {  	_ = 	snop  }
0x3c: {  	p2 =	seq.s32 s10, $0x1;
	s10 =	sld [smem:$0x3FBA]  }
0x3d: {  	_ =	shalt  }
0x3e: {  	_ =	shalt  }
0x3f: {  	_ =	shalt  }
0x40: {  	_ =	shalt  }
0x41: {  	_ =	shalt  }
0x42: {  	_ =	shalt  }
0x43: {  	_ =	shalt  }
0x44: {  	_ =	shalt  }
0x45: {  	_ =	shalt  }
0x46: {  	_ =	shalt  }
0x47: {  	_ =	shalt  }
0x48: {  	_ =	shalt  }
0x49: {  	_ =	shalt  }
0x4a: {  	_ =	shalt  }
0x4b: {  	_ =	shalt  }
0x4c: {  	_ =	shalt  }
0x4d: {  	_ =	shalt  }
0x4e: {  	_ =	shalt  }
0x4f: {  	_ =	shalt  }
0x50: {  	_ =	shalt  }
0x51: {  	_ =	shalt  }
0x52: {  	_ =	shalt  }
0x53: {  	_ =	shalt  }
0x54: {  	_ =	shalt  }
0x55: {  	_ =	shalt  }
0x56: {  	_ =	shalt  }
0x57: {  	_ =	shalt  }
0x58: {  	_ =	shalt  }
0x59: {  	_ =	shalt  }
0x5a: {  	_ =	shalt  }
0x5b: {  	_ =	shalt  }
0x5c: {  	_ =	shalt  }
0x5d: {  	_ =	shalt  }
0x5e: {  	_ =	shalt  }
0x5f: {  	_ =	shalt  }
0x60: {  	_ =	shalt  }
0x61: {  	_ =	shalt  }
0x62: {  	_ =	shalt  }
0x63: {  	_ =	shalt  }
0x64: {  	_ =	shalt  }
0x65: {  	_ =	shalt  }
0x66: {  	_ =	shalt  }
0x67: {  	_ =	shalt  }
0x68: {  	_ =	shalt  }
0x69: {  	_ =	shalt  }
0x6a: {  	_ =	shalt  }
0x6b: {  	_ =	shalt  }
0x6c: {  	_ =	shalt  }
0x6d: {  	_ =	shalt  }
0x6e: {  	_ =	shalt  }
0x6f: {  	_ =	shalt  }
0x70: {  	_ =	shalt  }
0x71: {  	_ =	shalt  }
0x72: {  	_ =	shalt  }
0x73: {  	_ =	shalt  }
0x74: {  	_ =	shalt  }
0x75: {  	_ =	shalt  }
0x76: {  	_ =	shalt  }
0x77: {  	_ =	shalt  }
0x78: {  	_ =	shalt  }
0x79: {  	_ =	shalt  }
0x7a: {  	_ =	shalt  }
0x7b: {  	_ =	shalt  }
0x7c: {  	_ =	shalt  }
0x7d: {  	_ =	shalt  }
0x7e: {  	_ =	shalt  }
0x7f: {  	_ =	shalt  }
0x80: {  	_ =	shalt  }
0x81: {  	_ =	shalt  }
0x82: {  	_ =	shalt  }
0x83: {  	_ =	shalt  }
0x84: {  	_ =	shalt  }
0x85: {  	_ =	shalt  }
0x86: {  	_ =	shalt  }
0x87: {  	_ =	shalt  }
.Lfunc_end0:
.L_simem_size_0:
called_computation_lowered:
.L_overlay_start_0:
0x88: {  	s2 =	sld [smem:$0x3FD9]  }
0x89: {  	s3 =	sld [smem:$0x3FFE];
	_ =	sdelay $0x1  }
0x8a: {  	s1 =	srdreg.scid  }
0x8b: {  	s0 =	sand.u32 $0x1, s1  }
0x8c: {  	s17 =	sshll.u32 s0, $0xA;
	s2 =	sadd.s32 s3, s2  }
0x8d: {  	s2 =	sadd.s32 s2, s17  }
0x8e: {  	[smem:$0x3FC6] =	sst s2  }
0x8f: {  	_ = 	snop  }
0x90: {  	s2 =	sld [smem:$0x3FD0];
	(tm) =	ssettm $0x1  }
0x91: {  	s18 =	sld [smem:$0x3FFB];
	_ =	sdelay $0x3  }
0x92: {  	_ =	strace s18  }
0x93: {  	s3 =	sld [smem:$0x3FFC];
	_ =	sdelay $0x3  }
0x94: {  	_ =	strace s3  }
0x95: {  	s3 =	sld [smem:$0x3FFD];
	_ =	sdelay $0x3  }
0x96: {  	_ =	strace s3  }
0x97: {  	_ =	strace $0x8FFFFFFF  }
0x98: {  	s19 =	sld [smem:$0x3FDB];
	_ =	sdelay $0x1  }
0x99: {  	s4 =	simm.s32 $_scs_section_size  }
0x9a: {  	s5 =	simm.s32 $_size__tile_overlayer_lowered;
	s6 =	simm.s32 $_tile_overlayer_lowered  }
0x9b: {  	s22 =	simm.s32 $0x1BFF;
	s21 =	sshll.u32 s6, $0x1;
	s3 =	sadd.s32 s4, s19  }
0x9c: {  	s7 =	simm.s32 $0x0;
	s20 =	sshll.u32 s5, $0x1;
	s5 =	sadd.s32 s21, s3  }
0x9d: {  	[timem:s7], [sflag:s22] =	dma.local [hbm:s5], s20  }
0x9e: {  	_ =	swait.ge [sflag:s22], s20  }
0x9f: {  	s4 =	ssub.s32 $0x0, s20;
	[sflag:s22] =	ssyncset.done $0x0  }
0xa0: {  	[sflag:s22] =	ssyncadd.s32 s4;
	_ =	sdelay $0x1  }
0xa1: {  	s23 =	simm.s32 $0x1B8B  }
0xa2: {  	_ =	swait.ge [sflag:s23], $0x1  }
0xa3: {  	[sflag:s23] =	ssyncset.done $0x0  }
0xa4: {  	s25 =	simm.s32 $0x1B8E;
	s24 =	sld [smem:$0x3FFE];
	[sflag:s23] =	ssyncadd.s32 $0xFFFFFFFF  }
0xa5: {  	s26 =	simm.s32 $execute0_lowered;
	[smem:$0x3FD2] =	sst s25  }
0xa6: {  	s5 =	sshll.u32 s26, $0x1;
	_ =	strace $0x80000046;
	[dreg:$0x1] =	wrdreg $0xFFFFFFFF  }
0xa7: {  	s28 =	simm.s32 $_size_execute0_lowered;
	s3 =	sadd.s32 s3, s5;
	[dreg:$0x0] =	wrdreg $0x0  }
0xa8: {  	s5 =	sshll.u32 s28, $0x1;
	[dreg:$0x2] =	wrdreg s3  }
0xa9: {  	[dreg:$0x3] =	wrdreg s5  }
0xaa: {  	[dreg:$0x4] =	wrdreg $0xC0  }
0xab: {  	_ =	task [dreg:s7], $0x5FFFF  }
0xac: {  	[dreg:$0x1] =	wrdreg $0xFFFFFFFF  }
0xad: {  	[dreg:$0x0] =	wrdreg $0x60  }
0xae: {  	[dreg:$0x2] =	wrdreg s24  }
0xaf: {  	[dreg:$0x3] =	wrdreg s2  }
0xb0: {  	[dreg:$0x4] =	wrdreg $0x9  }
0xb1: {  	_ =	task.clear_ibuf [dreg:s7], $0x5FFFF;
	_ =	strace $0x90000046  }
0xb2: {  	s29 =	simm.s32 $0x9;
	_ =	strace $0x80000048  }
0xb3: {  	_ =	swait.ge [sflag:s29], $0x1  }
0xb4: {  	[sflag:s29] =	ssyncadd.s32 $0xFFFFFFFF  }
0xb5: {  	_ =	strace $0x90000048  }
0xb6: {  	_ =	sfence  }
0xb7: {  	s30 =	sld [smem:$0x0];
	_ =	sdelay $0x2  }
0xb8: {  	s31 =	sshll.u32 s1, $0xD;
	s1 =	sshrl.u32 s1, $0x2  }
0xb9: {  	s3 =	sand.u32 $0x4000, s31;
	s1 =	sadd.s32 s1, s30  }
0xba: {  	s0 =	sor.u32 s3, s0;
	s1 =	sshll.u32 s1, $0x11  }
0xbb: {  	s0 =	sor.u32 s1, s0  }
0xbc: {  	s0 =	sadd.s32 $0x8F2B, s0  }
0xbd: {  	[sflag:s0] =	ssyncadd.remote.s32 $0x1  }
0xbe: {  	_ =	sfence.sel $0xFFFF  }
0xbf: {  	[dreg:$0x0] =	wrdreg $0xFFFFFFFF;
	(pc) =	sbr.abs _section_cstart, $3  }
0xc0: {  	[dreg:$0x1] =	wrdreg $0xFFFFFFFF  }
0xc1: {  	_ =	task.clear_ibuf [dreg:s7], $0x2FFFF;
	_ =	strace $0x9FFFFFFF  }
0xc2: {  	(tm) =	ssettm $0x7FFFFFFF  }
0xc3: {  	_ =	shalt  }
tec
execute0_lowered:
.L_overlay_start_1:
0x0: {  	(tag) =	ssettag $0x1  }
0x1: {  	v0 =	vlaneseq.u32  }
0x2: {  	v0 =	vmul.u32 $0x1A, v0;
	_ =	sdelay $0x1  }
0x3: {  	v1 =	vadd.s32 $0x1A0, v0  }
0x4: {  	[tilespmem:$0x1FF00] =	vst v1;
	v1 =	vadd.s32 $0x340, v0  }
0x5: {  	[tilespmem:$0x1FF10] =	vst v1;
	v1 =	vadd.s32 $0x4E0, v0  }
0x6: {  	[tilespmem:$0x1FF20] =	vst v1;
	v1 =	vadd.s32 $0x680, v0  }
0x7: {  	[tilespmem:$0x1FF30] =	vst v1;
	v1 =	vadd.s32 $0x820, v0  }
0x8: {  	[tilespmem:$0x1FF40] =	vst v1;
	v1 =	vadd.s32 $0x9C0, v0  }
0x9: {  	[tilespmem:$0x1FF50] =	vst v1;
	v1 =	vadd.s32 $0xB60, v0  }
0xa: {  	[tilespmem:$0x1FF60] =	vst v1;
	v1 =	vor.u32 $0x1, v0  }
0xb: {  	[tilespmem:$0x1FF70] =	vst v1;
	v1 =	vadd.s32 $0x1A1, v0  }
0xc: {  	s0 =	rddreg [dreg:$0x0];
	s1 =	srdreg.scid;
	[tilespmem:$0x1FF80] =	vst v1;
	v1 =	vadd.s32 $0x341, v0  }
0xd: {  	s2 =	stileid.u32;
	s3 =	rddreg [dreg:$0x1];
	[tilespmem:$0x1FF90] =	vst v1;
	v1 =	vadd.s32 $0x4E1, v0  }
0xe: {  	s7 =	simm.s32 $0x10900;
	s8 =	simm.s32 $0x1;
	s9 =	simm.s32 $0x2;
	[tilespmem:$0x1FFA0] =	vst v1;
	v1 =	vadd.s32 $0x681, v0  }
0xf: {  	s10 =	simm.s32 $0x0;
	s1 =	sand.u32 $0x1, s1;
	s4 =	sshll.u32 s2, $0x1;
	[tilespmem:$0x1FFB0] =	vst v1;
	v1 =	vadd.s32 $0x821, v0  }
0x10: {  	s2 =	simm.s32 $0x0;
	s4 =	sor.u32 s1, s4;
	s1 =	ssub.s32 $0x2, s1;
	[tilespmem:$0x1FFC0] =	vst v1;
	v1 =	vadd.s32 $0x9C1, v0  }
0x11: {  	s5 =	smul.u32 $0x1A0, s4;
	s6 =	sshrl.u32 s1, $0x1;
	s4 =	sshll.u32 s4, $0x7;
	[tilespmem:$0x1FFD0] =	vst v1;
	v1 =	vadd.s32 $0xB61, v0  }
0x12: {  	[smem:$0x7FF] =	sst s2;
	v17 =	vadd.s32 $0x1A2, v0;
	s14 =	ssub.s32 s1, s6;
	s4 =	sadd.s32 s3, s4;
	[tilespmem:$0x1FFE0] =	vst v1;
	v1 =	vadd.s32 $0x2, v0  }
0x13: {  	v18 =	vadd.s32 $0x342, v0;
	v19 =	vadd.s32 $0x4E2, v0;
	v20 =	vadd.s32 $0x682, v0;
	s3 =	simm.s32 $0x400;
	s5 =	sadd.s32 s5, s0;
	s0 =	sadd.s32 $0x400, s0;
	[tilespmem:$0x1FFF0] =	vst v1  }
0x14: {  	v21 =	vadd.s32 $0x822, v0;
	v22 =	vadd.s32 $0x9C2, v0;
	v23 =	vadd.s32 $0xB62, v0;
	s17 =	sadd.s32 $0x800, s5;
	_ =	strace $0x80000047;
	[dreg:$0x3] =	wrdreg s0  }
0x15: {  	v24 =	vadd.s32 $0x3, v0;
	v25 =	vadd.s32 $0x1A3, v0;
	v26 =	vadd.s32 $0x343, v0;
	s6 =	simm.s32 $0x2900;
	s18 =	sadd.s32 $0x38000, s4;
	[dreg:$0x4] =	wrdreg s17  }
0x16: {  	v27 =	vadd.s32 $0x4E3, v0;
	v28 =	vadd.s32 $0x683, v0;
	v29 =	vadd.s32 $0x823, v0;
	s19 =	sadd.s32 $0x70000, s4;
	s20 =	sadd.s32 $0xA8000, s4;
	[dreg:$0x5] =	wrdreg s18  }
0x17: {  	v30 =	vadd.s32 $0x9C3, v0;
	v31 =	vadd.s32 $0xB63, v0;
	v32 =	vadd.s32 $0x4, v0;
	s21 =	sadd.s32 $0xE0000, s4;
	s22 =	sadd.s32 $0x118000, s4;
	[dreg:$0x6] =	wrdreg s19  }
0x18: {  	v33 =	vadd.s32 $0x1A4, v0;
	v34 =	vadd.s32 $0x344, v0;
	v35 =	vadd.s32 $0x4E4, v0;
	s23 =	sadd.s32 $0x150000, s4;
	s24 =	sadd.s32 $0x188000, s4;
	[dreg:$0x7] =	wrdreg s20  }
0x19: {  	v36 =	vadd.s32 $0x684, v0;
	v37 =	vadd.s32 $0x824, v0;
	v38 =	vadd.s32 $0x9C4, v0;
	s25 =	sadd.s32 $0x1C0000, s4;
	s26 =	sadd.s32 $0x1F8000, s4;
	[dreg:$0x8] =	wrdreg s21  }
0x1a: {  	v39 =	vadd.s32 $0xB64, v0;
	v40 =	vadd.s32 $0x5, v0;
	v41 =	vadd.s32 $0x1A5, v0;
	s15 =	sadd.s32 $0x230000, s4;
	s16 =	sadd.s32 $0x268000, s4;
	[dreg:$0x9] =	wrdreg s22  }
0x1b: {  	v42 =	vadd.s32 $0x345, v0;
	v43 =	vadd.s32 $0x4E5, v0;
	v44 =	vadd.s32 $0x685, v0;
	s28 =	sadd.s32 $0x498000, s4;
	s29 =	sadd.s32 $0x4D0000, s4;
	[dreg:$0xa] =	wrdreg s23  }
0x1c: {  	v45 =	vadd.s32 $0x825, v0;
	v46 =	vadd.s32 $0x9C5, v0;
	v47 =	vadd.s32 $0xB65, v0;
	s30 =	sadd.s32 $0x508000, s4;
	s31 =	sadd.s32 $0x540000, s4;
	[dreg:$0xb] =	wrdreg s24  }
0x1d: {  	v48 =	vadd.s32 $0x6, v0;
	v49 =	vadd.s32 $0x1A6, v0;
	v50 =	vadd.s32 $0x346, v0;
	s1 =	sadd.s32 $0x578000, s4;
	s5 =	simm.s32 $0x8000;
	[dreg:$0xc] =	wrdreg s25  }
0x1e: {  	v51 =	vadd.s32 $0x4E6, v0;
	v52 =	vadd.s32 $0x686, v0;
	v53 =	vadd.s32 $0x826, v0;
	[dreg:$0xd] =	wrdreg s26;
	s17 =	sadd.s32 $0x2A0000, s4;
	s18 =	sadd.s32 $0x2D8000, s4  }
0x1f: {  	v54 =	vadd.s32 $0x9C6, v0;
	v55 =	vadd.s32 $0xB66, v0;
	v56 =	vadd.s32 $0x7, v0;
	s19 =	sadd.s32 $0x310000, s4;
	s20 =	sadd.s32 $0x348000, s4;
	s21 =	sadd.s32 $0x380000, s4  }
0x20: {  	v57 =	vadd.s32 $0x1A7, v0;
	v58 =	vadd.s32 $0x347, v0;
	v59 =	vadd.s32 $0x4E7, v0;
	s22 =	sadd.s32 $0x3B8000, s4;
	s23 =	sadd.s32 $0x3F0000, s4;
	s24 =	sadd.s32 $0x428000, s4  }
0x21: {  	v60 =	vadd.s32 $0x687, v0;
	v61 =	vadd.s32 $0x827, v0;
	v62 =	vadd.s32 $0x9C7, v0;
	s25 =	smax.u32 s14, $0x1;
	s26 =	sadd.s32 $0x460000, s4;
	s0 =	simm.s32 $0x3  }
.LBB2_1:
0x22: {  	s11 =	rddreg [dreg:$0x3];
	s12 =	simm.s32 $0xD00  }
0x23: {  	[tilespmem:s12], [sflag:$0x3] =	stream.linear.gather [hbm4b:s11+s2], $0x1C00, $0x38;
	[tilespmem:$0x1E900] =	vst v63  }
0x24: {  	_ =	swait.ge [sflag:s0], $0x1C00  }
0x25: {  	[sflag:s0] =	ssyncset.done $0x0  }
0x26: {  	s13 =	rddreg [dreg:$0x4];
	[sflag:s0] =	ssyncadd.s32 $0xFFFFE400  }
0x27: {  	[tilespmem:s2], [sflag:$0x3] =	stream.linear.gather [hbm4b:s13+s2], $0xD00, $0x38;
	[tilespmem:$0x1E900] =	vst v63  }
0x28: {  	_ =	swait.ge [sflag:s0], $0xD00  }
0x29: {  	v2 =	vld [tilespmem:$0x1FF60];
	_ =	sdelay $0x5  }
0x2a: {  	[sflag:s0] =	ssyncset.done $0x0  }
0x2b: {  	[sflag:s0] =	ssyncadd.s32 $0xFFFFF300  }
0x2c: {  	v7 =	vld.idx.msk [tilespmem:v2+s2+$0x0], $0xffff  }
0x2d: {  	v2 =	vld [tilespmem:$0x1FF20];
	_ =	sdelay $0x6  }
0x2e: {  	v1 =	vld [tilespmem:$0x1FF00]  }
0x2f: {  	v6 =	vld.idx.msk [tilespmem:v2+s2+$0x0], $0xffff  }
0x30: {  	v2 =	vld [tilespmem:$0x1FF30];
	_ =	sdelay $0x4  }
0x31: {  	v5 =	vld [tilespmem:$0x1FF50]  }
0x32: {  	v3 =	vld.idx.msk [tilespmem:v1+s2+$0x0], $0xffff  }
0x33: {  	v1 =	vld [tilespmem:$0x1FF10]  }
0x34: {  	v4 =	vld.idx.msk [tilespmem:v2+s2+$0x0], $0xffff  }
0x35: {  	v2 =	vld [tilespmem:$0x1FF40];
	_ =	sdelay $0x3  }
0x36: {  	s14 =	simm.s32 $0x0;
	v63 =	vld.idx.msk [tilespmem:v0+s2+$0x0], $0xffff  }
0x37: {  	v8 =	vld [tilespmem:s14+$0xD00]  }
0x38: {  	v1 =	vld.idx.msk [tilespmem:v1+s2+$0x0], $0xffff  }
0x39: {  	v5 =	vld.idx.msk [tilespmem:v5+s2+$0x0], $0xffff  }
0x3a: {  	v2 =	vld.idx.msk [tilespmem:v2+s2+$0x0], $0xffff;
	_ =	sdelay $0x1  }
0x3b: {  	v9 =	vperm.xlane v8, v63;
	v14 =	vperm.xlane v8, v7  }
0x3c: {  	s11 =	simm.s32 $0x2940;
	v11 =	vperm.xlane v8, v3;
	v10 =	vperm.xlane v8, v1  }
0x3d: {  	s12 =	simm.s32 $0x80;
	s13 =	simm.s32 $0x10;
	v13 =	vperm.xlane v8, v6;
	v12 =	vperm.xlane v8, v4;
	[tilespmem:s11+$0x30] =	vst v14  }
.LBB2_2:
0x3e: {  	p0 =	sne.s32 s12, $0x6FC0;
	[tilespmem:s11+$0xFFFFFFC0] =	vst v9;
	v14 =	vperm.xlane v8, v2;
	v15 =	vperm.xlane v8, v5;
	v8 =	vld [tilespmem:s13+$0xD00]  }
0x3f: {  	[tilespmem:s11+$0xFFFFFFD0] =	vst v11  }
0x40: {  	[tilespmem:s11+$0xFFFFFFE0] =	vst v10  }
.Ltmp0:
0x41: {  	[tilespmem:s11+$0xFFFFFFF0] =	vst v13;
	(pc) =	sbr.rel @p0 .LBB2_2-.Ltmp0, $4  }
0x42: {  	[tilespmem:s11+$0x0] =	vst v12  }
0x43: {  	v9 =	vperm.xlane v8, v63;
	v16 =	vperm.xlane v8, v7;
	[tilespmem:s11+$0x10] =	vst v14  }
0x44: {  	v11 =	vperm.xlane v8, v3;
	v10 =	vperm.xlane v8, v1;
	[tilespmem:s11+$0x20] =	vst v15;
	s11 =	sadd.s32 $0x80, s11  }
0x45: {  	s13 =	sshra.s32 s12, $0x2;
	s12 =	sadd.s32 $0x40, s12;
	v13 =	vperm.xlane v8, v6;
	v12 =	vperm.xlane v8, v4;
	[tilespmem:s11+$0x30] =	vst v16  }
0x46: {  	v14 =	vld [tilespmem:s13+$0xD00];
	[tilespmem:s11+$0xFFFFFFC0] =	vst v9  }
0x47: {  	[tilespmem:s11+$0xFFFFFFD0] =	vst v11  }
0x48: {  	[tilespmem:s11+$0xFFFFFFE0] =	vst v10  }
0x49: {  	v9 =	vperm.xlane v8, v2;
	[tilespmem:s11+$0xFFFFFFF0] =	vst v13  }
0x4a: {  	v8 =	vperm.xlane v8, v5;
	[tilespmem:s11+$0x0] =	vst v12  }
0x4b: {  	[tilespmem:s11+$0x10] =	vst v9;
	v7 =	vperm.xlane v14, v7  }
0x4c: {  	s13 =	sadd.s32 $0x80, s11;
	[tilespmem:s11+$0x20] =	vst v8;
	v9 =	vperm.xlane v14, v63  }
0x4d: {  	v3 =	vperm.xlane v14, v3;
	[tilespmem:s13+$0x30] =	vst v7  }
0x4e: {  	v1 =	vperm.xlane v14, v1;
	[tilespmem:s13+$0xFFFFFFC0] =	vst v9  }
0x4f: {  	v6 =	vperm.xlane v14, v6;
	[tilespmem:s13+$0xFFFFFFD0] =	vst v3  }
0x50: {  	v3 =	vperm.xlane v14, v4;
	[tilespmem:s13+$0xFFFFFFE0] =	vst v1  }
0x51: {  	v1 =	vperm.xlane v14, v2;
	[tilespmem:s13+$0xFFFFFFF0] =	vst v6  }
0x52: {  	v2 =	vperm.xlane v14, v5;
	[tilespmem:s13+$0x0] =	vst v3  }
0x53: {  	[tilespmem:s13+$0x10] =	vst v1  }
0x54: {  	[tilespmem:s13+$0x20] =	vst v2  }
0x55: {  	v1 =	vld [tilespmem:$0x1FF70];
	_ =	sdelay $0x1  }
0x56: {  	v2 =	vld [tilespmem:$0x1FFE0];
	_ =	sdelay $0x3  }
0x57: {  	s14 =	simm.s32 $0x0  }
0x58: {  	[hbm4b:s4+s3] =	stream.strided.scatter [tilespmem:s6], [sflag:$0x1], $0xE000, s5, s3, $0x38;
	[tilespmem:$0x1E900] =	vst v63  }
0x59: {  	v6 =	vld.idx.msk [tilespmem:v1+s14+$0x0], $0xffff  }
0x5a: {  	v1 =	vld [tilespmem:$0x1FF80]  }
0x5b: {  	v7 =	vld.idx.msk [tilespmem:v2+s14+$0x0], $0xffff  }
0x5c: {  	v2 =	vld [tilespmem:$0x1FFB0];
	_ =	sdelay $0x5  }
0x5d: {  	v4 =	vld.idx.msk [tilespmem:v1+s14+$0x0], $0xffff  }
0x5e: {  	v1 =	vld [tilespmem:$0x1FF90]  }
0x5f: {  	v5 =	vld.idx.msk [tilespmem:v2+s14+$0x0], $0xffff  }
0x60: {  	v2 =	vld [tilespmem:$0x1FFC0];
	_ =	sdelay $0x5  }
0x61: {  	v3 =	vld.idx.msk [tilespmem:v1+s14+$0x0], $0xffff  }
0x62: {  	v1 =	vld [tilespmem:$0x1FFA0]  }
0x63: {  	v63 =	vld.idx.msk [tilespmem:v2+s14+$0x0], $0xffff  }
0x64: {  	v2 =	vld [tilespmem:$0x1FFD0];
	_ =	sdelay $0x3  }
0x65: {  	s12 =	simm.s32 $0xD00  }
0x66: {  	v13 =	vld [tilespmem:s12+$0x0];
	_ =	sdelay $0x1  }
0x67: {  	v1 =	vld.idx.msk [tilespmem:v1+s14+$0x0], $0xffff  }
0x68: {  	v2 =	vld.idx.msk [tilespmem:v2+s14+$0x0], $0xffff;
	_ =	sdelay $0x1  }
0x69: {  	v14 =	vperm.xlane v13, v6;
	v8 =	vperm.xlane v13, v7  }
0x6a: {  	s11 =	simm.s32 $0x0;
	v10 =	vperm.xlane v13, v4;
	v11 =	vperm.xlane v13, v5  }
0x6b: {  	s13 =	simm.s32 $0xD10;
	v9 =	vperm.xlane v13, v3;
	[tilespmem:s11+$0x10900] =	vst v14;
	v14 =	vperm.xlane v13, v63  }
0x6c: {  	s12 =	simm.s32 $0x200;
	[tilespmem:s11+$0x10970] =	vst v8;
	v8 =	vld [tilespmem:s13+$0x0];
	s14 =	simm.s32 $0x400;
	v12 =	vperm.xlane v13, v1;
	v13 =	vperm.xlane v13, v2  }
.LBB2_4:
0x6d: {  	p0 =	sne.s32 s14, $0x37E00;
	[tilespmem:s11+$0x10910] =	vst v10  }
0x6e: {  	[tilespmem:s11+$0x10920] =	vst v9  }
0x6f: {  	[tilespmem:s11+$0x10930] =	vst v12  }
.Ltmp1:
0x70: {  	[tilespmem:s11+$0x10940] =	vst v11;
	(pc) =	sbr.rel @p0 .LBB2_4-.Ltmp1, $4  }
0x71: {  	v15 =	vperm.xlane v8, v6;
	v16 =	vperm.xlane v8, v7;
	[tilespmem:s11+$0x10950] =	vst v14  }
0x72: {  	v10 =	vperm.xlane v8, v4;
	v9 =	vperm.xlane v8, v3;
	[tilespmem:s11+$0x10960] =	vst v13;
	s11 =	sshra.s32 s12, $0x2;
	s12 =	smov.u32 s14  }
0x73: {  	s13 =	sadd.s32 $0x10, s13;
	v12 =	vperm.xlane v8, v1;
	v11 =	vperm.xlane v8, v5;
	[tilespmem:s11+$0x10970] =	vst v16  }
0x74: {  	v14 =	vperm.xlane v8, v63;
	s14 =	sadd.s32 $0x200, s14;
	v13 =	vperm.xlane v8, v2;
	[tilespmem:s11+$0x10900] =	vst v15;
	v8 =	vld [tilespmem:s13+$0x0]  }
0x75: {  	[tilespmem:s11+$0x10910] =	vst v10  }
0x76: {  	[tilespmem:s11+$0x10920] =	vst v9  }
0x77: {  	[tilespmem:s11+$0x10930] =	vst v12  }
0x78: {  	[tilespmem:s11+$0x10940] =	vst v11  }
0x79: {  	[tilespmem:s11+$0x10950] =	vst v14;
	v7 =	vperm.xlane v8, v7  }
0x7a: {  	s12 =	sshra.s32 s12, $0x2;
	[tilespmem:s11+$0x10960] =	vst v13;
	v6 =	vperm.xlane v8, v6  }
0x7b: {  	v4 =	vperm.xlane v8, v4;
	[tilespmem:s12+$0x10970] =	vst v7  }
0x7c: {  	v3 =	vperm.xlane v8, v3;
	[tilespmem:s12+$0x10900] =	vst v6  }
0x7d: {  	v1 =	vperm.xlane v8, v1;
	[tilespmem:s12+$0x10910] =	vst v4  }
0x7e: {  	v4 =	vperm.xlane v8, v5;
	[tilespmem:s12+$0x10920] =	vst v3  }
0x7f: {  	v3 =	vperm.xlane v8, v63;
	[tilespmem:s12+$0x10930] =	vst v1  }
0x80: {  	v1 =	vperm.xlane v8, v2;
	[tilespmem:s12+$0x10940] =	vst v4  }
0x81: {  	[tilespmem:s12+$0x10950] =	vst v3  }
0x82: {  	[tilespmem:s12+$0x10960] =	vst v1  }
0x83: {  	s11 =	rddreg [dreg:$0x5]  }
0x84: {  	[hbm4b:s11+s3] =	stream.strided.scatter [tilespmem:s7], [sflag:$0x2], $0xE000, s5, s3, $0x38;
	[tilespmem:$0x1E900] =	vst v63  }
0x85: {  	_ =	swait.ge [sflag:s8], $0xE000  }
0x86: {  	[sflag:s8] =	ssyncset.done $0x0;
	v1 =	vld [tilespmem:$0x1FFF0]  }
0x87: {  	s13 =	simm.s32 $0x0;
	[sflag:s8] =	ssyncadd.s32 $0xFFFF2000  }
0x88: {  	v3 =	vld.idx.msk [tilespmem:v17+s13+$0x0], $0xffff  }
0x89: {  	s14 =	simm.s32 $0x0;
	v7 =	vld.idx.msk [tilespmem:v23+s13+$0x0], $0xffff  }
0x8a: {  	v8 =	vld [tilespmem:s14+$0xD00]  }
0x8b: {  	v6 =	vld.idx.msk [tilespmem:v19+s13+$0x0], $0xffff  }
0x8c: {  	v4 =	vld.idx.msk [tilespmem:v20+s13+$0x0], $0xffff  }
0x8d: {  	v2 =	vld.idx.msk [tilespmem:v21+s13+$0x0], $0xffff  }
0x8e: {  	v63 =	vld.idx.msk [tilespmem:v1+s13+$0x0], $0xffff  }
0x8f: {  	v1 =	vld.idx.msk [tilespmem:v18+s13+$0x0], $0xffff  }
0x90: {  	v5 =	vld.idx.msk [tilespmem:v22+s13+$0x0], $0xffff;
	_ =	sdelay $0x1  }
0x91: {  	v14 =	vperm.xlane v8, v7;
	v11 =	vperm.xlane v8, v3  }
0x92: {  	s11 =	simm.s32 $0x2940;
	v13 =	vperm.xlane v8, v6;
	v9 =	vperm.xlane v8, v63  }
0x93: {  	s12 =	simm.s32 $0x80;
	v12 =	vperm.xlane v8, v4;
	s13 =	simm.s32 $0x10;
	[tilespmem:s11+$0x30] =	vst v14;
	v10 =	vperm.xlane v8, v1  }
.LBB2_6:
0x94: {  	p0 =	sne.s32 s12, $0x6FC0;
	[tilespmem:s11+$0xFFFFFFC0] =	vst v9;
	v14 =	vperm.xlane v8, v2;
	v15 =	vperm.xlane v8, v5;
	v8 =	vld [tilespmem:s13+$0xD00]  }
0x95: {  	[tilespmem:s11+$0xFFFFFFD0] =	vst v11  }
0x96: {  	[tilespmem:s11+$0xFFFFFFE0] =	vst v10  }
.Ltmp2:
0x97: {  	[tilespmem:s11+$0xFFFFFFF0] =	vst v13;
	(pc) =	sbr.rel @p0 .LBB2_6-.Ltmp2, $4  }
0x98: {  	[tilespmem:s11+$0x0] =	vst v12  }
0x99: {  	v9 =	vperm.xlane v8, v63;
	v16 =	vperm.xlane v8, v7;
	[tilespmem:s11+$0x10] =	vst v14  }
0x9a: {  	v11 =	vperm.xlane v8, v3;
	v10 =	vperm.xlane v8, v1;
	[tilespmem:s11+$0x20] =	vst v15;
	s11 =	sadd.s32 $0x80, s11  }
0x9b: {  	s13 =	sshra.s32 s12, $0x2;
	s12 =	sadd.s32 $0x40, s12;
	v13 =	vperm.xlane v8, v6;
	v12 =	vperm.xlane v8, v4;
	[tilespmem:s11+$0x30] =	vst v16  }
0x9c: {  	v14 =	vld [tilespmem:s13+$0xD00];
	[tilespmem:s11+$0xFFFFFFC0] =	vst v9  }
0x9d: {  	[tilespmem:s11+$0xFFFFFFD0] =	vst v11  }
0x9e: {  	[tilespmem:s11+$0xFFFFFFE0] =	vst v10  }
0x9f: {  	v9 =	vperm.xlane v8, v2;
	[tilespmem:s11+$0xFFFFFFF0] =	vst v13  }
0xa0: {  	v8 =	vperm.xlane v8, v5;
	[tilespmem:s11+$0x0] =	vst v12  }
0xa1: {  	[tilespmem:s11+$0x10] =	vst v9;
	v7 =	vperm.xlane v14, v7  }
0xa2: {  	s13 =	sadd.s32 $0x80, s11;
	[tilespmem:s11+$0x20] =	vst v8;
	v9 =	vperm.xlane v14, v63  }
0xa3: {  	v3 =	vperm.xlane v14, v3;
	[tilespmem:s13+$0x30] =	vst v7  }
0xa4: {  	v1 =	vperm.xlane v14, v1;
	[tilespmem:s13+$0xFFFFFFC0] =	vst v9  }
0xa5: {  	v6 =	vperm.xlane v14, v6;
	[tilespmem:s13+$0xFFFFFFD0] =	vst v3  }
0xa6: {  	v3 =	vperm.xlane v14, v4;
	[tilespmem:s13+$0xFFFFFFE0] =	vst v1  }
0xa7: {  	v1 =	vperm.xlane v14, v2;
	[tilespmem:s13+$0xFFFFFFF0] =	vst v6  }
0xa8: {  	v2 =	vperm.xlane v14, v5;
	[tilespmem:s13+$0x0] =	vst v3  }
0xa9: {  	[tilespmem:s13+$0x10] =	vst v1  }
0xaa: {  	[tilespmem:s13+$0x20] =	vst v2  }
0xab: {  	s11 =	rddreg [dreg:$0x6]  }
0xac: {  	[hbm4b:s11+s3] =	stream.strided.scatter [tilespmem:s6], [sflag:$0x1], $0xE000, s5, s3, $0x38;
	[tilespmem:$0x1E900] =	vst v63  }
0xad: {  	_ =	swait.ge [sflag:s9], $0xE000  }
0xae: {  	[sflag:s9] =	ssyncset.done $0x0  }
0xaf: {  	s14 =	simm.s32 $0x0;
	[sflag:s9] =	ssyncadd.s32 $0xFFFF2000  }
0xb0: {  	v6 =	vld.idx.msk [tilespmem:v24+s14+$0x0], $0xffff  }
0xb1: {  	v4 =	vld.idx.msk [tilespmem:v25+s14+$0x0], $0xffff  }
0xb2: {  	v3 =	vld.idx.msk [tilespmem:v26+s14+$0x0], $0xffff  }
0xb3: {  	v1 =	vld.idx.msk [tilespmem:v27+s14+$0x0], $0xffff  }
0xb4: {  	s12 =	simm.s32 $0xD00;
	v7 =	vld.idx.msk [tilespmem:v31+s14+$0x0], $0xffff  }
0xb5: {  	v13 =	vld [tilespmem:s12+$0x0]  }
0xb6: {  	v5 =	vld.idx.msk [tilespmem:v28+s14+$0x0], $0xffff  }
0xb7: {  	v63 =	vld.idx.msk [tilespmem:v29+s14+$0x0], $0xffff  }
0xb8: {  	v2 =	vld.idx.msk [tilespmem:v30+s14+$0x0], $0xffff;
	_ =	sdelay $0x1  }
0xb9: {  	v14 =	vperm.xlane v13, v6;
	v8 =	vperm.xlane v13, v7  }
0xba: {  	s11 =	simm.s32 $0x0;
	v10 =	vperm.xlane v13, v4;
	v9 =	vperm.xlane v13, v3  }
0xbb: {  	s13 =	simm.s32 $0xD10;
	v12 =	vperm.xlane v13, v1;
	v11 =	vperm.xlane v13, v5;
	[tilespmem:s11+$0x10970] =	vst v8  }
0xbc: {  	s12 =	simm.s32 $0x200;
	s14 =	simm.s32 $0x400;
	v8 =	vld [tilespmem:s13+$0x0];
	[tilespmem:s11+$0x10900] =	vst v14;
	v14 =	vperm.xlane v13, v63;
	v13 =	vperm.xlane v13, v2  }
.LBB2_8:
0xbd: {  	p0 =	sne.s32 s14, $0x37E00;
	[tilespmem:s11+$0x10910] =	vst v10  }
0xbe: {  	[tilespmem:s11+$0x10920] =	vst v9  }
0xbf: {  	[tilespmem:s11+$0x10930] =	vst v12  }
.Ltmp3:
0xc0: {  	[tilespmem:s11+$0x10940] =	vst v11;
	(pc) =	sbr.rel @p0 .LBB2_8-.Ltmp3, $4  }
0xc1: {  	v15 =	vperm.xlane v8, v6;
	v16 =	vperm.xlane v8, v7;
	[tilespmem:s11+$0x10950] =	vst v14  }
0xc2: {  	v10 =	vperm.xlane v8, v4;
	v9 =	vperm.xlane v8, v3;
	[tilespmem:s11+$0x10960] =	vst v13;
	s11 =	sshra.s32 s12, $0x2;
	s12 =	smov.u32 s14  }
0xc3: {  	s13 =	sadd.s32 $0x10, s13;
	v12 =	vperm.xlane v8, v1;
	v11 =	vperm.xlane v8, v5;
	[tilespmem:s11+$0x10970] =	vst v16  }
0xc4: {  	v14 =	vperm.xlane v8, v63;
	s14 =	sadd.s32 $0x200, s14;
	v13 =	vperm.xlane v8, v2;
	[tilespmem:s11+$0x10900] =	vst v15;
	v8 =	vld [tilespmem:s13+$0x0]  }
0xc5: {  	[tilespmem:s11+$0x10910] =	vst v10  }
0xc6: {  	[tilespmem:s11+$0x10920] =	vst v9  }
0xc7: {  	[tilespmem:s11+$0x10930] =	vst v12  }
0xc8: {  	[tilespmem:s11+$0x10940] =	vst v11  }
0xc9: {  	[tilespmem:s11+$0x10950] =	vst v14;
	v7 =	vperm.xlane v8, v7  }
0xca: {  	s12 =	sshra.s32 s12, $0x2;
	[tilespmem:s11+$0x10960] =	vst v13;
	v6 =	vperm.xlane v8, v6  }
0xcb: {  	v4 =	vperm.xlane v8, v4;
	[tilespmem:s12+$0x10970] =	vst v7  }
0xcc: {  	v3 =	vperm.xlane v8, v3;
	[tilespmem:s12+$0x10900] =	vst v6  }
0xcd: {  	v1 =	vperm.xlane v8, v1;
	[tilespmem:s12+$0x10910] =	vst v4  }
0xce: {  	v4 =	vperm.xlane v8, v5;
	[tilespmem:s12+$0x10920] =	vst v3  }
0xcf: {  	v3 =	vperm.xlane v8, v63;
	[tilespmem:s12+$0x10930] =	vst v1  }
0xd0: {  	v1 =	vperm.xlane v8, v2;
	[tilespmem:s12+$0x10940] =	vst v4  }
0xd1: {  	[tilespmem:s12+$0x10950] =	vst v3  }
0xd2: {  	[tilespmem:s12+$0x10960] =	vst v1  }
0xd3: {  	s11 =	rddreg [dreg:$0x7]  }
0xd4: {  	[hbm4b:s11+s3] =	stream.strided.scatter [tilespmem:s7], [sflag:$0x2], $0xE000, s5, s3, $0x38;
	[tilespmem:$0x1E900] =	vst v63  }
0xd5: {  	_ =	swait.ge [sflag:s8], $0xE000  }
0xd6: {  	[sflag:s8] =	ssyncset.done $0x0  }
0xd7: {  	s13 =	simm.s32 $0x0;
	[sflag:s8] =	ssyncadd.s32 $0xFFFF2000  }
0xd8: {  	v63 =	vld.idx.msk [tilespmem:v32+s13+$0x0], $0xffff  }
0xd9: {  	v3 =	vld.idx.msk [tilespmem:v33+s13+$0x0], $0xffff  }
0xda: {  	v1 =	vld.idx.msk [tilespmem:v34+s13+$0x0], $0xffff  }
0xdb: {  	s14 =	simm.s32 $0x0;
	v7 =	vld.idx.msk [tilespmem:v39+s13+$0x0], $0xffff  }
0xdc: {  	v8 =	vld [tilespmem:s14+$0xD00]  }
0xdd: {  	v6 =	vld.idx.msk [tilespmem:v35+s13+$0x0], $0xffff  }
0xde: {  	v4 =	vld.idx.msk [tilespmem:v36+s13+$0x0], $0xffff  }
0xdf: {  	v2 =	vld.idx.msk [tilespmem:v37+s13+$0x0], $0xffff  }
0xe0: {  	v5 =	vld.idx.msk [tilespmem:v38+s13+$0x0], $0xffff;
	_ =	sdelay $0x1  }
0xe1: {  	v9 =	vperm.xlane v8, v63;
	v14 =	vperm.xlane v8, v7  }
0xe2: {  	s11 =	simm.s32 $0x2940;
	v11 =	vperm.xlane v8, v3;
	v10 =	vperm.xlane v8, v1  }
0xe3: {  	s12 =	simm.s32 $0x80;
	s13 =	simm.s32 $0x10;
	v13 =	vperm.xlane v8, v6;
	v12 =	vperm.xlane v8, v4;
	[tilespmem:s11+$0x30] =	vst v14  }
.LBB2_10:
0xe4: {  	p0 =	sne.s32 s12, $0x6FC0;
	[tilespmem:s11+$0xFFFFFFC0] =	vst v9;
	v14 =	vperm.xlane v8, v2;
	v15 =	vperm.xlane v8, v5;
	v8 =	vld [tilespmem:s13+$0xD00]  }
0xe5: {  	[tilespmem:s11+$0xFFFFFFD0] =	vst v11  }
0xe6: {  	[tilespmem:s11+$0xFFFFFFE0] =	vst v10  }
.Ltmp4:
0xe7: {  	[tilespmem:s11+$0xFFFFFFF0] =	vst v13;
	(pc) =	sbr.rel @p0 .LBB2_10-.Ltmp4, $4  }
0xe8: {  	[tilespmem:s11+$0x0] =	vst v12  }
0xe9: {  	v9 =	vperm.xlane v8, v63;
	v16 =	vperm.xlane v8, v7;
	[tilespmem:s11+$0x10] =	vst v14  }
0xea: {  	v11 =	vperm.xlane v8, v3;
	v10 =	vperm.xlane v8, v1;
	[tilespmem:s11+$0x20] =	vst v15;
	s11 =	sadd.s32 $0x80, s11  }
0xeb: {  	s13 =	sshra.s32 s12, $0x2;
	s12 =	sadd.s32 $0x40, s12;
	v13 =	vperm.xlane v8, v6;
	v12 =	vperm.xlane v8, v4;
	[tilespmem:s11+$0x30] =	vst v16  }
0xec: {  	v14 =	vld [tilespmem:s13+$0xD00];
	[tilespmem:s11+$0xFFFFFFC0] =	vst v9  }
0xed: {  	[tilespmem:s11+$0xFFFFFFD0] =	vst v11  }
0xee: {  	[tilespmem:s11+$0xFFFFFFE0] =	vst v10  }
0xef: {  	v9 =	vperm.xlane v8, v2;
	[tilespmem:s11+$0xFFFFFFF0] =	vst v13  }
0xf0: {  	v8 =	vperm.xlane v8, v5;
	[tilespmem:s11+$0x0] =	vst v12  }
0xf1: {  	[tilespmem:s11+$0x10] =	vst v9;
	v7 =	vperm.xlane v14, v7  }
0xf2: {  	s13 =	sadd.s32 $0x80, s11;
	[tilespmem:s11+$0x20] =	vst v8;
	v9 =	vperm.xlane v14, v63  }
0xf3: {  	v3 =	vperm.xlane v14, v3;
	[tilespmem:s13+$0x30] =	vst v7  }
0xf4: {  	v1 =	vperm.xlane v14, v1;
	[tilespmem:s13+$0xFFFFFFC0] =	vst v9  }
0xf5: {  	v6 =	vperm.xlane v14, v6;
	[tilespmem:s13+$0xFFFFFFD0] =	vst v3  }
0xf6: {  	v3 =	vperm.xlane v14, v4;
	[tilespmem:s13+$0xFFFFFFE0] =	vst v1  }
0xf7: {  	v1 =	vperm.xlane v14, v2;
	[tilespmem:s13+$0xFFFFFFF0] =	vst v6  }
0xf8: {  	v2 =	vperm.xlane v14, v5;
	[tilespmem:s13+$0x0] =	vst v3  }
0xf9: {  	[tilespmem:s13+$0x10] =	vst v1  }
0xfa: {  	[tilespmem:s13+$0x20] =	vst v2  }
0xfb: {  	s11 =	rddreg [dreg:$0x8]  }
0xfc: {  	[hbm4b:s11+s3] =	stream.strided.scatter [tilespmem:s6], [sflag:$0x1], $0xE000, s5, s3, $0x38;
	[tilespmem:$0x1E900] =	vst v63  }
0xfd: {  	_ =	swait.ge [sflag:s9], $0xE000  }
0xfe: {  	[sflag:s9] =	ssyncset.done $0x0  }
0xff: {  	s14 =	simm.s32 $0x0;
	[sflag:s9] =	ssyncadd.s32 $0xFFFF2000  }
0x100: {  	v6 =	vld.idx.msk [tilespmem:v40+s14+$0x0], $0xffff  }
0x101: {  	v4 =	vld.idx.msk [tilespmem:v41+s14+$0x0], $0xffff  }
0x102: {  	v3 =	vld.idx.msk [tilespmem:v42+s14+$0x0], $0xffff  }
0x103: {  	v1 =	vld.idx.msk [tilespmem:v43+s14+$0x0], $0xffff  }
0x104: {  	s12 =	simm.s32 $0xD00;
	v7 =	vld.idx.msk [tilespmem:v47+s14+$0x0], $0xffff  }
0x105: {  	v13 =	vld [tilespmem:s12+$0x0]  }
0x106: {  	v5 =	vld.idx.msk [tilespmem:v44+s14+$0x0], $0xffff  }
0x107: {  	v63 =	vld.idx.msk [tilespmem:v45+s14+$0x0], $0xffff  }
0x108: {  	v2 =	vld.idx.msk [tilespmem:v46+s14+$0x0], $0xffff;
	_ =	sdelay $0x1  }
0x109: {  	v14 =	vperm.xlane v13, v6;
	v8 =	vperm.xlane v13, v7  }
0x10a: {  	s11 =	simm.s32 $0x0;
	v10 =	vperm.xlane v13, v4;
	v9 =	vperm.xlane v13, v3  }
0x10b: {  	s13 =	simm.s32 $0xD10;
	v12 =	vperm.xlane v13, v1;
	v11 =	vperm.xlane v13, v5;
	[tilespmem:s11+$0x10970] =	vst v8  }
0x10c: {  	s12 =	simm.s32 $0x200;
	s14 =	simm.s32 $0x400;
	v8 =	vld [tilespmem:s13+$0x0];
	[tilespmem:s11+$0x10900] =	vst v14;
	v14 =	vperm.xlane v13, v63;
	v13 =	vperm.xlane v13, v2  }
.LBB2_12:
0x10d: {  	p0 =	sne.s32 s14, $0x37E00;
	[tilespmem:s11+$0x10910] =	vst v10  }
0x10e: {  	[tilespmem:s11+$0x10920] =	vst v9  }
0x10f: {  	[tilespmem:s11+$0x10930] =	vst v12  }
.Ltmp5:
0x110: {  	[tilespmem:s11+$0x10940] =	vst v11;
	(pc) =	sbr.rel @p0 .LBB2_12-.Ltmp5, $4  }
0x111: {  	v15 =	vperm.xlane v8, v6;
	v16 =	vperm.xlane v8, v7;
	[tilespmem:s11+$0x10950] =	vst v14  }
0x112: {  	v10 =	vperm.xlane v8, v4;
	v9 =	vperm.xlane v8, v3;
	[tilespmem:s11+$0x10960] =	vst v13;
	s11 =	sshra.s32 s12, $0x2;
	s12 =	smov.u32 s14  }
0x113: {  	s13 =	sadd.s32 $0x10, s13;
	v12 =	vperm.xlane v8, v1;
	v11 =	vperm.xlane v8, v5;
	[tilespmem:s11+$0x10970] =	vst v16  }
0x114: {  	v14 =	vperm.xlane v8, v63;
	s14 =	sadd.s32 $0x200, s14;
	v13 =	vperm.xlane v8, v2;
	[tilespmem:s11+$0x10900] =	vst v15;
	v8 =	vld [tilespmem:s13+$0x0]  }
0x115: {  	[tilespmem:s11+$0x10910] =	vst v10  }
0x116: {  	[tilespmem:s11+$0x10920] =	vst v9  }
0x117: {  	[tilespmem:s11+$0x10930] =	vst v12  }
0x118: {  	[tilespmem:s11+$0x10940] =	vst v11  }
0x119: {  	[tilespmem:s11+$0x10950] =	vst v14;
	v7 =	vperm.xlane v8, v7  }
0x11a: {  	s12 =	sshra.s32 s12, $0x2;
	[tilespmem:s11+$0x10960] =	vst v13;
	v6 =	vperm.xlane v8, v6  }
0x11b: {  	v4 =	vperm.xlane v8, v4;
	[tilespmem:s12+$0x10970] =	vst v7  }
0x11c: {  	v3 =	vperm.xlane v8, v3;
	[tilespmem:s12+$0x10900] =	vst v6  }
0x11d: {  	v1 =	vperm.xlane v8, v1;
	[tilespmem:s12+$0x10910] =	vst v4  }
0x11e: {  	v4 =	vperm.xlane v8, v5;
	[tilespmem:s12+$0x10920] =	vst v3  }
0x11f: {  	v3 =	vperm.xlane v8, v63;
	[tilespmem:s12+$0x10930] =	vst v1  }
0x120: {  	v1 =	vperm.xlane v8, v2;
	[tilespmem:s12+$0x10940] =	vst v4  }
0x121: {  	[tilespmem:s12+$0x10950] =	vst v3  }
0x122: {  	[tilespmem:s12+$0x10960] =	vst v1  }
0x123: {  	s11 =	rddreg [dreg:$0x9]  }
0x124: {  	[hbm4b:s11+s3] =	stream.strided.scatter [tilespmem:s7], [sflag:$0x2], $0xE000, s5, s3, $0x38;
	[tilespmem:$0x1E900] =	vst v63  }
0x125: {  	_ =	swait.ge [sflag:s8], $0xE000  }
0x126: {  	[sflag:s8] =	ssyncset.done $0x0  }
0x127: {  	s13 =	simm.s32 $0x0;
	[sflag:s8] =	ssyncadd.s32 $0xFFFF2000  }
0x128: {  	v63 =	vld.idx.msk [tilespmem:v48+s13+$0x0], $0xffff  }
0x129: {  	v3 =	vld.idx.msk [tilespmem:v49+s13+$0x0], $0xffff  }
0x12a: {  	v1 =	vld.idx.msk [tilespmem:v50+s13+$0x0], $0xffff  }
0x12b: {  	s14 =	simm.s32 $0x0;
	v7 =	vld.idx.msk [tilespmem:v55+s13+$0x0], $0xffff  }
0x12c: {  	v8 =	vld [tilespmem:s14+$0xD00]  }
0x12d: {  	v6 =	vld.idx.msk [tilespmem:v51+s13+$0x0], $0xffff  }
0x12e: {  	v4 =	vld.idx.msk [tilespmem:v52+s13+$0x0], $0xffff  }
0x12f: {  	v2 =	vld.idx.msk [tilespmem:v53+s13+$0x0], $0xffff  }
0x130: {  	v5 =	vld.idx.msk [tilespmem:v54+s13+$0x0], $0xffff;
	_ =	sdelay $0x1  }
0x131: {  	v9 =	vperm.xlane v8, v63;
	v14 =	vperm.xlane v8, v7  }
0x132: {  	s11 =	simm.s32 $0x2940;
	v11 =	vperm.xlane v8, v3;
	v10 =	vperm.xlane v8, v1  }
0x133: {  	s12 =	simm.s32 $0x80;
	s13 =	simm.s32 $0x10;
	v13 =	vperm.xlane v8, v6;
	v12 =	vperm.xlane v8, v4;
	[tilespmem:s11+$0x30] =	vst v14  }
.LBB2_14:
0x134: {  	p0 =	sne.s32 s12, $0x6FC0;
	[tilespmem:s11+$0xFFFFFFC0] =	vst v9;
	v14 =	vperm.xlane v8, v2;
	v15 =	vperm.xlane v8, v5;
	v8 =	vld [tilespmem:s13+$0xD00]  }
0x135: {  	[tilespmem:s11+$0xFFFFFFD0] =	vst v11  }
0x136: {  	[tilespmem:s11+$0xFFFFFFE0] =	vst v10  }
.Ltmp6:
0x137: {  	[tilespmem:s11+$0xFFFFFFF0] =	vst v13;
	(pc) =	sbr.rel @p0 .LBB2_14-.Ltmp6, $4  }
0x138: {  	[tilespmem:s11+$0x0] =	vst v12  }
0x139: {  	v9 =	vperm.xlane v8, v63;
	v16 =	vperm.xlane v8, v7;
	[tilespmem:s11+$0x10] =	vst v14  }
0x13a: {  	v11 =	vperm.xlane v8, v3;
	v10 =	vperm.xlane v8, v1;
	[tilespmem:s11+$0x20] =	vst v15;
	s11 =	sadd.s32 $0x80, s11  }
0x13b: {  	s13 =	sshra.s32 s12, $0x2;
	s12 =	sadd.s32 $0x40, s12;
	v13 =	vperm.xlane v8, v6;
	v12 =	vperm.xlane v8, v4;
	[tilespmem:s11+$0x30] =	vst v16  }
0x13c: {  	v14 =	vld [tilespmem:s13+$0xD00];
	[tilespmem:s11+$0xFFFFFFC0] =	vst v9  }
0x13d: {  	[tilespmem:s11+$0xFFFFFFD0] =	vst v11  }
0x13e: {  	[tilespmem:s11+$0xFFFFFFE0] =	vst v10  }
0x13f: {  	v9 =	vperm.xlane v8, v2;
	[tilespmem:s11+$0xFFFFFFF0] =	vst v13  }
0x140: {  	v8 =	vperm.xlane v8, v5;
	[tilespmem:s11+$0x0] =	vst v12  }
0x141: {  	[tilespmem:s11+$0x10] =	vst v9;
	v7 =	vperm.xlane v14, v7  }
0x142: {  	s13 =	sadd.s32 $0x80, s11;
	[tilespmem:s11+$0x20] =	vst v8;
	v9 =	vperm.xlane v14, v63  }
0x143: {  	v3 =	vperm.xlane v14, v3;
	[tilespmem:s13+$0x30] =	vst v7  }
0x144: {  	v1 =	vperm.xlane v14, v1;
	[tilespmem:s13+$0xFFFFFFC0] =	vst v9  }
0x145: {  	v6 =	vperm.xlane v14, v6;
	[tilespmem:s13+$0xFFFFFFD0] =	vst v3  }
0x146: {  	v3 =	vperm.xlane v14, v4;
	[tilespmem:s13+$0xFFFFFFE0] =	vst v1  }
0x147: {  	v1 =	vperm.xlane v14, v2;
	[tilespmem:s13+$0xFFFFFFF0] =	vst v6  }
0x148: {  	v2 =	vperm.xlane v14, v5;
	[tilespmem:s13+$0x0] =	vst v3  }
0x149: {  	[tilespmem:s13+$0x10] =	vst v1  }
0x14a: {  	[tilespmem:s13+$0x20] =	vst v2  }
0x14b: {  	s11 =	rddreg [dreg:$0xa]  }
0x14c: {  	[hbm4b:s11+s3] =	stream.strided.scatter [tilespmem:s6], [sflag:$0x1], $0xE000, s5, s3, $0x38;
	[tilespmem:$0x1E900] =	vst v63  }
0x14d: {  	_ =	swait.ge [sflag:s9], $0xE000  }
0x14e: {  	[sflag:s9] =	ssyncset.done $0x0  }
0x14f: {  	s14 =	simm.s32 $0x0;
	v2 =	vadd.s32 $0xB67, v0;
	[sflag:s9] =	ssyncadd.s32 $0xFFFF2000  }
0x150: {  	v6 =	vld.idx.msk [tilespmem:v56+s14+$0x0], $0xffff  }
0x151: {  	v4 =	vld.idx.msk [tilespmem:v57+s14+$0x0], $0xffff  }
0x152: {  	v3 =	vld.idx.msk [tilespmem:v58+s14+$0x0], $0xffff  }
0x153: {  	v1 =	vld.idx.msk [tilespmem:v59+s14+$0x0], $0xffff  }
0x154: {  	s12 =	simm.s32 $0xD00;
	v7 =	vld.idx.msk [tilespmem:v2+s14+$0x0], $0xffff  }
0x155: {  	v13 =	vld [tilespmem:s12+$0x0]  }
0x156: {  	v5 =	vld.idx.msk [tilespmem:v60+s14+$0x0], $0xffff  }
0x157: {  	v63 =	vld.idx.msk [tilespmem:v61+s14+$0x0], $0xffff  }
0x158: {  	v2 =	vld.idx.msk [tilespmem:v62+s14+$0x0], $0xffff;
	_ =	sdelay $0x1  }
0x159: {  	v14 =	vperm.xlane v13, v6;
	v8 =	vperm.xlane v13, v7  }
0x15a: {  	s11 =	simm.s32 $0x0;
	v10 =	vperm.xlane v13, v4;
	v9 =	vperm.xlane v13, v3  }
0x15b: {  	s13 =	simm.s32 $0xD10;
	v12 =	vperm.xlane v13, v1;
	v11 =	vperm.xlane v13, v5;
	[tilespmem:s11+$0x10970] =	vst v8  }
0x15c: {  	s12 =	simm.s32 $0x200;
	s14 =	simm.s32 $0x400;
	v8 =	vld [tilespmem:s13+$0x0];
	[tilespmem:s11+$0x10900] =	vst v14;
	v14 =	vperm.xlane v13, v63;
	v13 =	vperm.xlane v13, v2  }
.LBB2_16:
0x15d: {  	p0 =	sne.s32 s14, $0x37E00;
	[tilespmem:s11+$0x10910] =	vst v10  }
0x15e: {  	[tilespmem:s11+$0x10920] =	vst v9  }
0x15f: {  	[tilespmem:s11+$0x10930] =	vst v12  }
.Ltmp7:
0x160: {  	[tilespmem:s11+$0x10940] =	vst v11;
	(pc) =	sbr.rel @p0 .LBB2_16-.Ltmp7, $4  }
0x161: {  	v15 =	vperm.xlane v8, v6;
	v16 =	vperm.xlane v8, v7;
	[tilespmem:s11+$0x10950] =	vst v14  }
0x162: {  	v10 =	vperm.xlane v8, v4;
	v9 =	vperm.xlane v8, v3;
	[tilespmem:s11+$0x10960] =	vst v13;
	s11 =	sshra.s32 s12, $0x2;
	s12 =	smov.u32 s14  }
0x163: {  	s13 =	sadd.s32 $0x10, s13;
	v12 =	vperm.xlane v8, v1;
	v11 =	vperm.xlane v8, v5;
	[tilespmem:s11+$0x10970] =	vst v16  }
0x164: {  	v14 =	vperm.xlane v8, v63;
	s14 =	sadd.s32 $0x200, s14;
	v13 =	vperm.xlane v8, v2;
	[tilespmem:s11+$0x10900] =	vst v15;
	v8 =	vld [tilespmem:s13+$0x0]  }
0x165: {  	[tilespmem:s11+$0x10910] =	vst v10  }
0x166: {  	[tilespmem:s11+$0x10920] =	vst v9  }
0x167: {  	[tilespmem:s11+$0x10930] =	vst v12  }
0x168: {  	[tilespmem:s11+$0x10940] =	vst v11  }
0x169: {  	[tilespmem:s11+$0x10950] =	vst v14;
	v7 =	vperm.xlane v8, v7  }
0x16a: {  	s12 =	sshra.s32 s12, $0x2;
	[tilespmem:s11+$0x10960] =	vst v13;
	v6 =	vperm.xlane v8, v6  }
0x16b: {  	v4 =	vperm.xlane v8, v4;
	[tilespmem:s12+$0x10970] =	vst v7  }
0x16c: {  	v3 =	vperm.xlane v8, v3;
	[tilespmem:s12+$0x10900] =	vst v6  }
0x16d: {  	v1 =	vperm.xlane v8, v1;
	[tilespmem:s12+$0x10910] =	vst v4  }
0x16e: {  	v4 =	vperm.xlane v8, v5;
	[tilespmem:s12+$0x10920] =	vst v3  }
0x16f: {  	v3 =	vperm.xlane v8, v63;
	[tilespmem:s12+$0x10930] =	vst v1  }
0x170: {  	v1 =	vperm.xlane v8, v2;
	[tilespmem:s12+$0x10940] =	vst v4  }
0x171: {  	[tilespmem:s12+$0x10950] =	vst v3  }
0x172: {  	[tilespmem:s12+$0x10960] =	vst v1  }
0x173: {  	v1 =	vadd.s32 $0x8, v0;
	s11 =	rddreg [dreg:$0xb]  }
0x174: {  	v2 =	vadd.s32 $0x1A8, v0;
	[hbm4b:s11+s3] =	stream.strided.scatter [tilespmem:s7], [sflag:$0x2], $0xE000, s5, s3, $0x38;
	[tilespmem:$0x1E900] =	vst v63  }
0x175: {  	v4 =	vadd.s32 $0x348, v0;
	_ =	swait.ge [sflag:s8], $0xE000  }
0x176: {  	v5 =	vadd.s32 $0xB68, v0;
	[sflag:s8] =	ssyncset.done $0x0  }
0x177: {  	s13 =	simm.s32 $0x0;
	[sflag:s8] =	ssyncadd.s32 $0xFFFF2000  }
0x178: {  	v6 =	vadd.s32 $0x4E8, v0;
	v3 =	vld.idx.msk [tilespmem:v1+s13+$0x0], $0xffff  }
0x179: {  	v9 =	vadd.s32 $0x688, v0;
	v1 =	vld.idx.msk [tilespmem:v2+s13+$0x0], $0xffff  }
0x17a: {  	v10 =	vadd.s32 $0x9C8, v0;
	v2 =	vld.idx.msk [tilespmem:v4+s13+$0x0], $0xffff  }
0x17b: {  	s14 =	simm.s32 $0x0;
	v7 =	vld.idx.msk [tilespmem:v5+s13+$0x0], $0xffff;
	v4 =	vadd.s32 $0x828, v0  }
0x17c: {  	v8 =	vld [tilespmem:s14+$0xD00]  }
0x17d: {  	v5 =	vld.idx.msk [tilespmem:v6+s13+$0x0], $0xffff  }
0x17e: {  	v6 =	vld.idx.msk [tilespmem:v9+s13+$0x0], $0xffff  }
0x17f: {  	v63 =	vld.idx.msk [tilespmem:v10+s13+$0x0], $0xffff  }
0x180: {  	v4 =	vld.idx.msk [tilespmem:v4+s13+$0x0], $0xffff;
	_ =	sdelay $0x1  }
0x181: {  	v9 =	vperm.xlane v8, v3;
	v14 =	vperm.xlane v8, v7  }
0x182: {  	s11 =	simm.s32 $0x2940;
	v11 =	vperm.xlane v8, v1;
	v10 =	vperm.xlane v8, v2  }
0x183: {  	s12 =	simm.s32 $0x80;
	s13 =	simm.s32 $0x10;
	v13 =	vperm.xlane v8, v5;
	v12 =	vperm.xlane v8, v6;
	[tilespmem:s11+$0x30] =	vst v14  }
.LBB2_18:
0x184: {  	p0 =	sne.s32 s12, $0x6FC0;
	[tilespmem:s11+$0xFFFFFFC0] =	vst v9;
	v14 =	vperm.xlane v8, v4;
	v15 =	vperm.xlane v8, v63;
	v8 =	vld [tilespmem:s13+$0xD00]  }
0x185: {  	[tilespmem:s11+$0xFFFFFFD0] =	vst v11  }
0x186: {  	[tilespmem:s11+$0xFFFFFFE0] =	vst v10  }
.Ltmp8:
0x187: {  	[tilespmem:s11+$0xFFFFFFF0] =	vst v13;
	(pc) =	sbr.rel @p0 .LBB2_18-.Ltmp8, $4  }
0x188: {  	[tilespmem:s11+$0x0] =	vst v12  }
0x189: {  	v9 =	vperm.xlane v8, v3;
	v16 =	vperm.xlane v8, v7;
	[tilespmem:s11+$0x10] =	vst v14  }
0x18a: {  	v11 =	vperm.xlane v8, v1;
	v10 =	vperm.xlane v8, v2;
	[tilespmem:s11+$0x20] =	vst v15;
	s11 =	sadd.s32 $0x80, s11  }
0x18b: {  	s13 =	sshra.s32 s12, $0x2;
	s12 =	sadd.s32 $0x40, s12;
	v13 =	vperm.xlane v8, v5;
	v12 =	vperm.xlane v8, v6;
	[tilespmem:s11+$0x30] =	vst v16  }
0x18c: {  	v14 =	vld [tilespmem:s13+$0xD00];
	[tilespmem:s11+$0xFFFFFFC0] =	vst v9  }
0x18d: {  	[tilespmem:s11+$0xFFFFFFD0] =	vst v11  }
0x18e: {  	[tilespmem:s11+$0xFFFFFFE0] =	vst v10  }
0x18f: {  	v9 =	vperm.xlane v8, v4;
	[tilespmem:s11+$0xFFFFFFF0] =	vst v13  }
0x190: {  	v8 =	vperm.xlane v8, v63;
	[tilespmem:s11+$0x0] =	vst v12  }
0x191: {  	[tilespmem:s11+$0x10] =	vst v9;
	v7 =	vperm.xlane v14, v7  }
0x192: {  	s13 =	sadd.s32 $0x80, s11;
	[tilespmem:s11+$0x20] =	vst v8;
	v3 =	vperm.xlane v14, v3  }
0x193: {  	v1 =	vperm.xlane v14, v1;
	[tilespmem:s13+$0x30] =	vst v7  }
0x194: {  	v2 =	vperm.xlane v14, v2;
	[tilespmem:s13+$0xFFFFFFC0] =	vst v3  }
0x195: {  	v3 =	vperm.xlane v14, v5;
	[tilespmem:s13+$0xFFFFFFD0] =	vst v1  }
0x196: {  	v1 =	vperm.xlane v14, v6;
	[tilespmem:s13+$0xFFFFFFE0] =	vst v2  }
0x197: {  	v2 =	vperm.xlane v14, v4;
	[tilespmem:s13+$0xFFFFFFF0] =	vst v3  }
0x198: {  	v3 =	vperm.xlane v14, v63;
	[tilespmem:s13+$0x0] =	vst v1  }
0x199: {  	[tilespmem:s13+$0x10] =	vst v2  }
0x19a: {  	[tilespmem:s13+$0x20] =	vst v3  }
0x19b: {  	v1 =	vadd.s32 $0x9, v0;
	s11 =	rddreg [dreg:$0xc]  }
0x19c: {  	v2 =	vadd.s32 $0x1A9, v0;
	[hbm4b:s11+s3] =	stream.strided.scatter [tilespmem:s6], [sflag:$0x1], $0xE000, s5, s3, $0x38;
	[tilespmem:$0x1E900] =	vst v63  }
0x19d: {  	v3 =	vadd.s32 $0x349, v0;
	_ =	swait.ge [sflag:s9], $0xE000  }
0x19e: {  	v5 =	vadd.s32 $0x4E9, v0;
	[sflag:s9] =	ssyncset.done $0x0  }
0x19f: {  	s14 =	simm.s32 $0x0;
	v6 =	vadd.s32 $0xB69, v0;
	[sflag:s9] =	ssyncadd.s32 $0xFFFF2000  }
0x1a0: {  	v4 =	vld.idx.msk [tilespmem:v1+s14+$0x0], $0xffff  }
0x1a1: {  	v8 =	vadd.s32 $0x689, v0;
	v63 =	vld.idx.msk [tilespmem:v2+s14+$0x0], $0xffff  }
0x1a2: {  	v1 =	vld.idx.msk [tilespmem:v3+s14+$0x0], $0xffff;
	v3 =	vadd.s32 $0x829, v0  }
0x1a3: {  	v9 =	vadd.s32 $0x9C9, v0;
	v2 =	vld.idx.msk [tilespmem:v5+s14+$0x0], $0xffff  }
0x1a4: {  	s12 =	simm.s32 $0xD00;
	v7 =	vld.idx.msk [tilespmem:v6+s14+$0x0], $0xffff  }
0x1a5: {  	v13 =	vld [tilespmem:s12+$0x0]  }
0x1a6: {  	v6 =	vld.idx.msk [tilespmem:v8+s14+$0x0], $0xffff  }
0x1a7: {  	v5 =	vld.idx.msk [tilespmem:v3+s14+$0x0], $0xffff  }
0x1a8: {  	v3 =	vld.idx.msk [tilespmem:v9+s14+$0x0], $0xffff;
	_ =	sdelay $0x1  }
0x1a9: {  	v14 =	vperm.xlane v13, v4;
	v8 =	vperm.xlane v13, v7  }
0x1aa: {  	s11 =	simm.s32 $0x0;
	v10 =	vperm.xlane v13, v63;
	v9 =	vperm.xlane v13, v1  }
0x1ab: {  	s13 =	simm.s32 $0xD10;
	v12 =	vperm.xlane v13, v2;
	v11 =	vperm.xlane v13, v6;
	[tilespmem:s11+$0x10970] =	vst v8  }
0x1ac: {  	s12 =	simm.s32 $0x200;
	s14 =	simm.s32 $0x400;
	v8 =	vld [tilespmem:s13+$0x0];
	[tilespmem:s11+$0x10900] =	vst v14;
	v14 =	vperm.xlane v13, v5;
	v13 =	vperm.xlane v13, v3  }
.LBB2_20:
0x1ad: {  	p0 =	sne.s32 s14, $0x37E00;
	[tilespmem:s11+$0x10910] =	vst v10  }
0x1ae: {  	[tilespmem:s11+$0x10920] =	vst v9  }
0x1af: {  	[tilespmem:s11+$0x10930] =	vst v12  }
.Ltmp9:
0x1b0: {  	[tilespmem:s11+$0x10940] =	vst v11;
	(pc) =	sbr.rel @p0 .LBB2_20-.Ltmp9, $4  }
0x1b1: {  	v15 =	vperm.xlane v8, v4;
	v16 =	vperm.xlane v8, v7;
	[tilespmem:s11+$0x10950] =	vst v14  }
0x1b2: {  	v10 =	vperm.xlane v8, v63;
	v9 =	vperm.xlane v8, v1;
	[tilespmem:s11+$0x10960] =	vst v13;
	s11 =	sshra.s32 s12, $0x2;
	s12 =	smov.u32 s14  }
0x1b3: {  	s13 =	sadd.s32 $0x10, s13;
	v12 =	vperm.xlane v8, v2;
	v11 =	vperm.xlane v8, v6;
	[tilespmem:s11+$0x10970] =	vst v16  }
0x1b4: {  	v14 =	vperm.xlane v8, v5;
	s14 =	sadd.s32 $0x200, s14;
	v13 =	vperm.xlane v8, v3;
	[tilespmem:s11+$0x10900] =	vst v15;
	v8 =	vld [tilespmem:s13+$0x0]  }
0x1b5: {  	[tilespmem:s11+$0x10910] =	vst v10  }
0x1b6: {  	[tilespmem:s11+$0x10920] =	vst v9  }
0x1b7: {  	[tilespmem:s11+$0x10930] =	vst v12  }
0x1b8: {  	[tilespmem:s11+$0x10940] =	vst v11  }
0x1b9: {  	[tilespmem:s11+$0x10950] =	vst v14;
	v7 =	vperm.xlane v8, v7  }
0x1ba: {  	s12 =	sshra.s32 s12, $0x2;
	[tilespmem:s11+$0x10960] =	vst v13;
	v4 =	vperm.xlane v8, v4  }
0x1bb: {  	v9 =	vperm.xlane v8, v63;
	[tilespmem:s12+$0x10970] =	vst v7  }
0x1bc: {  	v1 =	vperm.xlane v8, v1;
	[tilespmem:s12+$0x10900] =	vst v4  }
0x1bd: {  	v2 =	vperm.xlane v8, v2;
	[tilespmem:s12+$0x10910] =	vst v9  }
0x1be: {  	v4 =	vperm.xlane v8, v6;
	[tilespmem:s12+$0x10920] =	vst v1  }
0x1bf: {  	v1 =	vperm.xlane v8, v5;
	[tilespmem:s12+$0x10930] =	vst v2  }
0x1c0: {  	v2 =	vperm.xlane v8, v3;
	[tilespmem:s12+$0x10940] =	vst v4  }
0x1c1: {  	[tilespmem:s12+$0x10950] =	vst v1  }
0x1c2: {  	[tilespmem:s12+$0x10960] =	vst v2  }
0x1c3: {  	v1 =	vadd.s32 $0xA, v0;
	s11 =	rddreg [dreg:$0xd]  }
0x1c4: {  	v2 =	vadd.s32 $0x1AA, v0;
	[hbm4b:s11+s3] =	stream.strided.scatter [tilespmem:s7], [sflag:$0x2], $0xE000, s5, s3, $0x38;
	[tilespmem:$0x1E900] =	vst v63  }
0x1c5: {  	v4 =	vadd.s32 $0x34A, v0;
	_ =	swait.ge [sflag:s8], $0xE000  }
0x1c6: {  	v5 =	vadd.s32 $0xB6A, v0;
	[sflag:s8] =	ssyncset.done $0x0  }
0x1c7: {  	s13 =	simm.s32 $0x0;
	[sflag:s8] =	ssyncadd.s32 $0xFFFF2000  }
0x1c8: {  	v6 =	vadd.s32 $0x4EA, v0;
	v3 =	vld.idx.msk [tilespmem:v1+s13+$0x0], $0xffff  }
0x1c9: {  	v9 =	vadd.s32 $0x68A, v0;
	v1 =	vld.idx.msk [tilespmem:v2+s13+$0x0], $0xffff  }
0x1ca: {  	v10 =	vadd.s32 $0x9CA, v0;
	v2 =	vld.idx.msk [tilespmem:v4+s13+$0x0], $0xffff  }
0x1cb: {  	s14 =	simm.s32 $0x0;
	v7 =	vld.idx.msk [tilespmem:v5+s13+$0x0], $0xffff;
	v4 =	vadd.s32 $0x82A, v0  }
0x1cc: {  	v8 =	vld [tilespmem:s14+$0xD00]  }
0x1cd: {  	v5 =	vld.idx.msk [tilespmem:v6+s13+$0x0], $0xffff  }
0x1ce: {  	v6 =	vld.idx.msk [tilespmem:v9+s13+$0x0], $0xffff  }
0x1cf: {  	v63 =	vld.idx.msk [tilespmem:v10+s13+$0x0], $0xffff  }
0x1d0: {  	v4 =	vld.idx.msk [tilespmem:v4+s13+$0x0], $0xffff;
	_ =	sdelay $0x1  }
0x1d1: {  	v9 =	vperm.xlane v8, v3;
	v14 =	vperm.xlane v8, v7  }
0x1d2: {  	s11 =	simm.s32 $0x2940;
	v11 =	vperm.xlane v8, v1;
	v10 =	vperm.xlane v8, v2  }
0x1d3: {  	s12 =	simm.s32 $0x80;
	s13 =	simm.s32 $0x10;
	v13 =	vperm.xlane v8, v5;
	v12 =	vperm.xlane v8, v6;
	[tilespmem:s11+$0x30] =	vst v14  }
.LBB2_22:
0x1d4: {  	p0 =	sne.s32 s12, $0x6FC0;
	[tilespmem:s11+$0xFFFFFFC0] =	vst v9;
	v14 =	vperm.xlane v8, v4;
	v15 =	vperm.xlane v8, v63;
	v8 =	vld [tilespmem:s13+$0xD00]  }
0x1d5: {  	[tilespmem:s11+$0xFFFFFFD0] =	vst v11  }
0x1d6: {  	[tilespmem:s11+$0xFFFFFFE0] =	vst v10  }
.Ltmp10:
0x1d7: {  	[tilespmem:s11+$0xFFFFFFF0] =	vst v13;
	(pc) =	sbr.rel @p0 .LBB2_22-.Ltmp10, $4  }
0x1d8: {  	[tilespmem:s11+$0x0] =	vst v12  }
0x1d9: {  	v9 =	vperm.xlane v8, v3;
	v16 =	vperm.xlane v8, v7;
	[tilespmem:s11+$0x10] =	vst v14  }
0x1da: {  	v11 =	vperm.xlane v8, v1;
	v10 =	vperm.xlane v8, v2;
	[tilespmem:s11+$0x20] =	vst v15;
	s11 =	sadd.s32 $0x80, s11  }
0x1db: {  	s13 =	sshra.s32 s12, $0x2;
	s12 =	sadd.s32 $0x40, s12;
	v13 =	vperm.xlane v8, v5;
	v12 =	vperm.xlane v8, v6;
	[tilespmem:s11+$0x30] =	vst v16  }
0x1dc: {  	v14 =	vld [tilespmem:s13+$0xD00];
	[tilespmem:s11+$0xFFFFFFC0] =	vst v9  }
0x1dd: {  	[tilespmem:s11+$0xFFFFFFD0] =	vst v11  }
0x1de: {  	[tilespmem:s11+$0xFFFFFFE0] =	vst v10  }
0x1df: {  	v9 =	vperm.xlane v8, v4;
	[tilespmem:s11+$0xFFFFFFF0] =	vst v13  }
0x1e0: {  	v8 =	vperm.xlane v8, v63;
	[tilespmem:s11+$0x0] =	vst v12  }
0x1e1: {  	[tilespmem:s11+$0x10] =	vst v9;
	v7 =	vperm.xlane v14, v7  }
0x1e2: {  	s13 =	sadd.s32 $0x80, s11;
	[tilespmem:s11+$0x20] =	vst v8;
	v3 =	vperm.xlane v14, v3  }
0x1e3: {  	v1 =	vperm.xlane v14, v1;
	[tilespmem:s13+$0x30] =	vst v7  }
0x1e4: {  	v2 =	vperm.xlane v14, v2;
	[tilespmem:s13+$0xFFFFFFC0] =	vst v3  }
0x1e5: {  	v3 =	vperm.xlane v14, v5;
	[tilespmem:s13+$0xFFFFFFD0] =	vst v1  }
0x1e6: {  	v1 =	vperm.xlane v14, v6;
	[tilespmem:s13+$0xFFFFFFE0] =	vst v2  }
0x1e7: {  	v2 =	vperm.xlane v14, v4;
	[tilespmem:s13+$0xFFFFFFF0] =	vst v3  }
0x1e8: {  	v3 =	vperm.xlane v14, v63;
	[tilespmem:s13+$0x0] =	vst v1  }
0x1e9: {  	[tilespmem:s13+$0x10] =	vst v2  }
0x1ea: {  	v1 =	vadd.s32 $0xB, v0;
	[tilespmem:s13+$0x20] =	vst v3  }
0x1eb: {  	v2 =	vadd.s32 $0x1AB, v0;
	[hbm4b:s15+s3] =	stream.strided.scatter [tilespmem:s6], [sflag:$0x1], $0xE000, s5, s3, $0x38;
	[tilespmem:$0x1E900] =	vst v63  }
0x1ec: {  	v3 =	vadd.s32 $0x34B, v0;
	_ =	swait.ge [sflag:s9], $0xE000  }
0x1ed: {  	v5 =	vadd.s32 $0x4EB, v0;
	[sflag:s9] =	ssyncset.done $0x0  }
0x1ee: {  	s14 =	simm.s32 $0x0;
	v6 =	vadd.s32 $0xB6B, v0;
	[sflag:s9] =	ssyncadd.s32 $0xFFFF2000  }
0x1ef: {  	v4 =	vld.idx.msk [tilespmem:v1+s14+$0x0], $0xffff  }
0x1f0: {  	v8 =	vadd.s32 $0x68B, v0;
	v1 =	vld.idx.msk [tilespmem:v2+s14+$0x0], $0xffff  }
0x1f1: {  	v2 =	vld.idx.msk [tilespmem:v3+s14+$0x0], $0xffff;
	v3 =	vadd.s32 $0x82B, v0  }
0x1f2: {  	v9 =	vadd.s32 $0x9CB, v0;
	v63 =	vld.idx.msk [tilespmem:v5+s14+$0x0], $0xffff  }
0x1f3: {  	s12 =	simm.s32 $0xD00;
	v7 =	vld.idx.msk [tilespmem:v6+s14+$0x0], $0xffff  }
0x1f4: {  	v13 =	vld [tilespmem:s12+$0x0]  }
0x1f5: {  	v6 =	vld.idx.msk [tilespmem:v8+s14+$0x0], $0xffff  }
0x1f6: {  	v5 =	vld.idx.msk [tilespmem:v3+s14+$0x0], $0xffff  }
0x1f7: {  	v3 =	vld.idx.msk [tilespmem:v9+s14+$0x0], $0xffff;
	_ =	sdelay $0x1  }
0x1f8: {  	v14 =	vperm.xlane v13, v4;
	v8 =	vperm.xlane v13, v7  }
0x1f9: {  	s11 =	simm.s32 $0x0;
	v10 =	vperm.xlane v13, v1;
	v9 =	vperm.xlane v13, v2  }
0x1fa: {  	s13 =	simm.s32 $0xD10;
	v12 =	vperm.xlane v13, v63;
	v11 =	vperm.xlane v13, v6;
	[tilespmem:s11+$0x10970] =	vst v8  }
0x1fb: {  	s12 =	simm.s32 $0x200;
	s14 =	simm.s32 $0x400;
	v8 =	vld [tilespmem:s13+$0x0];
	[tilespmem:s11+$0x10900] =	vst v14;
	v14 =	vperm.xlane v13, v5;
	v13 =	vperm.xlane v13, v3  }
.LBB2_24:
0x1fc: {  	p0 =	sne.s32 s14, $0x37E00;
	[tilespmem:s11+$0x10910] =	vst v10  }
0x1fd: {  	[tilespmem:s11+$0x10920] =	vst v9  }
0x1fe: {  	[tilespmem:s11+$0x10930] =	vst v12  }
.Ltmp11:
0x1ff: {  	[tilespmem:s11+$0x10940] =	vst v11;
	(pc) =	sbr.rel @p0 .LBB2_24-.Ltmp11, $4  }
0x200: {  	v15 =	vperm.xlane v8, v4;
	v16 =	vperm.xlane v8, v7;
	[tilespmem:s11+$0x10950] =	vst v14  }
0x201: {  	v10 =	vperm.xlane v8, v1;
	v9 =	vperm.xlane v8, v2;
	[tilespmem:s11+$0x10960] =	vst v13;
	s11 =	sshra.s32 s12, $0x2;
	s12 =	smov.u32 s14  }
0x202: {  	s13 =	sadd.s32 $0x10, s13;
	v12 =	vperm.xlane v8, v63;
	v11 =	vperm.xlane v8, v6;
	[tilespmem:s11+$0x10970] =	vst v16  }
0x203: {  	v14 =	vperm.xlane v8, v5;
	s14 =	sadd.s32 $0x200, s14;
	v13 =	vperm.xlane v8, v3;
	[tilespmem:s11+$0x10900] =	vst v15;
	v8 =	vld [tilespmem:s13+$0x0]  }
0x204: {  	[tilespmem:s11+$0x10910] =	vst v10  }
0x205: {  	[tilespmem:s11+$0x10920] =	vst v9  }
0x206: {  	[tilespmem:s11+$0x10930] =	vst v12  }
0x207: {  	[tilespmem:s11+$0x10940] =	vst v11  }
0x208: {  	[tilespmem:s11+$0x10950] =	vst v14;
	v7 =	vperm.xlane v8, v7  }
0x209: {  	s12 =	sshra.s32 s12, $0x2;
	[tilespmem:s11+$0x10960] =	vst v13;
	v4 =	vperm.xlane v8, v4  }
0x20a: {  	v1 =	vperm.xlane v8, v1;
	[tilespmem:s12+$0x10970] =	vst v7  }
0x20b: {  	v2 =	vperm.xlane v8, v2;
	[tilespmem:s12+$0x10900] =	vst v4  }
0x20c: {  	v3 =	vperm.xlane v8, v3;
	[tilespmem:s12+$0x10910] =	vst v1  }
0x20d: {  	v4 =	vperm.xlane v8, v63;
	[tilespmem:s12+$0x10920] =	vst v2  }
0x20e: {  	v1 =	vperm.xlane v8, v6;
	[tilespmem:s12+$0x10960] =	vst v3  }
0x20f: {  	v2 =	vperm.xlane v8, v5;
	[tilespmem:s12+$0x10930] =	vst v4  }
0x210: {  	[tilespmem:s12+$0x10940] =	vst v1  }
0x211: {  	[tilespmem:s12+$0x10950] =	vst v2;
	v1 =	vadd.s32 $0xC, v0  }
0x212: {  	v2 =	vadd.s32 $0x1AC, v0;
	[hbm4b:s16+s3] =	stream.strided.scatter [tilespmem:s7], [sflag:$0x2], $0xE000, s5, s3, $0x38;
	[tilespmem:$0x1E900] =	vst v63  }
0x213: {  	v4 =	vadd.s32 $0x34C, v0;
	_ =	swait.ge [sflag:s8], $0xE000  }
0x214: {  	v5 =	vadd.s32 $0xB6C, v0;
	[sflag:s8] =	ssyncset.done $0x0  }
0x215: {  	s13 =	simm.s32 $0x0;
	[sflag:s8] =	ssyncadd.s32 $0xFFFF2000  }
0x216: {  	v6 =	vadd.s32 $0x4EC, v0;
	v3 =	vld.idx.msk [tilespmem:v1+s13+$0x0], $0xffff  }
0x217: {  	v9 =	vadd.s32 $0x68C, v0;
	v1 =	vld.idx.msk [tilespmem:v2+s13+$0x0], $0xffff  }
0x218: {  	v10 =	vadd.s32 $0x9CC, v0;
	v2 =	vld.idx.msk [tilespmem:v4+s13+$0x0], $0xffff  }
0x219: {  	s14 =	simm.s32 $0x0;
	v7 =	vld.idx.msk [tilespmem:v5+s13+$0x0], $0xffff;
	v4 =	vadd.s32 $0x82C, v0  }
0x21a: {  	v8 =	vld [tilespmem:s14+$0xD00]  }
0x21b: {  	v5 =	vld.idx.msk [tilespmem:v6+s13+$0x0], $0xffff  }
0x21c: {  	v6 =	vld.idx.msk [tilespmem:v9+s13+$0x0], $0xffff  }
0x21d: {  	v63 =	vld.idx.msk [tilespmem:v10+s13+$0x0], $0xffff  }
0x21e: {  	v4 =	vld.idx.msk [tilespmem:v4+s13+$0x0], $0xffff;
	_ =	sdelay $0x1  }
0x21f: {  	v9 =	vperm.xlane v8, v3;
	v14 =	vperm.xlane v8, v7  }
0x220: {  	s11 =	simm.s32 $0x2940;
	v11 =	vperm.xlane v8, v1;
	v10 =	vperm.xlane v8, v2  }
0x221: {  	s12 =	simm.s32 $0x80;
	s13 =	simm.s32 $0x10;
	v13 =	vperm.xlane v8, v5;
	v12 =	vperm.xlane v8, v6;
	[tilespmem:s11+$0x30] =	vst v14  }
.LBB2_26:
0x222: {  	p0 =	sne.s32 s12, $0x6FC0;
	[tilespmem:s11+$0xFFFFFFC0] =	vst v9;
	v14 =	vperm.xlane v8, v4;
	v15 =	vperm.xlane v8, v63;
	v8 =	vld [tilespmem:s13+$0xD00]  }
0x223: {  	[tilespmem:s11+$0xFFFFFFD0] =	vst v11  }
0x224: {  	[tilespmem:s11+$0xFFFFFFE0] =	vst v10  }
.Ltmp12:
0x225: {  	[tilespmem:s11+$0xFFFFFFF0] =	vst v13;
	(pc) =	sbr.rel @p0 .LBB2_26-.Ltmp12, $4  }
0x226: {  	[tilespmem:s11+$0x0] =	vst v12  }
0x227: {  	v9 =	vperm.xlane v8, v3;
	v16 =	vperm.xlane v8, v7;
	[tilespmem:s11+$0x10] =	vst v14  }
0x228: {  	v11 =	vperm.xlane v8, v1;
	v10 =	vperm.xlane v8, v2;
	[tilespmem:s11+$0x20] =	vst v15;
	s11 =	sadd.s32 $0x80, s11  }
0x229: {  	s13 =	sshra.s32 s12, $0x2;
	s12 =	sadd.s32 $0x40, s12;
	v13 =	vperm.xlane v8, v5;
	v12 =	vperm.xlane v8, v6;
	[tilespmem:s11+$0x30] =	vst v16  }
0x22a: {  	v14 =	vld [tilespmem:s13+$0xD00];
	[tilespmem:s11+$0xFFFFFFC0] =	vst v9  }
0x22b: {  	[tilespmem:s11+$0xFFFFFFD0] =	vst v11  }
0x22c: {  	[tilespmem:s11+$0xFFFFFFE0] =	vst v10  }
0x22d: {  	v9 =	vperm.xlane v8, v4;
	[tilespmem:s11+$0xFFFFFFF0] =	vst v13  }
0x22e: {  	v8 =	vperm.xlane v8, v63;
	[tilespmem:s11+$0x0] =	vst v12  }
0x22f: {  	[tilespmem:s11+$0x10] =	vst v9;
	v7 =	vperm.xlane v14, v7  }
0x230: {  	s13 =	sadd.s32 $0x80, s11;
	[tilespmem:s11+$0x20] =	vst v8;
	v3 =	vperm.xlane v14, v3  }
0x231: {  	v1 =	vperm.xlane v14, v1;
	[tilespmem:s13+$0x30] =	vst v7  }
0x232: {  	v2 =	vperm.xlane v14, v2;
	[tilespmem:s13+$0xFFFFFFC0] =	vst v3  }
0x233: {  	v3 =	vperm.xlane v14, v5;
	[tilespmem:s13+$0xFFFFFFD0] =	vst v1  }
0x234: {  	v1 =	vperm.xlane v14, v6;
	[tilespmem:s13+$0xFFFFFFE0] =	vst v2  }
0x235: {  	v2 =	vperm.xlane v14, v4;
	[tilespmem:s13+$0xFFFFFFF0] =	vst v3  }
0x236: {  	v3 =	vperm.xlane v14, v63;
	[tilespmem:s13+$0x0] =	vst v1  }
0x237: {  	[tilespmem:s13+$0x10] =	vst v2  }
0x238: {  	v1 =	vadd.s32 $0xD, v0;
	[tilespmem:s13+$0x20] =	vst v3  }
0x239: {  	v2 =	vadd.s32 $0x1AD, v0;
	[hbm4b:s17+s3] =	stream.strided.scatter [tilespmem:s6], [sflag:$0x1], $0xE000, s5, s3, $0x38;
	[tilespmem:$0x1E900] =	vst v63  }
0x23a: {  	v3 =	vadd.s32 $0x34D, v0;
	_ =	swait.ge [sflag:s9], $0xE000  }
0x23b: {  	v5 =	vadd.s32 $0x4ED, v0;
	[sflag:s9] =	ssyncset.done $0x0  }
0x23c: {  	s14 =	simm.s32 $0x0;
	v6 =	vadd.s32 $0xB6D, v0;
	[sflag:s9] =	ssyncadd.s32 $0xFFFF2000  }
0x23d: {  	v4 =	vld.idx.msk [tilespmem:v1+s14+$0x0], $0xffff  }
0x23e: {  	v8 =	vadd.s32 $0x68D, v0;
	v1 =	vld.idx.msk [tilespmem:v2+s14+$0x0], $0xffff  }
0x23f: {  	v2 =	vld.idx.msk [tilespmem:v3+s14+$0x0], $0xffff;
	v3 =	vadd.s32 $0x82D, v0  }
0x240: {  	v9 =	vadd.s32 $0x9CD, v0;
	v63 =	vld.idx.msk [tilespmem:v5+s14+$0x0], $0xffff  }
0x241: {  	s12 =	simm.s32 $0xD00;
	v7 =	vld.idx.msk [tilespmem:v6+s14+$0x0], $0xffff  }
0x242: {  	v13 =	vld [tilespmem:s12+$0x0]  }
0x243: {  	v6 =	vld.idx.msk [tilespmem:v8+s14+$0x0], $0xffff  }
0x244: {  	v5 =	vld.idx.msk [tilespmem:v3+s14+$0x0], $0xffff  }
0x245: {  	v3 =	vld.idx.msk [tilespmem:v9+s14+$0x0], $0xffff;
	_ =	sdelay $0x1  }
0x246: {  	v14 =	vperm.xlane v13, v4;
	v8 =	vperm.xlane v13, v7  }
0x247: {  	s11 =	simm.s32 $0x0;
	v10 =	vperm.xlane v13, v1;
	v9 =	vperm.xlane v13, v2  }
0x248: {  	s13 =	simm.s32 $0xD10;
	v12 =	vperm.xlane v13, v63;
	v11 =	vperm.xlane v13, v6;
	[tilespmem:s11+$0x10970] =	vst v8  }
0x249: {  	s12 =	simm.s32 $0x200;
	s14 =	simm.s32 $0x400;
	v8 =	vld [tilespmem:s13+$0x0];
	[tilespmem:s11+$0x10900] =	vst v14;
	v14 =	vperm.xlane v13, v5;
	v13 =	vperm.xlane v13, v3  }
.LBB2_28:
0x24a: {  	p0 =	sne.s32 s14, $0x37E00;
	[tilespmem:s11+$0x10910] =	vst v10  }
0x24b: {  	[tilespmem:s11+$0x10920] =	vst v9  }
0x24c: {  	[tilespmem:s11+$0x10930] =	vst v12  }
.Ltmp13:
0x24d: {  	[tilespmem:s11+$0x10940] =	vst v11;
	(pc) =	sbr.rel @p0 .LBB2_28-.Ltmp13, $4  }
0x24e: {  	v15 =	vperm.xlane v8, v4;
	v16 =	vperm.xlane v8, v7;
	[tilespmem:s11+$0x10950] =	vst v14  }
0x24f: {  	v10 =	vperm.xlane v8, v1;
	v9 =	vperm.xlane v8, v2;
	[tilespmem:s11+$0x10960] =	vst v13;
	s11 =	sshra.s32 s12, $0x2;
	s12 =	smov.u32 s14  }
0x250: {  	s13 =	sadd.s32 $0x10, s13;
	v12 =	vperm.xlane v8, v63;
	v11 =	vperm.xlane v8, v6;
	[tilespmem:s11+$0x10970] =	vst v16  }
0x251: {  	v14 =	vperm.xlane v8, v5;
	s14 =	sadd.s32 $0x200, s14;
	v13 =	vperm.xlane v8, v3;
	[tilespmem:s11+$0x10900] =	vst v15;
	v8 =	vld [tilespmem:s13+$0x0]  }
0x252: {  	[tilespmem:s11+$0x10910] =	vst v10  }
0x253: {  	[tilespmem:s11+$0x10920] =	vst v9  }
0x254: {  	[tilespmem:s11+$0x10930] =	vst v12  }
0x255: {  	[tilespmem:s11+$0x10940] =	vst v11  }
0x256: {  	[tilespmem:s11+$0x10950] =	vst v14;
	v7 =	vperm.xlane v8, v7  }
0x257: {  	s12 =	sshra.s32 s12, $0x2;
	[tilespmem:s11+$0x10960] =	vst v13;
	v4 =	vperm.xlane v8, v4  }
0x258: {  	v1 =	vperm.xlane v8, v1;
	[tilespmem:s12+$0x10970] =	vst v7  }
0x259: {  	v2 =	vperm.xlane v8, v2;
	[tilespmem:s12+$0x10900] =	vst v4  }
0x25a: {  	v3 =	vperm.xlane v8, v3;
	[tilespmem:s12+$0x10910] =	vst v1  }
0x25b: {  	v4 =	vperm.xlane v8, v63;
	[tilespmem:s12+$0x10920] =	vst v2  }
0x25c: {  	v1 =	vperm.xlane v8, v6;
	[tilespmem:s12+$0x10960] =	vst v3  }
0x25d: {  	v2 =	vperm.xlane v8, v5;
	[tilespmem:s12+$0x10930] =	vst v4  }
0x25e: {  	[tilespmem:s12+$0x10940] =	vst v1  }
0x25f: {  	[tilespmem:s12+$0x10950] =	vst v2;
	v1 =	vadd.s32 $0xE, v0  }
0x260: {  	v2 =	vadd.s32 $0x1AE, v0;
	[hbm4b:s18+s3] =	stream.strided.scatter [tilespmem:s7], [sflag:$0x2], $0xE000, s5, s3, $0x38;
	[tilespmem:$0x1E900] =	vst v63  }
0x261: {  	v4 =	vadd.s32 $0x34E, v0;
	_ =	swait.ge [sflag:s8], $0xE000  }
0x262: {  	v5 =	vadd.s32 $0xB6E, v0;
	[sflag:s8] =	ssyncset.done $0x0  }
0x263: {  	s13 =	simm.s32 $0x0;
	[sflag:s8] =	ssyncadd.s32 $0xFFFF2000  }
0x264: {  	v6 =	vadd.s32 $0x4EE, v0;
	v3 =	vld.idx.msk [tilespmem:v1+s13+$0x0], $0xffff  }
0x265: {  	v9 =	vadd.s32 $0x68E, v0;
	v1 =	vld.idx.msk [tilespmem:v2+s13+$0x0], $0xffff  }
0x266: {  	v10 =	vadd.s32 $0x9CE, v0;
	v2 =	vld.idx.msk [tilespmem:v4+s13+$0x0], $0xffff  }
0x267: {  	s14 =	simm.s32 $0x0;
	v7 =	vld.idx.msk [tilespmem:v5+s13+$0x0], $0xffff;
	v4 =	vadd.s32 $0x82E, v0  }
0x268: {  	v8 =	vld [tilespmem:s14+$0xD00]  }
0x269: {  	v5 =	vld.idx.msk [tilespmem:v6+s13+$0x0], $0xffff  }
0x26a: {  	v6 =	vld.idx.msk [tilespmem:v9+s13+$0x0], $0xffff  }
0x26b: {  	v63 =	vld.idx.msk [tilespmem:v10+s13+$0x0], $0xffff  }
0x26c: {  	v4 =	vld.idx.msk [tilespmem:v4+s13+$0x0], $0xffff;
	_ =	sdelay $0x1  }
0x26d: {  	v9 =	vperm.xlane v8, v3;
	v14 =	vperm.xlane v8, v7  }
0x26e: {  	s11 =	simm.s32 $0x2940;
	v11 =	vperm.xlane v8, v1;
	v10 =	vperm.xlane v8, v2  }
0x26f: {  	s12 =	simm.s32 $0x80;
	s13 =	simm.s32 $0x10;
	v13 =	vperm.xlane v8, v5;
	v12 =	vperm.xlane v8, v6;
	[tilespmem:s11+$0x30] =	vst v14  }
.LBB2_30:
0x270: {  	p0 =	sne.s32 s12, $0x6FC0;
	[tilespmem:s11+$0xFFFFFFC0] =	vst v9;
	v14 =	vperm.xlane v8, v4;
	v15 =	vperm.xlane v8, v63;
	v8 =	vld [tilespmem:s13+$0xD00]  }
0x271: {  	[tilespmem:s11+$0xFFFFFFD0] =	vst v11  }
0x272: {  	[tilespmem:s11+$0xFFFFFFE0] =	vst v10  }
.Ltmp14:
0x273: {  	[tilespmem:s11+$0xFFFFFFF0] =	vst v13;
	(pc) =	sbr.rel @p0 .LBB2_30-.Ltmp14, $4  }
0x274: {  	[tilespmem:s11+$0x0] =	vst v12  }
0x275: {  	v9 =	vperm.xlane v8, v3;
	v16 =	vperm.xlane v8, v7;
	[tilespmem:s11+$0x10] =	vst v14  }
0x276: {  	v11 =	vperm.xlane v8, v1;
	v10 =	vperm.xlane v8, v2;
	[tilespmem:s11+$0x20] =	vst v15;
	s11 =	sadd.s32 $0x80, s11  }
0x277: {  	s13 =	sshra.s32 s12, $0x2;
	s12 =	sadd.s32 $0x40, s12;
	v13 =	vperm.xlane v8, v5;
	v12 =	vperm.xlane v8, v6;
	[tilespmem:s11+$0x30] =	vst v16  }
0x278: {  	v14 =	vld [tilespmem:s13+$0xD00];
	[tilespmem:s11+$0xFFFFFFC0] =	vst v9  }
0x279: {  	[tilespmem:s11+$0xFFFFFFD0] =	vst v11  }
0x27a: {  	[tilespmem:s11+$0xFFFFFFE0] =	vst v10  }
0x27b: {  	v9 =	vperm.xlane v8, v4;
	[tilespmem:s11+$0xFFFFFFF0] =	vst v13  }
0x27c: {  	v8 =	vperm.xlane v8, v63;
	[tilespmem:s11+$0x0] =	vst v12  }
0x27d: {  	[tilespmem:s11+$0x10] =	vst v9;
	v7 =	vperm.xlane v14, v7  }
0x27e: {  	s13 =	sadd.s32 $0x80, s11;
	[tilespmem:s11+$0x20] =	vst v8;
	v3 =	vperm.xlane v14, v3  }
0x27f: {  	v1 =	vperm.xlane v14, v1;
	[tilespmem:s13+$0x30] =	vst v7  }
0x280: {  	v2 =	vperm.xlane v14, v2;
	[tilespmem:s13+$0xFFFFFFC0] =	vst v3  }
0x281: {  	v3 =	vperm.xlane v14, v5;
	[tilespmem:s13+$0xFFFFFFD0] =	vst v1  }
0x282: {  	v1 =	vperm.xlane v14, v6;
	[tilespmem:s13+$0xFFFFFFE0] =	vst v2  }
0x283: {  	v2 =	vperm.xlane v14, v4;
	[tilespmem:s13+$0xFFFFFFF0] =	vst v3  }
0x284: {  	v3 =	vperm.xlane v14, v63;
	[tilespmem:s13+$0x0] =	vst v1  }
0x285: {  	[tilespmem:s13+$0x10] =	vst v2  }
0x286: {  	v1 =	vadd.s32 $0xF, v0;
	[tilespmem:s13+$0x20] =	vst v3  }
0x287: {  	v2 =	vadd.s32 $0x1AF, v0;
	[hbm4b:s19+s3] =	stream.strided.scatter [tilespmem:s6], [sflag:$0x1], $0xE000, s5, s3, $0x38;
	[tilespmem:$0x1E900] =	vst v63  }
0x288: {  	v3 =	vadd.s32 $0x34F, v0;
	_ =	swait.ge [sflag:s9], $0xE000  }
0x289: {  	v5 =	vadd.s32 $0x4EF, v0;
	[sflag:s9] =	ssyncset.done $0x0  }
0x28a: {  	s14 =	simm.s32 $0x0;
	v6 =	vadd.s32 $0xB6F, v0;
	[sflag:s9] =	ssyncadd.s32 $0xFFFF2000  }
0x28b: {  	v4 =	vld.idx.msk [tilespmem:v1+s14+$0x0], $0xffff  }
0x28c: {  	v8 =	vadd.s32 $0x68F, v0;
	v1 =	vld.idx.msk [tilespmem:v2+s14+$0x0], $0xffff  }
0x28d: {  	v2 =	vld.idx.msk [tilespmem:v3+s14+$0x0], $0xffff;
	v3 =	vadd.s32 $0x82F, v0  }
0x28e: {  	v9 =	vadd.s32 $0x9CF, v0;
	v63 =	vld.idx.msk [tilespmem:v5+s14+$0x0], $0xffff  }
0x28f: {  	s12 =	simm.s32 $0xD00;
	v7 =	vld.idx.msk [tilespmem:v6+s14+$0x0], $0xffff  }
0x290: {  	v13 =	vld [tilespmem:s12+$0x0]  }
0x291: {  	v6 =	vld.idx.msk [tilespmem:v8+s14+$0x0], $0xffff  }
0x292: {  	v5 =	vld.idx.msk [tilespmem:v3+s14+$0x0], $0xffff  }
0x293: {  	v3 =	vld.idx.msk [tilespmem:v9+s14+$0x0], $0xffff;
	_ =	sdelay $0x1  }
0x294: {  	v14 =	vperm.xlane v13, v4;
	v8 =	vperm.xlane v13, v7  }
0x295: {  	s11 =	simm.s32 $0x0;
	v10 =	vperm.xlane v13, v1;
	v9 =	vperm.xlane v13, v2  }
0x296: {  	s13 =	simm.s32 $0xD10;
	v12 =	vperm.xlane v13, v63;
	v11 =	vperm.xlane v13, v6;
	[tilespmem:s11+$0x10970] =	vst v8  }
0x297: {  	s12 =	simm.s32 $0x200;
	s14 =	simm.s32 $0x400;
	v8 =	vld [tilespmem:s13+$0x0];
	[tilespmem:s11+$0x10900] =	vst v14;
	v14 =	vperm.xlane v13, v5;
	v13 =	vperm.xlane v13, v3  }
.LBB2_32:
0x298: {  	p0 =	sne.s32 s14, $0x37E00;
	[tilespmem:s11+$0x10910] =	vst v10  }
0x299: {  	[tilespmem:s11+$0x10920] =	vst v9  }
0x29a: {  	[tilespmem:s11+$0x10930] =	vst v12  }
.Ltmp15:
0x29b: {  	[tilespmem:s11+$0x10940] =	vst v11;
	(pc) =	sbr.rel @p0 .LBB2_32-.Ltmp15, $4  }
0x29c: {  	v15 =	vperm.xlane v8, v4;
	v16 =	vperm.xlane v8, v7;
	[tilespmem:s11+$0x10950] =	vst v14  }
0x29d: {  	v10 =	vperm.xlane v8, v1;
	v9 =	vperm.xlane v8, v2;
	[tilespmem:s11+$0x10960] =	vst v13;
	s11 =	sshra.s32 s12, $0x2;
	s12 =	smov.u32 s14  }
0x29e: {  	s13 =	sadd.s32 $0x10, s13;
	v12 =	vperm.xlane v8, v63;
	v11 =	vperm.xlane v8, v6;
	[tilespmem:s11+$0x10970] =	vst v16  }
0x29f: {  	v14 =	vperm.xlane v8, v5;
	s14 =	sadd.s32 $0x200, s14;
	v13 =	vperm.xlane v8, v3;
	[tilespmem:s11+$0x10900] =	vst v15;
	v8 =	vld [tilespmem:s13+$0x0]  }
0x2a0: {  	[tilespmem:s11+$0x10910] =	vst v10  }
0x2a1: {  	[tilespmem:s11+$0x10920] =	vst v9  }
0x2a2: {  	[tilespmem:s11+$0x10930] =	vst v12  }
0x2a3: {  	[tilespmem:s11+$0x10940] =	vst v11  }
0x2a4: {  	[tilespmem:s11+$0x10950] =	vst v14;
	v7 =	vperm.xlane v8, v7  }
0x2a5: {  	s12 =	sshra.s32 s12, $0x2;
	[tilespmem:s11+$0x10960] =	vst v13;
	v4 =	vperm.xlane v8, v4  }
0x2a6: {  	v1 =	vperm.xlane v8, v1;
	[tilespmem:s12+$0x10970] =	vst v7  }
0x2a7: {  	v2 =	vperm.xlane v8, v2;
	[tilespmem:s12+$0x10900] =	vst v4  }
0x2a8: {  	v3 =	vperm.xlane v8, v3;
	[tilespmem:s12+$0x10910] =	vst v1  }
0x2a9: {  	v4 =	vperm.xlane v8, v63;
	[tilespmem:s12+$0x10920] =	vst v2  }
0x2aa: {  	v1 =	vperm.xlane v8, v6;
	[tilespmem:s12+$0x10960] =	vst v3  }
0x2ab: {  	v2 =	vperm.xlane v8, v5;
	[tilespmem:s12+$0x10930] =	vst v4  }
0x2ac: {  	[tilespmem:s12+$0x10940] =	vst v1  }
0x2ad: {  	[tilespmem:s12+$0x10950] =	vst v2;
	v1 =	vadd.s32 $0x10, v0  }
0x2ae: {  	v2 =	vadd.s32 $0x1B0, v0;
	[hbm4b:s20+s3] =	stream.strided.scatter [tilespmem:s7], [sflag:$0x2], $0xE000, s5, s3, $0x38;
	[tilespmem:$0x1E900] =	vst v63  }
0x2af: {  	v4 =	vadd.s32 $0x350, v0;
	_ =	swait.ge [sflag:s8], $0xE000  }
0x2b0: {  	v5 =	vadd.s32 $0xB70, v0;
	[sflag:s8] =	ssyncset.done $0x0  }
0x2b1: {  	s13 =	simm.s32 $0x0;
	[sflag:s8] =	ssyncadd.s32 $0xFFFF2000  }
0x2b2: {  	v6 =	vadd.s32 $0x4F0, v0;
	v3 =	vld.idx.msk [tilespmem:v1+s13+$0x0], $0xffff  }
0x2b3: {  	v9 =	vadd.s32 $0x690, v0;
	v1 =	vld.idx.msk [tilespmem:v2+s13+$0x0], $0xffff  }
0x2b4: {  	v10 =	vadd.s32 $0x9D0, v0;
	v2 =	vld.idx.msk [tilespmem:v4+s13+$0x0], $0xffff  }
0x2b5: {  	s14 =	simm.s32 $0x0;
	v7 =	vld.idx.msk [tilespmem:v5+s13+$0x0], $0xffff;
	v4 =	vadd.s32 $0x830, v0  }
0x2b6: {  	v8 =	vld [tilespmem:s14+$0xD00]  }
0x2b7: {  	v5 =	vld.idx.msk [tilespmem:v6+s13+$0x0], $0xffff  }
0x2b8: {  	v6 =	vld.idx.msk [tilespmem:v9+s13+$0x0], $0xffff  }
0x2b9: {  	v63 =	vld.idx.msk [tilespmem:v10+s13+$0x0], $0xffff  }
0x2ba: {  	v4 =	vld.idx.msk [tilespmem:v4+s13+$0x0], $0xffff;
	_ =	sdelay $0x1  }
0x2bb: {  	v9 =	vperm.xlane v8, v3;
	v14 =	vperm.xlane v8, v7  }
0x2bc: {  	s11 =	simm.s32 $0x2940;
	v11 =	vperm.xlane v8, v1;
	v10 =	vperm.xlane v8, v2  }
0x2bd: {  	s12 =	simm.s32 $0x80;
	s13 =	simm.s32 $0x10;
	v13 =	vperm.xlane v8, v5;
	v12 =	vperm.xlane v8, v6;
	[tilespmem:s11+$0x30] =	vst v14  }
.LBB2_34:
0x2be: {  	p0 =	sne.s32 s12, $0x6FC0;
	[tilespmem:s11+$0xFFFFFFC0] =	vst v9;
	v14 =	vperm.xlane v8, v4;
	v15 =	vperm.xlane v8, v63;
	v8 =	vld [tilespmem:s13+$0xD00]  }
0x2bf: {  	[tilespmem:s11+$0xFFFFFFD0] =	vst v11  }
0x2c0: {  	[tilespmem:s11+$0xFFFFFFE0] =	vst v10  }
.Ltmp16:
0x2c1: {  	[tilespmem:s11+$0xFFFFFFF0] =	vst v13;
	(pc) =	sbr.rel @p0 .LBB2_34-.Ltmp16, $4  }
0x2c2: {  	[tilespmem:s11+$0x0] =	vst v12  }
0x2c3: {  	v9 =	vperm.xlane v8, v3;
	v16 =	vperm.xlane v8, v7;
	[tilespmem:s11+$0x10] =	vst v14  }
0x2c4: {  	v11 =	vperm.xlane v8, v1;
	v10 =	vperm.xlane v8, v2;
	[tilespmem:s11+$0x20] =	vst v15;
	s11 =	sadd.s32 $0x80, s11  }
0x2c5: {  	s13 =	sshra.s32 s12, $0x2;
	s12 =	sadd.s32 $0x40, s12;
	v13 =	vperm.xlane v8, v5;
	v12 =	vperm.xlane v8, v6;
	[tilespmem:s11+$0x30] =	vst v16  }
0x2c6: {  	v14 =	vld [tilespmem:s13+$0xD00];
	[tilespmem:s11+$0xFFFFFFC0] =	vst v9  }
0x2c7: {  	[tilespmem:s11+$0xFFFFFFD0] =	vst v11  }
0x2c8: {  	[tilespmem:s11+$0xFFFFFFE0] =	vst v10  }
0x2c9: {  	v9 =	vperm.xlane v8, v4;
	[tilespmem:s11+$0xFFFFFFF0] =	vst v13  }
0x2ca: {  	v8 =	vperm.xlane v8, v63;
	[tilespmem:s11+$0x0] =	vst v12  }
0x2cb: {  	[tilespmem:s11+$0x10] =	vst v9;
	v7 =	vperm.xlane v14, v7  }
0x2cc: {  	s13 =	sadd.s32 $0x80, s11;
	[tilespmem:s11+$0x20] =	vst v8;
	v3 =	vperm.xlane v14, v3  }
0x2cd: {  	v1 =	vperm.xlane v14, v1;
	[tilespmem:s13+$0x30] =	vst v7  }
0x2ce: {  	v2 =	vperm.xlane v14, v2;
	[tilespmem:s13+$0xFFFFFFC0] =	vst v3  }
0x2cf: {  	v3 =	vperm.xlane v14, v5;
	[tilespmem:s13+$0xFFFFFFD0] =	vst v1  }
0x2d0: {  	v1 =	vperm.xlane v14, v6;
	[tilespmem:s13+$0xFFFFFFE0] =	vst v2  }
0x2d1: {  	v2 =	vperm.xlane v14, v4;
	[tilespmem:s13+$0xFFFFFFF0] =	vst v3  }
0x2d2: {  	v3 =	vperm.xlane v14, v63;
	[tilespmem:s13+$0x0] =	vst v1  }
0x2d3: {  	[tilespmem:s13+$0x10] =	vst v2  }
0x2d4: {  	v1 =	vadd.s32 $0x11, v0;
	[tilespmem:s13+$0x20] =	vst v3  }
0x2d5: {  	v2 =	vadd.s32 $0x1B1, v0;
	[hbm4b:s21+s3] =	stream.strided.scatter [tilespmem:s6], [sflag:$0x1], $0xE000, s5, s3, $0x38;
	[tilespmem:$0x1E900] =	vst v63  }
0x2d6: {  	v3 =	vadd.s32 $0x351, v0;
	_ =	swait.ge [sflag:s9], $0xE000  }
0x2d7: {  	v5 =	vadd.s32 $0x4F1, v0;
	[sflag:s9] =	ssyncset.done $0x0  }
0x2d8: {  	s14 =	simm.s32 $0x0;
	v6 =	vadd.s32 $0xB71, v0;
	[sflag:s9] =	ssyncadd.s32 $0xFFFF2000  }
0x2d9: {  	v4 =	vld.idx.msk [tilespmem:v1+s14+$0x0], $0xffff  }
0x2da: {  	v8 =	vadd.s32 $0x691, v0;
	v1 =	vld.idx.msk [tilespmem:v2+s14+$0x0], $0xffff  }
0x2db: {  	v2 =	vld.idx.msk [tilespmem:v3+s14+$0x0], $0xffff;
	v3 =	vadd.s32 $0x831, v0  }
0x2dc: {  	v9 =	vadd.s32 $0x9D1, v0;
	v63 =	vld.idx.msk [tilespmem:v5+s14+$0x0], $0xffff  }
0x2dd: {  	s12 =	simm.s32 $0xD00;
	v7 =	vld.idx.msk [tilespmem:v6+s14+$0x0], $0xffff  }
0x2de: {  	v13 =	vld [tilespmem:s12+$0x0]  }
0x2df: {  	v6 =	vld.idx.msk [tilespmem:v8+s14+$0x0], $0xffff  }
0x2e0: {  	v5 =	vld.idx.msk [tilespmem:v3+s14+$0x0], $0xffff  }
0x2e1: {  	v3 =	vld.idx.msk [tilespmem:v9+s14+$0x0], $0xffff;
	_ =	sdelay $0x1  }
0x2e2: {  	v14 =	vperm.xlane v13, v4;
	v8 =	vperm.xlane v13, v7  }
0x2e3: {  	s11 =	simm.s32 $0x0;
	v10 =	vperm.xlane v13, v1;
	v9 =	vperm.xlane v13, v2  }
0x2e4: {  	s13 =	simm.s32 $0xD10;
	v12 =	vperm.xlane v13, v63;
	v11 =	vperm.xlane v13, v6;
	[tilespmem:s11+$0x10970] =	vst v8  }
0x2e5: {  	s12 =	simm.s32 $0x200;
	s14 =	simm.s32 $0x400;
	v8 =	vld [tilespmem:s13+$0x0];
	[tilespmem:s11+$0x10900] =	vst v14;
	v14 =	vperm.xlane v13, v5;
	v13 =	vperm.xlane v13, v3  }
.LBB2_36:
0x2e6: {  	p0 =	sne.s32 s14, $0x37E00;
	[tilespmem:s11+$0x10910] =	vst v10  }
0x2e7: {  	[tilespmem:s11+$0x10920] =	vst v9  }
0x2e8: {  	[tilespmem:s11+$0x10930] =	vst v12  }
.Ltmp17:
0x2e9: {  	[tilespmem:s11+$0x10940] =	vst v11;
	(pc) =	sbr.rel @p0 .LBB2_36-.Ltmp17, $4  }
0x2ea: {  	v15 =	vperm.xlane v8, v4;
	v16 =	vperm.xlane v8, v7;
	[tilespmem:s11+$0x10950] =	vst v14  }
0x2eb: {  	v10 =	vperm.xlane v8, v1;
	v9 =	vperm.xlane v8, v2;
	[tilespmem:s11+$0x10960] =	vst v13;
	s11 =	sshra.s32 s12, $0x2;
	s12 =	smov.u32 s14  }
0x2ec: {  	s13 =	sadd.s32 $0x10, s13;
	v12 =	vperm.xlane v8, v63;
	v11 =	vperm.xlane v8, v6;
	[tilespmem:s11+$0x10970] =	vst v16  }
0x2ed: {  	v14 =	vperm.xlane v8, v5;
	s14 =	sadd.s32 $0x200, s14;
	v13 =	vperm.xlane v8, v3;
	[tilespmem:s11+$0x10900] =	vst v15;
	v8 =	vld [tilespmem:s13+$0x0]  }
0x2ee: {  	[tilespmem:s11+$0x10910] =	vst v10  }
0x2ef: {  	[tilespmem:s11+$0x10920] =	vst v9  }
0x2f0: {  	[tilespmem:s11+$0x10930] =	vst v12  }
0x2f1: {  	[tilespmem:s11+$0x10940] =	vst v11  }
0x2f2: {  	[tilespmem:s11+$0x10950] =	vst v14;
	v7 =	vperm.xlane v8, v7  }
0x2f3: {  	s12 =	sshra.s32 s12, $0x2;
	[tilespmem:s11+$0x10960] =	vst v13;
	v4 =	vperm.xlane v8, v4  }
0x2f4: {  	v1 =	vperm.xlane v8, v1;
	[tilespmem:s12+$0x10970] =	vst v7  }
0x2f5: {  	v2 =	vperm.xlane v8, v2;
	[tilespmem:s12+$0x10900] =	vst v4  }
0x2f6: {  	v3 =	vperm.xlane v8, v3;
	[tilespmem:s12+$0x10910] =	vst v1  }
0x2f7: {  	v4 =	vperm.xlane v8, v63;
	[tilespmem:s12+$0x10920] =	vst v2  }
0x2f8: {  	v1 =	vperm.xlane v8, v6;
	[tilespmem:s12+$0x10960] =	vst v3  }
0x2f9: {  	v2 =	vperm.xlane v8, v5;
	[tilespmem:s12+$0x10930] =	vst v4  }
0x2fa: {  	[tilespmem:s12+$0x10940] =	vst v1  }
0x2fb: {  	[tilespmem:s12+$0x10950] =	vst v2;
	v1 =	vadd.s32 $0x12, v0  }
0x2fc: {  	v2 =	vadd.s32 $0x1B2, v0;
	[hbm4b:s22+s3] =	stream.strided.scatter [tilespmem:s7], [sflag:$0x2], $0xE000, s5, s3, $0x38;
	[tilespmem:$0x1E900] =	vst v63  }
0x2fd: {  	v4 =	vadd.s32 $0x352, v0;
	_ =	swait.ge [sflag:s8], $0xE000  }
0x2fe: {  	v5 =	vadd.s32 $0xB72, v0;
	[sflag:s8] =	ssyncset.done $0x0  }
0x2ff: {  	s13 =	simm.s32 $0x0;
	[sflag:s8] =	ssyncadd.s32 $0xFFFF2000  }
0x300: {  	v6 =	vadd.s32 $0x4F2, v0;
	v3 =	vld.idx.msk [tilespmem:v1+s13+$0x0], $0xffff  }
0x301: {  	v9 =	vadd.s32 $0x692, v0;
	v1 =	vld.idx.msk [tilespmem:v2+s13+$0x0], $0xffff  }
0x302: {  	v10 =	vadd.s32 $0x9D2, v0;
	v2 =	vld.idx.msk [tilespmem:v4+s13+$0x0], $0xffff  }
0x303: {  	s14 =	simm.s32 $0x0;
	v7 =	vld.idx.msk [tilespmem:v5+s13+$0x0], $0xffff;
	v4 =	vadd.s32 $0x832, v0  }
0x304: {  	v8 =	vld [tilespmem:s14+$0xD00]  }
0x305: {  	v5 =	vld.idx.msk [tilespmem:v6+s13+$0x0], $0xffff  }
0x306: {  	v6 =	vld.idx.msk [tilespmem:v9+s13+$0x0], $0xffff  }
0x307: {  	v63 =	vld.idx.msk [tilespmem:v10+s13+$0x0], $0xffff  }
0x308: {  	v4 =	vld.idx.msk [tilespmem:v4+s13+$0x0], $0xffff;
	_ =	sdelay $0x1  }
0x309: {  	v9 =	vperm.xlane v8, v3;
	v14 =	vperm.xlane v8, v7  }
0x30a: {  	s11 =	simm.s32 $0x2940;
	v11 =	vperm.xlane v8, v1;
	v10 =	vperm.xlane v8, v2  }
0x30b: {  	s12 =	simm.s32 $0x80;
	s13 =	simm.s32 $0x10;
	v13 =	vperm.xlane v8, v5;
	v12 =	vperm.xlane v8, v6;
	[tilespmem:s11+$0x30] =	vst v14  }
.LBB2_38:
0x30c: {  	p0 =	sne.s32 s12, $0x6FC0;
	[tilespmem:s11+$0xFFFFFFC0] =	vst v9;
	v14 =	vperm.xlane v8, v4;
	v15 =	vperm.xlane v8, v63;
	v8 =	vld [tilespmem:s13+$0xD00]  }
0x30d: {  	[tilespmem:s11+$0xFFFFFFD0] =	vst v11  }
0x30e: {  	[tilespmem:s11+$0xFFFFFFE0] =	vst v10  }
.Ltmp18:
0x30f: {  	[tilespmem:s11+$0xFFFFFFF0] =	vst v13;
	(pc) =	sbr.rel @p0 .LBB2_38-.Ltmp18, $4  }
0x310: {  	[tilespmem:s11+$0x0] =	vst v12  }
0x311: {  	v9 =	vperm.xlane v8, v3;
	v16 =	vperm.xlane v8, v7;
	[tilespmem:s11+$0x10] =	vst v14  }
0x312: {  	v11 =	vperm.xlane v8, v1;
	v10 =	vperm.xlane v8, v2;
	[tilespmem:s11+$0x20] =	vst v15;
	s11 =	sadd.s32 $0x80, s11  }
0x313: {  	s13 =	sshra.s32 s12, $0x2;
	s12 =	sadd.s32 $0x40, s12;
	v13 =	vperm.xlane v8, v5;
	v12 =	vperm.xlane v8, v6;
	[tilespmem:s11+$0x30] =	vst v16  }
0x314: {  	v14 =	vld [tilespmem:s13+$0xD00];
	[tilespmem:s11+$0xFFFFFFC0] =	vst v9  }
0x315: {  	[tilespmem:s11+$0xFFFFFFD0] =	vst v11  }
0x316: {  	[tilespmem:s11+$0xFFFFFFE0] =	vst v10  }
0x317: {  	v9 =	vperm.xlane v8, v4;
	[tilespmem:s11+$0xFFFFFFF0] =	vst v13  }
0x318: {  	v8 =	vperm.xlane v8, v63;
	[tilespmem:s11+$0x0] =	vst v12  }
0x319: {  	[tilespmem:s11+$0x10] =	vst v9;
	v7 =	vperm.xlane v14, v7  }
0x31a: {  	s13 =	sadd.s32 $0x80, s11;
	[tilespmem:s11+$0x20] =	vst v8;
	v3 =	vperm.xlane v14, v3  }
0x31b: {  	v1 =	vperm.xlane v14, v1;
	[tilespmem:s13+$0x30] =	vst v7  }
0x31c: {  	v2 =	vperm.xlane v14, v2;
	[tilespmem:s13+$0xFFFFFFC0] =	vst v3  }
0x31d: {  	v3 =	vperm.xlane v14, v5;
	[tilespmem:s13+$0xFFFFFFD0] =	vst v1  }
0x31e: {  	v1 =	vperm.xlane v14, v6;
	[tilespmem:s13+$0xFFFFFFE0] =	vst v2  }
0x31f: {  	v2 =	vperm.xlane v14, v4;
	[tilespmem:s13+$0xFFFFFFF0] =	vst v3  }
0x320: {  	v3 =	vperm.xlane v14, v63;
	[tilespmem:s13+$0x0] =	vst v1  }
0x321: {  	[tilespmem:s13+$0x10] =	vst v2  }
0x322: {  	v1 =	vadd.s32 $0x13, v0;
	[tilespmem:s13+$0x20] =	vst v3  }
0x323: {  	v2 =	vadd.s32 $0x1B3, v0;
	[hbm4b:s23+s3] =	stream.strided.scatter [tilespmem:s6], [sflag:$0x1], $0xE000, s5, s3, $0x38;
	[tilespmem:$0x1E900] =	vst v63  }
0x324: {  	v3 =	vadd.s32 $0x353, v0;
	_ =	swait.ge [sflag:s9], $0xE000  }
0x325: {  	v5 =	vadd.s32 $0x4F3, v0;
	[sflag:s9] =	ssyncset.done $0x0  }
0x326: {  	s14 =	simm.s32 $0x0;
	v6 =	vadd.s32 $0xB73, v0;
	[sflag:s9] =	ssyncadd.s32 $0xFFFF2000  }
0x327: {  	v4 =	vld.idx.msk [tilespmem:v1+s14+$0x0], $0xffff  }
0x328: {  	v8 =	vadd.s32 $0x693, v0;
	v1 =	vld.idx.msk [tilespmem:v2+s14+$0x0], $0xffff  }
0x329: {  	v2 =	vld.idx.msk [tilespmem:v3+s14+$0x0], $0xffff;
	v3 =	vadd.s32 $0x833, v0  }
0x32a: {  	v9 =	vadd.s32 $0x9D3, v0;
	v63 =	vld.idx.msk [tilespmem:v5+s14+$0x0], $0xffff  }
0x32b: {  	s12 =	simm.s32 $0xD00;
	v7 =	vld.idx.msk [tilespmem:v6+s14+$0x0], $0xffff  }
0x32c: {  	v13 =	vld [tilespmem:s12+$0x0]  }
0x32d: {  	v6 =	vld.idx.msk [tilespmem:v8+s14+$0x0], $0xffff  }
0x32e: {  	v5 =	vld.idx.msk [tilespmem:v3+s14+$0x0], $0xffff  }
0x32f: {  	v3 =	vld.idx.msk [tilespmem:v9+s14+$0x0], $0xffff;
	_ =	sdelay $0x1  }
0x330: {  	v14 =	vperm.xlane v13, v4;
	v8 =	vperm.xlane v13, v7  }
0x331: {  	s11 =	simm.s32 $0x0;
	v10 =	vperm.xlane v13, v1;
	v9 =	vperm.xlane v13, v2  }
0x332: {  	s13 =	simm.s32 $0xD10;
	v12 =	vperm.xlane v13, v63;
	v11 =	vperm.xlane v13, v6;
	[tilespmem:s11+$0x10970] =	vst v8  }
0x333: {  	s12 =	simm.s32 $0x200;
	s14 =	simm.s32 $0x400;
	v8 =	vld [tilespmem:s13+$0x0];
	[tilespmem:s11+$0x10900] =	vst v14;
	v14 =	vperm.xlane v13, v5;
	v13 =	vperm.xlane v13, v3  }
.LBB2_40:
0x334: {  	p0 =	sne.s32 s14, $0x37E00;
	[tilespmem:s11+$0x10910] =	vst v10  }
0x335: {  	[tilespmem:s11+$0x10920] =	vst v9  }
0x336: {  	[tilespmem:s11+$0x10930] =	vst v12  }
.Ltmp19:
0x337: {  	[tilespmem:s11+$0x10940] =	vst v11;
	(pc) =	sbr.rel @p0 .LBB2_40-.Ltmp19, $4  }
0x338: {  	v15 =	vperm.xlane v8, v4;
	v16 =	vperm.xlane v8, v7;
	[tilespmem:s11+$0x10950] =	vst v14  }
0x339: {  	v10 =	vperm.xlane v8, v1;
	v9 =	vperm.xlane v8, v2;
	[tilespmem:s11+$0x10960] =	vst v13;
	s11 =	sshra.s32 s12, $0x2;
	s12 =	smov.u32 s14  }
0x33a: {  	s13 =	sadd.s32 $0x10, s13;
	v12 =	vperm.xlane v8, v63;
	v11 =	vperm.xlane v8, v6;
	[tilespmem:s11+$0x10970] =	vst v16  }
0x33b: {  	v14 =	vperm.xlane v8, v5;
	s14 =	sadd.s32 $0x200, s14;
	v13 =	vperm.xlane v8, v3;
	[tilespmem:s11+$0x10900] =	vst v15;
	v8 =	vld [tilespmem:s13+$0x0]  }
0x33c: {  	[tilespmem:s11+$0x10910] =	vst v10  }
0x33d: {  	[tilespmem:s11+$0x10920] =	vst v9  }
0x33e: {  	[tilespmem:s11+$0x10930] =	vst v12  }
0x33f: {  	[tilespmem:s11+$0x10940] =	vst v11  }
0x340: {  	[tilespmem:s11+$0x10950] =	vst v14;
	v7 =	vperm.xlane v8, v7  }
0x341: {  	s12 =	sshra.s32 s12, $0x2;
	[tilespmem:s11+$0x10960] =	vst v13;
	v4 =	vperm.xlane v8, v4  }
0x342: {  	v1 =	vperm.xlane v8, v1;
	[tilespmem:s12+$0x10970] =	vst v7  }
0x343: {  	v2 =	vperm.xlane v8, v2;
	[tilespmem:s12+$0x10900] =	vst v4  }
0x344: {  	v3 =	vperm.xlane v8, v3;
	[tilespmem:s12+$0x10910] =	vst v1  }
0x345: {  	v4 =	vperm.xlane v8, v63;
	[tilespmem:s12+$0x10920] =	vst v2  }
0x346: {  	v1 =	vperm.xlane v8, v6;
	[tilespmem:s12+$0x10960] =	vst v3  }
0x347: {  	v2 =	vperm.xlane v8, v5;
	[tilespmem:s12+$0x10930] =	vst v4  }
0x348: {  	[tilespmem:s12+$0x10940] =	vst v1  }
0x349: {  	[tilespmem:s12+$0x10950] =	vst v2;
	v1 =	vadd.s32 $0x14, v0  }
0x34a: {  	v2 =	vadd.s32 $0x1B4, v0;
	[hbm4b:s24+s3] =	stream.strided.scatter [tilespmem:s7], [sflag:$0x2], $0xE000, s5, s3, $0x38;
	[tilespmem:$0x1E900] =	vst v63  }
0x34b: {  	v4 =	vadd.s32 $0x354, v0;
	_ =	swait.ge [sflag:s8], $0xE000  }
0x34c: {  	v5 =	vadd.s32 $0xB74, v0;
	[sflag:s8] =	ssyncset.done $0x0  }
0x34d: {  	s13 =	simm.s32 $0x0;
	[sflag:s8] =	ssyncadd.s32 $0xFFFF2000  }
0x34e: {  	v6 =	vadd.s32 $0x4F4, v0;
	v3 =	vld.idx.msk [tilespmem:v1+s13+$0x0], $0xffff  }
0x34f: {  	v9 =	vadd.s32 $0x694, v0;
	v1 =	vld.idx.msk [tilespmem:v2+s13+$0x0], $0xffff  }
0x350: {  	v10 =	vadd.s32 $0x9D4, v0;
	v2 =	vld.idx.msk [tilespmem:v4+s13+$0x0], $0xffff  }
0x351: {  	s14 =	simm.s32 $0x0;
	v7 =	vld.idx.msk [tilespmem:v5+s13+$0x0], $0xffff;
	v4 =	vadd.s32 $0x834, v0  }
0x352: {  	v8 =	vld [tilespmem:s14+$0xD00]  }
0x353: {  	v5 =	vld.idx.msk [tilespmem:v6+s13+$0x0], $0xffff  }
0x354: {  	v6 =	vld.idx.msk [tilespmem:v9+s13+$0x0], $0xffff  }
0x355: {  	v63 =	vld.idx.msk [tilespmem:v10+s13+$0x0], $0xffff  }
0x356: {  	v4 =	vld.idx.msk [tilespmem:v4+s13+$0x0], $0xffff;
	_ =	sdelay $0x1  }
0x357: {  	v9 =	vperm.xlane v8, v3;
	v14 =	vperm.xlane v8, v7  }
0x358: {  	s11 =	simm.s32 $0x2940;
	v11 =	vperm.xlane v8, v1;
	v10 =	vperm.xlane v8, v2  }
0x359: {  	s12 =	simm.s32 $0x80;
	s13 =	simm.s32 $0x10;
	v13 =	vperm.xlane v8, v5;
	v12 =	vperm.xlane v8, v6;
	[tilespmem:s11+$0x30] =	vst v14  }
.LBB2_42:
0x35a: {  	p0 =	sne.s32 s12, $0x6FC0;
	[tilespmem:s11+$0xFFFFFFC0] =	vst v9;
	v14 =	vperm.xlane v8, v4;
	v15 =	vperm.xlane v8, v63;
	v8 =	vld [tilespmem:s13+$0xD00]  }
0x35b: {  	[tilespmem:s11+$0xFFFFFFD0] =	vst v11  }
0x35c: {  	[tilespmem:s11+$0xFFFFFFE0] =	vst v10  }
.Ltmp20:
0x35d: {  	[tilespmem:s11+$0xFFFFFFF0] =	vst v13;
	(pc) =	sbr.rel @p0 .LBB2_42-.Ltmp20, $4  }
0x35e: {  	[tilespmem:s11+$0x0] =	vst v12  }
0x35f: {  	v9 =	vperm.xlane v8, v3;
	v16 =	vperm.xlane v8, v7;
	[tilespmem:s11+$0x10] =	vst v14  }
0x360: {  	v11 =	vperm.xlane v8, v1;
	v10 =	vperm.xlane v8, v2;
	[tilespmem:s11+$0x20] =	vst v15;
	s11 =	sadd.s32 $0x80, s11  }
0x361: {  	s13 =	sshra.s32 s12, $0x2;
	s12 =	sadd.s32 $0x40, s12;
	v13 =	vperm.xlane v8, v5;
	v12 =	vperm.xlane v8, v6;
	[tilespmem:s11+$0x30] =	vst v16  }
0x362: {  	v14 =	vld [tilespmem:s13+$0xD00];
	[tilespmem:s11+$0xFFFFFFC0] =	vst v9  }
0x363: {  	[tilespmem:s11+$0xFFFFFFD0] =	vst v11  }
0x364: {  	[tilespmem:s11+$0xFFFFFFE0] =	vst v10  }
0x365: {  	v9 =	vperm.xlane v8, v4;
	[tilespmem:s11+$0xFFFFFFF0] =	vst v13  }
0x366: {  	v8 =	vperm.xlane v8, v63;
	[tilespmem:s11+$0x0] =	vst v12  }
0x367: {  	[tilespmem:s11+$0x10] =	vst v9;
	v7 =	vperm.xlane v14, v7  }
0x368: {  	s13 =	sadd.s32 $0x80, s11;
	[tilespmem:s11+$0x20] =	vst v8;
	v3 =	vperm.xlane v14, v3  }
0x369: {  	v1 =	vperm.xlane v14, v1;
	[tilespmem:s13+$0x30] =	vst v7  }
0x36a: {  	v2 =	vperm.xlane v14, v2;
	[tilespmem:s13+$0xFFFFFFC0] =	vst v3  }
0x36b: {  	v3 =	vperm.xlane v14, v5;
	[tilespmem:s13+$0xFFFFFFD0] =	vst v1  }
0x36c: {  	v1 =	vperm.xlane v14, v6;
	[tilespmem:s13+$0xFFFFFFE0] =	vst v2  }
0x36d: {  	v2 =	vperm.xlane v14, v4;
	[tilespmem:s13+$0xFFFFFFF0] =	vst v3  }
0x36e: {  	v3 =	vperm.xlane v14, v63;
	[tilespmem:s13+$0x0] =	vst v1  }
0x36f: {  	[tilespmem:s13+$0x10] =	vst v2  }
0x370: {  	v1 =	vadd.s32 $0x15, v0;
	[tilespmem:s13+$0x20] =	vst v3  }
0x371: {  	v2 =	vadd.s32 $0x1B5, v0;
	[hbm4b:s26+s3] =	stream.strided.scatter [tilespmem:s6], [sflag:$0x1], $0xE000, s5, s3, $0x38;
	[tilespmem:$0x1E900] =	vst v63  }
0x372: {  	v3 =	vadd.s32 $0x355, v0;
	_ =	swait.ge [sflag:s9], $0xE000  }
0x373: {  	v5 =	vadd.s32 $0x4F5, v0;
	[sflag:s9] =	ssyncset.done $0x0  }
0x374: {  	s14 =	simm.s32 $0x0;
	v6 =	vadd.s32 $0xB75, v0;
	[sflag:s9] =	ssyncadd.s32 $0xFFFF2000  }
0x375: {  	v4 =	vld.idx.msk [tilespmem:v1+s14+$0x0], $0xffff  }
0x376: {  	v8 =	vadd.s32 $0x695, v0;
	v1 =	vld.idx.msk [tilespmem:v2+s14+$0x0], $0xffff  }
0x377: {  	v2 =	vld.idx.msk [tilespmem:v3+s14+$0x0], $0xffff;
	v3 =	vadd.s32 $0x835, v0  }
0x378: {  	v9 =	vadd.s32 $0x9D5, v0;
	v63 =	vld.idx.msk [tilespmem:v5+s14+$0x0], $0xffff  }
0x379: {  	s12 =	simm.s32 $0xD00;
	v7 =	vld.idx.msk [tilespmem:v6+s14+$0x0], $0xffff  }
0x37a: {  	v13 =	vld [tilespmem:s12+$0x0]  }
0x37b: {  	v6 =	vld.idx.msk [tilespmem:v8+s14+$0x0], $0xffff  }
0x37c: {  	v5 =	vld.idx.msk [tilespmem:v3+s14+$0x0], $0xffff  }
0x37d: {  	v3 =	vld.idx.msk [tilespmem:v9+s14+$0x0], $0xffff;
	_ =	sdelay $0x1  }
0x37e: {  	v14 =	vperm.xlane v13, v4;
	v8 =	vperm.xlane v13, v7  }
0x37f: {  	s11 =	simm.s32 $0x0;
	v10 =	vperm.xlane v13, v1;
	v9 =	vperm.xlane v13, v2  }
0x380: {  	s13 =	simm.s32 $0xD10;
	v12 =	vperm.xlane v13, v63;
	v11 =	vperm.xlane v13, v6;
	[tilespmem:s11+$0x10970] =	vst v8  }
0x381: {  	s12 =	simm.s32 $0x200;
	s14 =	simm.s32 $0x400;
	v8 =	vld [tilespmem:s13+$0x0];
	[tilespmem:s11+$0x10900] =	vst v14;
	v14 =	vperm.xlane v13, v5;
	v13 =	vperm.xlane v13, v3  }
.LBB2_44:
0x382: {  	p0 =	sne.s32 s14, $0x37E00;
	[tilespmem:s11+$0x10910] =	vst v10  }
0x383: {  	[tilespmem:s11+$0x10920] =	vst v9  }
0x384: {  	[tilespmem:s11+$0x10930] =	vst v12  }
.Ltmp21:
0x385: {  	[tilespmem:s11+$0x10940] =	vst v11;
	(pc) =	sbr.rel @p0 .LBB2_44-.Ltmp21, $4  }
0x386: {  	v15 =	vperm.xlane v8, v4;
	v16 =	vperm.xlane v8, v7;
	[tilespmem:s11+$0x10950] =	vst v14  }
0x387: {  	v10 =	vperm.xlane v8, v1;
	v9 =	vperm.xlane v8, v2;
	[tilespmem:s11+$0x10960] =	vst v13;
	s11 =	sshra.s32 s12, $0x2;
	s12 =	smov.u32 s14  }
0x388: {  	s13 =	sadd.s32 $0x10, s13;
	v12 =	vperm.xlane v8, v63;
	v11 =	vperm.xlane v8, v6;
	[tilespmem:s11+$0x10970] =	vst v16  }
0x389: {  	v14 =	vperm.xlane v8, v5;
	s14 =	sadd.s32 $0x200, s14;
	v13 =	vperm.xlane v8, v3;
	[tilespmem:s11+$0x10900] =	vst v15;
	v8 =	vld [tilespmem:s13+$0x0]  }
0x38a: {  	[tilespmem:s11+$0x10910] =	vst v10  }
0x38b: {  	[tilespmem:s11+$0x10920] =	vst v9  }
0x38c: {  	[tilespmem:s11+$0x10930] =	vst v12  }
0x38d: {  	[tilespmem:s11+$0x10940] =	vst v11  }
0x38e: {  	[tilespmem:s11+$0x10950] =	vst v14;
	v7 =	vperm.xlane v8, v7  }
0x38f: {  	s12 =	sshra.s32 s12, $0x2;
	[tilespmem:s11+$0x10960] =	vst v13;
	v4 =	vperm.xlane v8, v4  }
0x390: {  	v1 =	vperm.xlane v8, v1;
	[tilespmem:s12+$0x10970] =	vst v7  }
0x391: {  	v2 =	vperm.xlane v8, v2;
	[tilespmem:s12+$0x10900] =	vst v4  }
0x392: {  	v3 =	vperm.xlane v8, v3;
	[tilespmem:s12+$0x10910] =	vst v1  }
0x393: {  	v4 =	vperm.xlane v8, v63;
	[tilespmem:s12+$0x10920] =	vst v2  }
0x394: {  	v1 =	vperm.xlane v8, v6;
	[tilespmem:s12+$0x10960] =	vst v3  }
0x395: {  	v2 =	vperm.xlane v8, v5;
	[tilespmem:s12+$0x10930] =	vst v4  }
0x396: {  	[tilespmem:s12+$0x10940] =	vst v1  }
0x397: {  	[tilespmem:s12+$0x10950] =	vst v2;
	v1 =	vadd.s32 $0x16, v0  }
0x398: {  	v2 =	vadd.s32 $0x1B6, v0;
	[hbm4b:s28+s3] =	stream.strided.scatter [tilespmem:s7], [sflag:$0x2], $0xE000, s5, s3, $0x38;
	[tilespmem:$0x1E900] =	vst v63  }
0x399: {  	v4 =	vadd.s32 $0x356, v0;
	_ =	swait.ge [sflag:s8], $0xE000  }
0x39a: {  	v5 =	vadd.s32 $0xB76, v0;
	[sflag:s8] =	ssyncset.done $0x0  }
0x39b: {  	s13 =	simm.s32 $0x0;
	[sflag:s8] =	ssyncadd.s32 $0xFFFF2000  }
0x39c: {  	v6 =	vadd.s32 $0x4F6, v0;
	v3 =	vld.idx.msk [tilespmem:v1+s13+$0x0], $0xffff  }
0x39d: {  	v9 =	vadd.s32 $0x696, v0;
	v1 =	vld.idx.msk [tilespmem:v2+s13+$0x0], $0xffff  }
0x39e: {  	v10 =	vadd.s32 $0x9D6, v0;
	v2 =	vld.idx.msk [tilespmem:v4+s13+$0x0], $0xffff  }
0x39f: {  	s14 =	simm.s32 $0x0;
	v7 =	vld.idx.msk [tilespmem:v5+s13+$0x0], $0xffff;
	v4 =	vadd.s32 $0x836, v0  }
0x3a0: {  	v8 =	vld [tilespmem:s14+$0xD00]  }
0x3a1: {  	v5 =	vld.idx.msk [tilespmem:v6+s13+$0x0], $0xffff  }
0x3a2: {  	v6 =	vld.idx.msk [tilespmem:v9+s13+$0x0], $0xffff  }
0x3a3: {  	v63 =	vld.idx.msk [tilespmem:v10+s13+$0x0], $0xffff  }
0x3a4: {  	v4 =	vld.idx.msk [tilespmem:v4+s13+$0x0], $0xffff;
	_ =	sdelay $0x1  }
0x3a5: {  	v9 =	vperm.xlane v8, v3;
	v14 =	vperm.xlane v8, v7  }
0x3a6: {  	s11 =	simm.s32 $0x2940;
	v11 =	vperm.xlane v8, v1;
	v10 =	vperm.xlane v8, v2  }
0x3a7: {  	s12 =	simm.s32 $0x80;
	s13 =	simm.s32 $0x10;
	v13 =	vperm.xlane v8, v5;
	v12 =	vperm.xlane v8, v6;
	[tilespmem:s11+$0x30] =	vst v14  }
.LBB2_46:
0x3a8: {  	p0 =	sne.s32 s12, $0x6FC0;
	[tilespmem:s11+$0xFFFFFFC0] =	vst v9;
	v14 =	vperm.xlane v8, v4;
	v15 =	vperm.xlane v8, v63;
	v8 =	vld [tilespmem:s13+$0xD00]  }
0x3a9: {  	[tilespmem:s11+$0xFFFFFFD0] =	vst v11  }
0x3aa: {  	[tilespmem:s11+$0xFFFFFFE0] =	vst v10  }
.Ltmp22:
0x3ab: {  	[tilespmem:s11+$0xFFFFFFF0] =	vst v13;
	(pc) =	sbr.rel @p0 .LBB2_46-.Ltmp22, $4  }
0x3ac: {  	[tilespmem:s11+$0x0] =	vst v12  }
0x3ad: {  	v9 =	vperm.xlane v8, v3;
	v16 =	vperm.xlane v8, v7;
	[tilespmem:s11+$0x10] =	vst v14  }
0x3ae: {  	v11 =	vperm.xlane v8, v1;
	v10 =	vperm.xlane v8, v2;
	[tilespmem:s11+$0x20] =	vst v15;
	s11 =	sadd.s32 $0x80, s11  }
0x3af: {  	s13 =	sshra.s32 s12, $0x2;
	s12 =	sadd.s32 $0x40, s12;
	v13 =	vperm.xlane v8, v5;
	v12 =	vperm.xlane v8, v6;
	[tilespmem:s11+$0x30] =	vst v16  }
0x3b0: {  	v14 =	vld [tilespmem:s13+$0xD00];
	[tilespmem:s11+$0xFFFFFFC0] =	vst v9  }
0x3b1: {  	[tilespmem:s11+$0xFFFFFFD0] =	vst v11  }
0x3b2: {  	[tilespmem:s11+$0xFFFFFFE0] =	vst v10  }
0x3b3: {  	v9 =	vperm.xlane v8, v4;
	[tilespmem:s11+$0xFFFFFFF0] =	vst v13  }
0x3b4: {  	v8 =	vperm.xlane v8, v63;
	[tilespmem:s11+$0x0] =	vst v12  }
0x3b5: {  	[tilespmem:s11+$0x10] =	vst v9;
	v7 =	vperm.xlane v14, v7  }
0x3b6: {  	s13 =	sadd.s32 $0x80, s11;
	[tilespmem:s11+$0x20] =	vst v8;
	v3 =	vperm.xlane v14, v3  }
0x3b7: {  	v1 =	vperm.xlane v14, v1;
	[tilespmem:s13+$0x30] =	vst v7  }
0x3b8: {  	v2 =	vperm.xlane v14, v2;
	[tilespmem:s13+$0xFFFFFFC0] =	vst v3  }
0x3b9: {  	v3 =	vperm.xlane v14, v5;
	[tilespmem:s13+$0xFFFFFFD0] =	vst v1  }
0x3ba: {  	v1 =	vperm.xlane v14, v6;
	[tilespmem:s13+$0xFFFFFFE0] =	vst v2  }
0x3bb: {  	v2 =	vperm.xlane v14, v4;
	[tilespmem:s13+$0xFFFFFFF0] =	vst v3  }
0x3bc: {  	v3 =	vperm.xlane v14, v63;
	[tilespmem:s13+$0x0] =	vst v1  }
0x3bd: {  	[tilespmem:s13+$0x10] =	vst v2  }
0x3be: {  	v1 =	vadd.s32 $0x17, v0;
	[tilespmem:s13+$0x20] =	vst v3  }
0x3bf: {  	v2 =	vadd.s32 $0x1B7, v0;
	[hbm4b:s29+s3] =	stream.strided.scatter [tilespmem:s6], [sflag:$0x1], $0xE000, s5, s3, $0x38;
	[tilespmem:$0x1E900] =	vst v63  }
0x3c0: {  	v3 =	vadd.s32 $0x357, v0;
	_ =	swait.ge [sflag:s9], $0xE000  }
0x3c1: {  	v5 =	vadd.s32 $0x4F7, v0;
	[sflag:s9] =	ssyncset.done $0x0  }
0x3c2: {  	s14 =	simm.s32 $0x0;
	v6 =	vadd.s32 $0xB77, v0;
	[sflag:s9] =	ssyncadd.s32 $0xFFFF2000  }
0x3c3: {  	v4 =	vld.idx.msk [tilespmem:v1+s14+$0x0], $0xffff  }
0x3c4: {  	v8 =	vadd.s32 $0x697, v0;
	v1 =	vld.idx.msk [tilespmem:v2+s14+$0x0], $0xffff  }
0x3c5: {  	v2 =	vld.idx.msk [tilespmem:v3+s14+$0x0], $0xffff;
	v3 =	vadd.s32 $0x837, v0  }
0x3c6: {  	v9 =	vadd.s32 $0x9D7, v0;
	v63 =	vld.idx.msk [tilespmem:v5+s14+$0x0], $0xffff  }
0x3c7: {  	s12 =	simm.s32 $0xD00;
	v7 =	vld.idx.msk [tilespmem:v6+s14+$0x0], $0xffff  }
0x3c8: {  	v13 =	vld [tilespmem:s12+$0x0]  }
0x3c9: {  	v6 =	vld.idx.msk [tilespmem:v8+s14+$0x0], $0xffff  }
0x3ca: {  	v5 =	vld.idx.msk [tilespmem:v3+s14+$0x0], $0xffff  }
0x3cb: {  	v3 =	vld.idx.msk [tilespmem:v9+s14+$0x0], $0xffff;
	_ =	sdelay $0x1  }
0x3cc: {  	v14 =	vperm.xlane v13, v4;
	v8 =	vperm.xlane v13, v7  }
0x3cd: {  	s11 =	simm.s32 $0x0;
	v10 =	vperm.xlane v13, v1;
	v9 =	vperm.xlane v13, v2  }
0x3ce: {  	s13 =	simm.s32 $0xD10;
	v12 =	vperm.xlane v13, v63;
	v11 =	vperm.xlane v13, v6;
	[tilespmem:s11+$0x10970] =	vst v8  }
0x3cf: {  	s12 =	simm.s32 $0x200;
	s14 =	simm.s32 $0x400;
	v8 =	vld [tilespmem:s13+$0x0];
	[tilespmem:s11+$0x10900] =	vst v14;
	v14 =	vperm.xlane v13, v5;
	v13 =	vperm.xlane v13, v3  }
.LBB2_48:
0x3d0: {  	p0 =	sne.s32 s14, $0x37E00;
	[tilespmem:s11+$0x10910] =	vst v10  }
0x3d1: {  	[tilespmem:s11+$0x10920] =	vst v9  }
0x3d2: {  	[tilespmem:s11+$0x10930] =	vst v12  }
.Ltmp23:
0x3d3: {  	[tilespmem:s11+$0x10940] =	vst v11;
	(pc) =	sbr.rel @p0 .LBB2_48-.Ltmp23, $4  }
0x3d4: {  	v15 =	vperm.xlane v8, v4;
	v16 =	vperm.xlane v8, v7;
	[tilespmem:s11+$0x10950] =	vst v14  }
0x3d5: {  	v10 =	vperm.xlane v8, v1;
	v9 =	vperm.xlane v8, v2;
	[tilespmem:s11+$0x10960] =	vst v13;
	s11 =	sshra.s32 s12, $0x2;
	s12 =	smov.u32 s14  }
0x3d6: {  	s13 =	sadd.s32 $0x10, s13;
	v12 =	vperm.xlane v8, v63;
	v11 =	vperm.xlane v8, v6;
	[tilespmem:s11+$0x10970] =	vst v16  }
0x3d7: {  	v14 =	vperm.xlane v8, v5;
	s14 =	sadd.s32 $0x200, s14;
	v13 =	vperm.xlane v8, v3;
	[tilespmem:s11+$0x10900] =	vst v15;
	v8 =	vld [tilespmem:s13+$0x0]  }
0x3d8: {  	[tilespmem:s11+$0x10910] =	vst v10  }
0x3d9: {  	[tilespmem:s11+$0x10920] =	vst v9  }
0x3da: {  	[tilespmem:s11+$0x10930] =	vst v12  }
0x3db: {  	[tilespmem:s11+$0x10940] =	vst v11  }
0x3dc: {  	[tilespmem:s11+$0x10950] =	vst v14;
	v7 =	vperm.xlane v8, v7  }
0x3dd: {  	s12 =	sshra.s32 s12, $0x2;
	[tilespmem:s11+$0x10960] =	vst v13;
	v4 =	vperm.xlane v8, v4  }
0x3de: {  	v1 =	vperm.xlane v8, v1;
	[tilespmem:s12+$0x10970] =	vst v7  }
0x3df: {  	v2 =	vperm.xlane v8, v2;
	[tilespmem:s12+$0x10900] =	vst v4  }
0x3e0: {  	v3 =	vperm.xlane v8, v3;
	[tilespmem:s12+$0x10910] =	vst v1  }
0x3e1: {  	v4 =	vperm.xlane v8, v63;
	[tilespmem:s12+$0x10920] =	vst v2  }
0x3e2: {  	v1 =	vperm.xlane v8, v6;
	[tilespmem:s12+$0x10960] =	vst v3  }
0x3e3: {  	v2 =	vperm.xlane v8, v5;
	[tilespmem:s12+$0x10930] =	vst v4  }
0x3e4: {  	[tilespmem:s12+$0x10940] =	vst v1  }
0x3e5: {  	[tilespmem:s12+$0x10950] =	vst v2;
	v1 =	vadd.s32 $0x18, v0  }
0x3e6: {  	v2 =	vadd.s32 $0x1B8, v0;
	[hbm4b:s30+s3] =	stream.strided.scatter [tilespmem:s7], [sflag:$0x2], $0xE000, s5, s3, $0x38;
	[tilespmem:$0x1E900] =	vst v63  }
0x3e7: {  	v4 =	vadd.s32 $0x358, v0;
	_ =	swait.ge [sflag:s8], $0xE000  }
0x3e8: {  	v5 =	vadd.s32 $0xB78, v0;
	[sflag:s8] =	ssyncset.done $0x0  }
0x3e9: {  	s13 =	simm.s32 $0x0;
	[sflag:s8] =	ssyncadd.s32 $0xFFFF2000  }
0x3ea: {  	v6 =	vadd.s32 $0x4F8, v0;
	v3 =	vld.idx.msk [tilespmem:v1+s13+$0x0], $0xffff  }
0x3eb: {  	v9 =	vadd.s32 $0x698, v0;
	v1 =	vld.idx.msk [tilespmem:v2+s13+$0x0], $0xffff  }
0x3ec: {  	v10 =	vadd.s32 $0x9D8, v0;
	v2 =	vld.idx.msk [tilespmem:v4+s13+$0x0], $0xffff  }
0x3ed: {  	s14 =	simm.s32 $0x0;
	v7 =	vld.idx.msk [tilespmem:v5+s13+$0x0], $0xffff;
	v4 =	vadd.s32 $0x838, v0  }
0x3ee: {  	v8 =	vld [tilespmem:s14+$0xD00]  }
0x3ef: {  	v5 =	vld.idx.msk [tilespmem:v6+s13+$0x0], $0xffff  }
0x3f0: {  	v6 =	vld.idx.msk [tilespmem:v9+s13+$0x0], $0xffff  }
0x3f1: {  	v63 =	vld.idx.msk [tilespmem:v10+s13+$0x0], $0xffff  }
0x3f2: {  	v4 =	vld.idx.msk [tilespmem:v4+s13+$0x0], $0xffff;
	_ =	sdelay $0x1  }
0x3f3: {  	v9 =	vperm.xlane v8, v3;
	v14 =	vperm.xlane v8, v7  }
0x3f4: {  	s11 =	simm.s32 $0x2940;
	v11 =	vperm.xlane v8, v1;
	v10 =	vperm.xlane v8, v2  }
0x3f5: {  	s12 =	simm.s32 $0x80;
	s13 =	simm.s32 $0x10;
	v13 =	vperm.xlane v8, v5;
	v12 =	vperm.xlane v8, v6;
	[tilespmem:s11+$0x30] =	vst v14  }
.LBB2_50:
0x3f6: {  	p0 =	sne.s32 s12, $0x6FC0;
	[tilespmem:s11+$0xFFFFFFC0] =	vst v9;
	v14 =	vperm.xlane v8, v4;
	v15 =	vperm.xlane v8, v63;
	v8 =	vld [tilespmem:s13+$0xD00]  }
0x3f7: {  	[tilespmem:s11+$0xFFFFFFD0] =	vst v11  }
0x3f8: {  	[tilespmem:s11+$0xFFFFFFE0] =	vst v10  }
.Ltmp24:
0x3f9: {  	[tilespmem:s11+$0xFFFFFFF0] =	vst v13;
	(pc) =	sbr.rel @p0 .LBB2_50-.Ltmp24, $4  }
0x3fa: {  	[tilespmem:s11+$0x0] =	vst v12  }
0x3fb: {  	v9 =	vperm.xlane v8, v3;
	v16 =	vperm.xlane v8, v7;
	[tilespmem:s11+$0x10] =	vst v14  }
0x3fc: {  	v11 =	vperm.xlane v8, v1;
	v10 =	vperm.xlane v8, v2;
	[tilespmem:s11+$0x20] =	vst v15;
	s11 =	sadd.s32 $0x80, s11  }
0x3fd: {  	s13 =	sshra.s32 s12, $0x2;
	s12 =	sadd.s32 $0x40, s12;
	v13 =	vperm.xlane v8, v5;
	v12 =	vperm.xlane v8, v6;
	[tilespmem:s11+$0x30] =	vst v16  }
0x3fe: {  	v14 =	vld [tilespmem:s13+$0xD00];
	[tilespmem:s11+$0xFFFFFFC0] =	vst v9  }
0x3ff: {  	[tilespmem:s11+$0xFFFFFFD0] =	vst v11  }
0x400: {  	[tilespmem:s11+$0xFFFFFFE0] =	vst v10  }
0x401: {  	v9 =	vperm.xlane v8, v4;
	[tilespmem:s11+$0xFFFFFFF0] =	vst v13  }
0x402: {  	v8 =	vperm.xlane v8, v63;
	[tilespmem:s11+$0x0] =	vst v12  }
0x403: {  	[tilespmem:s11+$0x10] =	vst v9;
	v7 =	vperm.xlane v14, v7  }
0x404: {  	s13 =	sadd.s32 $0x80, s11;
	[tilespmem:s11+$0x20] =	vst v8;
	v3 =	vperm.xlane v14, v3  }
0x405: {  	v1 =	vperm.xlane v14, v1;
	[tilespmem:s13+$0x30] =	vst v7  }
0x406: {  	v2 =	vperm.xlane v14, v2;
	[tilespmem:s13+$0xFFFFFFC0] =	vst v3  }
0x407: {  	v3 =	vperm.xlane v14, v5;
	[tilespmem:s13+$0xFFFFFFD0] =	vst v1  }
0x408: {  	v1 =	vperm.xlane v14, v6;
	[tilespmem:s13+$0xFFFFFFE0] =	vst v2  }
0x409: {  	v2 =	vperm.xlane v14, v4;
	[tilespmem:s13+$0xFFFFFFF0] =	vst v3  }
0x40a: {  	v3 =	vperm.xlane v14, v63;
	[tilespmem:s13+$0x0] =	vst v1  }
0x40b: {  	[tilespmem:s13+$0x10] =	vst v2  }
0x40c: {  	v1 =	vadd.s32 $0x19, v0;
	[tilespmem:s13+$0x20] =	vst v3  }
0x40d: {  	v2 =	vadd.s32 $0x1B9, v0;
	[hbm4b:s31+s3] =	stream.strided.scatter [tilespmem:s6], [sflag:$0x1], $0xE000, s5, s3, $0x38;
	[tilespmem:$0x1E900] =	vst v63  }
0x40e: {  	v3 =	vadd.s32 $0x359, v0;
	_ =	swait.ge [sflag:s9], $0xE000  }
0x40f: {  	v5 =	vadd.s32 $0x4F9, v0;
	[sflag:s9] =	ssyncset.done $0x0  }
0x410: {  	s14 =	simm.s32 $0x0;
	v6 =	vadd.s32 $0xB79, v0;
	[sflag:s9] =	ssyncadd.s32 $0xFFFF2000  }
0x411: {  	v4 =	vld.idx.msk [tilespmem:v1+s14+$0x0], $0xffff  }
0x412: {  	v8 =	vadd.s32 $0x699, v0;
	v1 =	vld.idx.msk [tilespmem:v2+s14+$0x0], $0xffff  }
0x413: {  	v2 =	vld.idx.msk [tilespmem:v3+s14+$0x0], $0xffff;
	v3 =	vadd.s32 $0x839, v0  }
0x414: {  	v9 =	vadd.s32 $0x9D9, v0;
	v63 =	vld.idx.msk [tilespmem:v5+s14+$0x0], $0xffff  }
0x415: {  	s12 =	simm.s32 $0xD00;
	v7 =	vld.idx.msk [tilespmem:v6+s14+$0x0], $0xffff  }
0x416: {  	v13 =	vld [tilespmem:s12+$0x0]  }
0x417: {  	v6 =	vld.idx.msk [tilespmem:v8+s14+$0x0], $0xffff  }
0x418: {  	v5 =	vld.idx.msk [tilespmem:v3+s14+$0x0], $0xffff  }
0x419: {  	v3 =	vld.idx.msk [tilespmem:v9+s14+$0x0], $0xffff;
	_ =	sdelay $0x1  }
0x41a: {  	v14 =	vperm.xlane v13, v4;
	v8 =	vperm.xlane v13, v7  }
0x41b: {  	s11 =	simm.s32 $0x0;
	v10 =	vperm.xlane v13, v1;
	v9 =	vperm.xlane v13, v2  }
0x41c: {  	s13 =	simm.s32 $0xD10;
	v12 =	vperm.xlane v13, v63;
	v11 =	vperm.xlane v13, v6;
	[tilespmem:s11+$0x10970] =	vst v8  }
0x41d: {  	s12 =	simm.s32 $0x200;
	s14 =	simm.s32 $0x400;
	v8 =	vld [tilespmem:s13+$0x0];
	[tilespmem:s11+$0x10900] =	vst v14;
	v14 =	vperm.xlane v13, v5;
	v13 =	vperm.xlane v13, v3  }
.LBB2_52:
0x41e: {  	p0 =	sne.s32 s14, $0x37E00;
	[tilespmem:s11+$0x10910] =	vst v10  }
0x41f: {  	[tilespmem:s11+$0x10920] =	vst v9  }
0x420: {  	[tilespmem:s11+$0x10930] =	vst v12  }
.Ltmp25:
0x421: {  	[tilespmem:s11+$0x10940] =	vst v11;
	(pc) =	sbr.rel @p0 .LBB2_52-.Ltmp25, $4  }
0x422: {  	v15 =	vperm.xlane v8, v4;
	v16 =	vperm.xlane v8, v7;
	[tilespmem:s11+$0x10950] =	vst v14  }
0x423: {  	v10 =	vperm.xlane v8, v1;
	v9 =	vperm.xlane v8, v2;
	[tilespmem:s11+$0x10960] =	vst v13;
	s11 =	sshra.s32 s12, $0x2;
	s12 =	smov.u32 s14  }
0x424: {  	s13 =	sadd.s32 $0x10, s13;
	v12 =	vperm.xlane v8, v63;
	v11 =	vperm.xlane v8, v6;
	[tilespmem:s11+$0x10970] =	vst v16  }
0x425: {  	v14 =	vperm.xlane v8, v5;
	s14 =	sadd.s32 $0x200, s14;
	v13 =	vperm.xlane v8, v3;
	[tilespmem:s11+$0x10900] =	vst v15;
	v8 =	vld [tilespmem:s13+$0x0]  }
0x426: {  	[tilespmem:s11+$0x10910] =	vst v10  }
0x427: {  	[tilespmem:s11+$0x10920] =	vst v9  }
0x428: {  	[tilespmem:s11+$0x10930] =	vst v12  }
0x429: {  	[tilespmem:s11+$0x10940] =	vst v11  }
0x42a: {  	[tilespmem:s11+$0x10950] =	vst v14;
	v7 =	vperm.xlane v8, v7  }
0x42b: {  	s12 =	sshra.s32 s12, $0x2;
	[tilespmem:s11+$0x10960] =	vst v13;
	v4 =	vperm.xlane v8, v4  }
0x42c: {  	v1 =	vperm.xlane v8, v1;
	[tilespmem:s12+$0x10970] =	vst v7  }
0x42d: {  	v2 =	vperm.xlane v8, v2;
	[tilespmem:s12+$0x10900] =	vst v4  }
0x42e: {  	v63 =	vperm.xlane v8, v63;
	[tilespmem:s12+$0x10910] =	vst v1  }
0x42f: {  	v3 =	vperm.xlane v8, v3;
	[tilespmem:s12+$0x10920] =	vst v2  }
0x430: {  	v1 =	vperm.xlane v8, v6;
	[tilespmem:s12+$0x10930] =	vst v63  }
0x431: {  	v2 =	vperm.xlane v8, v5;
	[tilespmem:s12+$0x10960] =	vst v3  }
0x432: {  	[tilespmem:s12+$0x10940] =	vst v1  }
0x433: {  	s10 =	sadd.s32 $0x1, s10;
	[tilespmem:s12+$0x10950] =	vst v2  }
0x434: {  	[hbm4b:s1+s3] =	stream.strided.scatter [tilespmem:s7], [sflag:$0x2], $0xE000, s5, s3, $0x38;
	[tilespmem:$0x1E900] =	vst v63  }
0x435: {  	p0 =	sne.s32 s10, s25;
	_ =	swait.ge [sflag:s8], $0xE000  }
.Ltmp26:
0x436: {  	[sflag:s8] =	ssyncset.done $0x0;
	(pc) =	sbr.rel @p0 .LBB2_1-.Ltmp26, $4  }
0x437: {  	[sflag:s8] =	ssyncadd.s32 $0xFFFF2000  }
0x438: {  	_ =	swait.ge [sflag:s9], $0xE000  }
0x439: {  	[sflag:s9] =	ssyncset.done $0x0  }
0x43a: {  	[sflag:s9] =	ssyncadd.s32 $0xFFFF2000  }
0x43b: {  	_ =	sfence.sel $0x180000  }
0x43c: {  	[bflag:$0x0] =	sbarrier.arrive $0xFFFF  }
0x43d: {  	_ =	strace $0x90000047  }
0x43e: {  	s0 =	stileid.u32;
	[bflag:$0x2] =	sbarrier.arrive $0xFFFF  }
0x43f: {  	p0 =	sne.s32 s0, $0x0;
	s0 =	rddreg [dreg:$0x2]  }
0x440: {  	s0 =	sadd.s32 @!p0 $0x100000, s0  }
0x441: {  	[sflag:s0] =	ssyncadd.tile.s32 @!p0 $0x1;
	_ =	shalt  }
.Lfunc_end2:
_tile_overlayer_lowered:
.L_overlay_start_2:
0x442: {  	(tag) =	ssettag $0x2  }
0x443: {  	s0 =	rddreg [dreg:$0x0];
	s2 =	stileid.u32  }
0x444: {  	s1 =	rddreg [dreg:$0x1];
	p0 =	sne.s32 s2, $0x0  }
0x445: {  	s3 =	rddreg [dreg:$0x2];
	[bflag:$0x3] =	sbarrier.arrive $0xFFFF;
	s2 =	simm.s32 @!p0 $0x1C03  }
0x446: {  	[timem:s3], [sflag:s2] =	dma.local @!p0 [hbm:s0], s1  }
0x447: {  	s0 =	simm.s32 @!p0 $0x3  }
0x448: {  	_ =	swait.ge @!p0 [sflag:s0], s1  }
0x449: {  	s1 =	ssub.s32 @!p0 $0x0, s1;
	[sflag:s0] =	ssyncset.done @!p0 $0x0  }
0x44a: {  	[sflag:s0] =	ssyncadd.s32 @!p0 s1  }
0x44b: {  	[bflag:$0x3] =	sbarrier.arrive $0xFFFF  }
0x44c: {  	_ =	shalt  }

</sc_bundles>
